<compile_context>
chip_gen: v7x
topology: tpu7x:2x2x1
jax: 0.10.2.dev20260603
libtpu: 0.0.44.dev20260713+nightly
codegen_flags: <defaults>
</compile_context>

<pallas_src>
import functools

import jax
import jax.numpy as jnp
from jax import lax
from jax.experimental import pallas as pl
from jax.experimental.pallas import tpu as pltpu
from jax.experimental.pallas import tpu_sc as plsc

N_NODES = 10000
H = 128
OUT = 3
L = 4

NC = 2
NS = 16
NW = NC * NS
CHUNK = 128
CPW = 80
TCH = NW * CPW
CPW0 = 156
CPW1 = 4
EPAD = TCH * CHUNK
NACC = 10240
ZROWS = NACC // NS
BR = 1000


def _edge_accum_body(t_hbm, e_hbm, zeros_hbm, out0_hbm, out1_hbm,
                     eb0, eb1, rows0, rows1, shared,
                     gsem0, gsem1, ssem0, ssem1):
    c = lax.axis_index("c")
    s = lax.axis_index("s")
    base = jnp.where(c == 0, s * CPW0, 16 * CPW0 + s * CPW1)
    nch = jnp.where(c == 0, CPW0, CPW1)
    pltpu.sync_copy(zeros_hbm.at[pl.ds(s * ZROWS, ZROWS)],
                    shared.at[pl.ds(s * ZROWS, ZROWS)])
    plsc.subcore_barrier()

    eb = (eb0, eb1)
    rows = (rows0, rows1)
    gsem = (gsem0, gsem1)
    ssem = (ssem0, ssem1)

    def drain(sem):
        pltpu.make_async_copy(zeros_hbm.at[pl.ds(0, CHUNK)], rows[0],
                              sem).wait()

    pltpu.sync_copy(e_hbm.at[base], eb[0])
    pltpu.async_copy(t_hbm.at[eb[0].at[0]], rows[0], gsem[0])

    def body(j2, carry):
        for phase in range(2):
            j = 2 * j2 + phase
            cur, nxt = phase, 1 - phase

            if phase == 0:
                @pl.when(j2 > 0)
                def _():
                    drain(ssem[nxt])
                pltpu.sync_copy(e_hbm.at[base + j + 1], eb[nxt])
                pltpu.async_copy(t_hbm.at[eb[nxt].at[0]], rows[nxt],
                                 gsem[nxt])
            else:
                @pl.when(j + 1 < nch)
                def _():
                    drain(ssem[nxt])
                    pltpu.sync_copy(e_hbm.at[base + j + 1], eb[nxt])
                    pltpu.async_copy(t_hbm.at[eb[nxt].at[0]], rows[nxt],
                                     gsem[nxt])

            drain(gsem[cur])
            pltpu.async_copy(rows[cur], shared.at[eb[cur].at[1]], ssem[cur],
                             add=True)
        return carry

    lax.fori_loop(0, nch // 2, body, 0)
    drain(ssem[0])
    drain(ssem[1])
    plsc.subcore_barrier()
    @pl.when(c == 0)
    def _():
        pltpu.sync_copy(shared.at[pl.ds(s * ZROWS, ZROWS)],
                        out0_hbm.at[pl.ds(s * ZROWS, ZROWS)])
    @pl.when(c == 1)
    def _():
        pltpu.sync_copy(shared.at[pl.ds(s * ZROWS, ZROWS)],
                        out1_hbm.at[pl.ds(s * ZROWS, ZROWS)])


def _deg_accum_body(e_hbm, ones_hbm, zeros_hbm, out0_hbm, out1_hbm,
                    ev, ones_v, shared):
    c = lax.axis_index("c")
    s = lax.axis_index("s")
    w = s * NC + c
    pltpu.sync_copy(ones_hbm, ones_v)
    pltpu.sync_copy(zeros_hbm.at[pl.ds(s * ZROWS, ZROWS)],
                    shared.at[pl.ds(s * ZROWS, ZROWS)])
    plsc.subcore_barrier()

    def body(j, carry):
        pltpu.sync_copy(e_hbm.at[w * CPW + j], ev)
        pltpu.sync_copy(ones_v, shared.at[ev.at[1]], add=True)
        return carry

    lax.fori_loop(0, CPW, body, 0)
    plsc.subcore_barrier()
    @pl.when(c == 0)
    def _():
        pltpu.sync_copy(shared.at[pl.ds(s * ZROWS, ZROWS)],
                        out0_hbm.at[pl.ds(s * ZROWS, ZROWS)])
    @pl.when(c == 1)
    def _():
        pltpu.sync_copy(shared.at[pl.ds(s * ZROWS, ZROWS)],
                        out1_hbm.at[pl.ds(s * ZROWS, ZROWS)])


@functools.cache
def _sc_kernels():
    mesh = plsc.VectorSubcoreMesh(core_axis_name="c", subcore_axis_name="s")
    part = jax.ShapeDtypeStruct((NACC, H), jnp.float32)
    edge_accum = pl.kernel(
        _edge_accum_body,
        mesh=mesh,
        out_type=(part, part),
        scratch_types=[
            pltpu.VMEM((2, CHUNK), jnp.int32),
            pltpu.VMEM((2, CHUNK), jnp.int32),
            pltpu.VMEM((CHUNK, H), jnp.float32),
            pltpu.VMEM((CHUNK, H), jnp.float32),
            pltpu.VMEM_SHARED((NACC, H), jnp.float32),
            pltpu.SemaphoreType.DMA,
            pltpu.SemaphoreType.DMA,
            pltpu.SemaphoreType.DMA,
            pltpu.SemaphoreType.DMA,
        ],
    )
    deg_accum = pl.kernel(
        _deg_accum_body,
        mesh=mesh,
        out_type=(part, part),
        scratch_types=[
            pltpu.VMEM((2, CHUNK), jnp.int32),
            pltpu.VMEM((CHUNK, H), jnp.float32),
            pltpu.VMEM_SHARED((NACC, H), jnp.float32),
        ],
    )
    return edge_accum, deg_accum



def _enc_body(x_ref, mean_ref, std_ref, w1_ref, b1_ref, w2_ref, b2_ref,
              g_ref, beta_ref, o_ref):
    xn = (x_ref[...] - mean_ref[...]) / std_ref[...]
    a = jnp.maximum(jnp.dot(xn, w1_ref[...],
                            preferred_element_type=jnp.float32)
                    + b1_ref[...], 0.0)
    h = jnp.dot(a, w2_ref[...], preferred_element_type=jnp.float32) + b2_ref[...]
    mu = jnp.mean(h, axis=-1, keepdims=True)
    var = jnp.mean((h - mu) * (h - mu), axis=-1, keepdims=True)
    o_ref[...] = (h - mu) * lax.rsqrt(var + 1e-5) * g_ref[...] + beta_ref[...]


def _dinv_body(d0_ref, d1_ref, o_ref):
    o_ref[...] = lax.rsqrt(d0_ref[...] + d1_ref[...] + 1.0)


def _prep_body(h_ref, dv_ref, w_ref, o_ref):
    o_ref[...] = jnp.dot(h_ref[...], w_ref[...],
                         preferred_element_type=jnp.float32) * dv_ref[...]


def _mid_body(a0_ref, a1_ref, tp_ref, dv_ref, b_ref, w_ref, o_ref):
    dinv = dv_ref[...]
    h = (a0_ref[...] + a1_ref[...] + tp_ref[...]) * dinv + b_ref[...]
    o_ref[...] = jnp.dot(h, w_ref[...], preferred_element_type=jnp.float32) * dinv


def _fin_body(a0_ref, a1_ref, tp_ref, dv_ref, b_ref,
              w1_ref, b1_ref, w2_ref, b2_ref, o_ref):
    h = (a0_ref[...] + a1_ref[...] + tp_ref[...]) * dv_ref[...] + b_ref[...]
    a = jnp.maximum(jnp.dot(h, w1_ref[...],
                            preferred_element_type=jnp.float32) + b1_ref[...], 0.0)
    o_ref[...] = jnp.dot(a, w2_ref[...],
                         preferred_element_type=jnp.float32) + b2_ref[...]


_GRID = (N_NODES // BR,)
_row = pl.BlockSpec((BR, H), lambda i: (i, 0))
_mat = pl.BlockSpec((H, H), lambda i: (0, 0))
_vec = pl.BlockSpec((1, H), lambda i: (0, 0))
_rowNH = jax.ShapeDtypeStruct((N_NODES, H), jnp.float32)


_encoder = pl.pallas_call(
    _enc_body, out_shape=_rowNH, grid=_GRID,
    in_specs=[_row, _vec, _vec, _mat, _vec, _mat, _vec, _vec, _vec],
    out_specs=_row)

_dinvk = pl.pallas_call(
    _dinv_body, out_shape=_rowNH, grid=_GRID,
    in_specs=[_row, _row],
    out_specs=_row)

_prep = pl.pallas_call(
    _prep_body, out_shape=_rowNH, grid=_GRID,
    in_specs=[_row, _row, _mat],
    out_specs=_row)

_mid = pl.pallas_call(
    _mid_body, out_shape=_rowNH, grid=_GRID,
    in_specs=[_row, _row, _row, _row, _vec, _mat],
    out_specs=_row)

_fin = pl.pallas_call(
    _fin_body, out_shape=jax.ShapeDtypeStruct((N_NODES, OUT), jnp.float32),
    grid=_GRID,
    in_specs=[_row, _row, _row, _row, _vec, _mat,
              _vec, pl.BlockSpec((H, OUT), lambda i: (0, 0)),
              pl.BlockSpec((1, OUT), lambda i: (0, 0))],
    out_specs=pl.BlockSpec((BR, OUT), lambda i: (i, 0)))


def kernel(x, edge_index, edge_attr, mean_x, std_x, mean_edge, std_edge,
           node_W1, node_b1, node_W2, node_b2, node_g, node_beta,
           edge_W1, edge_b1, edge_W2, edge_b2, edge_g, edge_beta,
           gcn_W, gcn_b, dec_W1, dec_b1, dec_W2, dec_b2):
    f32 = jnp.float32
    src = edge_index[0].astype(jnp.int32)
    dst = edge_index[1].astype(jnp.int32)
    e = src.shape[0]
    pad = EPAD - e
    src_p = jnp.concatenate([src, jnp.zeros((pad,), jnp.int32)])
    dst_p = jnp.concatenate([dst, jnp.full((pad,), N_NODES, jnp.int32)])
    edges_p = jnp.stack([src_p.reshape(TCH, CHUNK),
                         dst_p.reshape(TCH, CHUNK)], axis=1)
    zeros_h = jnp.zeros((NACC, H), f32)
    ones_h = jnp.ones((CHUNK, H), f32)

    row = lambda v: v.reshape(1, -1)

    edge_accum, deg_accum = _sc_kernels()

    h0 = _encoder(x, row(mean_x), row(std_x), node_W1, row(node_b1),
                  node_W2, row(node_b2), row(node_g), row(node_beta))
    deg0, deg1 = deg_accum(edges_p, ones_h, zeros_h)
    dinvb = _dinvk(deg0, deg1)
    t = _prep(h0, dinvb, gcn_W[0])
    out = None
    for l in range(L):
        acc0, acc1 = edge_accum(t, edges_p, zeros_h)
        if l < L - 1:
            t = _mid(acc0, acc1, t, dinvb, row(gcn_b[l]), gcn_W[l + 1])
        else:
            out = _fin(acc0, acc1, t, dinvb, row(gcn_b[L - 1]),
                       dec_W1, row(dec_b1), dec_W2, row(dec_b2))
    return out

# --- scband reference (transcript-rebuilt; emitter-appended) ---
"""Pipeline reference for scband-alt-mesh-graph-net-21792664059923 (READ-ONLY COPY).

The authoritative reference and input builder live on the scoring server;
editing this copy changes nothing except your own understanding.
"""

import jax, jax.numpy as jnp
import numpy as np

N = 10000
E = 320000
D_IN = 128
D_EDGE = 16
H = 128
OUT = 3
L = 4


def setup_inputs(seed: int = 0) -> dict:
    key = jax.random.key(seed)
    ks = jax.random.split(key, 32)
    s = 0.05
    inp = {}
    inp["x"] = jax.random.normal(ks[0], (N, D_IN), dtype=jnp.float32)
    inp["edge_index"] = jax.random.randint(ks[1], (2, E), 0, N)
    inp["edge_attr"] = jax.random.normal(ks[2], (E, D_EDGE), dtype=jnp.float32)
    inp["mean_x"] = jax.random.normal(ks[3], (D_IN,), dtype=jnp.float32)
    inp["std_x"] = jnp.ones((D_IN,), dtype=jnp.float32)
    inp["mean_edge"] = jax.random.normal(ks[4], (D_EDGE,), dtype=jnp.float32)
    inp["std_edge"] = jnp.ones((D_EDGE,), dtype=jnp.float32)
    inp["node_W1"] = jax.random.normal(ks[5], (D_IN, H), dtype=jnp.float32) * s
    inp["node_b1"] = jnp.zeros((H,), dtype=jnp.float32)
    inp["node_W2"] = jax.random.normal(ks[6], (H, H), dtype=jnp.float32) * s
    inp["node_b2"] = jnp.zeros((H,), dtype=jnp.float32)
    inp["node_g"] = jnp.ones((H,), dtype=jnp.float32)
    inp["node_beta"] = jnp.zeros((H,), dtype=jnp.float32)
    inp["edge_W1"] = jax.random.normal(ks[7], (D_EDGE, H), dtype=jnp.float32) * s
    inp["edge_b1"] = jnp.zeros((H,), dtype=jnp.float32)
    inp["edge_W2"] = jax.random.normal(ks[8], (H, H), dtype=jnp.float32) * s
    inp["edge_b2"] = jnp.zeros((H,), dtype=jnp.float32)
    inp["edge_g"] = jnp.ones((H,), dtype=jnp.float32)
    inp["edge_beta"] = jnp.zeros((H,), dtype=jnp.float32)
    inp["gcn_W"] = jax.random.normal(ks[9], (L, H, H), dtype=jnp.float32) * s
    inp["gcn_b"] = jnp.zeros((L, H), dtype=jnp.float32)
    inp["dec_W1"] = jax.random.normal(ks[10], (H, H), dtype=jnp.float32) * s
    inp["dec_b1"] = jnp.zeros((H,), dtype=jnp.float32)
    inp["dec_W2"] = jax.random.normal(ks[11], (H, OUT), dtype=jnp.float32) * s
    inp["dec_b2"] = jnp.zeros((OUT,), dtype=jnp.float32)
    return inp


def _layer_norm(h, g, b):
    mu = jnp.mean(h, axis=-1, keepdims=True)
    var = jnp.var(h, axis=-1, keepdims=True)
    return (h - mu) / jnp.sqrt(var + 1e-5) * g + b


def reference(x, edge_index, edge_attr, mean_x, std_x, mean_edge, std_edge,
              node_W1, node_b1, node_W2, node_b2, node_g, node_beta,
              edge_W1, edge_b1, edge_W2, edge_b2, edge_g, edge_beta,
              gcn_W, gcn_b, dec_W1, dec_b1, dec_W2, dec_b2):
    # input normalization
    xn = (x - mean_x) / std_x
    ean = (edge_attr - mean_edge) / std_edge
    # node encoder: Linear -> ReLU -> Linear -> LayerNorm
    h = jax.nn.relu(xn @ node_W1 + node_b1) @ node_W2 + node_b2
    h = _layer_norm(h, node_g, node_beta)
    # edge encoder (computed as in the torch module; GCNConv does not consume edge_attr)
    eh = jax.nn.relu(ean @ edge_W1 + edge_b1) @ edge_W2 + edge_b2
    eh = _layer_norm(eh, edge_g, edge_beta)
    # GCN normalization with self-loops (symmetric)
    loop = jnp.arange(N, dtype=edge_index.dtype)
    src = jnp.concatenate([edge_index[0], loop])
    dst = jnp.concatenate([edge_index[1], loop])
    deg = jax.ops.segment_sum(jnp.ones(src.shape[0], dtype=jnp.float32), dst, num_segments=N)
    dinv = jnp.where(deg > 0, 1.0 / jnp.sqrt(deg), 0.0)
    norm = dinv[src] * dinv[dst]
    # processor blocks: L x GCNConv(H -> H)
    for l in range(L):
        t = h @ gcn_W[l]
        msg = jnp.take(t, src, axis=0) * norm[:, None]
        h = jax.ops.segment_sum(msg, dst, num_segments=N) + gcn_b[l]
    # decoder
    out = jax.nn.relu(h @ dec_W1 + dec_b1) @ dec_W2 + dec_b2
    return out

if __name__ == "__main__":
    import jax
    _d = setup_inputs()
    print(jax.jit(kernel)(*tuple(_d.values())))

</pallas_src>

<mosaic_0001>
#map = affine_map<(d0, d1) -> (0, 0)>
#map1 = affine_map<(d0, d1) -> (0, 0, 0)>
module attributes {stable_mosaic.version = 14 : i64} {
  func.func @_edge_accum_body(%arg0: i32, %arg1: i32, %arg2: memref<10000x128xf32, #tpu.memory_space<hbm>>, %arg3: memref<2560x2x128xi32, #tpu.memory_space<hbm>>, %arg4: memref<10240x128xf32, #tpu.memory_space<hbm>>, %arg5: memref<10240x128xf32, #tpu.memory_space<hbm>>, %arg6: memref<10240x128xf32, #tpu.memory_space<hbm>>, %arg7: memref<2x128xi32, #tpu.memory_space<vmem>>, %arg8: memref<2x128xi32, #tpu.memory_space<vmem>>, %arg9: memref<128x128xf32, #tpu.memory_space<vmem>>, %arg10: memref<128x128xf32, #tpu.memory_space<vmem>>, %arg11: memref<10240x128xf32, #tpu.memory_space<vmem_shared>>, %arg12: memref<!tpu.dma_semaphore, #tpu.memory_space<semaphore_mem>>, %arg13: memref<!tpu.dma_semaphore, #tpu.memory_space<semaphore_mem>>, %arg14: memref<!tpu.dma_semaphore, #tpu.memory_space<semaphore_mem>>, %arg15: memref<!tpu.dma_semaphore, #tpu.memory_space<semaphore_mem>>) attributes {dimension_semantics = [#tpu.dimension_semantics<core_parallel>, #tpu.dimension_semantics<subcore_parallel>], iteration_bounds = array<i64: 2, 16>, scalar_prefetch = 0 : i64, scratch_operands = 9 : i64, tpu.core_type = #tpu.core_type<sc_vector_subcore>, window_params = [{transform_indices = #map}, {transform_indices = #map1}, {transform_indices = #map}, {transform_indices = #map}, {transform_indices = #map}]} {
    %eq3A = arith.constant 0 : i32
    %eq3A_0 = arith.cmpi eq, %arg0, %eq3A : i32
    %mul3A = arith.constant 156 : i32
    %mul3A_1 = arith.muli %arg1, %mul3A : i32
    %mul3A_2 = arith.constant 4 : i32
    %mul3A_3 = arith.muli %arg1, %mul3A_2 : i32
    %add3A = arith.constant 2496 : i32
    %add3A_4 = arith.addi %add3A, %mul3A_3 : i32
    %select_n3A = arith.select %eq3A_0, %mul3A_1, %add3A_4 : i32
    %eq3A_5 = arith.constant 0 : i32
    %eq3A_6 = arith.cmpi eq, %arg0, %eq3A_5 : i32
    %jit3A = arith.constant 156 : i32
    %jit3A_7 = arith.constant 4 : i32
    %select_n3A_8 = arith.select %eq3A_6, %jit3A, %jit3A_7 : i32
    %mul3A_9 = arith.constant 640 : i32
    %mul3A_10 = arith.muli %arg1, %mul3A_9 : i32
    %mul3A_11 = arith.constant 640 : i32
    %mul3A_12 = arith.muli %arg1, %mul3A_11 : i32
    "tpu.region"() ({
      %run_scoped3A = tpu.sem_alloc : memref<!tpu.dma_semaphore, #tpu.memory_space<semaphore_mem>>
      %dma_start3A_66 = arith.constant 0 : i32
      %dma_start3A_67 = tpu.memref_slice %arg11[%mul3A_12, %dma_start3A_66] : memref<10240x128xf32, #tpu.memory_space<vmem_shared>> -> memref<640x128xf32, #tpu.memory_space<vmem_shared>>
      %dma_start3A_68 = arith.constant 0 : i32
      %dma_start3A_69 = tpu.memref_slice %arg4[%mul3A_10, %dma_start3A_68] : memref<10240x128xf32, #tpu.memory_space<hbm>> -> memref<640x128xf32, #tpu.memory_space<hbm>>
      tpu.enqueue_dma source(%dma_start3A_69 : memref<640x128xf32, #tpu.memory_space<hbm>>) target(%dma_start3A_67 : memref<640x128xf32, #tpu.memory_space<vmem_shared>>) target_semaphore(%run_scoped3A : memref<!tpu.dma_semaphore, #tpu.memory_space<semaphore_mem>>)
      %dma_wait3A_70 = arith.constant 0 : i32
      %dma_wait3A_71 = tpu.memref_slice %arg11[%mul3A_12, %dma_wait3A_70] : memref<10240x128xf32, #tpu.memory_space<vmem_shared>> -> memref<640x128xf32, #tpu.memory_space<vmem_shared>>
      %dma_wait3A_72 = arith.constant 0 : i32
      %dma_wait3A_73 = tpu.memref_slice %arg4[%mul3A_10, %dma_wait3A_72] : memref<10240x128xf32, #tpu.memory_space<hbm>> -> memref<640x128xf32, #tpu.memory_space<hbm>>
      tpu.wait_dma2 semaphore(%run_scoped3A : memref<!tpu.dma_semaphore, #tpu.memory_space<semaphore_mem>>) src(%dma_wait3A_73 : memref<640x128xf32, #tpu.memory_space<hbm>>) dst(%dma_wait3A_71 : memref<640x128xf32, #tpu.memory_space<vmem_shared>>)
      tpu.yield
    }) : () -> ()
    %barrier3A = arith.constant 0 : index
    tpu.barrier barrier_id(%barrier3A)
    "tpu.region"() ({
      %run_scoped3A = tpu.sem_alloc : memref<!tpu.dma_semaphore, #tpu.memory_space<semaphore_mem>>
      %dma_start3A_66 = arith.constant 0 : i32
      %dma_start3A_67 = arith.constant 0 : i32
      %dma_start3A_68 = tpu.memref_slice %arg3[%select_n3A, %dma_start3A_66, %dma_start3A_67] : memref<2560x2x128xi32, #tpu.memory_space<hbm>> -> memref<1x2x128xi32, #tpu.memory_space<hbm>>
      %dma_start3A_69 = tpu.memref_squeeze %dma_start3A_68 : memref<1x2x128xi32, #tpu.memory_space<hbm>> -> memref<2x128xi32, #tpu.memory_space<hbm>>
      %dma_start3A_70 = arith.constant 0 : i32
      %dma_start3A_71 = arith.constant 0 : i32
      %dma_start3A_72 = tpu.memref_slice %arg3[%select_n3A, %dma_start3A_70, %dma_start3A_71] : memref<2560x2x128xi32, #tpu.memory_space<hbm>> -> memref<1x2x128xi32, #tpu.memory_space<hbm>>
      %dma_start3A_73 = tpu.memref_squeeze %dma_start3A_72 : memref<1x2x128xi32, #tpu.memory_space<hbm>> -> memref<2x128xi32, #tpu.memory_space<hbm>>
      tpu.enqueue_dma source(%dma_start3A_73 : memref<2x128xi32, #tpu.memory_space<hbm>>) target(%arg7 : memref<2x128xi32, #tpu.memory_space<vmem>>) target_semaphore(%run_scoped3A : memref<!tpu.dma_semaphore, #tpu.memory_space<semaphore_mem>>)
      %dma_wait3A_74 = arith.constant 0 : i32
      %dma_wait3A_75 = arith.constant 0 : i32
      %dma_wait3A_76 = tpu.memref_slice %arg3[%select_n3A, %dma_wait3A_74, %dma_wait3A_75] : memref<2560x2x128xi32, #tpu.memory_space<hbm>> -> memref<1x2x128xi32, #tpu.memory_space<hbm>>
      %dma_wait3A_77 = tpu.memref_squeeze %dma_wait3A_76 : memref<1x2x128xi32, #tpu.memory_space<hbm>> -> memref<2x128xi32, #tpu.memory_space<hbm>>
      %dma_wait3A_78 = arith.constant 0 : i32
      %dma_wait3A_79 = arith.constant 0 : i32
      %dma_wait3A_80 = tpu.memref_slice %arg3[%select_n3A, %dma_wait3A_78, %dma_wait3A_79] : memref<2560x2x128xi32, #tpu.memory_space<hbm>> -> memref<1x2x128xi32, #tpu.memory_space<hbm>>
      %dma_wait3A_81 = tpu.memref_squeeze %dma_wait3A_80 : memref<1x2x128xi32, #tpu.memory_space<hbm>> -> memref<2x128xi32, #tpu.memory_space<hbm>>
      tpu.wait_dma2 semaphore(%run_scoped3A : memref<!tpu.dma_semaphore, #tpu.memory_space<semaphore_mem>>) src(%dma_wait3A_81 : memref<2x128xi32, #tpu.memory_space<hbm>>) dst(%arg7 : memref<2x128xi32, #tpu.memory_space<vmem>>)
      tpu.yield
    }) : () -> ()
    %dma_start3A = arith.constant 0 : i32
    %dma_start3A_13 = arith.constant 0 : i32
    %dma_start3A_14 = tpu.memref_slice %arg7[%dma_start3A, %dma_start3A_13] : memref<2x128xi32, #tpu.memory_space<vmem>> -> memref<1x128xi32, #tpu.memory_space<vmem>>
    %dma_start3A_15 = tpu.memref_squeeze %dma_start3A_14 : memref<1x128xi32, #tpu.memory_space<vmem>> -> memref<128xi32, #tpu.memory_space<vmem>>
    %dma_start3A_16 = arith.constant 0 : i32
    %dma_start3A_17 = arith.constant 0 : i32
    %dma_start3A_18 = tpu.memref_slice %arg2[%dma_start3A_16, %dma_start3A_17] : memref<10000x128xf32, #tpu.memory_space<hbm>> -> memref<10000x128xf32, #tpu.memory_space<hbm>>
    tpu.enqueue_indirect_dma source(%dma_start3A_18 : memref<10000x128xf32, #tpu.memory_space<hbm>>) target(%arg9 : memref<128x128xf32, #tpu.memory_space<vmem>>) offsets(%dma_start3A_15 : memref<128xi32, #tpu.memory_space<vmem>>) semaphore(%arg12 : memref<!tpu.dma_semaphore, #tpu.memory_space<semaphore_mem>>)
    %jit3A_19 = arith.constant 2 : i32
    %div3A = arith.divsi %select_n3A_8, %jit3A_19 : i32
    %sign3A = arith.constant 0 : i32
    %sign3A_20 = arith.cmpi sgt, %select_n3A_8, %sign3A : i32
    %sign3A_21 = arith.extui %sign3A_20 : i1 to i32
    %sign3A_22 = arith.constant 0 : i32
    %sign3A_23 = arith.cmpi slt, %select_n3A_8, %sign3A_22 : i32
    %sign3A_24 = arith.extui %sign3A_23 : i1 to i32
    %sign3A_25 = arith.subi %sign3A_21, %sign3A_24 : i32
    %sign3A_26 = arith.constant 0 : i32
    %sign3A_27 = arith.cmpi sgt, %jit3A_19, %sign3A_26 : i32
    %sign3A_28 = arith.extui %sign3A_27 : i1 to i32
    %sign3A_29 = arith.constant 0 : i32
    %sign3A_30 = arith.cmpi slt, %jit3A_19, %sign3A_29 : i32
    %sign3A_31 = arith.extui %sign3A_30 : i1 to i32
    %sign3A_32 = arith.subi %sign3A_28, %sign3A_31 : i32
    %ne3A = arith.cmpi ne, %sign3A_25, %sign3A_32 : i32
    %rem3A = arith.remsi %select_n3A_8, %jit3A_19 : i32
    %ne3A_33 = arith.constant 0 : i32
    %ne3A_34 = arith.cmpi ne, %rem3A, %ne3A_33 : i32
    %and3A = arith.andi %ne3A, %ne3A_34 : i1
    %sub3A = arith.constant 1 : i32
    %sub3A_35 = arith.subi %div3A, %sub3A : i32
    %select_n3A_36 = arith.select %and3A, %sub3A_35, %div3A : i32
    %while3A = arith.constant 0 : i32
    %while3A_37 = arith.constant 0 : i32
    %while3A_38 = arith.subi %select_n3A_36, %while3A_37 : i32
    %while3A_39 = arith.addi %while3A_37, %while3A_38 : i32
    %while3A_40 = arith.constant 1 : i32
    %while3A_41 = arith.divsi %while3A_38, %while3A_40 : i32
    %while3A_42 = arith.muli %while3A_41, %while3A_40 : i32
    %while3A_43 = arith.addi %while3A_37, %while3A_42 : i32
    %while3A_44 = arith.constant 1 : i32
    scf.for %while3A_66 = %while3A_37 to %while3A_43 step %while3A_44  : i32 {
      %mul3A_67 = arith.constant 2 : i32
      %mul3A_68 = arith.muli %mul3A_67, %while3A_66 : i32
      %add3A_69 = arith.constant 0 : i32
      %add3A_70 = arith.addi %mul3A_68, %add3A_69 : i32
      %gt3A = arith.constant 0 : i32
      %gt3A_71 = arith.cmpi sgt, %while3A_66, %gt3A : i32
      %convert_element_type3A_72 = arith.extui %gt3A_71 : i1 to i32
      %cond3A_73 = arith.constant 0 : i32
      %cond3A_74 = arith.cmpi ne, %convert_element_type3A_72, %cond3A_73 : i32
      scf.if %cond3A_74 {
        %dma_wait3A_120 = arith.constant 0 : i32
        %dma_wait3A_121 = arith.constant 0 : i32
        %dma_wait3A_122 = tpu.memref_slice %arg4[%dma_wait3A_120, %dma_wait3A_121] : memref<10240x128xf32, #tpu.memory_space<hbm>> -> memref<128x128xf32, #tpu.memory_space<hbm>>
        %dma_wait3A_123 = arith.constant 0 : i32
        %dma_wait3A_124 = arith.constant 0 : i32
        %dma_wait3A_125 = tpu.memref_slice %arg4[%dma_wait3A_123, %dma_wait3A_124] : memref<10240x128xf32, #tpu.memory_space<hbm>> -> memref<128x128xf32, #tpu.memory_space<hbm>>
        tpu.wait_dma2 semaphore(%arg15 : memref<!tpu.dma_semaphore, #tpu.memory_space<semaphore_mem>>) src(%dma_wait3A_125 : memref<128x128xf32, #tpu.memory_space<hbm>>) dst(%arg9 : memref<128x128xf32, #tpu.memory_space<vmem>>)
      } else {
      }
      %add3A_75 = arith.addi %select_n3A, %add3A_70 : i32
      %add3A_76 = arith.constant 1 : i32
      %add3A_77 = arith.addi %add3A_75, %add3A_76 : i32
      "tpu.region"() ({
        %run_scoped3A = tpu.sem_alloc : memref<!tpu.dma_semaphore, #tpu.memory_space<semaphore_mem>>
        %dma_start3A_120 = arith.constant 0 : i32
        %dma_start3A_121 = arith.constant 0 : i32
        %dma_start3A_122 = tpu.memref_slice %arg3[%add3A_77, %dma_start3A_120, %dma_start3A_121] : memref<2560x2x128xi32, #tpu.memory_space<hbm>> -> memref<1x2x128xi32, #tpu.memory_space<hbm>>
        %dma_start3A_123 = tpu.memref_squeeze %dma_start3A_122 : memref<1x2x128xi32, #tpu.memory_space<hbm>> -> memref<2x128xi32, #tpu.memory_space<hbm>>
        %dma_start3A_124 = arith.constant 0 : i32
        %dma_start3A_125 = arith.constant 0 : i32
        %dma_start3A_126 = tpu.memref_slice %arg3[%add3A_77, %dma_start3A_124, %dma_start3A_125] : memref<2560x2x128xi32, #tpu.memory_space<hbm>> -> memref<1x2x128xi32, #tpu.memory_space<hbm>>
        %dma_start3A_127 = tpu.memref_squeeze %dma_start3A_126 : memref<1x2x128xi32, #tpu.memory_space<hbm>> -> memref<2x128xi32, #tpu.memory_space<hbm>>
        tpu.enqueue_dma source(%dma_start3A_127 : memref<2x128xi32, #tpu.memory_space<hbm>>) target(%arg8 : memref<2x128xi32, #tpu.memory_space<vmem>>) target_semaphore(%run_scoped3A : memref<!tpu.dma_semaphore, #tpu.memory_space<semaphore_mem>>)
        %dma_wait3A_128 = arith.constant 0 : i32
        %dma_wait3A_129 = arith.constant 0 : i32
        %dma_wait3A_130 = tpu.memref_slice %arg3[%add3A_77, %dma_wait3A_128, %dma_wait3A_129] : memref<2560x2x128xi32, #tpu.memory_space<hbm>> -> memref<1x2x128xi32, #tpu.memory_space<hbm>>
        %dma_wait3A_131 = tpu.memref_squeeze %dma_wait3A_130 : memref<1x2x128xi32, #tpu.memory_space<hbm>> -> memref<2x128xi32, #tpu.memory_space<hbm>>
        %dma_wait3A_132 = arith.constant 0 : i32
        %dma_wait3A_133 = arith.constant 0 : i32
        %dma_wait3A_134 = tpu.memref_slice %arg3[%add3A_77, %dma_wait3A_132, %dma_wait3A_133] : memref<2560x2x128xi32, #tpu.memory_space<hbm>> -> memref<1x2x128xi32, #tpu.memory_space<hbm>>
        %dma_wait3A_135 = tpu.memref_squeeze %dma_wait3A_134 : memref<1x2x128xi32, #tpu.memory_space<hbm>> -> memref<2x128xi32, #tpu.memory_space<hbm>>
        tpu.wait_dma2 semaphore(%run_scoped3A : memref<!tpu.dma_semaphore, #tpu.memory_space<semaphore_mem>>) src(%dma_wait3A_135 : memref<2x128xi32, #tpu.memory_space<hbm>>) dst(%arg8 : memref<2x128xi32, #tpu.memory_space<vmem>>)
        tpu.yield
      }) : () -> ()
      %dma_start3A_78 = arith.constant 0 : i32
      %dma_start3A_79 = arith.constant 0 : i32
      %dma_start3A_80 = tpu.memref_slice %arg8[%dma_start3A_78, %dma_start3A_79] : memref<2x128xi32, #tpu.memory_space<vmem>> -> memref<1x128xi32, #tpu.memory_space<vmem>>
      %dma_start3A_81 = tpu.memref_squeeze %dma_start3A_80 : memref<1x128xi32, #tpu.memory_space<vmem>> -> memref<128xi32, #tpu.memory_space<vmem>>
      %dma_start3A_82 = arith.constant 0 : i32
      %dma_start3A_83 = arith.constant 0 : i32
      %dma_start3A_84 = tpu.memref_slice %arg2[%dma_start3A_82, %dma_start3A_83] : memref<10000x128xf32, #tpu.memory_space<hbm>> -> memref<10000x128xf32, #tpu.memory_space<hbm>>
      tpu.enqueue_indirect_dma source(%dma_start3A_84 : memref<10000x128xf32, #tpu.memory_space<hbm>>) target(%arg10 : memref<128x128xf32, #tpu.memory_space<vmem>>) offsets(%dma_start3A_81 : memref<128xi32, #tpu.memory_space<vmem>>) semaphore(%arg13 : memref<!tpu.dma_semaphore, #tpu.memory_space<semaphore_mem>>)
      %dma_wait3A_85 = arith.constant 0 : i32
      %dma_wait3A_86 = arith.constant 0 : i32
      %dma_wait3A_87 = tpu.memref_slice %arg4[%dma_wait3A_85, %dma_wait3A_86] : memref<10240x128xf32, #tpu.memory_space<hbm>> -> memref<128x128xf32, #tpu.memory_space<hbm>>
      %dma_wait3A_88 = arith.constant 0 : i32
      %dma_wait3A_89 = arith.constant 0 : i32
      %dma_wait3A_90 = tpu.memref_slice %arg4[%dma_wait3A_88, %dma_wait3A_89] : memref<10240x128xf32, #tpu.memory_space<hbm>> -> memref<128x128xf32, #tpu.memory_space<hbm>>
      tpu.wait_dma2 semaphore(%arg12 : memref<!tpu.dma_semaphore, #tpu.memory_space<semaphore_mem>>) src(%dma_wait3A_90 : memref<128x128xf32, #tpu.memory_space<hbm>>) dst(%arg9 : memref<128x128xf32, #tpu.memory_space<vmem>>)
      %dma_start3A_91 = arith.constant 1 : i32
      %dma_start3A_92 = arith.constant 0 : i32
      %dma_start3A_93 = tpu.memref_slice %arg7[%dma_start3A_91, %dma_start3A_92] : memref<2x128xi32, #tpu.memory_space<vmem>> -> memref<1x128xi32, #tpu.memory_space<vmem>>
      %dma_start3A_94 = tpu.memref_squeeze %dma_start3A_93 : memref<1x128xi32, #tpu.memory_space<vmem>> -> memref<128xi32, #tpu.memory_space<vmem>>
      %dma_start3A_95 = arith.constant 0 : i32
      %dma_start3A_96 = arith.constant 0 : i32
      %dma_start3A_97 = tpu.memref_slice %arg11[%dma_start3A_95, %dma_start3A_96] : memref<10240x128xf32, #tpu.memory_space<vmem_shared>> -> memref<10240x128xf32, #tpu.memory_space<vmem_shared>>
      tpu.enqueue_indirect_dma source(%arg9 : memref<128x128xf32, #tpu.memory_space<vmem>>) target(%dma_start3A_97 : memref<10240x128xf32, #tpu.memory_space<vmem_shared>>) offsets(%dma_start3A_94 : memref<128xi32, #tpu.memory_space<vmem>>) semaphore(%arg14 : memref<!tpu.dma_semaphore, #tpu.memory_space<semaphore_mem>>) {add = true}
      %mul3A_98 = arith.constant 2 : i32
      %mul3A_99 = arith.muli %mul3A_98, %while3A_66 : i32
      %add3A_100 = arith.constant 1 : i32
      %add3A_101 = arith.addi %mul3A_99, %add3A_100 : i32
      %add3A_102 = arith.constant 1 : i32
      %add3A_103 = arith.addi %add3A_101, %add3A_102 : i32
      %lt3A = arith.cmpi slt, %add3A_103, %select_n3A_8 : i32
      %convert_element_type3A_104 = arith.extui %lt3A : i1 to i32
      %cond3A_105 = arith.constant 0 : i32
      %cond3A_106 = arith.cmpi ne, %convert_element_type3A_104, %cond3A_105 : i32
      scf.if %cond3A_106 {
        %dma_wait3A_120 = arith.constant 0 : i32
        %dma_wait3A_121 = arith.constant 0 : i32
        %dma_wait3A_122 = tpu.memref_slice %arg4[%dma_wait3A_120, %dma_wait3A_121] : memref<10240x128xf32, #tpu.memory_space<hbm>> -> memref<128x128xf32, #tpu.memory_space<hbm>>
        %dma_wait3A_123 = arith.constant 0 : i32
        %dma_wait3A_124 = arith.constant 0 : i32
        %dma_wait3A_125 = tpu.memref_slice %arg4[%dma_wait3A_123, %dma_wait3A_124] : memref<10240x128xf32, #tpu.memory_space<hbm>> -> memref<128x128xf32, #tpu.memory_space<hbm>>
        tpu.wait_dma2 semaphore(%arg14 : memref<!tpu.dma_semaphore, #tpu.memory_space<semaphore_mem>>) src(%dma_wait3A_125 : memref<128x128xf32, #tpu.memory_space<hbm>>) dst(%arg9 : memref<128x128xf32, #tpu.memory_space<vmem>>)
        %add3A_126 = arith.addi %select_n3A, %add3A_101 : i32
        %add3A_127 = arith.constant 1 : i32
        %add3A_128 = arith.addi %add3A_126, %add3A_127 : i32
        "tpu.region"() ({
          %run_scoped3A = tpu.sem_alloc : memref<!tpu.dma_semaphore, #tpu.memory_space<semaphore_mem>>
          %dma_start3A_136 = arith.constant 0 : i32
          %dma_start3A_137 = arith.constant 0 : i32
          %dma_start3A_138 = tpu.memref_slice %arg3[%add3A_128, %dma_start3A_136, %dma_start3A_137] : memref<2560x2x128xi32, #tpu.memory_space<hbm>> -> memref<1x2x128xi32, #tpu.memory_space<hbm>>
          %dma_start3A_139 = tpu.memref_squeeze %dma_start3A_138 : memref<1x2x128xi32, #tpu.memory_space<hbm>> -> memref<2x128xi32, #tpu.memory_space<hbm>>
          %dma_start3A_140 = arith.constant 0 : i32
          %dma_start3A_141 = arith.constant 0 : i32
          %dma_start3A_142 = tpu.memref_slice %arg3[%add3A_128, %dma_start3A_140, %dma_start3A_141] : memref<2560x2x128xi32, #tpu.memory_space<hbm>> -> memref<1x2x128xi32, #tpu.memory_space<hbm>>
          %dma_start3A_143 = tpu.memref_squeeze %dma_start3A_142 : memref<1x2x128xi32, #tpu.memory_space<hbm>> -> memref<2x128xi32, #tpu.memory_space<hbm>>
          tpu.enqueue_dma source(%dma_start3A_143 : memref<2x128xi32, #tpu.memory_space<hbm>>) target(%arg7 : memref<2x128xi32, #tpu.memory_space<vmem>>) target_semaphore(%run_scoped3A : memref<!tpu.dma_semaphore, #tpu.memory_space<semaphore_mem>>)
          %dma_wait3A_144 = arith.constant 0 : i32
          %dma_wait3A_145 = arith.constant 0 : i32
          %dma_wait3A_146 = tpu.memref_slice %arg3[%add3A_128, %dma_wait3A_144, %dma_wait3A_145] : memref<2560x2x128xi32, #tpu.memory_space<hbm>> -> memref<1x2x128xi32, #tpu.memory_space<hbm>>
          %dma_wait3A_147 = tpu.memref_squeeze %dma_wait3A_146 : memref<1x2x128xi32, #tpu.memory_space<hbm>> -> memref<2x128xi32, #tpu.memory_space<hbm>>
          %dma_wait3A_148 = arith.constant 0 : i32
          %dma_wait3A_149 = arith.constant 0 : i32
          %dma_wait3A_150 = tpu.memref_slice %arg3[%add3A_128, %dma_wait3A_148, %dma_wait3A_149] : memref<2560x2x128xi32, #tpu.memory_space<hbm>> -> memref<1x2x128xi32, #tpu.memory_space<hbm>>
          %dma_wait3A_151 = tpu.memref_squeeze %dma_wait3A_150 : memref<1x2x128xi32, #tpu.memory_space<hbm>> -> memref<2x128xi32, #tpu.memory_space<hbm>>
          tpu.wait_dma2 semaphore(%run_scoped3A : memref<!tpu.dma_semaphore, #tpu.memory_space<semaphore_mem>>) src(%dma_wait3A_151 : memref<2x128xi32, #tpu.memory_space<hbm>>) dst(%arg7 : memref<2x128xi32, #tpu.memory_space<vmem>>)
          tpu.yield
        }) : () -> ()
        %dma_start3A_129 = arith.constant 0 : i32
        %dma_start3A_130 = arith.constant 0 : i32
        %dma_start3A_131 = tpu.memref_slice %arg7[%dma_start3A_129, %dma_start3A_130] : memref<2x128xi32, #tpu.memory_space<vmem>> -> memref<1x128xi32, #tpu.memory_space<vmem>>
        %dma_start3A_132 = tpu.memref_squeeze %dma_start3A_131 : memref<1x128xi32, #tpu.memory_space<vmem>> -> memref<128xi32, #tpu.memory_space<vmem>>
        %dma_start3A_133 = arith.constant 0 : i32
        %dma_start3A_134 = arith.constant 0 : i32
        %dma_start3A_135 = tpu.memref_slice %arg2[%dma_start3A_133, %dma_start3A_134] : memref<10000x128xf32, #tpu.memory_space<hbm>> -> memref<10000x128xf32, #tpu.memory_space<hbm>>
        tpu.enqueue_indirect_dma source(%dma_start3A_135 : memref<10000x128xf32, #tpu.memory_space<hbm>>) target(%arg9 : memref<128x128xf32, #tpu.memory_space<vmem>>) offsets(%dma_start3A_132 : memref<128xi32, #tpu.memory_space<vmem>>) semaphore(%arg12 : memref<!tpu.dma_semaphore, #tpu.memory_space<semaphore_mem>>)
      } else {
      }
      %dma_wait3A_107 = arith.constant 0 : i32
      %dma_wait3A_108 = arith.constant 0 : i32
      %dma_wait3A_109 = tpu.memref_slice %arg4[%dma_wait3A_107, %dma_wait3A_108] : memref<10240x128xf32, #tpu.memory_space<hbm>> -> memref<128x128xf32, #tpu.memory_space<hbm>>
      %dma_wait3A_110 = arith.constant 0 : i32
      %dma_wait3A_111 = arith.constant 0 : i32
      %dma_wait3A_112 = tpu.memref_slice %arg4[%dma_wait3A_110, %dma_wait3A_111] : memref<10240x128xf32, #tpu.memory_space<hbm>> -> memref<128x128xf32, #tpu.memory_space<hbm>>
      tpu.wait_dma2 semaphore(%arg13 : memref<!tpu.dma_semaphore, #tpu.memory_space<semaphore_mem>>) src(%dma_wait3A_112 : memref<128x128xf32, #tpu.memory_space<hbm>>) dst(%arg9 : memref<128x128xf32, #tpu.memory_space<vmem>>)
      %dma_start3A_113 = arith.constant 1 : i32
      %dma_start3A_114 = arith.constant 0 : i32
      %dma_start3A_115 = tpu.memref_slice %arg8[%dma_start3A_113, %dma_start3A_114] : memref<2x128xi32, #tpu.memory_space<vmem>> -> memref<1x128xi32, #tpu.memory_space<vmem>>
      %dma_start3A_116 = tpu.memref_squeeze %dma_start3A_115 : memref<1x128xi32, #tpu.memory_space<vmem>> -> memref<128xi32, #tpu.memory_space<vmem>>
      %dma_start3A_117 = arith.constant 0 : i32
      %dma_start3A_118 = arith.constant 0 : i32
      %dma_start3A_119 = tpu.memref_slice %arg11[%dma_start3A_117, %dma_start3A_118] : memref<10240x128xf32, #tpu.memory_space<vmem_shared>> -> memref<10240x128xf32, #tpu.memory_space<vmem_shared>>
      tpu.enqueue_indirect_dma source(%arg10 : memref<128x128xf32, #tpu.memory_space<vmem>>) target(%dma_start3A_119 : memref<10240x128xf32, #tpu.memory_space<vmem_shared>>) offsets(%dma_start3A_116 : memref<128xi32, #tpu.memory_space<vmem>>) semaphore(%arg15 : memref<!tpu.dma_semaphore, #tpu.memory_space<semaphore_mem>>) {add = true}
    }
    %while3A_45 = arith.constant 1 : i32
    scf.for %while3A_66 = %while3A_43 to %while3A_39 step %while3A_45  : i32 {
      %mul3A_67 = arith.constant 2 : i32
      %mul3A_68 = arith.muli %mul3A_67, %while3A_66 : i32
      %add3A_69 = arith.constant 0 : i32
      %add3A_70 = arith.addi %mul3A_68, %add3A_69 : i32
      %gt3A = arith.constant 0 : i32
      %gt3A_71 = arith.cmpi sgt, %while3A_66, %gt3A : i32
      %convert_element_type3A_72 = arith.extui %gt3A_71 : i1 to i32
      %cond3A_73 = arith.constant 0 : i32
      %cond3A_74 = arith.cmpi ne, %convert_element_type3A_72, %cond3A_73 : i32
      scf.if %cond3A_74 {
        %dma_wait3A_120 = arith.constant 0 : i32
        %dma_wait3A_121 = arith.constant 0 : i32
        %dma_wait3A_122 = tpu.memref_slice %arg4[%dma_wait3A_120, %dma_wait3A_121] : memref<10240x128xf32, #tpu.memory_space<hbm>> -> memref<128x128xf32, #tpu.memory_space<hbm>>
        %dma_wait3A_123 = arith.constant 0 : i32
        %dma_wait3A_124 = arith.constant 0 : i32
        %dma_wait3A_125 = tpu.memref_slice %arg4[%dma_wait3A_123, %dma_wait3A_124] : memref<10240x128xf32, #tpu.memory_space<hbm>> -> memref<128x128xf32, #tpu.memory_space<hbm>>
        tpu.wait_dma2 semaphore(%arg15 : memref<!tpu.dma_semaphore, #tpu.memory_space<semaphore_mem>>) src(%dma_wait3A_125 : memref<128x128xf32, #tpu.memory_space<hbm>>) dst(%arg9 : memref<128x128xf32, #tpu.memory_space<vmem>>)
      } else {
      }
      %add3A_75 = arith.addi %select_n3A, %add3A_70 : i32
      %add3A_76 = arith.constant 1 : i32
      %add3A_77 = arith.addi %add3A_75, %add3A_76 : i32
      "tpu.region"() ({
        %run_scoped3A = tpu.sem_alloc : memref<!tpu.dma_semaphore, #tpu.memory_space<semaphore_mem>>
        %dma_start3A_120 = arith.constant 0 : i32
        %dma_start3A_121 = arith.constant 0 : i32
        %dma_start3A_122 = tpu.memref_slice %arg3[%add3A_77, %dma_start3A_120, %dma_start3A_121] : memref<2560x2x128xi32, #tpu.memory_space<hbm>> -> memref<1x2x128xi32, #tpu.memory_space<hbm>>
        %dma_start3A_123 = tpu.memref_squeeze %dma_start3A_122 : memref<1x2x128xi32, #tpu.memory_space<hbm>> -> memref<2x128xi32, #tpu.memory_space<hbm>>
        %dma_start3A_124 = arith.constant 0 : i32
        %dma_start3A_125 = arith.constant 0 : i32
        %dma_start3A_126 = tpu.memref_slice %arg3[%add3A_77, %dma_start3A_124, %dma_start3A_125] : memref<2560x2x128xi32, #tpu.memory_space<hbm>> -> memref<1x2x128xi32, #tpu.memory_space<hbm>>
        %dma_start3A_127 = tpu.memref_squeeze %dma_start3A_126 : memref<1x2x128xi32, #tpu.memory_space<hbm>> -> memref<2x128xi32, #tpu.memory_space<hbm>>
        tpu.enqueue_dma source(%dma_start3A_127 : memref<2x128xi32, #tpu.memory_space<hbm>>) target(%arg8 : memref<2x128xi32, #tpu.memory_space<vmem>>) target_semaphore(%run_scoped3A : memref<!tpu.dma_semaphore, #tpu.memory_space<semaphore_mem>>)
        %dma_wait3A_128 = arith.constant 0 : i32
        %dma_wait3A_129 = arith.constant 0 : i32
        %dma_wait3A_130 = tpu.memref_slice %arg3[%add3A_77, %dma_wait3A_128, %dma_wait3A_129] : memref<2560x2x128xi32, #tpu.memory_space<hbm>> -> memref<1x2x128xi32, #tpu.memory_space<hbm>>
        %dma_wait3A_131 = tpu.memref_squeeze %dma_wait3A_130 : memref<1x2x128xi32, #tpu.memory_space<hbm>> -> memref<2x128xi32, #tpu.memory_space<hbm>>
        %dma_wait3A_132 = arith.constant 0 : i32
        %dma_wait3A_133 = arith.constant 0 : i32
        %dma_wait3A_134 = tpu.memref_slice %arg3[%add3A_77, %dma_wait3A_132, %dma_wait3A_133] : memref<2560x2x128xi32, #tpu.memory_space<hbm>> -> memref<1x2x128xi32, #tpu.memory_space<hbm>>
        %dma_wait3A_135 = tpu.memref_squeeze %dma_wait3A_134 : memref<1x2x128xi32, #tpu.memory_space<hbm>> -> memref<2x128xi32, #tpu.memory_space<hbm>>
        tpu.wait_dma2 semaphore(%run_scoped3A : memref<!tpu.dma_semaphore, #tpu.memory_space<semaphore_mem>>) src(%dma_wait3A_135 : memref<2x128xi32, #tpu.memory_space<hbm>>) dst(%arg8 : memref<2x128xi32, #tpu.memory_space<vmem>>)
        tpu.yield
      }) : () -> ()
      %dma_start3A_78 = arith.constant 0 : i32
      %dma_start3A_79 = arith.constant 0 : i32
      %dma_start3A_80 = tpu.memref_slice %arg8[%dma_start3A_78, %dma_start3A_79] : memref<2x128xi32, #tpu.memory_space<vmem>> -> memref<1x128xi32, #tpu.memory_space<vmem>>
      %dma_start3A_81 = tpu.memref_squeeze %dma_start3A_80 : memref<1x128xi32, #tpu.memory_space<vmem>> -> memref<128xi32, #tpu.memory_space<vmem>>
      %dma_start3A_82 = arith.constant 0 : i32
      %dma_start3A_83 = arith.constant 0 : i32
      %dma_start3A_84 = tpu.memref_slice %arg2[%dma_start3A_82, %dma_start3A_83] : memref<10000x128xf32, #tpu.memory_space<hbm>> -> memref<10000x128xf32, #tpu.memory_space<hbm>>
      tpu.enqueue_indirect_dma source(%dma_start3A_84 : memref<10000x128xf32, #tpu.memory_space<hbm>>) target(%arg10 : memref<128x128xf32, #tpu.memory_space<vmem>>) offsets(%dma_start3A_81 : memref<128xi32, #tpu.memory_space<vmem>>) semaphore(%arg13 : memref<!tpu.dma_semaphore, #tpu.memory_space<semaphore_mem>>)
      %dma_wait3A_85 = arith.constant 0 : i32
      %dma_wait3A_86 = arith.constant 0 : i32
      %dma_wait3A_87 = tpu.memref_slice %arg4[%dma_wait3A_85, %dma_wait3A_86] : memref<10240x128xf32, #tpu.memory_space<hbm>> -> memref<128x128xf32, #tpu.memory_space<hbm>>
      %dma_wait3A_88 = arith.constant 0 : i32
      %dma_wait3A_89 = arith.constant 0 : i32
      %dma_wait3A_90 = tpu.memref_slice %arg4[%dma_wait3A_88, %dma_wait3A_89] : memref<10240x128xf32, #tpu.memory_space<hbm>> -> memref<128x128xf32, #tpu.memory_space<hbm>>
      tpu.wait_dma2 semaphore(%arg12 : memref<!tpu.dma_semaphore, #tpu.memory_space<semaphore_mem>>) src(%dma_wait3A_90 : memref<128x128xf32, #tpu.memory_space<hbm>>) dst(%arg9 : memref<128x128xf32, #tpu.memory_space<vmem>>)
      %dma_start3A_91 = arith.constant 1 : i32
      %dma_start3A_92 = arith.constant 0 : i32
      %dma_start3A_93 = tpu.memref_slice %arg7[%dma_start3A_91, %dma_start3A_92] : memref<2x128xi32, #tpu.memory_space<vmem>> -> memref<1x128xi32, #tpu.memory_space<vmem>>
      %dma_start3A_94 = tpu.memref_squeeze %dma_start3A_93 : memref<1x128xi32, #tpu.memory_space<vmem>> -> memref<128xi32, #tpu.memory_space<vmem>>
      %dma_start3A_95 = arith.constant 0 : i32
      %dma_start3A_96 = arith.constant 0 : i32
      %dma_start3A_97 = tpu.memref_slice %arg11[%dma_start3A_95, %dma_start3A_96] : memref<10240x128xf32, #tpu.memory_space<vmem_shared>> -> memref<10240x128xf32, #tpu.memory_space<vmem_shared>>
      tpu.enqueue_indirect_dma source(%arg9 : memref<128x128xf32, #tpu.memory_space<vmem>>) target(%dma_start3A_97 : memref<10240x128xf32, #tpu.memory_space<vmem_shared>>) offsets(%dma_start3A_94 : memref<128xi32, #tpu.memory_space<vmem>>) semaphore(%arg14 : memref<!tpu.dma_semaphore, #tpu.memory_space<semaphore_mem>>) {add = true}
      %mul3A_98 = arith.constant 2 : i32
      %mul3A_99 = arith.muli %mul3A_98, %while3A_66 : i32
      %add3A_100 = arith.constant 1 : i32
      %add3A_101 = arith.addi %mul3A_99, %add3A_100 : i32
      %add3A_102 = arith.constant 1 : i32
      %add3A_103 = arith.addi %add3A_101, %add3A_102 : i32
      %lt3A = arith.cmpi slt, %add3A_103, %select_n3A_8 : i32
      %convert_element_type3A_104 = arith.extui %lt3A : i1 to i32
      %cond3A_105 = arith.constant 0 : i32
      %cond3A_106 = arith.cmpi ne, %convert_element_type3A_104, %cond3A_105 : i32
      scf.if %cond3A_106 {
        %dma_wait3A_120 = arith.constant 0 : i32
        %dma_wait3A_121 = arith.constant 0 : i32
        %dma_wait3A_122 = tpu.memref_slice %arg4[%dma_wait3A_120, %dma_wait3A_121] : memref<10240x128xf32, #tpu.memory_space<hbm>> -> memref<128x128xf32, #tpu.memory_space<hbm>>
        %dma_wait3A_123 = arith.constant 0 : i32
        %dma_wait3A_124 = arith.constant 0 : i32
        %dma_wait3A_125 = tpu.memref_slice %arg4[%dma_wait3A_123, %dma_wait3A_124] : memref<10240x128xf32, #tpu.memory_space<hbm>> -> memref<128x128xf32, #tpu.memory_space<hbm>>
        tpu.wait_dma2 semaphore(%arg14 : memref<!tpu.dma_semaphore, #tpu.memory_space<semaphore_mem>>) src(%dma_wait3A_125 : memref<128x128xf32, #tpu.memory_space<hbm>>) dst(%arg9 : memref<128x128xf32, #tpu.memory_space<vmem>>)
        %add3A_126 = arith.addi %select_n3A, %add3A_101 : i32
        %add3A_127 = arith.constant 1 : i32
        %add3A_128 = arith.addi %add3A_126, %add3A_127 : i32
        "tpu.region"() ({
          %run_scoped3A = tpu.sem_alloc : memref<!tpu.dma_semaphore, #tpu.memory_space<semaphore_mem>>
          %dma_start3A_136 = arith.constant 0 : i32
          %dma_start3A_137 = arith.constant 0 : i32
          %dma_start3A_138 = tpu.memref_slice %arg3[%add3A_128, %dma_start3A_136, %dma_start3A_137] : memref<2560x2x128xi32, #tpu.memory_space<hbm>> -> memref<1x2x128xi32, #tpu.memory_space<hbm>>
          %dma_start3A_139 = tpu.memref_squeeze %dma_start3A_138 : memref<1x2x128xi32, #tpu.memory_space<hbm>> -> memref<2x128xi32, #tpu.memory_space<hbm>>
          %dma_start3A_140 = arith.constant 0 : i32
          %dma_start3A_141 = arith.constant 0 : i32
          %dma_start3A_142 = tpu.memref_slice %arg3[%add3A_128, %dma_start3A_140, %dma_start3A_141] : memref<2560x2x128xi32, #tpu.memory_space<hbm>> -> memref<1x2x128xi32, #tpu.memory_space<hbm>>
          %dma_start3A_143 = tpu.memref_squeeze %dma_start3A_142 : memref<1x2x128xi32, #tpu.memory_space<hbm>> -> memref<2x128xi32, #tpu.memory_space<hbm>>
          tpu.enqueue_dma source(%dma_start3A_143 : memref<2x128xi32, #tpu.memory_space<hbm>>) target(%arg7 : memref<2x128xi32, #tpu.memory_space<vmem>>) target_semaphore(%run_scoped3A : memref<!tpu.dma_semaphore, #tpu.memory_space<semaphore_mem>>)
          %dma_wait3A_144 = arith.constant 0 : i32
          %dma_wait3A_145 = arith.constant 0 : i32
          %dma_wait3A_146 = tpu.memref_slice %arg3[%add3A_128, %dma_wait3A_144, %dma_wait3A_145] : memref<2560x2x128xi32, #tpu.memory_space<hbm>> -> memref<1x2x128xi32, #tpu.memory_space<hbm>>
          %dma_wait3A_147 = tpu.memref_squeeze %dma_wait3A_146 : memref<1x2x128xi32, #tpu.memory_space<hbm>> -> memref<2x128xi32, #tpu.memory_space<hbm>>
          %dma_wait3A_148 = arith.constant 0 : i32
          %dma_wait3A_149 = arith.constant 0 : i32
          %dma_wait3A_150 = tpu.memref_slice %arg3[%add3A_128, %dma_wait3A_148, %dma_wait3A_149] : memref<2560x2x128xi32, #tpu.memory_space<hbm>> -> memref<1x2x128xi32, #tpu.memory_space<hbm>>
          %dma_wait3A_151 = tpu.memref_squeeze %dma_wait3A_150 : memref<1x2x128xi32, #tpu.memory_space<hbm>> -> memref<2x128xi32, #tpu.memory_space<hbm>>
          tpu.wait_dma2 semaphore(%run_scoped3A : memref<!tpu.dma_semaphore, #tpu.memory_space<semaphore_mem>>) src(%dma_wait3A_151 : memref<2x128xi32, #tpu.memory_space<hbm>>) dst(%arg7 : memref<2x128xi32, #tpu.memory_space<vmem>>)
          tpu.yield
        }) : () -> ()
        %dma_start3A_129 = arith.constant 0 : i32
        %dma_start3A_130 = arith.constant 0 : i32
        %dma_start3A_131 = tpu.memref_slice %arg7[%dma_start3A_129, %dma_start3A_130] : memref<2x128xi32, #tpu.memory_space<vmem>> -> memref<1x128xi32, #tpu.memory_space<vmem>>
        %dma_start3A_132 = tpu.memref_squeeze %dma_start3A_131 : memref<1x128xi32, #tpu.memory_space<vmem>> -> memref<128xi32, #tpu.memory_space<vmem>>
        %dma_start3A_133 = arith.constant 0 : i32
        %dma_start3A_134 = arith.constant 0 : i32
        %dma_start3A_135 = tpu.memref_slice %arg2[%dma_start3A_133, %dma_start3A_134] : memref<10000x128xf32, #tpu.memory_space<hbm>> -> memref<10000x128xf32, #tpu.memory_space<hbm>>
        tpu.enqueue_indirect_dma source(%dma_start3A_135 : memref<10000x128xf32, #tpu.memory_space<hbm>>) target(%arg9 : memref<128x128xf32, #tpu.memory_space<vmem>>) offsets(%dma_start3A_132 : memref<128xi32, #tpu.memory_space<vmem>>) semaphore(%arg12 : memref<!tpu.dma_semaphore, #tpu.memory_space<semaphore_mem>>)
      } else {
      }
      %dma_wait3A_107 = arith.constant 0 : i32
      %dma_wait3A_108 = arith.constant 0 : i32
      %dma_wait3A_109 = tpu.memref_slice %arg4[%dma_wait3A_107, %dma_wait3A_108] : memref<10240x128xf32, #tpu.memory_space<hbm>> -> memref<128x128xf32, #tpu.memory_space<hbm>>
      %dma_wait3A_110 = arith.constant 0 : i32
      %dma_wait3A_111 = arith.constant 0 : i32
      %dma_wait3A_112 = tpu.memref_slice %arg4[%dma_wait3A_110, %dma_wait3A_111] : memref<10240x128xf32, #tpu.memory_space<hbm>> -> memref<128x128xf32, #tpu.memory_space<hbm>>
      tpu.wait_dma2 semaphore(%arg13 : memref<!tpu.dma_semaphore, #tpu.memory_space<semaphore_mem>>) src(%dma_wait3A_112 : memref<128x128xf32, #tpu.memory_space<hbm>>) dst(%arg9 : memref<128x128xf32, #tpu.memory_space<vmem>>)
      %dma_start3A_113 = arith.constant 1 : i32
      %dma_start3A_114 = arith.constant 0 : i32
      %dma_start3A_115 = tpu.memref_slice %arg8[%dma_start3A_113, %dma_start3A_114] : memref<2x128xi32, #tpu.memory_space<vmem>> -> memref<1x128xi32, #tpu.memory_space<vmem>>
      %dma_start3A_116 = tpu.memref_squeeze %dma_start3A_115 : memref<1x128xi32, #tpu.memory_space<vmem>> -> memref<128xi32, #tpu.memory_space<vmem>>
      %dma_start3A_117 = arith.constant 0 : i32
      %dma_start3A_118 = arith.constant 0 : i32
      %dma_start3A_119 = tpu.memref_slice %arg11[%dma_start3A_117, %dma_start3A_118] : memref<10240x128xf32, #tpu.memory_space<vmem_shared>> -> memref<10240x128xf32, #tpu.memory_space<vmem_shared>>
      tpu.enqueue_indirect_dma source(%arg10 : memref<128x128xf32, #tpu.memory_space<vmem>>) target(%dma_start3A_119 : memref<10240x128xf32, #tpu.memory_space<vmem_shared>>) offsets(%dma_start3A_116 : memref<128xi32, #tpu.memory_space<vmem>>) semaphore(%arg15 : memref<!tpu.dma_semaphore, #tpu.memory_space<semaphore_mem>>) {add = true}
    }
    %dma_wait3A = arith.constant 0 : i32
    %dma_wait3A_46 = arith.constant 0 : i32
    %dma_wait3A_47 = tpu.memref_slice %arg4[%dma_wait3A, %dma_wait3A_46] : memref<10240x128xf32, #tpu.memory_space<hbm>> -> memref<128x128xf32, #tpu.memory_space<hbm>>
    %dma_wait3A_48 = arith.constant 0 : i32
    %dma_wait3A_49 = arith.constant 0 : i32
    %dma_wait3A_50 = tpu.memref_slice %arg4[%dma_wait3A_48, %dma_wait3A_49] : memref<10240x128xf32, #tpu.memory_space<hbm>> -> memref<128x128xf32, #tpu.memory_space<hbm>>
    tpu.wait_dma2 semaphore(%arg14 : memref<!tpu.dma_semaphore, #tpu.memory_space<semaphore_mem>>) src(%dma_wait3A_50 : memref<128x128xf32, #tpu.memory_space<hbm>>) dst(%arg9 : memref<128x128xf32, #tpu.memory_space<vmem>>)
    %dma_wait3A_51 = arith.constant 0 : i32
    %dma_wait3A_52 = arith.constant 0 : i32
    %dma_wait3A_53 = tpu.memref_slice %arg4[%dma_wait3A_51, %dma_wait3A_52] : memref<10240x128xf32, #tpu.memory_space<hbm>> -> memref<128x128xf32, #tpu.memory_space<hbm>>
    %dma_wait3A_54 = arith.constant 0 : i32
    %dma_wait3A_55 = arith.constant 0 : i32
    %dma_wait3A_56 = tpu.memref_slice %arg4[%dma_wait3A_54, %dma_wait3A_55] : memref<10240x128xf32, #tpu.memory_space<hbm>> -> memref<128x128xf32, #tpu.memory_space<hbm>>
    tpu.wait_dma2 semaphore(%arg15 : memref<!tpu.dma_semaphore, #tpu.memory_space<semaphore_mem>>) src(%dma_wait3A_56 : memref<128x128xf32, #tpu.memory_space<hbm>>) dst(%arg9 : memref<128x128xf32, #tpu.memory_space<vmem>>)
    %barrier3A_57 = arith.constant 0 : index
    tpu.barrier barrier_id(%barrier3A_57)
    %eq3A_58 = arith.constant 0 : i32
    %eq3A_59 = arith.cmpi eq, %arg0, %eq3A_58 : i32
    %convert_element_type3A = arith.extui %eq3A_59 : i1 to i32
    %cond3A = arith.constant 0 : i32
    %cond3A_60 = arith.cmpi ne, %convert_element_type3A, %cond3A : i32
    scf.if %cond3A_60 {
      %mul3A_66 = arith.constant 640 : i32
      %mul3A_67 = arith.muli %arg1, %mul3A_66 : i32
      %mul3A_68 = arith.constant 640 : i32
      %mul3A_69 = arith.muli %arg1, %mul3A_68 : i32
      "tpu.region"() ({
        %run_scoped3A = tpu.sem_alloc : memref<!tpu.dma_semaphore, #tpu.memory_space<semaphore_mem>>
        %dma_start3A_70 = arith.constant 0 : i32
        %dma_start3A_71 = tpu.memref_slice %arg5[%mul3A_69, %dma_start3A_70] : memref<10240x128xf32, #tpu.memory_space<hbm>> -> memref<640x128xf32, #tpu.memory_space<hbm>>
        %dma_start3A_72 = arith.constant 0 : i32
        %dma_start3A_73 = tpu.memref_slice %arg11[%mul3A_67, %dma_start3A_72] : memref<10240x128xf32, #tpu.memory_space<vmem_shared>> -> memref<640x128xf32, #tpu.memory_space<vmem_shared>>
        tpu.enqueue_dma source(%dma_start3A_73 : memref<640x128xf32, #tpu.memory_space<vmem_shared>>) target(%dma_start3A_71 : memref<640x128xf32, #tpu.memory_space<hbm>>) target_semaphore(%run_scoped3A : memref<!tpu.dma_semaphore, #tpu.memory_space<semaphore_mem>>)
        %dma_wait3A_74 = arith.constant 0 : i32
        %dma_wait3A_75 = tpu.memref_slice %arg5[%mul3A_69, %dma_wait3A_74] : memref<10240x128xf32, #tpu.memory_space<hbm>> -> memref<640x128xf32, #tpu.memory_space<hbm>>
        %dma_wait3A_76 = arith.constant 0 : i32
        %dma_wait3A_77 = tpu.memref_slice %arg11[%mul3A_67, %dma_wait3A_76] : memref<10240x128xf32, #tpu.memory_space<vmem_shared>> -> memref<640x128xf32, #tpu.memory_space<vmem_shared>>
        tpu.wait_dma2 semaphore(%run_scoped3A : memref<!tpu.dma_semaphore, #tpu.memory_space<semaphore_mem>>) src(%dma_wait3A_77 : memref<640x128xf32, #tpu.memory_space<vmem_shared>>) dst(%dma_wait3A_75 : memref<640x128xf32, #tpu.memory_space<hbm>>)
        tpu.yield
      }) : () -> ()
    } else {
    }
    %eq3A_61 = arith.constant 1 : i32
    %eq3A_62 = arith.cmpi eq, %arg0, %eq3A_61 : i32
    %convert_element_type3A_63 = arith.extui %eq3A_62 : i1 to i32
    %cond3A_64 = arith.constant 0 : i32
    %cond3A_65 = arith.cmpi ne, %convert_element_type3A_63, %cond3A_64 : i32
    scf.if %cond3A_65 {
      %mul3A_66 = arith.constant 640 : i32
      %mul3A_67 = arith.muli %arg1, %mul3A_66 : i32
      %mul3A_68 = arith.constant 640 : i32
      %mul3A_69 = arith.muli %arg1, %mul3A_68 : i32
      "tpu.region"() ({
        %run_scoped3A = tpu.sem_alloc : memref<!tpu.dma_semaphore, #tpu.memory_space<semaphore_mem>>
        %dma_start3A_70 = arith.constant 0 : i32
        %dma_start3A_71 = tpu.memref_slice %arg6[%mul3A_69, %dma_start3A_70] : memref<10240x128xf32, #tpu.memory_space<hbm>> -> memref<640x128xf32, #tpu.memory_space<hbm>>
        %dma_start3A_72 = arith.constant 0 : i32
        %dma_start3A_73 = tpu.memref_slice %arg11[%mul3A_67, %dma_start3A_72] : memref<10240x128xf32, #tpu.memory_space<vmem_shared>> -> memref<640x128xf32, #tpu.memory_space<vmem_shared>>
        tpu.enqueue_dma source(%dma_start3A_73 : memref<640x128xf32, #tpu.memory_space<vmem_shared>>) target(%dma_start3A_71 : memref<640x128xf32, #tpu.memory_space<hbm>>) target_semaphore(%run_scoped3A : memref<!tpu.dma_semaphore, #tpu.memory_space<semaphore_mem>>)
        %dma_wait3A_74 = arith.constant 0 : i32
        %dma_wait3A_75 = tpu.memref_slice %arg6[%mul3A_69, %dma_wait3A_74] : memref<10240x128xf32, #tpu.memory_space<hbm>> -> memref<640x128xf32, #tpu.memory_space<hbm>>
        %dma_wait3A_76 = arith.constant 0 : i32
        %dma_wait3A_77 = tpu.memref_slice %arg11[%mul3A_67, %dma_wait3A_76] : memref<10240x128xf32, #tpu.memory_space<vmem_shared>> -> memref<640x128xf32, #tpu.memory_space<vmem_shared>>
        tpu.wait_dma2 semaphore(%run_scoped3A : memref<!tpu.dma_semaphore, #tpu.memory_space<semaphore_mem>>) src(%dma_wait3A_77 : memref<640x128xf32, #tpu.memory_space<vmem_shared>>) dst(%dma_wait3A_75 : memref<640x128xf32, #tpu.memory_space<hbm>>)
        tpu.yield
      }) : () -> ()
    } else {
    }
    return
  }
}

#map = affine_map<(d0, d1) -> (0, 0)>
#map1 = affine_map<(d0, d1) -> (0, 0, 0)>
module attributes {stable_mosaic.version = 14 : i64} {
  func.func @_edge_accum_body(%arg0: i32, %arg1: i32, %arg2: memref<10000x128xf32, #tpu.memory_space<hbm>>, %arg3: memref<2560x2x128xi32, #tpu.memory_space<hbm>>, %arg4: memref<10240x128xf32, #tpu.memory_space<hbm>>, %arg5: memref<10240x128xf32, #tpu.memory_space<hbm>>, %arg6: memref<10240x128xf32, #tpu.memory_space<hbm>>, %arg7: memref<2x128xi32, #tpu.memory_space<vmem>>, %arg8: memref<2x128xi32, #tpu.memory_space<vmem>>, %arg9: memref<128x128xf32, #tpu.memory_space<vmem>>, %arg10: memref<128x128xf32, #tpu.memory_space<vmem>>, %arg11: memref<10240x128xf32, #tpu.memory_space<vmem_shared>>, %arg12: memref<!tpu.dma_semaphore, #tpu.memory_space<semaphore_mem>>, %arg13: memref<!tpu.dma_semaphore, #tpu.memory_space<semaphore_mem>>, %arg14: memref<!tpu.dma_semaphore, #tpu.memory_space<semaphore_mem>>, %arg15: memref<!tpu.dma_semaphore, #tpu.memory_space<semaphore_mem>>) attributes {dimension_semantics = [#tpu.dimension_semantics<core_parallel>, #tpu.dimension_semantics<subcore_parallel>], iteration_bounds = array<i64: 2, 16>, scalar_prefetch = 0 : i64, scratch_operands = 9 : i64, tpu.core_type = #tpu.core_type<sc_vector_subcore>, window_params = [{transform_indices = #map}, {transform_indices = #map1}, {transform_indices = #map}, {transform_indices = #map}, {transform_indices = #map}]} {
    %eq3A = arith.constant 0 : i32
    %eq3A_0 = arith.cmpi eq, %arg0, %eq3A : i32
    %mul3A = arith.constant 156 : i32
    %mul3A_1 = arith.muli %arg1, %mul3A : i32
    %mul3A_2 = arith.constant 4 : i32
    %mul3A_3 = arith.muli %arg1, %mul3A_2 : i32
    %add3A = arith.constant 2496 : i32
    %add3A_4 = arith.addi %add3A, %mul3A_3 : i32
    %select_n3A = arith.select %eq3A_0, %mul3A_1, %add3A_4 : i32
    %eq3A_5 = arith.constant 0 : i32
    %eq3A_6 = arith.cmpi eq, %arg0, %eq3A_5 : i32
    %jit3A = arith.constant 156 : i32
    %jit3A_7 = arith.constant 4 : i32
    %select_n3A_8 = arith.select %eq3A_6, %jit3A, %jit3A_7 : i32
    %mul3A_9 = arith.constant 640 : i32
    %mul3A_10 = arith.muli %arg1, %mul3A_9 : i32
    %mul3A_11 = arith.constant 640 : i32
    %mul3A_12 = arith.muli %arg1, %mul3A_11 : i32
    "tpu.region"() ({
      %run_scoped3A = tpu.sem_alloc : memref<!tpu.dma_semaphore, #tpu.memory_space<semaphore_mem>>
      %dma_start3A_66 = arith.constant 0 : i32
      %dma_start3A_67 = tpu.memref_slice %arg11[%mul3A_12, %dma_start3A_66] : memref<10240x128xf32, #tpu.memory_space<vmem_shared>> -> memref<640x128xf32, #tpu.memory_space<vmem_shared>>
      %dma_start3A_68 = arith.constant 0 : i32
      %dma_start3A_69 = tpu.memref_slice %arg4[%mul3A_10, %dma_start3A_68] : memref<10240x128xf32, #tpu.memory_space<hbm>> -> memref<640x128xf32, #tpu.memory_space<hbm>>
      tpu.enqueue_dma source(%dma_start3A_69 : memref<640x128xf32, #tpu.memory_space<hbm>>) target(%dma_start3A_67 : memref<640x128xf32, #tpu.memory_space<vmem_shared>>) target_semaphore(%run_scoped3A : memref<!tpu.dma_semaphore, #tpu.memory_space<semaphore_mem>>)
      %dma_wait3A_70 = arith.constant 0 : i32
      %dma_wait3A_71 = tpu.memref_slice %arg11[%mul3A_12, %dma_wait3A_70] : memref<10240x128xf32, #tpu.memory_space<vmem_shared>> -> memref<640x128xf32, #tpu.memory_space<vmem_shared>>
      %dma_wait3A_72 = arith.constant 0 : i32
      %dma_wait3A_73 = tpu.memref_slice %arg4[%mul3A_10, %dma_wait3A_72] : memref<10240x128xf32, #tpu.memory_space<hbm>> -> memref<640x128xf32, #tpu.memory_space<hbm>>
      tpu.wait_dma2 semaphore(%run_scoped3A : memref<!tpu.dma_semaphore, #tpu.memory_space<semaphore_mem>>) src(%dma_wait3A_73 : memref<640x128xf32, #tpu.memory_space<hbm>>) dst(%dma_wait3A_71 : memref<640x128xf32, #tpu.memory_space<vmem_shared>>)
      tpu.yield
    }) : () -> ()
    %barrier3A = arith.constant 0 : index
    tpu.barrier barrier_id(%barrier3A)
    "tpu.region"() ({
      %run_scoped3A = tpu.sem_alloc : memref<!tpu.dma_semaphore, #tpu.memory_space<semaphore_mem>>
      %dma_start3A_66 = arith.constant 0 : i32
      %dma_start3A_67 = arith.constant 0 : i32
      %dma_start3A_68 = tpu.memref_slice %arg3[%select_n3A, %dma_start3A_66, %dma_start3A_67] : memref<2560x2x128xi32, #tpu.memory_space<hbm>> -> memref<1x2x128xi32, #tpu.memory_space<hbm>>
      %dma_start3A_69 = tpu.memref_squeeze %dma_start3A_68 : memref<1x2x128xi32, #tpu.memory_space<hbm>> -> memref<2x128xi32, #tpu.memory_space<hbm>>
      %dma_start3A_70 = arith.constant 0 : i32
      %dma_start3A_71 = arith.constant 0 : i32
      %dma_start3A_72 = tpu.memref_slice %arg3[%select_n3A, %dma_start3A_70, %dma_start3A_71] : memref<2560x2x128xi32, #tpu.memory_space<hbm>> -> memref<1x2x128xi32, #tpu.memory_space<hbm>>
      %dma_start3A_73 = tpu.memref_squeeze %dma_start3A_72 : memref<1x2x128xi32, #tpu.memory_space<hbm>> -> memref<2x128xi32, #tpu.memory_space<hbm>>
      tpu.enqueue_dma source(%dma_start3A_73 : memref<2x128xi32, #tpu.memory_space<hbm>>) target(%arg7 : memref<2x128xi32, #tpu.memory_space<vmem>>) target_semaphore(%run_scoped3A : memref<!tpu.dma_semaphore, #tpu.memory_space<semaphore_mem>>)
      %dma_wait3A_74 = arith.constant 0 : i32
      %dma_wait3A_75 = arith.constant 0 : i32
      %dma_wait3A_76 = tpu.memref_slice %arg3[%select_n3A, %dma_wait3A_74, %dma_wait3A_75] : memref<2560x2x128xi32, #tpu.memory_space<hbm>> -> memref<1x2x128xi32, #tpu.memory_space<hbm>>
      %dma_wait3A_77 = tpu.memref_squeeze %dma_wait3A_76 : memref<1x2x128xi32, #tpu.memory_space<hbm>> -> memref<2x128xi32, #tpu.memory_space<hbm>>
      %dma_wait3A_78 = arith.constant 0 : i32
      %dma_wait3A_79 = arith.constant 0 : i32
      %dma_wait3A_80 = tpu.memref_slice %arg3[%select_n3A, %dma_wait3A_78, %dma_wait3A_79] : memref<2560x2x128xi32, #tpu.memory_space<hbm>> -> memref<1x2x128xi32, #tpu.memory_space<hbm>>
      %dma_wait3A_81 = tpu.memref_squeeze %dma_wait3A_80 : memref<1x2x128xi32, #tpu.memory_space<hbm>> -> memref<2x128xi32, #tpu.memory_space<hbm>>
      tpu.wait_dma2 semaphore(%run_scoped3A : memref<!tpu.dma_semaphore, #tpu.memory_space<semaphore_mem>>) src(%dma_wait3A_81 : memref<2x128xi32, #tpu.memory_space<hbm>>) dst(%arg7 : memref<2x128xi32, #tpu.memory_space<vmem>>)
      tpu.yield
    }) : () -> ()
    %dma_start3A = arith.constant 0 : i32
    %dma_start3A_13 = arith.constant 0 : i32
    %dma_start3A_14 = tpu.memref_slice %arg7[%dma_start3A, %dma_start3A_13] : memref<2x128xi32, #tpu.memory_space<vmem>> -> memref<1x128xi32, #tpu.memory_space<vmem>>
    %dma_start3A_15 = tpu.memref_squeeze %dma_start3A_14 : memref<1x128xi32, #tpu.memory_space<vmem>> -> memref<128xi32, #tpu.memory_space<vmem>>
    %dma_start3A_16 = arith.constant 0 : i32
    %dma_start3A_17 = arith.constant 0 : i32
    %dma_start3A_18 = tpu.memref_slice %arg2[%dma_start3A_16, %dma_start3A_17] : memref<10000x128xf32, #tpu.memory_space<hbm>> -> memref<10000x128xf32, #tpu.memory_space<hbm>>
    tpu.enqueue_indirect_dma source(%dma_start3A_18 : memref<10000x128xf32, #tpu.memory_space<hbm>>) target(%arg9 : memref<128x128xf32, #tpu.memory_space<vmem>>) offsets(%dma_start3A_15 : memref<128xi32, #tpu.memory_space<vmem>>) semaphore(%arg12 : memref<!tpu.dma_semaphore, #tpu.memory_space<semaphore_mem>>)
    %jit3A_19 = arith.constant 2 : i32
    %div3A = arith.divsi %select_n3A_8, %jit3A_19 : i32
    %sign3A = arith.constant 0 : i32
    %sign3A_20 = arith.cmpi sgt, %select_n3A_8, %sign3A : i32
    %sign3A_21 = arith.extui %sign3A_20 : i1 to i32
    %sign3A_22 = arith.constant 0 : i32
    %sign3A_23 = arith.cmpi slt, %select_n3A_8, %sign3A_22 : i32
    %sign3A_24 = arith.extui %sign3A_23 : i1 to i32
    %sign3A_25 = arith.subi %sign3A_21, %sign3A_24 : i32
    %sign3A_26 = arith.constant 0 : i32
    %sign3A_27 = arith.cmpi sgt, %jit3A_19, %sign3A_26 : i32
    %sign3A_28 = arith.extui %sign3A_27 : i1 to i32
    %sign3A_29 = arith.constant 0 : i32
    %sign3A_30 = arith.cmpi slt, %jit3A_19, %sign3A_29 : i32
    %sign3A_31 = arith.extui %sign3A_30 : i1 to i32
    %sign3A_32 = arith.subi %sign3A_28, %sign3A_31 : i32
    %ne3A = arith.cmpi ne, %sign3A_25, %sign3A_32 : i32
    %rem3A = arith.remsi %select_n3A_8, %jit3A_19 : i32
    %ne3A_33 = arith.constant 0 : i32
    %ne3A_34 = arith.cmpi ne, %rem3A, %ne3A_33 : i32
    %and3A = arith.andi %ne3A, %ne3A_34 : i1
    %sub3A = arith.constant 1 : i32
    %sub3A_35 = arith.subi %div3A, %sub3A : i32
    %select_n3A_36 = arith.select %and3A, %sub3A_35, %div3A : i32
    %while3A = arith.constant 0 : i32
    %while3A_37 = arith.constant 0 : i32
    %while3A_38 = arith.subi %select_n3A_36, %while3A_37 : i32
    %while3A_39 = arith.addi %while3A_37, %while3A_38 : i32
    %while3A_40 = arith.constant 1 : i32
    %while3A_41 = arith.divsi %while3A_38, %while3A_40 : i32
    %while3A_42 = arith.muli %while3A_41, %while3A_40 : i32
    %while3A_43 = arith.addi %while3A_37, %while3A_42 : i32
    %while3A_44 = arith.constant 1 : i32
    scf.for %while3A_66 = %while3A_37 to %while3A_43 step %while3A_44  : i32 {
      %mul3A_67 = arith.constant 2 : i32
      %mul3A_68 = arith.muli %mul3A_67, %while3A_66 : i32
      %add3A_69 = arith.constant 0 : i32
      %add3A_70 = arith.addi %mul3A_68, %add3A_69 : i32
      %gt3A = arith.constant 0 : i32
      %gt3A_71 = arith.cmpi sgt, %while3A_66, %gt3A : i32
      %convert_element_type3A_72 = arith.extui %gt3A_71 : i1 to i32
      %cond3A_73 = arith.constant 0 : i32
      %cond3A_74 = arith.cmpi ne, %convert_element_type3A_72, %cond3A_73 : i32
      scf.if %cond3A_74 {
        %dma_wait3A_120 = arith.constant 0 : i32
        %dma_wait3A_121 = arith.constant 0 : i32
        %dma_wait3A_122 = tpu.memref_slice %arg4[%dma_wait3A_120, %dma_wait3A_121] : memref<10240x128xf32, #tpu.memory_space<hbm>> -> memref<128x128xf32, #tpu.memory_space<hbm>>
        %dma_wait3A_123 = arith.constant 0 : i32
        %dma_wait3A_124 = arith.constant 0 : i32
        %dma_wait3A_125 = tpu.memref_slice %arg4[%dma_wait3A_123, %dma_wait3A_124] : memref<10240x128xf32, #tpu.memory_space<hbm>> -> memref<128x128xf32, #tpu.memory_space<hbm>>
        tpu.wait_dma2 semaphore(%arg15 : memref<!tpu.dma_semaphore, #tpu.memory_space<semaphore_mem>>) src(%dma_wait3A_125 : memref<128x128xf32, #tpu.memory_space<hbm>>) dst(%arg9 : memref<128x128xf32, #tpu.memory_space<vmem>>)
      } else {
      }
      %add3A_75 = arith.addi %select_n3A, %add3A_70 : i32
      %add3A_76 = arith.constant 1 : i32
      %add3A_77 = arith.addi %add3A_75, %add3A_76 : i32
      "tpu.region"() ({
        %run_scoped3A = tpu.sem_alloc : memref<!tpu.dma_semaphore, #tpu.memory_space<semaphore_mem>>
        %dma_start3A_120 = arith.constant 0 : i32
        %dma_start3A_121 = arith.constant 0 : i32
        %dma_start3A_122 = tpu.memref_slice %arg3[%add3A_77, %dma_start3A_120, %dma_start3A_121] : memref<2560x2x128xi32, #tpu.memory_space<hbm>> -> memref<1x2x128xi32, #tpu.memory_space<hbm>>
        %dma_start3A_123 = tpu.memref_squeeze %dma_start3A_122 : memref<1x2x128xi32, #tpu.memory_space<hbm>> -> memref<2x128xi32, #tpu.memory_space<hbm>>
        %dma_start3A_124 = arith.constant 0 : i32
        %dma_start3A_125 = arith.constant 0 : i32
        %dma_start3A_126 = tpu.memref_slice %arg3[%add3A_77, %dma_start3A_124, %dma_start3A_125] : memref<2560x2x128xi32, #tpu.memory_space<hbm>> -> memref<1x2x128xi32, #tpu.memory_space<hbm>>
        %dma_start3A_127 = tpu.memref_squeeze %dma_start3A_126 : memref<1x2x128xi32, #tpu.memory_space<hbm>> -> memref<2x128xi32, #tpu.memory_space<hbm>>
        tpu.enqueue_dma source(%dma_start3A_127 : memref<2x128xi32, #tpu.memory_space<hbm>>) target(%arg8 : memref<2x128xi32, #tpu.memory_space<vmem>>) target_semaphore(%run_scoped3A : memref<!tpu.dma_semaphore, #tpu.memory_space<semaphore_mem>>)
        %dma_wait3A_128 = arith.constant 0 : i32
        %dma_wait3A_129 = arith.constant 0 : i32
        %dma_wait3A_130 = tpu.memref_slice %arg3[%add3A_77, %dma_wait3A_128, %dma_wait3A_129] : memref<2560x2x128xi32, #tpu.memory_space<hbm>> -> memref<1x2x128xi32, #tpu.memory_space<hbm>>
        %dma_wait3A_131 = tpu.memref_squeeze %dma_wait3A_130 : memref<1x2x128xi32, #tpu.memory_space<hbm>> -> memref<2x128xi32, #tpu.memory_space<hbm>>
        %dma_wait3A_132 = arith.constant 0 : i32
        %dma_wait3A_133 = arith.constant 0 : i32
        %dma_wait3A_134 = tpu.memref_slice %arg3[%add3A_77, %dma_wait3A_132, %dma_wait3A_133] : memref<2560x2x128xi32, #tpu.memory_space<hbm>> -> memref<1x2x128xi32, #tpu.memory_space<hbm>>
        %dma_wait3A_135 = tpu.memref_squeeze %dma_wait3A_134 : memref<1x2x128xi32, #tpu.memory_space<hbm>> -> memref<2x128xi32, #tpu.memory_space<hbm>>
        tpu.wait_dma2 semaphore(%run_scoped3A : memref<!tpu.dma_semaphore, #tpu.memory_space<semaphore_mem>>) src(%dma_wait3A_135 : memref<2x128xi32, #tpu.memory_space<hbm>>) dst(%arg8 : memref<2x128xi32, #tpu.memory_space<vmem>>)
        tpu.yield
      }) : () -> ()
      %dma_start3A_78 = arith.constant 0 : i32
      %dma_start3A_79 = arith.constant 0 : i32
      %dma_start3A_80 = tpu.memref_slice %arg8[%dma_start3A_78, %dma_start3A_79] : memref<2x128xi32, #tpu.memory_space<vmem>> -> memref<1x128xi32, #tpu.memory_space<vmem>>
      %dma_start3A_81 = tpu.memref_squeeze %dma_start3A_80 : memref<1x128xi32, #tpu.memory_space<vmem>> -> memref<128xi32, #tpu.memory_space<vmem>>
      %dma_start3A_82 = arith.constant 0 : i32
      %dma_start3A_83 = arith.constant 0 : i32
      %dma_start3A_84 = tpu.memref_slice %arg2[%dma_start3A_82, %dma_start3A_83] : memref<10000x128xf32, #tpu.memory_space<hbm>> -> memref<10000x128xf32, #tpu.memory_space<hbm>>
      tpu.enqueue_indirect_dma source(%dma_start3A_84 : memref<10000x128xf32, #tpu.memory_space<hbm>>) target(%arg10 : memref<128x128xf32, #tpu.memory_space<vmem>>) offsets(%dma_start3A_81 : memref<128xi32, #tpu.memory_space<vmem>>) semaphore(%arg13 : memref<!tpu.dma_semaphore, #tpu.memory_space<semaphore_mem>>)
      %dma_wait3A_85 = arith.constant 0 : i32
      %dma_wait3A_86 = arith.constant 0 : i32
      %dma_wait3A_87 = tpu.memref_slice %arg4[%dma_wait3A_85, %dma_wait3A_86] : memref<10240x128xf32, #tpu.memory_space<hbm>> -> memref<128x128xf32, #tpu.memory_space<hbm>>
      %dma_wait3A_88 = arith.constant 0 : i32
      %dma_wait3A_89 = arith.constant 0 : i32
      %dma_wait3A_90 = tpu.memref_slice %arg4[%dma_wait3A_88, %dma_wait3A_89] : memref<10240x128xf32, #tpu.memory_space<hbm>> -> memref<128x128xf32, #tpu.memory_space<hbm>>
      tpu.wait_dma2 semaphore(%arg12 : memref<!tpu.dma_semaphore, #tpu.memory_space<semaphore_mem>>) src(%dma_wait3A_90 : memref<128x128xf32, #tpu.memory_space<hbm>>) dst(%arg9 : memref<128x128xf32, #tpu.memory_space<vmem>>)
      %dma_start3A_91 = arith.constant 1 : i32
      %dma_start3A_92 = arith.constant 0 : i32
      %dma_start3A_93 = tpu.memref_slice %arg7[%dma_start3A_91, %dma_start3A_92] : memref<2x128xi32, #tpu.memory_space<vmem>> -> memref<1x128xi32, #tpu.memory_space<vmem>>
      %dma_start3A_94 = tpu.memref_squeeze %dma_start3A_93 : memref<1x128xi32, #tpu.memory_space<vmem>> -> memref<128xi32, #tpu.memory_space<vmem>>
      %dma_start3A_95 = arith.constant 0 : i32
      %dma_start3A_96 = arith.constant 0 : i32
      %dma_start3A_97 = tpu.memref_slice %arg11[%dma_start3A_95, %dma_start3A_96] : memref<10240x128xf32, #tpu.memory_space<vmem_shared>> -> memref<10240x128xf32, #tpu.memory_space<vmem_shared>>
      tpu.enqueue_indirect_dma source(%arg9 : memref<128x128xf32, #tpu.memory_space<vmem>>) target(%dma_start3A_97 : memref<10240x128xf32, #tpu.memory_space<vmem_shared>>) offsets(%dma_start3A_94 : memref<128xi32, #tpu.memory_space<vmem>>) semaphore(%arg14 : memref<!tpu.dma_semaphore, #tpu.memory_space<semaphore_mem>>) {add = true}
      %mul3A_98 = arith.constant 2 : i32
      %mul3A_99 = arith.muli %mul3A_98, %while3A_66 : i32
      %add3A_100 = arith.constant 1 : i32
      %add3A_101 = arith.addi %mul3A_99, %add3A_100 : i32
      %add3A_102 = arith.constant 1 : i32
      %add3A_103 = arith.addi %add3A_101, %add3A_102 : i32
      %lt3A = arith.cmpi slt, %add3A_103, %select_n3A_8 : i32
      %convert_element_type3A_104 = arith.extui %lt3A : i1 to i32
      %cond3A_105 = arith.constant 0 : i32
      %cond3A_106 = arith.cmpi ne, %convert_element_type3A_104, %cond3A_105 : i32
      scf.if %cond3A_106 {
        %dma_wait3A_120 = arith.constant 0 : i32
        %dma_wait3A_121 = arith.constant 0 : i32
        %dma_wait3A_122 = tpu.memref_slice %arg4[%dma_wait3A_120, %dma_wait3A_121] : memref<10240x128xf32, #tpu.memory_space<hbm>> -> memref<128x128xf32, #tpu.memory_space<hbm>>
        %dma_wait3A_123 = arith.constant 0 : i32
        %dma_wait3A_124 = arith.constant 0 : i32
        %dma_wait3A_125 = tpu.memref_slice %arg4[%dma_wait3A_123, %dma_wait3A_124] : memref<10240x128xf32, #tpu.memory_space<hbm>> -> memref<128x128xf32, #tpu.memory_space<hbm>>
        tpu.wait_dma2 semaphore(%arg14 : memref<!tpu.dma_semaphore, #tpu.memory_space<semaphore_mem>>) src(%dma_wait3A_125 : memref<128x128xf32, #tpu.memory_space<hbm>>) dst(%arg9 : memref<128x128xf32, #tpu.memory_space<vmem>>)
        %add3A_126 = arith.addi %select_n3A, %add3A_101 : i32
        %add3A_127 = arith.constant 1 : i32
        %add3A_128 = arith.addi %add3A_126, %add3A_127 : i32
        "tpu.region"() ({
          %run_scoped3A = tpu.sem_alloc : memref<!tpu.dma_semaphore, #tpu.memory_space<semaphore_mem>>
          %dma_start3A_136 = arith.constant 0 : i32
          %dma_start3A_137 = arith.constant 0 : i32
          %dma_start3A_138 = tpu.memref_slice %arg3[%add3A_128, %dma_start3A_136, %dma_start3A_137] : memref<2560x2x128xi32, #tpu.memory_space<hbm>> -> memref<1x2x128xi32, #tpu.memory_space<hbm>>
          %dma_start3A_139 = tpu.memref_squeeze %dma_start3A_138 : memref<1x2x128xi32, #tpu.memory_space<hbm>> -> memref<2x128xi32, #tpu.memory_space<hbm>>
          %dma_start3A_140 = arith.constant 0 : i32
          %dma_start3A_141 = arith.constant 0 : i32
          %dma_start3A_142 = tpu.memref_slice %arg3[%add3A_128, %dma_start3A_140, %dma_start3A_141] : memref<2560x2x128xi32, #tpu.memory_space<hbm>> -> memref<1x2x128xi32, #tpu.memory_space<hbm>>
          %dma_start3A_143 = tpu.memref_squeeze %dma_start3A_142 : memref<1x2x128xi32, #tpu.memory_space<hbm>> -> memref<2x128xi32, #tpu.memory_space<hbm>>
          tpu.enqueue_dma source(%dma_start3A_143 : memref<2x128xi32, #tpu.memory_space<hbm>>) target(%arg7 : memref<2x128xi32, #tpu.memory_space<vmem>>) target_semaphore(%run_scoped3A : memref<!tpu.dma_semaphore, #tpu.memory_space<semaphore_mem>>)
          %dma_wait3A_144 = arith.constant 0 : i32
          %dma_wait3A_145 = arith.constant 0 : i32
          %dma_wait3A_146 = tpu.memref_slice %arg3[%add3A_128, %dma_wait3A_144, %dma_wait3A_145] : memref<2560x2x128xi32, #tpu.memory_space<hbm>> -> memref<1x2x128xi32, #tpu.memory_space<hbm>>
          %dma_wait3A_147 = tpu.memref_squeeze %dma_wait3A_146 : memref<1x2x128xi32, #tpu.memory_space<hbm>> -> memref<2x128xi32, #tpu.memory_space<hbm>>
          %dma_wait3A_148 = arith.constant 0 : i32
          %dma_wait3A_149 = arith.constant 0 : i32
          %dma_wait3A_150 = tpu.memref_slice %arg3[%add3A_128, %dma_wait3A_148, %dma_wait3A_149] : memref<2560x2x128xi32, #tpu.memory_space<hbm>> -> memref<1x2x128xi32, #tpu.memory_space<hbm>>
          %dma_wait3A_151 = tpu.memref_squeeze %dma_wait3A_150 : memref<1x2x128xi32, #tpu.memory_space<hbm>> -> memref<2x128xi32, #tpu.memory_space<hbm>>
          tpu.wait_dma2 semaphore(%run_scoped3A : memref<!tpu.dma_semaphore, #tpu.memory_space<semaphore_mem>>) src(%dma_wait3A_151 : memref<2x128xi32, #tpu.memory_space<hbm>>) dst(%arg7 : memref<2x128xi32, #tpu.memory_space<vmem>>)
          tpu.yield
        }) : () -> ()
        %dma_start3A_129 = arith.constant 0 : i32
        %dma_start3A_130 = arith.constant 0 : i32
        %dma_start3A_131 = tpu.memref_slice %arg7[%dma_start3A_129, %dma_start3A_130] : memref<2x128xi32, #tpu.memory_space<vmem>> -> memref<1x128xi32, #tpu.memory_space<vmem>>
        %dma_start3A_132 = tpu.memref_squeeze %dma_start3A_131 : memref<1x128xi32, #tpu.memory_space<vmem>> -> memref<128xi32, #tpu.memory_space<vmem>>
        %dma_start3A_133 = arith.constant 0 : i32
        %dma_start3A_134 = arith.constant 0 : i32
        %dma_start3A_135 = tpu.memref_slice %arg2[%dma_start3A_133, %dma_start3A_134] : memref<10000x128xf32, #tpu.memory_space<hbm>> -> memref<10000x128xf32, #tpu.memory_space<hbm>>
        tpu.enqueue_indirect_dma source(%dma_start3A_135 : memref<10000x128xf32, #tpu.memory_space<hbm>>) target(%arg9 : memref<128x128xf32, #tpu.memory_space<vmem>>) offsets(%dma_start3A_132 : memref<128xi32, #tpu.memory_space<vmem>>) semaphore(%arg12 : memref<!tpu.dma_semaphore, #tpu.memory_space<semaphore_mem>>)
      } else {
      }
      %dma_wait3A_107 = arith.constant 0 : i32
      %dma_wait3A_108 = arith.constant 0 : i32
      %dma_wait3A_109 = tpu.memref_slice %arg4[%dma_wait3A_107, %dma_wait3A_108] : memref<10240x128xf32, #tpu.memory_space<hbm>> -> memref<128x128xf32, #tpu.memory_space<hbm>>
      %dma_wait3A_110 = arith.constant 0 : i32
      %dma_wait3A_111 = arith.constant 0 : i32
      %dma_wait3A_112 = tpu.memref_slice %arg4[%dma_wait3A_110, %dma_wait3A_111] : memref<10240x128xf32, #tpu.memory_space<hbm>> -> memref<128x128xf32, #tpu.memory_space<hbm>>
      tpu.wait_dma2 semaphore(%arg13 : memref<!tpu.dma_semaphore, #tpu.memory_space<semaphore_mem>>) src(%dma_wait3A_112 : memref<128x128xf32, #tpu.memory_space<hbm>>) dst(%arg9 : memref<128x128xf32, #tpu.memory_space<vmem>>)
      %dma_start3A_113 = arith.constant 1 : i32
      %dma_start3A_114 = arith.constant 0 : i32
      %dma_start3A_115 = tpu.memref_slice %arg8[%dma_start3A_113, %dma_start3A_114] : memref<2x128xi32, #tpu.memory_space<vmem>> -> memref<1x128xi32, #tpu.memory_space<vmem>>
      %dma_start3A_116 = tpu.memref_squeeze %dma_start3A_115 : memref<1x128xi32, #tpu.memory_space<vmem>> -> memref<128xi32, #tpu.memory_space<vmem>>
      %dma_start3A_117 = arith.constant 0 : i32
      %dma_start3A_118 = arith.constant 0 : i32
      %dma_start3A_119 = tpu.memref_slice %arg11[%dma_start3A_117, %dma_start3A_118] : memref<10240x128xf32, #tpu.memory_space<vmem_shared>> -> memref<10240x128xf32, #tpu.memory_space<vmem_shared>>
      tpu.enqueue_indirect_dma source(%arg10 : memref<128x128xf32, #tpu.memory_space<vmem>>) target(%dma_start3A_119 : memref<10240x128xf32, #tpu.memory_space<vmem_shared>>) offsets(%dma_start3A_116 : memref<128xi32, #tpu.memory_space<vmem>>) semaphore(%arg15 : memref<!tpu.dma_semaphore, #tpu.memory_space<semaphore_mem>>) {add = true}
    }
    %while3A_45 = arith.constant 1 : i32
    scf.for %while3A_66 = %while3A_43 to %while3A_39 step %while3A_45  : i32 {
      %mul3A_67 = arith.constant 2 : i32
      %mul3A_68 = arith.muli %mul3A_67, %while3A_66 : i32
      %add3A_69 = arith.constant 0 : i32
      %add3A_70 = arith.addi %mul3A_68, %add3A_69 : i32
      %gt3A = arith.constant 0 : i32
      %gt3A_71 = arith.cmpi sgt, %while3A_66, %gt3A : i32
      %convert_element_type3A_72 = arith.extui %gt3A_71 : i1 to i32
      %cond3A_73 = arith.constant 0 : i32
      %cond3A_74 = arith.cmpi ne, %convert_element_type3A_72, %cond3A_73 : i32
      scf.if %cond3A_74 {
        %dma_wait3A_120 = arith.constant 0 : i32
        %dma_wait3A_121 = arith.constant 0 : i32
        %dma_wait3A_122 = tpu.memref_slice %arg4[%dma_wait3A_120, %dma_wait3A_121] : memref<10240x128xf32, #tpu.memory_space<hbm>> -> memref<128x128xf32, #tpu.memory_space<hbm>>
        %dma_wait3A_123 = arith.constant 0 : i32
        %dma_wait3A_124 = arith.constant 0 : i32
        %dma_wait3A_125 = tpu.memref_slice %arg4[%dma_wait3A_123, %dma_wait3A_124] : memref<10240x128xf32, #tpu.memory_space<hbm>> -> memref<128x128xf32, #tpu.memory_space<hbm>>
        tpu.wait_dma2 semaphore(%arg15 : memref<!tpu.dma_semaphore, #tpu.memory_space<semaphore_mem>>) src(%dma_wait3A_125 : memref<128x128xf32, #tpu.memory_space<hbm>>) dst(%arg9 : memref<128x128xf32, #tpu.memory_space<vmem>>)
      } else {
      }
      %add3A_75 = arith.addi %select_n3A, %add3A_70 : i32
      %add3A_76 = arith.constant 1 : i32
      %add3A_77 = arith.addi %add3A_75, %add3A_76 : i32
      "tpu.region"() ({
        %run_scoped3A = tpu.sem_alloc : memref<!tpu.dma_semaphore, #tpu.memory_space<semaphore_mem>>
        %dma_start3A_120 = arith.constant 0 : i32
        %dma_start3A_121 = arith.constant 0 : i32
        %dma_start3A_122 = tpu.memref_slice %arg3[%add3A_77, %dma_start3A_120, %dma_start3A_121] : memref<2560x2x128xi32, #tpu.memory_space<hbm>> -> memref<1x2x128xi32, #tpu.memory_space<hbm>>
        %dma_start3A_123 = tpu.memref_squeeze %dma_start3A_122 : memref<1x2x128xi32, #tpu.memory_space<hbm>> -> memref<2x128xi32, #tpu.memory_space<hbm>>
        %dma_start3A_124 = arith.constant 0 : i32
        %dma_start3A_125 = arith.constant 0 : i32
        %dma_start3A_126 = tpu.memref_slice %arg3[%add3A_77, %dma_start3A_124, %dma_start3A_125] : memref<2560x2x128xi32, #tpu.memory_space<hbm>> -> memref<1x2x128xi32, #tpu.memory_space<hbm>>
        %dma_start3A_127 = tpu.memref_squeeze %dma_start3A_126 : memref<1x2x128xi32, #tpu.memory_space<hbm>> -> memref<2x128xi32, #tpu.memory_space<hbm>>
        tpu.enqueue_dma source(%dma_start3A_127 : memref<2x128xi32, #tpu.memory_space<hbm>>) target(%arg8 : memref<2x128xi32, #tpu.memory_space<vmem>>) target_semaphore(%run_scoped3A : memref<!tpu.dma_semaphore, #tpu.memory_space<semaphore_mem>>)
        %dma_wait3A_128 = arith.constant 0 : i32
        %dma_wait3A_129 = arith.constant 0 : i32
        %dma_wait3A_130 = tpu.memref_slice %arg3[%add3A_77, %dma_wait3A_128, %dma_wait3A_129] : memref<2560x2x128xi32, #tpu.memory_space<hbm>> -> memref<1x2x128xi32, #tpu.memory_space<hbm>>
        %dma_wait3A_131 = tpu.memref_squeeze %dma_wait3A_130 : memref<1x2x128xi32, #tpu.memory_space<hbm>> -> memref<2x128xi32, #tpu.memory_space<hbm>>
        %dma_wait3A_132 = arith.constant 0 : i32
        %dma_wait3A_133 = arith.constant 0 : i32
        %dma_wait3A_134 = tpu.memref_slice %arg3[%add3A_77, %dma_wait3A_132, %dma_wait3A_133] : memref<2560x2x128xi32, #tpu.memory_space<hbm>> -> memref<1x2x128xi32, #tpu.memory_space<hbm>>
        %dma_wait3A_135 = tpu.memref_squeeze %dma_wait3A_134 : memref<1x2x128xi32, #tpu.memory_space<hbm>> -> memref<2x128xi32, #tpu.memory_space<hbm>>
        tpu.wait_dma2 semaphore(%run_scoped3A : memref<!tpu.dma_semaphore, #tpu.memory_space<semaphore_mem>>) src(%dma_wait3A_135 : memref<2x128xi32, #tpu.memory_space<hbm>>) dst(%arg8 : memref<2x128xi32, #tpu.memory_space<vmem>>)
        tpu.yield
      }) : () -> ()
      %dma_start3A_78 = arith.constant 0 : i32
      %dma_start3A_79 = arith.constant 0 : i32
      %dma_start3A_80 = tpu.memref_slice %arg8[%dma_start3A_78, %dma_start3A_79] : memref<2x128xi32, #tpu.memory_space<vmem>> -> memref<1x128xi32, #tpu.memory_space<vmem>>
      %dma_start3A_81 = tpu.memref_squeeze %dma_start3A_80 : memref<1x128xi32, #tpu.memory_space<vmem>> -> memref<128xi32, #tpu.memory_space<vmem>>
      %dma_start3A_82 = arith.constant 0 : i32
      %dma_start3A_83 = arith.constant 0 : i32
      %dma_start3A_84 = tpu.memref_slice %arg2[%dma_start3A_82, %dma_start3A_83] : memref<10000x128xf32, #tpu.memory_space<hbm>> -> memref<10000x128xf32, #tpu.memory_space<hbm>>
      tpu.enqueue_indirect_dma source(%dma_start3A_84 : memref<10000x128xf32, #tpu.memory_space<hbm>>) target(%arg10 : memref<128x128xf32, #tpu.memory_space<vmem>>) offsets(%dma_start3A_81 : memref<128xi32, #tpu.memory_space<vmem>>) semaphore(%arg13 : memref<!tpu.dma_semaphore, #tpu.memory_space<semaphore_mem>>)
      %dma_wait3A_85 = arith.constant 0 : i32
      %dma_wait3A_86 = arith.constant 0 : i32
      %dma_wait3A_87 = tpu.memref_slice %arg4[%dma_wait3A_85, %dma_wait3A_86] : memref<10240x128xf32, #tpu.memory_space<hbm>> -> memref<128x128xf32, #tpu.memory_space<hbm>>
      %dma_wait3A_88 = arith.constant 0 : i32
      %dma_wait3A_89 = arith.constant 0 : i32
      %dma_wait3A_90 = tpu.memref_slice %arg4[%dma_wait3A_88, %dma_wait3A_89] : memref<10240x128xf32, #tpu.memory_space<hbm>> -> memref<128x128xf32, #tpu.memory_space<hbm>>
      tpu.wait_dma2 semaphore(%arg12 : memref<!tpu.dma_semaphore, #tpu.memory_space<semaphore_mem>>) src(%dma_wait3A_90 : memref<128x128xf32, #tpu.memory_space<hbm>>) dst(%arg9 : memref<128x128xf32, #tpu.memory_space<vmem>>)
      %dma_start3A_91 = arith.constant 1 : i32
      %dma_start3A_92 = arith.constant 0 : i32
      %dma_start3A_93 = tpu.memref_slice %arg7[%dma_start3A_91, %dma_start3A_92] : memref<2x128xi32, #tpu.memory_space<vmem>> -> memref<1x128xi32, #tpu.memory_space<vmem>>
      %dma_start3A_94 = tpu.memref_squeeze %dma_start3A_93 : memref<1x128xi32, #tpu.memory_space<vmem>> -> memref<128xi32, #tpu.memory_space<vmem>>
      %dma_start3A_95 = arith.constant 0 : i32
      %dma_start3A_96 = arith.constant 0 : i32
      %dma_start3A_97 = tpu.memref_slice %arg11[%dma_start3A_95, %dma_start3A_96] : memref<10240x128xf32, #tpu.memory_space<vmem_shared>> -> memref<10240x128xf32, #tpu.memory_space<vmem_shared>>
      tpu.enqueue_indirect_dma source(%arg9 : memref<128x128xf32, #tpu.memory_space<vmem>>) target(%dma_start3A_97 : memref<10240x128xf32, #tpu.memory_space<vmem_shared>>) offsets(%dma_start3A_94 : memref<128xi32, #tpu.memory_space<vmem>>) semaphore(%arg14 : memref<!tpu.dma_semaphore, #tpu.memory_space<semaphore_mem>>) {add = true}
      %mul3A_98 = arith.constant 2 : i32
      %mul3A_99 = arith.muli %mul3A_98, %while3A_66 : i32
      %add3A_100 = arith.constant 1 : i32
      %add3A_101 = arith.addi %mul3A_99, %add3A_100 : i32
      %add3A_102 = arith.constant 1 : i32
      %add3A_103 = arith.addi %add3A_101, %add3A_102 : i32
      %lt3A = arith.cmpi slt, %add3A_103, %select_n3A_8 : i32
      %convert_element_type3A_104 = arith.extui %lt3A : i1 to i32
      %cond3A_105 = arith.constant 0 : i32
      %cond3A_106 = arith.cmpi ne, %convert_element_type3A_104, %cond3A_105 : i32
      scf.if %cond3A_106 {
        %dma_wait3A_120 = arith.constant 0 : i32
        %dma_wait3A_121 = arith.constant 0 : i32
        %dma_wait3A_122 = tpu.memref_slice %arg4[%dma_wait3A_120, %dma_wait3A_121] : memref<10240x128xf32, #tpu.memory_space<hbm>> -> memref<128x128xf32, #tpu.memory_space<hbm>>
        %dma_wait3A_123 = arith.constant 0 : i32
        %dma_wait3A_124 = arith.constant 0 : i32
        %dma_wait3A_125 = tpu.memref_slice %arg4[%dma_wait3A_123, %dma_wait3A_124] : memref<10240x128xf32, #tpu.memory_space<hbm>> -> memref<128x128xf32, #tpu.memory_space<hbm>>
        tpu.wait_dma2 semaphore(%arg14 : memref<!tpu.dma_semaphore, #tpu.memory_space<semaphore_mem>>) src(%dma_wait3A_125 : memref<128x128xf32, #tpu.memory_space<hbm>>) dst(%arg9 : memref<128x128xf32, #tpu.memory_space<vmem>>)
        %add3A_126 = arith.addi %select_n3A, %add3A_101 : i32
        %add3A_127 = arith.constant 1 : i32
        %add3A_128 = arith.addi %add3A_126, %add3A_127 : i32
        "tpu.region"() ({
          %run_scoped3A = tpu.sem_alloc : memref<!tpu.dma_semaphore, #tpu.memory_space<semaphore_mem>>
          %dma_start3A_136 = arith.constant 0 : i32
          %dma_start3A_137 = arith.constant 0 : i32
          %dma_start3A_138 = tpu.memref_slice %arg3[%add3A_128, %dma_start3A_136, %dma_start3A_137] : memref<2560x2x128xi32, #tpu.memory_space<hbm>> -> memref<1x2x128xi32, #tpu.memory_space<hbm>>
          %dma_start3A_139 = tpu.memref_squeeze %dma_start3A_138 : memref<1x2x128xi32, #tpu.memory_space<hbm>> -> memref<2x128xi32, #tpu.memory_space<hbm>>
          %dma_start3A_140 = arith.constant 0 : i32
          %dma_start3A_141 = arith.constant 0 : i32
          %dma_start3A_142 = tpu.memref_slice %arg3[%add3A_128, %dma_start3A_140, %dma_start3A_141] : memref<2560x2x128xi32, #tpu.memory_space<hbm>> -> memref<1x2x128xi32, #tpu.memory_space<hbm>>
          %dma_start3A_143 = tpu.memref_squeeze %dma_start3A_142 : memref<1x2x128xi32, #tpu.memory_space<hbm>> -> memref<2x128xi32, #tpu.memory_space<hbm>>
          tpu.enqueue_dma source(%dma_start3A_143 : memref<2x128xi32, #tpu.memory_space<hbm>>) target(%arg7 : memref<2x128xi32, #tpu.memory_space<vmem>>) target_semaphore(%run_scoped3A : memref<!tpu.dma_semaphore, #tpu.memory_space<semaphore_mem>>)
          %dma_wait3A_144 = arith.constant 0 : i32
          %dma_wait3A_145 = arith.constant 0 : i32
          %dma_wait3A_146 = tpu.memref_slice %arg3[%add3A_128, %dma_wait3A_144, %dma_wait3A_145] : memref<2560x2x128xi32, #tpu.memory_space<hbm>> -> memref<1x2x128xi32, #tpu.memory_space<hbm>>
          %dma_wait3A_147 = tpu.memref_squeeze %dma_wait3A_146 : memref<1x2x128xi32, #tpu.memory_space<hbm>> -> memref<2x128xi32, #tpu.memory_space<hbm>>
          %dma_wait3A_148 = arith.constant 0 : i32
          %dma_wait3A_149 = arith.constant 0 : i32
          %dma_wait3A_150 = tpu.memref_slice %arg3[%add3A_128, %dma_wait3A_148, %dma_wait3A_149] : memref<2560x2x128xi32, #tpu.memory_space<hbm>> -> memref<1x2x128xi32, #tpu.memory_space<hbm>>
          %dma_wait3A_151 = tpu.memref_squeeze %dma_wait3A_150 : memref<1x2x128xi32, #tpu.memory_space<hbm>> -> memref<2x128xi32, #tpu.memory_space<hbm>>
          tpu.wait_dma2 semaphore(%run_scoped3A : memref<!tpu.dma_semaphore, #tpu.memory_space<semaphore_mem>>) src(%dma_wait3A_151 : memref<2x128xi32, #tpu.memory_space<hbm>>) dst(%arg7 : memref<2x128xi32, #tpu.memory_space<vmem>>)
          tpu.yield
        }) : () -> ()
        %dma_start3A_129 = arith.constant 0 : i32
        %dma_start3A_130 = arith.constant 0 : i32
        %dma_start3A_131 = tpu.memref_slice %arg7[%dma_start3A_129, %dma_start3A_130] : memref<2x128xi32, #tpu.memory_space<vmem>> -> memref<1x128xi32, #tpu.memory_space<vmem>>
        %dma_start3A_132 = tpu.memref_squeeze %dma_start3A_131 : memref<1x128xi32, #tpu.memory_space<vmem>> -> memref<128xi32, #tpu.memory_space<vmem>>
        %dma_start3A_133 = arith.constant 0 : i32
        %dma_start3A_134 = arith.constant 0 : i32
        %dma_start3A_135 = tpu.memref_slice %arg2[%dma_start3A_133, %dma_start3A_134] : memref<10000x128xf32, #tpu.memory_space<hbm>> -> memref<10000x128xf32, #tpu.memory_space<hbm>>
        tpu.enqueue_indirect_dma source(%dma_start3A_135 : memref<10000x128xf32, #tpu.memory_space<hbm>>) target(%arg9 : memref<128x128xf32, #tpu.memory_space<vmem>>) offsets(%dma_start3A_132 : memref<128xi32, #tpu.memory_space<vmem>>) semaphore(%arg12 : memref<!tpu.dma_semaphore, #tpu.memory_space<semaphore_mem>>)
      } else {
      }
      %dma_wait3A_107 = arith.constant 0 : i32
      %dma_wait3A_108 = arith.constant 0 : i32
      %dma_wait3A_109 = tpu.memref_slice %arg4[%dma_wait3A_107, %dma_wait3A_108] : memref<10240x128xf32, #tpu.memory_space<hbm>> -> memref<128x128xf32, #tpu.memory_space<hbm>>
      %dma_wait3A_110 = arith.constant 0 : i32
      %dma_wait3A_111 = arith.constant 0 : i32
      %dma_wait3A_112 = tpu.memref_slice %arg4[%dma_wait3A_110, %dma_wait3A_111] : memref<10240x128xf32, #tpu.memory_space<hbm>> -> memref<128x128xf32, #tpu.memory_space<hbm>>
      tpu.wait_dma2 semaphore(%arg13 : memref<!tpu.dma_semaphore, #tpu.memory_space<semaphore_mem>>) src(%dma_wait3A_112 : memref<128x128xf32, #tpu.memory_space<hbm>>) dst(%arg9 : memref<128x128xf32, #tpu.memory_space<vmem>>)
      %dma_start3A_113 = arith.constant 1 : i32
      %dma_start3A_114 = arith.constant 0 : i32
      %dma_start3A_115 = tpu.memref_slice %arg8[%dma_start3A_113, %dma_start3A_114] : memref<2x128xi32, #tpu.memory_space<vmem>> -> memref<1x128xi32, #tpu.memory_space<vmem>>
      %dma_start3A_116 = tpu.memref_squeeze %dma_start3A_115 : memref<1x128xi32, #tpu.memory_space<vmem>> -> memref<128xi32, #tpu.memory_space<vmem>>
      %dma_start3A_117 = arith.constant 0 : i32
      %dma_start3A_118 = arith.constant 0 : i32
      %dma_start3A_119 = tpu.memref_slice %arg11[%dma_start3A_117, %dma_start3A_118] : memref<10240x128xf32, #tpu.memory_space<vmem_shared>> -> memref<10240x128xf32, #tpu.memory_space<vmem_shared>>
      tpu.enqueue_indirect_dma source(%arg10 : memref<128x128xf32, #tpu.memory_space<vmem>>) target(%dma_start3A_119 : memref<10240x128xf32, #tpu.memory_space<vmem_shared>>) offsets(%dma_start3A_116 : memref<128xi32, #tpu.memory_space<vmem>>) semaphore(%arg15 : memref<!tpu.dma_semaphore, #tpu.memory_space<semaphore_mem>>) {add = true}
    }
    %dma_wait3A = arith.constant 0 : i32
    %dma_wait3A_46 = arith.constant 0 : i32
    %dma_wait3A_47 = tpu.memref_slice %arg4[%dma_wait3A, %dma_wait3A_46] : memref<10240x128xf32, #tpu.memory_space<hbm>> -> memref<128x128xf32, #tpu.memory_space<hbm>>
    %dma_wait3A_48 = arith.constant 0 : i32
    %dma_wait3A_49 = arith.constant 0 : i32
    %dma_wait3A_50 = tpu.memref_slice %arg4[%dma_wait3A_48, %dma_wait3A_49] : memref<10240x128xf32, #tpu.memory_space<hbm>> -> memref<128x128xf32, #tpu.memory_space<hbm>>
    tpu.wait_dma2 semaphore(%arg14 : memref<!tpu.dma_semaphore, #tpu.memory_space<semaphore_mem>>) src(%dma_wait3A_50 : memref<128x128xf32, #tpu.memory_space<hbm>>) dst(%arg9 : memref<128x128xf32, #tpu.memory_space<vmem>>)
    %dma_wait3A_51 = arith.constant 0 : i32
    %dma_wait3A_52 = arith.constant 0 : i32
    %dma_wait3A_53 = tpu.memref_slice %arg4[%dma_wait3A_51, %dma_wait3A_52] : memref<10240x128xf32, #tpu.memory_space<hbm>> -> memref<128x128xf32, #tpu.memory_space<hbm>>
    %dma_wait3A_54 = arith.constant 0 : i32
    %dma_wait3A_55 = arith.constant 0 : i32
    %dma_wait3A_56 = tpu.memref_slice %arg4[%dma_wait3A_54, %dma_wait3A_55] : memref<10240x128xf32, #tpu.memory_space<hbm>> -> memref<128x128xf32, #tpu.memory_space<hbm>>
    tpu.wait_dma2 semaphore(%arg15 : memref<!tpu.dma_semaphore, #tpu.memory_space<semaphore_mem>>) src(%dma_wait3A_56 : memref<128x128xf32, #tpu.memory_space<hbm>>) dst(%arg9 : memref<128x128xf32, #tpu.memory_space<vmem>>)
    %barrier3A_57 = arith.constant 0 : index
    tpu.barrier barrier_id(%barrier3A_57)
    %eq3A_58 = arith.constant 0 : i32
    %eq3A_59 = arith.cmpi eq, %arg0, %eq3A_58 : i32
    %convert_element_type3A = arith.extui %eq3A_59 : i1 to i32
    %cond3A = arith.constant 0 : i32
    %cond3A_60 = arith.cmpi ne, %convert_element_type3A, %cond3A : i32
    scf.if %cond3A_60 {
      %mul3A_66 = arith.constant 640 : i32
      %mul3A_67 = arith.muli %arg1, %mul3A_66 : i32
      %mul3A_68 = arith.constant 640 : i32
      %mul3A_69 = arith.muli %arg1, %mul3A_68 : i32
      "tpu.region"() ({
        %run_scoped3A = tpu.sem_alloc : memref<!tpu.dma_semaphore, #tpu.memory_space<semaphore_mem>>
        %dma_start3A_70 = arith.constant 0 : i32
        %dma_start3A_71 = tpu.memref_slice %arg5[%mul3A_69, %dma_start3A_70] : memref<10240x128xf32, #tpu.memory_space<hbm>> -> memref<640x128xf32, #tpu.memory_space<hbm>>
        %dma_start3A_72 = arith.constant 0 : i32
        %dma_start3A_73 = tpu.memref_slice %arg11[%mul3A_67, %dma_start3A_72] : memref<10240x128xf32, #tpu.memory_space<vmem_shared>> -> memref<640x128xf32, #tpu.memory_space<vmem_shared>>
        tpu.enqueue_dma source(%dma_start3A_73 : memref<640x128xf32, #tpu.memory_space<vmem_shared>>) target(%dma_start3A_71 : memref<640x128xf32, #tpu.memory_space<hbm>>) target_semaphore(%run_scoped3A : memref<!tpu.dma_semaphore, #tpu.memory_space<semaphore_mem>>)
        %dma_wait3A_74 = arith.constant 0 : i32
        %dma_wait3A_75 = tpu.memref_slice %arg5[%mul3A_69, %dma_wait3A_74] : memref<10240x128xf32, #tpu.memory_space<hbm>> -> memref<640x128xf32, #tpu.memory_space<hbm>>
        %dma_wait3A_76 = arith.constant 0 : i32
        %dma_wait3A_77 = tpu.memref_slice %arg11[%mul3A_67, %dma_wait3A_76] : memref<10240x128xf32, #tpu.memory_space<vmem_shared>> -> memref<640x128xf32, #tpu.memory_space<vmem_shared>>
        tpu.wait_dma2 semaphore(%run_scoped3A : memref<!tpu.dma_semaphore, #tpu.memory_space<semaphore_mem>>) src(%dma_wait3A_77 : memref<640x128xf32, #tpu.memory_space<vmem_shared>>) dst(%dma_wait3A_75 : memref<640x128xf32, #tpu.memory_space<hbm>>)
        tpu.yield
      }) : () -> ()
    } else {
    }
    %eq3A_61 = arith.constant 1 : i32
    %eq3A_62 = arith.cmpi eq, %arg0, %eq3A_61 : i32
    %convert_element_type3A_63 = arith.extui %eq3A_62 : i1 to i32
    %cond3A_64 = arith.constant 0 : i32
    %cond3A_65 = arith.cmpi ne, %convert_element_type3A_63, %cond3A_64 : i32
    scf.if %cond3A_65 {
      %mul3A_66 = arith.constant 640 : i32
      %mul3A_67 = arith.muli %arg1, %mul3A_66 : i32
      %mul3A_68 = arith.constant 640 : i32
      %mul3A_69 = arith.muli %arg1, %mul3A_68 : i32
      "tpu.region"() ({
        %run_scoped3A = tpu.sem_alloc : memref<!tpu.dma_semaphore, #tpu.memory_space<semaphore_mem>>
        %dma_start3A_70 = arith.constant 0 : i32
        %dma_start3A_71 = tpu.memref_slice %arg6[%mul3A_69, %dma_start3A_70] : memref<10240x128xf32, #tpu.memory_space<hbm>> -> memref<640x128xf32, #tpu.memory_space<hbm>>
        %dma_start3A_72 = arith.constant 0 : i32
        %dma_start3A_73 = tpu.memref_slice %arg11[%mul3A_67, %dma_start3A_72] : memref<10240x128xf32, #tpu.memory_space<vmem_shared>> -> memref<640x128xf32, #tpu.memory_space<vmem_shared>>
        tpu.enqueue_dma source(%dma_start3A_73 : memref<640x128xf32, #tpu.memory_space<vmem_shared>>) target(%dma_start3A_71 : memref<640x128xf32, #tpu.memory_space<hbm>>) target_semaphore(%run_scoped3A : memref<!tpu.dma_semaphore, #tpu.memory_space<semaphore_mem>>)
        %dma_wait3A_74 = arith.constant 0 : i32
        %dma_wait3A_75 = tpu.memref_slice %arg6[%mul3A_69, %dma_wait3A_74] : memref<10240x128xf32, #tpu.memory_space<hbm>> -> memref<640x128xf32, #tpu.memory_space<hbm>>
        %dma_wait3A_76 = arith.constant 0 : i32
        %dma_wait3A_77 = tpu.memref_slice %arg11[%mul3A_67, %dma_wait3A_76] : memref<10240x128xf32, #tpu.memory_space<vmem_shared>> -> memref<640x128xf32, #tpu.memory_space<vmem_shared>>
        tpu.wait_dma2 semaphore(%run_scoped3A : memref<!tpu.dma_semaphore, #tpu.memory_space<semaphore_mem>>) src(%dma_wait3A_77 : memref<640x128xf32, #tpu.memory_space<vmem_shared>>) dst(%dma_wait3A_75 : memref<640x128xf32, #tpu.memory_space<hbm>>)
        tpu.yield
      }) : () -> ()
    } else {
    }
    return
  }
}

#map = affine_map<(d0, d1) -> (0, 0, 0)>
#map1 = affine_map<(d0, d1) -> (0, 0)>
module attributes {stable_mosaic.version = 14 : i64} {
  func.func @_deg_accum_body(%arg0: i32, %arg1: i32, %arg2: memref<2560x2x128xi32, #tpu.memory_space<hbm>>, %arg3: memref<128x128xf32, #tpu.memory_space<hbm>>, %arg4: memref<10240x128xf32, #tpu.memory_space<hbm>>, %arg5: memref<10240x128xf32, #tpu.memory_space<hbm>>, %arg6: memref<10240x128xf32, #tpu.memory_space<hbm>>, %arg7: memref<2x128xi32, #tpu.memory_space<vmem>>, %arg8: memref<128x128xf32, #tpu.memory_space<vmem>>, %arg9: memref<10240x128xf32, #tpu.memory_space<vmem_shared>>) attributes {dimension_semantics = [#tpu.dimension_semantics<core_parallel>, #tpu.dimension_semantics<subcore_parallel>], iteration_bounds = array<i64: 2, 16>, scalar_prefetch = 0 : i64, scratch_operands = 3 : i64, tpu.core_type = #tpu.core_type<sc_vector_subcore>, window_params = [{transform_indices = #map}, {transform_indices = #map1}, {transform_indices = #map1}, {transform_indices = #map1}, {transform_indices = #map1}]} {
    %mul3A = arith.constant 2 : i32
    %mul3A_0 = arith.muli %arg1, %mul3A : i32
    %add3A = arith.addi %mul3A_0, %arg0 : i32
    "tpu.region"() ({
      %run_scoped3A = tpu.sem_alloc : memref<!tpu.dma_semaphore, #tpu.memory_space<semaphore_mem>>
      tpu.enqueue_dma source(%arg3 : memref<128x128xf32, #tpu.memory_space<hbm>>) target(%arg8 : memref<128x128xf32, #tpu.memory_space<vmem>>) target_semaphore(%run_scoped3A : memref<!tpu.dma_semaphore, #tpu.memory_space<semaphore_mem>>)
      tpu.wait_dma2 semaphore(%run_scoped3A : memref<!tpu.dma_semaphore, #tpu.memory_space<semaphore_mem>>) src(%arg3 : memref<128x128xf32, #tpu.memory_space<hbm>>) dst(%arg8 : memref<128x128xf32, #tpu.memory_space<vmem>>)
      tpu.yield
    }) : () -> ()
    %mul3A_1 = arith.constant 640 : i32
    %mul3A_2 = arith.muli %arg1, %mul3A_1 : i32
    %mul3A_3 = arith.constant 640 : i32
    %mul3A_4 = arith.muli %arg1, %mul3A_3 : i32
    "tpu.region"() ({
      %run_scoped3A = tpu.sem_alloc : memref<!tpu.dma_semaphore, #tpu.memory_space<semaphore_mem>>
      %dma_start3A = arith.constant 0 : i32
      %dma_start3A_18 = tpu.memref_slice %arg9[%mul3A_4, %dma_start3A] : memref<10240x128xf32, #tpu.memory_space<vmem_shared>> -> memref<640x128xf32, #tpu.memory_space<vmem_shared>>
      %dma_start3A_19 = arith.constant 0 : i32
      %dma_start3A_20 = tpu.memref_slice %arg4[%mul3A_2, %dma_start3A_19] : memref<10240x128xf32, #tpu.memory_space<hbm>> -> memref<640x128xf32, #tpu.memory_space<hbm>>
      tpu.enqueue_dma source(%dma_start3A_20 : memref<640x128xf32, #tpu.memory_space<hbm>>) target(%dma_start3A_18 : memref<640x128xf32, #tpu.memory_space<vmem_shared>>) target_semaphore(%run_scoped3A : memref<!tpu.dma_semaphore, #tpu.memory_space<semaphore_mem>>)
      %dma_wait3A = arith.constant 0 : i32
      %dma_wait3A_21 = tpu.memref_slice %arg9[%mul3A_4, %dma_wait3A] : memref<10240x128xf32, #tpu.memory_space<vmem_shared>> -> memref<640x128xf32, #tpu.memory_space<vmem_shared>>
      %dma_wait3A_22 = arith.constant 0 : i32
      %dma_wait3A_23 = tpu.memref_slice %arg4[%mul3A_2, %dma_wait3A_22] : memref<10240x128xf32, #tpu.memory_space<hbm>> -> memref<640x128xf32, #tpu.memory_space<hbm>>
      tpu.wait_dma2 semaphore(%run_scoped3A : memref<!tpu.dma_semaphore, #tpu.memory_space<semaphore_mem>>) src(%dma_wait3A_23 : memref<640x128xf32, #tpu.memory_space<hbm>>) dst(%dma_wait3A_21 : memref<640x128xf32, #tpu.memory_space<vmem_shared>>)
      tpu.yield
    }) : () -> ()
    %barrier3A = arith.constant 0 : index
    tpu.barrier barrier_id(%barrier3A)
    %scan3A = arith.constant 0 : i32
    %scan3A_5 = arith.constant 0 : i32
    %scan3A_6 = arith.constant 80 : i32
    %scan3A_7 = arith.addi %scan3A_5, %scan3A_6 : i32
    %scan3A_8 = arith.constant 1 : i32
    scf.for %scan3A_18 = %scan3A_5 to %scan3A_7 step %scan3A_8  : i32 {
      %mul3A_19 = arith.constant 80 : i32
      %mul3A_20 = arith.muli %add3A, %mul3A_19 : i32
      %add3A_21 = arith.addi %mul3A_20, %scan3A_18 : i32
      "tpu.region"() ({
        %run_scoped3A_22 = tpu.sem_alloc : memref<!tpu.dma_semaphore, #tpu.memory_space<semaphore_mem>>
        %dma_start3A = arith.constant 0 : i32
        %dma_start3A_23 = arith.constant 0 : i32
        %dma_start3A_24 = tpu.memref_slice %arg2[%add3A_21, %dma_start3A, %dma_start3A_23] : memref<2560x2x128xi32, #tpu.memory_space<hbm>> -> memref<1x2x128xi32, #tpu.memory_space<hbm>>
        %dma_start3A_25 = tpu.memref_squeeze %dma_start3A_24 : memref<1x2x128xi32, #tpu.memory_space<hbm>> -> memref<2x128xi32, #tpu.memory_space<hbm>>
        %dma_start3A_26 = arith.constant 0 : i32
        %dma_start3A_27 = arith.constant 0 : i32
        %dma_start3A_28 = tpu.memref_slice %arg2[%add3A_21, %dma_start3A_26, %dma_start3A_27] : memref<2560x2x128xi32, #tpu.memory_space<hbm>> -> memref<1x2x128xi32, #tpu.memory_space<hbm>>
        %dma_start3A_29 = tpu.memref_squeeze %dma_start3A_28 : memref<1x2x128xi32, #tpu.memory_space<hbm>> -> memref<2x128xi32, #tpu.memory_space<hbm>>
        tpu.enqueue_dma source(%dma_start3A_29 : memref<2x128xi32, #tpu.memory_space<hbm>>) target(%arg7 : memref<2x128xi32, #tpu.memory_space<vmem>>) target_semaphore(%run_scoped3A_22 : memref<!tpu.dma_semaphore, #tpu.memory_space<semaphore_mem>>)
        %dma_wait3A = arith.constant 0 : i32
        %dma_wait3A_30 = arith.constant 0 : i32
        %dma_wait3A_31 = tpu.memref_slice %arg2[%add3A_21, %dma_wait3A, %dma_wait3A_30] : memref<2560x2x128xi32, #tpu.memory_space<hbm>> -> memref<1x2x128xi32, #tpu.memory_space<hbm>>
        %dma_wait3A_32 = tpu.memref_squeeze %dma_wait3A_31 : memref<1x2x128xi32, #tpu.memory_space<hbm>> -> memref<2x128xi32, #tpu.memory_space<hbm>>
        %dma_wait3A_33 = arith.constant 0 : i32
        %dma_wait3A_34 = arith.constant 0 : i32
        %dma_wait3A_35 = tpu.memref_slice %arg2[%add3A_21, %dma_wait3A_33, %dma_wait3A_34] : memref<2560x2x128xi32, #tpu.memory_space<hbm>> -> memref<1x2x128xi32, #tpu.memory_space<hbm>>
        %dma_wait3A_36 = tpu.memref_squeeze %dma_wait3A_35 : memref<1x2x128xi32, #tpu.memory_space<hbm>> -> memref<2x128xi32, #tpu.memory_space<hbm>>
        tpu.wait_dma2 semaphore(%run_scoped3A_22 : memref<!tpu.dma_semaphore, #tpu.memory_space<semaphore_mem>>) src(%dma_wait3A_36 : memref<2x128xi32, #tpu.memory_space<hbm>>) dst(%arg7 : memref<2x128xi32, #tpu.memory_space<vmem>>)
        tpu.yield
      }) : () -> ()
      %run_scoped3A = arith.constant 1 : i32
      "tpu.region"() ({
        %run_scoped3A_22 = tpu.sem_alloc : memref<!tpu.dma_semaphore, #tpu.memory_space<semaphore_mem>>
        %dma_start3A = arith.constant 0 : i32
        %dma_start3A_23 = tpu.memref_slice %arg7[%run_scoped3A, %dma_start3A] : memref<2x128xi32, #tpu.memory_space<vmem>> -> memref<1x128xi32, #tpu.memory_space<vmem>>
        %dma_start3A_24 = tpu.memref_squeeze %dma_start3A_23 : memref<1x128xi32, #tpu.memory_space<vmem>> -> memref<128xi32, #tpu.memory_space<vmem>>
        %dma_start3A_25 = arith.constant 0 : i32
        %dma_start3A_26 = arith.constant 0 : i32
        %dma_start3A_27 = tpu.memref_slice %arg9[%dma_start3A_25, %dma_start3A_26] : memref<10240x128xf32, #tpu.memory_space<vmem_shared>> -> memref<10240x128xf32, #tpu.memory_space<vmem_shared>>
        tpu.enqueue_indirect_dma source(%arg8 : memref<128x128xf32, #tpu.memory_space<vmem>>) target(%dma_start3A_27 : memref<10240x128xf32, #tpu.memory_space<vmem_shared>>) offsets(%dma_start3A_24 : memref<128xi32, #tpu.memory_space<vmem>>) semaphore(%run_scoped3A_22 : memref<!tpu.dma_semaphore, #tpu.memory_space<semaphore_mem>>) {add = true}
        %dma_wait3A = arith.constant 0 : i32
        %dma_wait3A_28 = tpu.memref_slice %arg7[%run_scoped3A, %dma_wait3A] : memref<2x128xi32, #tpu.memory_space<vmem>> -> memref<1x128xi32, #tpu.memory_space<vmem>>
        %dma_wait3A_29 = tpu.memref_squeeze %dma_wait3A_28 : memref<1x128xi32, #tpu.memory_space<vmem>> -> memref<128xi32, #tpu.memory_space<vmem>>
        %dma_wait3A_30 = arith.constant 0 : i32
        %dma_wait3A_31 = arith.constant 0 : i32
        %dma_wait3A_32 = tpu.memref_slice %arg9[%dma_wait3A_30, %dma_wait3A_31] : memref<10240x128xf32, #tpu.memory_space<vmem_shared>> -> memref<10240x128xf32, #tpu.memory_space<vmem_shared>>
        tpu.wait_indirect_dma semaphore(%run_scoped3A_22 : memref<!tpu.dma_semaphore, #tpu.memory_space<semaphore_mem>>) src(%arg8 : memref<128x128xf32, #tpu.memory_space<vmem>>) dst(%dma_wait3A_32 : memref<10240x128xf32, #tpu.memory_space<vmem_shared>>)
        tpu.yield
      }) : () -> ()
    }
    %scan3A_9 = arith.constant 80 : i32
    %barrier3A_10 = arith.constant 0 : index
    tpu.barrier barrier_id(%barrier3A_10)
    %eq3A = arith.constant 0 : i32
    %eq3A_11 = arith.cmpi eq, %arg0, %eq3A : i32
    %convert_element_type3A = arith.extui %eq3A_11 : i1 to i32
    %cond3A = arith.constant 0 : i32
    %cond3A_12 = arith.cmpi ne, %convert_element_type3A, %cond3A : i32
    scf.if %cond3A_12 {
      %mul3A_18 = arith.constant 640 : i32
      %mul3A_19 = arith.muli %arg1, %mul3A_18 : i32
      %mul3A_20 = arith.constant 640 : i32
      %mul3A_21 = arith.muli %arg1, %mul3A_20 : i32
      "tpu.region"() ({
        %run_scoped3A = tpu.sem_alloc : memref<!tpu.dma_semaphore, #tpu.memory_space<semaphore_mem>>
        %dma_start3A = arith.constant 0 : i32
        %dma_start3A_22 = tpu.memref_slice %arg5[%mul3A_21, %dma_start3A] : memref<10240x128xf32, #tpu.memory_space<hbm>> -> memref<640x128xf32, #tpu.memory_space<hbm>>
        %dma_start3A_23 = arith.constant 0 : i32
        %dma_start3A_24 = tpu.memref_slice %arg9[%mul3A_19, %dma_start3A_23] : memref<10240x128xf32, #tpu.memory_space<vmem_shared>> -> memref<640x128xf32, #tpu.memory_space<vmem_shared>>
        tpu.enqueue_dma source(%dma_start3A_24 : memref<640x128xf32, #tpu.memory_space<vmem_shared>>) target(%dma_start3A_22 : memref<640x128xf32, #tpu.memory_space<hbm>>) target_semaphore(%run_scoped3A : memref<!tpu.dma_semaphore, #tpu.memory_space<semaphore_mem>>)
        %dma_wait3A = arith.constant 0 : i32
        %dma_wait3A_25 = tpu.memref_slice %arg5[%mul3A_21, %dma_wait3A] : memref<10240x128xf32, #tpu.memory_space<hbm>> -> memref<640x128xf32, #tpu.memory_space<hbm>>
        %dma_wait3A_26 = arith.constant 0 : i32
        %dma_wait3A_27 = tpu.memref_slice %arg9[%mul3A_19, %dma_wait3A_26] : memref<10240x128xf32, #tpu.memory_space<vmem_shared>> -> memref<640x128xf32, #tpu.memory_space<vmem_shared>>
        tpu.wait_dma2 semaphore(%run_scoped3A : memref<!tpu.dma_semaphore, #tpu.memory_space<semaphore_mem>>) src(%dma_wait3A_27 : memref<640x128xf32, #tpu.memory_space<vmem_shared>>) dst(%dma_wait3A_25 : memref<640x128xf32, #tpu.memory_space<hbm>>)
        tpu.yield
      }) : () -> ()
    } else {
    }
    %eq3A_13 = arith.constant 1 : i32
    %eq3A_14 = arith.cmpi eq, %arg0, %eq3A_13 : i32
    %convert_element_type3A_15 = arith.extui %eq3A_14 : i1 to i32
    %cond3A_16 = arith.constant 0 : i32
    %cond3A_17 = arith.cmpi ne, %convert_element_type3A_15, %cond3A_16 : i32
    scf.if %cond3A_17 {
      %mul3A_18 = arith.constant 640 : i32
      %mul3A_19 = arith.muli %arg1, %mul3A_18 : i32
      %mul3A_20 = arith.constant 640 : i32
      %mul3A_21 = arith.muli %arg1, %mul3A_20 : i32
      "tpu.region"() ({
        %run_scoped3A = tpu.sem_alloc : memref<!tpu.dma_semaphore, #tpu.memory_space<semaphore_mem>>
        %dma_start3A = arith.constant 0 : i32
        %dma_start3A_22 = tpu.memref_slice %arg6[%mul3A_21, %dma_start3A] : memref<10240x128xf32, #tpu.memory_space<hbm>> -> memref<640x128xf32, #tpu.memory_space<hbm>>
        %dma_start3A_23 = arith.constant 0 : i32
        %dma_start3A_24 = tpu.memref_slice %arg9[%mul3A_19, %dma_start3A_23] : memref<10240x128xf32, #tpu.memory_space<vmem_shared>> -> memref<640x128xf32, #tpu.memory_space<vmem_shared>>
        tpu.enqueue_dma source(%dma_start3A_24 : memref<640x128xf32, #tpu.memory_space<vmem_shared>>) target(%dma_start3A_22 : memref<640x128xf32, #tpu.memory_space<hbm>>) target_semaphore(%run_scoped3A : memref<!tpu.dma_semaphore, #tpu.memory_space<semaphore_mem>>)
        %dma_wait3A = arith.constant 0 : i32
        %dma_wait3A_25 = tpu.memref_slice %arg6[%mul3A_21, %dma_wait3A] : memref<10240x128xf32, #tpu.memory_space<hbm>> -> memref<640x128xf32, #tpu.memory_space<hbm>>
        %dma_wait3A_26 = arith.constant 0 : i32
        %dma_wait3A_27 = tpu.memref_slice %arg9[%mul3A_19, %dma_wait3A_26] : memref<10240x128xf32, #tpu.memory_space<vmem_shared>> -> memref<640x128xf32, #tpu.memory_space<vmem_shared>>
        tpu.wait_dma2 semaphore(%run_scoped3A : memref<!tpu.dma_semaphore, #tpu.memory_space<semaphore_mem>>) src(%dma_wait3A_27 : memref<640x128xf32, #tpu.memory_space<vmem_shared>>) dst(%dma_wait3A_25 : memref<640x128xf32, #tpu.memory_space<hbm>>)
        tpu.yield
      }) : () -> ()
    } else {
    }
    return
  }
}

#map = affine_map<(d0, d1) -> (0, 0)>
#map1 = affine_map<(d0, d1) -> (0, 0, 0)>
module attributes {stable_mosaic.version = 14 : i64} {
  func.func @_edge_accum_body(%arg0: i32, %arg1: i32, %arg2: memref<10000x128xf32, #tpu.memory_space<hbm>>, %arg3: memref<2560x2x128xi32, #tpu.memory_space<hbm>>, %arg4: memref<10240x128xf32, #tpu.memory_space<hbm>>, %arg5: memref<10240x128xf32, #tpu.memory_space<hbm>>, %arg6: memref<10240x128xf32, #tpu.memory_space<hbm>>, %arg7: memref<2x128xi32, #tpu.memory_space<vmem>>, %arg8: memref<2x128xi32, #tpu.memory_space<vmem>>, %arg9: memref<128x128xf32, #tpu.memory_space<vmem>>, %arg10: memref<128x128xf32, #tpu.memory_space<vmem>>, %arg11: memref<10240x128xf32, #tpu.memory_space<vmem_shared>>, %arg12: memref<!tpu.dma_semaphore, #tpu.memory_space<semaphore_mem>>, %arg13: memref<!tpu.dma_semaphore, #tpu.memory_space<semaphore_mem>>, %arg14: memref<!tpu.dma_semaphore, #tpu.memory_space<semaphore_mem>>, %arg15: memref<!tpu.dma_semaphore, #tpu.memory_space<semaphore_mem>>) attributes {dimension_semantics = [#tpu.dimension_semantics<core_parallel>, #tpu.dimension_semantics<subcore_parallel>], iteration_bounds = array<i64: 2, 16>, scalar_prefetch = 0 : i64, scratch_operands = 9 : i64, tpu.core_type = #tpu.core_type<sc_vector_subcore>, window_params = [{transform_indices = #map}, {transform_indices = #map1}, {transform_indices = #map}, {transform_indices = #map}, {transform_indices = #map}]} {
    %eq3A = arith.constant 0 : i32
    %eq3A_0 = arith.cmpi eq, %arg0, %eq3A : i32
    %mul3A = arith.constant 156 : i32
    %mul3A_1 = arith.muli %arg1, %mul3A : i32
    %mul3A_2 = arith.constant 4 : i32
    %mul3A_3 = arith.muli %arg1, %mul3A_2 : i32
    %add3A = arith.constant 2496 : i32
    %add3A_4 = arith.addi %add3A, %mul3A_3 : i32
    %select_n3A = arith.select %eq3A_0, %mul3A_1, %add3A_4 : i32
    %eq3A_5 = arith.constant 0 : i32
    %eq3A_6 = arith.cmpi eq, %arg0, %eq3A_5 : i32
    %jit3A = arith.constant 156 : i32
    %jit3A_7 = arith.constant 4 : i32
    %select_n3A_8 = arith.select %eq3A_6, %jit3A, %jit3A_7 : i32
    %mul3A_9 = arith.constant 640 : i32
    %mul3A_10 = arith.muli %arg1, %mul3A_9 : i32
    %mul3A_11 = arith.constant 640 : i32
    %mul3A_12 = arith.muli %arg1, %mul3A_11 : i32
    "tpu.region"() ({
      %run_scoped3A = tpu.sem_alloc : memref<!tpu.dma_semaphore, #tpu.memory_space<semaphore_mem>>
      %dma_start3A_66 = arith.constant 0 : i32
      %dma_start3A_67 = tpu.memref_slice %arg11[%mul3A_12, %dma_start3A_66] : memref<10240x128xf32, #tpu.memory_space<vmem_shared>> -> memref<640x128xf32, #tpu.memory_space<vmem_shared>>
      %dma_start3A_68 = arith.constant 0 : i32
      %dma_start3A_69 = tpu.memref_slice %arg4[%mul3A_10, %dma_start3A_68] : memref<10240x128xf32, #tpu.memory_space<hbm>> -> memref<640x128xf32, #tpu.memory_space<hbm>>
      tpu.enqueue_dma source(%dma_start3A_69 : memref<640x128xf32, #tpu.memory_space<hbm>>) target(%dma_start3A_67 : memref<640x128xf32, #tpu.memory_space<vmem_shared>>) target_semaphore(%run_scoped3A : memref<!tpu.dma_semaphore, #tpu.memory_space<semaphore_mem>>)
      %dma_wait3A_70 = arith.constant 0 : i32
      %dma_wait3A_71 = tpu.memref_slice %arg11[%mul3A_12, %dma_wait3A_70] : memref<10240x128xf32, #tpu.memory_space<vmem_shared>> -> memref<640x128xf32, #tpu.memory_space<vmem_shared>>
      %dma_wait3A_72 = arith.constant 0 : i32
      %dma_wait3A_73 = tpu.memref_slice %arg4[%mul3A_10, %dma_wait3A_72] : memref<10240x128xf32, #tpu.memory_space<hbm>> -> memref<640x128xf32, #tpu.memory_space<hbm>>
      tpu.wait_dma2 semaphore(%run_scoped3A : memref<!tpu.dma_semaphore, #tpu.memory_space<semaphore_mem>>) src(%dma_wait3A_73 : memref<640x128xf32, #tpu.memory_space<hbm>>) dst(%dma_wait3A_71 : memref<640x128xf32, #tpu.memory_space<vmem_shared>>)
      tpu.yield
    }) : () -> ()
    %barrier3A = arith.constant 0 : index
    tpu.barrier barrier_id(%barrier3A)
    "tpu.region"() ({
      %run_scoped3A = tpu.sem_alloc : memref<!tpu.dma_semaphore, #tpu.memory_space<semaphore_mem>>
      %dma_start3A_66 = arith.constant 0 : i32
      %dma_start3A_67 = arith.constant 0 : i32
      %dma_start3A_68 = tpu.memref_slice %arg3[%select_n3A, %dma_start3A_66, %dma_start3A_67] : memref<2560x2x128xi32, #tpu.memory_space<hbm>> -> memref<1x2x128xi32, #tpu.memory_space<hbm>>
      %dma_start3A_69 = tpu.memref_squeeze %dma_start3A_68 : memref<1x2x128xi32, #tpu.memory_space<hbm>> -> memref<2x128xi32, #tpu.memory_space<hbm>>
      %dma_start3A_70 = arith.constant 0 : i32
      %dma_start3A_71 = arith.constant 0 : i32
      %dma_start3A_72 = tpu.memref_slice %arg3[%select_n3A, %dma_start3A_70, %dma_start3A_71] : memref<2560x2x128xi32, #tpu.memory_space<hbm>> -> memref<1x2x128xi32, #tpu.memory_space<hbm>>
      %dma_start3A_73 = tpu.memref_squeeze %dma_start3A_72 : memref<1x2x128xi32, #tpu.memory_space<hbm>> -> memref<2x128xi32, #tpu.memory_space<hbm>>
      tpu.enqueue_dma source(%dma_start3A_73 : memref<2x128xi32, #tpu.memory_space<hbm>>) target(%arg7 : memref<2x128xi32, #tpu.memory_space<vmem>>) target_semaphore(%run_scoped3A : memref<!tpu.dma_semaphore, #tpu.memory_space<semaphore_mem>>)
      %dma_wait3A_74 = arith.constant 0 : i32
      %dma_wait3A_75 = arith.constant 0 : i32
      %dma_wait3A_76 = tpu.memref_slice %arg3[%select_n3A, %dma_wait3A_74, %dma_wait3A_75] : memref<2560x2x128xi32, #tpu.memory_space<hbm>> -> memref<1x2x128xi32, #tpu.memory_space<hbm>>
      %dma_wait3A_77 = tpu.memref_squeeze %dma_wait3A_76 : memref<1x2x128xi32, #tpu.memory_space<hbm>> -> memref<2x128xi32, #tpu.memory_space<hbm>>
      %dma_wait3A_78 = arith.constant 0 : i32
      %dma_wait3A_79 = arith.constant 0 : i32
      %dma_wait3A_80 = tpu.memref_slice %arg3[%select_n3A, %dma_wait3A_78, %dma_wait3A_79] : memref<2560x2x128xi32, #tpu.memory_space<hbm>> -> memref<1x2x128xi32, #tpu.memory_space<hbm>>
      %dma_wait3A_81 = tpu.memref_squeeze %dma_wait3A_80 : memref<1x2x128xi32, #tpu.memory_space<hbm>> -> memref<2x128xi32, #tpu.memory_space<hbm>>
      tpu.wait_dma2 semaphore(%run_scoped3A : memref<!tpu.dma_semaphore, #tpu.memory_space<semaphore_mem>>) src(%dma_wait3A_81 : memref<2x128xi32, #tpu.memory_space<hbm>>) dst(%arg7 : memref<2x128xi32, #tpu.memory_space<vmem>>)
      tpu.yield
    }) : () -> ()
    %dma_start3A = arith.constant 0 : i32
    %dma_start3A_13 = arith.constant 0 : i32
    %dma_start3A_14 = tpu.memref_slice %arg7[%dma_start3A, %dma_start3A_13] : memref<2x128xi32, #tpu.memory_space<vmem>> -> memref<1x128xi32, #tpu.memory_space<vmem>>
    %dma_start3A_15 = tpu.memref_squeeze %dma_start3A_14 : memref<1x128xi32, #tpu.memory_space<vmem>> -> memref<128xi32, #tpu.memory_space<vmem>>
    %dma_start3A_16 = arith.constant 0 : i32
    %dma_start3A_17 = arith.constant 0 : i32
    %dma_start3A_18 = tpu.memref_slice %arg2[%dma_start3A_16, %dma_start3A_17] : memref<10000x128xf32, #tpu.memory_space<hbm>> -> memref<10000x128xf32, #tpu.memory_space<hbm>>
    tpu.enqueue_indirect_dma source(%dma_start3A_18 : memref<10000x128xf32, #tpu.memory_space<hbm>>) target(%arg9 : memref<128x128xf32, #tpu.memory_space<vmem>>) offsets(%dma_start3A_15 : memref<128xi32, #tpu.memory_space<vmem>>) semaphore(%arg12 : memref<!tpu.dma_semaphore, #tpu.memory_space<semaphore_mem>>)
    %jit3A_19 = arith.constant 2 : i32
    %div3A = arith.divsi %select_n3A_8, %jit3A_19 : i32
    %sign3A = arith.constant 0 : i32
    %sign3A_20 = arith.cmpi sgt, %select_n3A_8, %sign3A : i32
    %sign3A_21 = arith.extui %sign3A_20 : i1 to i32
    %sign3A_22 = arith.constant 0 : i32
    %sign3A_23 = arith.cmpi slt, %select_n3A_8, %sign3A_22 : i32
    %sign3A_24 = arith.extui %sign3A_23 : i1 to i32
    %sign3A_25 = arith.subi %sign3A_21, %sign3A_24 : i32
    %sign3A_26 = arith.constant 0 : i32
    %sign3A_27 = arith.cmpi sgt, %jit3A_19, %sign3A_26 : i32
    %sign3A_28 = arith.extui %sign3A_27 : i1 to i32
    %sign3A_29 = arith.constant 0 : i32
    %sign3A_30 = arith.cmpi slt, %jit3A_19, %sign3A_29 : i32
    %sign3A_31 = arith.extui %sign3A_30 : i1 to i32
    %sign3A_32 = arith.subi %sign3A_28, %sign3A_31 : i32
    %ne3A = arith.cmpi ne, %sign3A_25, %sign3A_32 : i32
    %rem3A = arith.remsi %select_n3A_8, %jit3A_19 : i32
    %ne3A_33 = arith.constant 0 : i32
    %ne3A_34 = arith.cmpi ne, %rem3A, %ne3A_33 : i32
    %and3A = arith.andi %ne3A, %ne3A_34 : i1
    %sub3A = arith.constant 1 : i32
    %sub3A_35 = arith.subi %div3A, %sub3A : i32
    %select_n3A_36 = arith.select %and3A, %sub3A_35, %div3A : i32
    %while3A = arith.constant 0 : i32
    %while3A_37 = arith.constant 0 : i32
    %while3A_38 = arith.subi %select_n3A_36, %while3A_37 : i32
    %while3A_39 = arith.addi %while3A_37, %while3A_38 : i32
    %while3A_40 = arith.constant 1 : i32
    %while3A_41 = arith.divsi %while3A_38, %while3A_40 : i32
    %while3A_42 = arith.muli %while3A_41, %while3A_40 : i32
    %while3A_43 = arith.addi %while3A_37, %while3A_42 : i32
    %while3A_44 = arith.constant 1 : i32
    scf.for %while3A_66 = %while3A_37 to %while3A_43 step %while3A_44  : i32 {
      %mul3A_67 = arith.constant 2 : i32
      %mul3A_68 = arith.muli %mul3A_67, %while3A_66 : i32
      %add3A_69 = arith.constant 0 : i32
      %add3A_70 = arith.addi %mul3A_68, %add3A_69 : i32
      %gt3A = arith.constant 0 : i32
      %gt3A_71 = arith.cmpi sgt, %while3A_66, %gt3A : i32
      %convert_element_type3A_72 = arith.extui %gt3A_71 : i1 to i32
      %cond3A_73 = arith.constant 0 : i32
      %cond3A_74 = arith.cmpi ne, %convert_element_type3A_72, %cond3A_73 : i32
      scf.if %cond3A_74 {
        %dma_wait3A_120 = arith.constant 0 : i32
        %dma_wait3A_121 = arith.constant 0 : i32
        %dma_wait3A_122 = tpu.memref_slice %arg4[%dma_wait3A_120, %dma_wait3A_121] : memref<10240x128xf32, #tpu.memory_space<hbm>> -> memref<128x128xf32, #tpu.memory_space<hbm>>
        %dma_wait3A_123 = arith.constant 0 : i32
        %dma_wait3A_124 = arith.constant 0 : i32
        %dma_wait3A_125 = tpu.memref_slice %arg4[%dma_wait3A_123, %dma_wait3A_124] : memref<10240x128xf32, #tpu.memory_space<hbm>> -> memref<128x128xf32, #tpu.memory_space<hbm>>
        tpu.wait_dma2 semaphore(%arg15 : memref<!tpu.dma_semaphore, #tpu.memory_space<semaphore_mem>>) src(%dma_wait3A_125 : memref<128x128xf32, #tpu.memory_space<hbm>>) dst(%arg9 : memref<128x128xf32, #tpu.memory_space<vmem>>)
      } else {
      }
      %add3A_75 = arith.addi %select_n3A, %add3A_70 : i32
      %add3A_76 = arith.constant 1 : i32
      %add3A_77 = arith.addi %add3A_75, %add3A_76 : i32
      "tpu.region"() ({
        %run_scoped3A = tpu.sem_alloc : memref<!tpu.dma_semaphore, #tpu.memory_space<semaphore_mem>>
        %dma_start3A_120 = arith.constant 0 : i32
        %dma_start3A_121 = arith.constant 0 : i32
        %dma_start3A_122 = tpu.memref_slice %arg3[%add3A_77, %dma_start3A_120, %dma_start3A_121] : memref<2560x2x128xi32, #tpu.memory_space<hbm>> -> memref<1x2x128xi32, #tpu.memory_space<hbm>>
        %dma_start3A_123 = tpu.memref_squeeze %dma_start3A_122 : memref<1x2x128xi32, #tpu.memory_space<hbm>> -> memref<2x128xi32, #tpu.memory_space<hbm>>
        %dma_start3A_124 = arith.constant 0 : i32
        %dma_start3A_125 = arith.constant 0 : i32
        %dma_start3A_126 = tpu.memref_slice %arg3[%add3A_77, %dma_start3A_124, %dma_start3A_125] : memref<2560x2x128xi32, #tpu.memory_space<hbm>> -> memref<1x2x128xi32, #tpu.memory_space<hbm>>
        %dma_start3A_127 = tpu.memref_squeeze %dma_start3A_126 : memref<1x2x128xi32, #tpu.memory_space<hbm>> -> memref<2x128xi32, #tpu.memory_space<hbm>>
        tpu.enqueue_dma source(%dma_start3A_127 : memref<2x128xi32, #tpu.memory_space<hbm>>) target(%arg8 : memref<2x128xi32, #tpu.memory_space<vmem>>) target_semaphore(%run_scoped3A : memref<!tpu.dma_semaphore, #tpu.memory_space<semaphore_mem>>)
        %dma_wait3A_128 = arith.constant 0 : i32
        %dma_wait3A_129 = arith.constant 0 : i32
        %dma_wait3A_130 = tpu.memref_slice %arg3[%add3A_77, %dma_wait3A_128, %dma_wait3A_129] : memref<2560x2x128xi32, #tpu.memory_space<hbm>> -> memref<1x2x128xi32, #tpu.memory_space<hbm>>
        %dma_wait3A_131 = tpu.memref_squeeze %dma_wait3A_130 : memref<1x2x128xi32, #tpu.memory_space<hbm>> -> memref<2x128xi32, #tpu.memory_space<hbm>>
        %dma_wait3A_132 = arith.constant 0 : i32
        %dma_wait3A_133 = arith.constant 0 : i32
        %dma_wait3A_134 = tpu.memref_slice %arg3[%add3A_77, %dma_wait3A_132, %dma_wait3A_133] : memref<2560x2x128xi32, #tpu.memory_space<hbm>> -> memref<1x2x128xi32, #tpu.memory_space<hbm>>
        %dma_wait3A_135 = tpu.memref_squeeze %dma_wait3A_134 : memref<1x2x128xi32, #tpu.memory_space<hbm>> -> memref<2x128xi32, #tpu.memory_space<hbm>>
        tpu.wait_dma2 semaphore(%run_scoped3A : memref<!tpu.dma_semaphore, #tpu.memory_space<semaphore_mem>>) src(%dma_wait3A_135 : memref<2x128xi32, #tpu.memory_space<hbm>>) dst(%arg8 : memref<2x128xi32, #tpu.memory_space<vmem>>)
        tpu.yield
      }) : () -> ()
      %dma_start3A_78 = arith.constant 0 : i32
      %dma_start3A_79 = arith.constant 0 : i32
      %dma_start3A_80 = tpu.memref_slice %arg8[%dma_start3A_78, %dma_start3A_79] : memref<2x128xi32, #tpu.memory_space<vmem>> -> memref<1x128xi32, #tpu.memory_space<vmem>>
      %dma_start3A_81 = tpu.memref_squeeze %dma_start3A_80 : memref<1x128xi32, #tpu.memory_space<vmem>> -> memref<128xi32, #tpu.memory_space<vmem>>
      %dma_start3A_82 = arith.constant 0 : i32
      %dma_start3A_83 = arith.constant 0 : i32
      %dma_start3A_84 = tpu.memref_slice %arg2[%dma_start3A_82, %dma_start3A_83] : memref<10000x128xf32, #tpu.memory_space<hbm>> -> memref<10000x128xf32, #tpu.memory_space<hbm>>
      tpu.enqueue_indirect_dma source(%dma_start3A_84 : memref<10000x128xf32, #tpu.memory_space<hbm>>) target(%arg10 : memref<128x128xf32, #tpu.memory_space<vmem>>) offsets(%dma_start3A_81 : memref<128xi32, #tpu.memory_space<vmem>>) semaphore(%arg13 : memref<!tpu.dma_semaphore, #tpu.memory_space<semaphore_mem>>)
      %dma_wait3A_85 = arith.constant 0 : i32
      %dma_wait3A_86 = arith.constant 0 : i32
      %dma_wait3A_87 = tpu.memref_slice %arg4[%dma_wait3A_85, %dma_wait3A_86] : memref<10240x128xf32, #tpu.memory_space<hbm>> -> memref<128x128xf32, #tpu.memory_space<hbm>>
      %dma_wait3A_88 = arith.constant 0 : i32
      %dma_wait3A_89 = arith.constant 0 : i32
      %dma_wait3A_90 = tpu.memref_slice %arg4[%dma_wait3A_88, %dma_wait3A_89] : memref<10240x128xf32, #tpu.memory_space<hbm>> -> memref<128x128xf32, #tpu.memory_space<hbm>>
      tpu.wait_dma2 semaphore(%arg12 : memref<!tpu.dma_semaphore, #tpu.memory_space<semaphore_mem>>) src(%dma_wait3A_90 : memref<128x128xf32, #tpu.memory_space<hbm>>) dst(%arg9 : memref<128x128xf32, #tpu.memory_space<vmem>>)
      %dma_start3A_91 = arith.constant 1 : i32
      %dma_start3A_92 = arith.constant 0 : i32
      %dma_start3A_93 = tpu.memref_slice %arg7[%dma_start3A_91, %dma_start3A_92] : memref<2x128xi32, #tpu.memory_space<vmem>> -> memref<1x128xi32, #tpu.memory_space<vmem>>
      %dma_start3A_94 = tpu.memref_squeeze %dma_start3A_93 : memref<1x128xi32, #tpu.memory_space<vmem>> -> memref<128xi32, #tpu.memory_space<vmem>>
      %dma_start3A_95 = arith.constant 0 : i32
      %dma_start3A_96 = arith.constant 0 : i32
      %dma_start3A_97 = tpu.memref_slice %arg11[%dma_start3A_95, %dma_start3A_96] : memref<10240x128xf32, #tpu.memory_space<vmem_shared>> -> memref<10240x128xf32, #tpu.memory_space<vmem_shared>>
      tpu.enqueue_indirect_dma source(%arg9 : memref<128x128xf32, #tpu.memory_space<vmem>>) target(%dma_start3A_97 : memref<10240x128xf32, #tpu.memory_space<vmem_shared>>) offsets(%dma_start3A_94 : memref<128xi32, #tpu.memory_space<vmem>>) semaphore(%arg14 : memref<!tpu.dma_semaphore, #tpu.memory_space<semaphore_mem>>) {add = true}
      %mul3A_98 = arith.constant 2 : i32
      %mul3A_99 = arith.muli %mul3A_98, %while3A_66 : i32
      %add3A_100 = arith.constant 1 : i32
      %add3A_101 = arith.addi %mul3A_99, %add3A_100 : i32
      %add3A_102 = arith.constant 1 : i32
      %add3A_103 = arith.addi %add3A_101, %add3A_102 : i32
      %lt3A = arith.cmpi slt, %add3A_103, %select_n3A_8 : i32
      %convert_element_type3A_104 = arith.extui %lt3A : i1 to i32
      %cond3A_105 = arith.constant 0 : i32
      %cond3A_106 = arith.cmpi ne, %convert_element_type3A_104, %cond3A_105 : i32
      scf.if %cond3A_106 {
        %dma_wait3A_120 = arith.constant 0 : i32
        %dma_wait3A_121 = arith.constant 0 : i32
        %dma_wait3A_122 = tpu.memref_slice %arg4[%dma_wait3A_120, %dma_wait3A_121] : memref<10240x128xf32, #tpu.memory_space<hbm>> -> memref<128x128xf32, #tpu.memory_space<hbm>>
        %dma_wait3A_123 = arith.constant 0 : i32
        %dma_wait3A_124 = arith.constant 0 : i32
        %dma_wait3A_125 = tpu.memref_slice %arg4[%dma_wait3A_123, %dma_wait3A_124] : memref<10240x128xf32, #tpu.memory_space<hbm>> -> memref<128x128xf32, #tpu.memory_space<hbm>>
        tpu.wait_dma2 semaphore(%arg14 : memref<!tpu.dma_semaphore, #tpu.memory_space<semaphore_mem>>) src(%dma_wait3A_125 : memref<128x128xf32, #tpu.memory_space<hbm>>) dst(%arg9 : memref<128x128xf32, #tpu.memory_space<vmem>>)
        %add3A_126 = arith.addi %select_n3A, %add3A_101 : i32
        %add3A_127 = arith.constant 1 : i32
        %add3A_128 = arith.addi %add3A_126, %add3A_127 : i32
        "tpu.region"() ({
          %run_scoped3A = tpu.sem_alloc : memref<!tpu.dma_semaphore, #tpu.memory_space<semaphore_mem>>
          %dma_start3A_136 = arith.constant 0 : i32
          %dma_start3A_137 = arith.constant 0 : i32
          %dma_start3A_138 = tpu.memref_slice %arg3[%add3A_128, %dma_start3A_136, %dma_start3A_137] : memref<2560x2x128xi32, #tpu.memory_space<hbm>> -> memref<1x2x128xi32, #tpu.memory_space<hbm>>
          %dma_start3A_139 = tpu.memref_squeeze %dma_start3A_138 : memref<1x2x128xi32, #tpu.memory_space<hbm>> -> memref<2x128xi32, #tpu.memory_space<hbm>>
          %dma_start3A_140 = arith.constant 0 : i32
          %dma_start3A_141 = arith.constant 0 : i32
          %dma_start3A_142 = tpu.memref_slice %arg3[%add3A_128, %dma_start3A_140, %dma_start3A_141] : memref<2560x2x128xi32, #tpu.memory_space<hbm>> -> memref<1x2x128xi32, #tpu.memory_space<hbm>>
          %dma_start3A_143 = tpu.memref_squeeze %dma_start3A_142 : memref<1x2x128xi32, #tpu.memory_space<hbm>> -> memref<2x128xi32, #tpu.memory_space<hbm>>
          tpu.enqueue_dma source(%dma_start3A_143 : memref<2x128xi32, #tpu.memory_space<hbm>>) target(%arg7 : memref<2x128xi32, #tpu.memory_space<vmem>>) target_semaphore(%run_scoped3A : memref<!tpu.dma_semaphore, #tpu.memory_space<semaphore_mem>>)
          %dma_wait3A_144 = arith.constant 0 : i32
          %dma_wait3A_145 = arith.constant 0 : i32
          %dma_wait3A_146 = tpu.memref_slice %arg3[%add3A_128, %dma_wait3A_144, %dma_wait3A_145] : memref<2560x2x128xi32, #tpu.memory_space<hbm>> -> memref<1x2x128xi32, #tpu.memory_space<hbm>>
          %dma_wait3A_147 = tpu.memref_squeeze %dma_wait3A_146 : memref<1x2x128xi32, #tpu.memory_space<hbm>> -> memref<2x128xi32, #tpu.memory_space<hbm>>
          %dma_wait3A_148 = arith.constant 0 : i32
          %dma_wait3A_149 = arith.constant 0 : i32
          %dma_wait3A_150 = tpu.memref_slice %arg3[%add3A_128, %dma_wait3A_148, %dma_wait3A_149] : memref<2560x2x128xi32, #tpu.memory_space<hbm>> -> memref<1x2x128xi32, #tpu.memory_space<hbm>>
          %dma_wait3A_151 = tpu.memref_squeeze %dma_wait3A_150 : memref<1x2x128xi32, #tpu.memory_space<hbm>> -> memref<2x128xi32, #tpu.memory_space<hbm>>
          tpu.wait_dma2 semaphore(%run_scoped3A : memref<!tpu.dma_semaphore, #tpu.memory_space<semaphore_mem>>) src(%dma_wait3A_151 : memref<2x128xi32, #tpu.memory_space<hbm>>) dst(%arg7 : memref<2x128xi32, #tpu.memory_space<vmem>>)
          tpu.yield
        }) : () -> ()
        %dma_start3A_129 = arith.constant 0 : i32
        %dma_start3A_130 = arith.constant 0 : i32
        %dma_start3A_131 = tpu.memref_slice %arg7[%dma_start3A_129, %dma_start3A_130] : memref<2x128xi32, #tpu.memory_space<vmem>> -> memref<1x128xi32, #tpu.memory_space<vmem>>
        %dma_start3A_132 = tpu.memref_squeeze %dma_start3A_131 : memref<1x128xi32, #tpu.memory_space<vmem>> -> memref<128xi32, #tpu.memory_space<vmem>>
        %dma_start3A_133 = arith.constant 0 : i32
        %dma_start3A_134 = arith.constant 0 : i32
        %dma_start3A_135 = tpu.memref_slice %arg2[%dma_start3A_133, %dma_start3A_134] : memref<10000x128xf32, #tpu.memory_space<hbm>> -> memref<10000x128xf32, #tpu.memory_space<hbm>>
        tpu.enqueue_indirect_dma source(%dma_start3A_135 : memref<10000x128xf32, #tpu.memory_space<hbm>>) target(%arg9 : memref<128x128xf32, #tpu.memory_space<vmem>>) offsets(%dma_start3A_132 : memref<128xi32, #tpu.memory_space<vmem>>) semaphore(%arg12 : memref<!tpu.dma_semaphore, #tpu.memory_space<semaphore_mem>>)
      } else {
      }
      %dma_wait3A_107 = arith.constant 0 : i32
      %dma_wait3A_108 = arith.constant 0 : i32
      %dma_wait3A_109 = tpu.memref_slice %arg4[%dma_wait3A_107, %dma_wait3A_108] : memref<10240x128xf32, #tpu.memory_space<hbm>> -> memref<128x128xf32, #tpu.memory_space<hbm>>
      %dma_wait3A_110 = arith.constant 0 : i32
      %dma_wait3A_111 = arith.constant 0 : i32
      %dma_wait3A_112 = tpu.memref_slice %arg4[%dma_wait3A_110, %dma_wait3A_111] : memref<10240x128xf32, #tpu.memory_space<hbm>> -> memref<128x128xf32, #tpu.memory_space<hbm>>
      tpu.wait_dma2 semaphore(%arg13 : memref<!tpu.dma_semaphore, #tpu.memory_space<semaphore_mem>>) src(%dma_wait3A_112 : memref<128x128xf32, #tpu.memory_space<hbm>>) dst(%arg9 : memref<128x128xf32, #tpu.memory_space<vmem>>)
      %dma_start3A_113 = arith.constant 1 : i32
      %dma_start3A_114 = arith.constant 0 : i32
      %dma_start3A_115 = tpu.memref_slice %arg8[%dma_start3A_113, %dma_start3A_114] : memref<2x128xi32, #tpu.memory_space<vmem>> -> memref<1x128xi32, #tpu.memory_space<vmem>>
      %dma_start3A_116 = tpu.memref_squeeze %dma_start3A_115 : memref<1x128xi32, #tpu.memory_space<vmem>> -> memref<128xi32, #tpu.memory_space<vmem>>
      %dma_start3A_117 = arith.constant 0 : i32
      %dma_start3A_118 = arith.constant 0 : i32
      %dma_start3A_119 = tpu.memref_slice %arg11[%dma_start3A_117, %dma_start3A_118] : memref<10240x128xf32, #tpu.memory_space<vmem_shared>> -> memref<10240x128xf32, #tpu.memory_space<vmem_shared>>
      tpu.enqueue_indirect_dma source(%arg10 : memref<128x128xf32, #tpu.memory_space<vmem>>) target(%dma_start3A_119 : memref<10240x128xf32, #tpu.memory_space<vmem_shared>>) offsets(%dma_start3A_116 : memref<128xi32, #tpu.memory_space<vmem>>) semaphore(%arg15 : memref<!tpu.dma_semaphore, #tpu.memory_space<semaphore_mem>>) {add = true}
    }
    %while3A_45 = arith.constant 1 : i32
    scf.for %while3A_66 = %while3A_43 to %while3A_39 step %while3A_45  : i32 {
      %mul3A_67 = arith.constant 2 : i32
      %mul3A_68 = arith.muli %mul3A_67, %while3A_66 : i32
      %add3A_69 = arith.constant 0 : i32
      %add3A_70 = arith.addi %mul3A_68, %add3A_69 : i32
      %gt3A = arith.constant 0 : i32
      %gt3A_71 = arith.cmpi sgt, %while3A_66, %gt3A : i32
      %convert_element_type3A_72 = arith.extui %gt3A_71 : i1 to i32
      %cond3A_73 = arith.constant 0 : i32
      %cond3A_74 = arith.cmpi ne, %convert_element_type3A_72, %cond3A_73 : i32
      scf.if %cond3A_74 {
        %dma_wait3A_120 = arith.constant 0 : i32
        %dma_wait3A_121 = arith.constant 0 : i32
        %dma_wait3A_122 = tpu.memref_slice %arg4[%dma_wait3A_120, %dma_wait3A_121] : memref<10240x128xf32, #tpu.memory_space<hbm>> -> memref<128x128xf32, #tpu.memory_space<hbm>>
        %dma_wait3A_123 = arith.constant 0 : i32
        %dma_wait3A_124 = arith.constant 0 : i32
        %dma_wait3A_125 = tpu.memref_slice %arg4[%dma_wait3A_123, %dma_wait3A_124] : memref<10240x128xf32, #tpu.memory_space<hbm>> -> memref<128x128xf32, #tpu.memory_space<hbm>>
        tpu.wait_dma2 semaphore(%arg15 : memref<!tpu.dma_semaphore, #tpu.memory_space<semaphore_mem>>) src(%dma_wait3A_125 : memref<128x128xf32, #tpu.memory_space<hbm>>) dst(%arg9 : memref<128x128xf32, #tpu.memory_space<vmem>>)
      } else {
      }
      %add3A_75 = arith.addi %select_n3A, %add3A_70 : i32
      %add3A_76 = arith.constant 1 : i32
      %add3A_77 = arith.addi %add3A_75, %add3A_76 : i32
      "tpu.region"() ({
        %run_scoped3A = tpu.sem_alloc : memref<!tpu.dma_semaphore, #tpu.memory_space<semaphore_mem>>
        %dma_start3A_120 = arith.constant 0 : i32
        %dma_start3A_121 = arith.constant 0 : i32
        %dma_start3A_122 = tpu.memref_slice %arg3[%add3A_77, %dma_start3A_120, %dma_start3A_121] : memref<2560x2x128xi32, #tpu.memory_space<hbm>> -> memref<1x2x128xi32, #tpu.memory_space<hbm>>
        %dma_start3A_123 = tpu.memref_squeeze %dma_start3A_122 : memref<1x2x128xi32, #tpu.memory_space<hbm>> -> memref<2x128xi32, #tpu.memory_space<hbm>>
        %dma_start3A_124 = arith.constant 0 : i32
        %dma_start3A_125 = arith.constant 0 : i32
        %dma_start3A_126 = tpu.memref_slice %arg3[%add3A_77, %dma_start3A_124, %dma_start3A_125] : memref<2560x2x128xi32, #tpu.memory_space<hbm>> -> memref<1x2x128xi32, #tpu.memory_space<hbm>>
        %dma_start3A_127 = tpu.memref_squeeze %dma_start3A_126 : memref<1x2x128xi32, #tpu.memory_space<hbm>> -> memref<2x128xi32, #tpu.memory_space<hbm>>
        tpu.enqueue_dma source(%dma_start3A_127 : memref<2x128xi32, #tpu.memory_space<hbm>>) target(%arg8 : memref<2x128xi32, #tpu.memory_space<vmem>>) target_semaphore(%run_scoped3A : memref<!tpu.dma_semaphore, #tpu.memory_space<semaphore_mem>>)
        %dma_wait3A_128 = arith.constant 0 : i32
        %dma_wait3A_129 = arith.constant 0 : i32
        %dma_wait3A_130 = tpu.memref_slice %arg3[%add3A_77, %dma_wait3A_128, %dma_wait3A_129] : memref<2560x2x128xi32, #tpu.memory_space<hbm>> -> memref<1x2x128xi32, #tpu.memory_space<hbm>>
        %dma_wait3A_131 = tpu.memref_squeeze %dma_wait3A_130 : memref<1x2x128xi32, #tpu.memory_space<hbm>> -> memref<2x128xi32, #tpu.memory_space<hbm>>
        %dma_wait3A_132 = arith.constant 0 : i32
        %dma_wait3A_133 = arith.constant 0 : i32
        %dma_wait3A_134 = tpu.memref_slice %arg3[%add3A_77, %dma_wait3A_132, %dma_wait3A_133] : memref<2560x2x128xi32, #tpu.memory_space<hbm>> -> memref<1x2x128xi32, #tpu.memory_space<hbm>>
        %dma_wait3A_135 = tpu.memref_squeeze %dma_wait3A_134 : memref<1x2x128xi32, #tpu.memory_space<hbm>> -> memref<2x128xi32, #tpu.memory_space<hbm>>
        tpu.wait_dma2 semaphore(%run_scoped3A : memref<!tpu.dma_semaphore, #tpu.memory_space<semaphore_mem>>) src(%dma_wait3A_135 : memref<2x128xi32, #tpu.memory_space<hbm>>) dst(%arg8 : memref<2x128xi32, #tpu.memory_space<vmem>>)
        tpu.yield
      }) : () -> ()
      %dma_start3A_78 = arith.constant 0 : i32
      %dma_start3A_79 = arith.constant 0 : i32
      %dma_start3A_80 = tpu.memref_slice %arg8[%dma_start3A_78, %dma_start3A_79] : memref<2x128xi32, #tpu.memory_space<vmem>> -> memref<1x128xi32, #tpu.memory_space<vmem>>
      %dma_start3A_81 = tpu.memref_squeeze %dma_start3A_80 : memref<1x128xi32, #tpu.memory_space<vmem>> -> memref<128xi32, #tpu.memory_space<vmem>>
      %dma_start3A_82 = arith.constant 0 : i32
      %dma_start3A_83 = arith.constant 0 : i32
      %dma_start3A_84 = tpu.memref_slice %arg2[%dma_start3A_82, %dma_start3A_83] : memref<10000x128xf32, #tpu.memory_space<hbm>> -> memref<10000x128xf32, #tpu.memory_space<hbm>>
      tpu.enqueue_indirect_dma source(%dma_start3A_84 : memref<10000x128xf32, #tpu.memory_space<hbm>>) target(%arg10 : memref<128x128xf32, #tpu.memory_space<vmem>>) offsets(%dma_start3A_81 : memref<128xi32, #tpu.memory_space<vmem>>) semaphore(%arg13 : memref<!tpu.dma_semaphore, #tpu.memory_space<semaphore_mem>>)
      %dma_wait3A_85 = arith.constant 0 : i32
      %dma_wait3A_86 = arith.constant 0 : i32
      %dma_wait3A_87 = tpu.memref_slice %arg4[%dma_wait3A_85, %dma_wait3A_86] : memref<10240x128xf32, #tpu.memory_space<hbm>> -> memref<128x128xf32, #tpu.memory_space<hbm>>
      %dma_wait3A_88 = arith.constant 0 : i32
      %dma_wait3A_89 = arith.constant 0 : i32
      %dma_wait3A_90 = tpu.memref_slice %arg4[%dma_wait3A_88, %dma_wait3A_89] : memref<10240x128xf32, #tpu.memory_space<hbm>> -> memref<128x128xf32, #tpu.memory_space<hbm>>
      tpu.wait_dma2 semaphore(%arg12 : memref<!tpu.dma_semaphore, #tpu.memory_space<semaphore_mem>>) src(%dma_wait3A_90 : memref<128x128xf32, #tpu.memory_space<hbm>>) dst(%arg9 : memref<128x128xf32, #tpu.memory_space<vmem>>)
      %dma_start3A_91 = arith.constant 1 : i32
      %dma_start3A_92 = arith.constant 0 : i32
      %dma_start3A_93 = tpu.memref_slice %arg7[%dma_start3A_91, %dma_start3A_92] : memref<2x128xi32, #tpu.memory_space<vmem>> -> memref<1x128xi32, #tpu.memory_space<vmem>>
      %dma_start3A_94 = tpu.memref_squeeze %dma_start3A_93 : memref<1x128xi32, #tpu.memory_space<vmem>> -> memref<128xi32, #tpu.memory_space<vmem>>
      %dma_start3A_95 = arith.constant 0 : i32
      %dma_start3A_96 = arith.constant 0 : i32
      %dma_start3A_97 = tpu.memref_slice %arg11[%dma_start3A_95, %dma_start3A_96] : memref<10240x128xf32, #tpu.memory_space<vmem_shared>> -> memref<10240x128xf32, #tpu.memory_space<vmem_shared>>
      tpu.enqueue_indirect_dma source(%arg9 : memref<128x128xf32, #tpu.memory_space<vmem>>) target(%dma_start3A_97 : memref<10240x128xf32, #tpu.memory_space<vmem_shared>>) offsets(%dma_start3A_94 : memref<128xi32, #tpu.memory_space<vmem>>) semaphore(%arg14 : memref<!tpu.dma_semaphore, #tpu.memory_space<semaphore_mem>>) {add = true}
      %mul3A_98 = arith.constant 2 : i32
      %mul3A_99 = arith.muli %mul3A_98, %while3A_66 : i32
      %add3A_100 = arith.constant 1 : i32
      %add3A_101 = arith.addi %mul3A_99, %add3A_100 : i32
      %add3A_102 = arith.constant 1 : i32
      %add3A_103 = arith.addi %add3A_101, %add3A_102 : i32
      %lt3A = arith.cmpi slt, %add3A_103, %select_n3A_8 : i32
      %convert_element_type3A_104 = arith.extui %lt3A : i1 to i32
      %cond3A_105 = arith.constant 0 : i32
      %cond3A_106 = arith.cmpi ne, %convert_element_type3A_104, %cond3A_105 : i32
      scf.if %cond3A_106 {
        %dma_wait3A_120 = arith.constant 0 : i32
        %dma_wait3A_121 = arith.constant 0 : i32
        %dma_wait3A_122 = tpu.memref_slice %arg4[%dma_wait3A_120, %dma_wait3A_121] : memref<10240x128xf32, #tpu.memory_space<hbm>> -> memref<128x128xf32, #tpu.memory_space<hbm>>
        %dma_wait3A_123 = arith.constant 0 : i32
        %dma_wait3A_124 = arith.constant 0 : i32
        %dma_wait3A_125 = tpu.memref_slice %arg4[%dma_wait3A_123, %dma_wait3A_124] : memref<10240x128xf32, #tpu.memory_space<hbm>> -> memref<128x128xf32, #tpu.memory_space<hbm>>
        tpu.wait_dma2 semaphore(%arg14 : memref<!tpu.dma_semaphore, #tpu.memory_space<semaphore_mem>>) src(%dma_wait3A_125 : memref<128x128xf32, #tpu.memory_space<hbm>>) dst(%arg9 : memref<128x128xf32, #tpu.memory_space<vmem>>)
        %add3A_126 = arith.addi %select_n3A, %add3A_101 : i32
        %add3A_127 = arith.constant 1 : i32
        %add3A_128 = arith.addi %add3A_126, %add3A_127 : i32
        "tpu.region"() ({
          %run_scoped3A = tpu.sem_alloc : memref<!tpu.dma_semaphore, #tpu.memory_space<semaphore_mem>>
          %dma_start3A_136 = arith.constant 0 : i32
          %dma_start3A_137 = arith.constant 0 : i32
          %dma_start3A_138 = tpu.memref_slice %arg3[%add3A_128, %dma_start3A_136, %dma_start3A_137] : memref<2560x2x128xi32, #tpu.memory_space<hbm>> -> memref<1x2x128xi32, #tpu.memory_space<hbm>>
          %dma_start3A_139 = tpu.memref_squeeze %dma_start3A_138 : memref<1x2x128xi32, #tpu.memory_space<hbm>> -> memref<2x128xi32, #tpu.memory_space<hbm>>
          %dma_start3A_140 = arith.constant 0 : i32
          %dma_start3A_141 = arith.constant 0 : i32
          %dma_start3A_142 = tpu.memref_slice %arg3[%add3A_128, %dma_start3A_140, %dma_start3A_141] : memref<2560x2x128xi32, #tpu.memory_space<hbm>> -> memref<1x2x128xi32, #tpu.memory_space<hbm>>
          %dma_start3A_143 = tpu.memref_squeeze %dma_start3A_142 : memref<1x2x128xi32, #tpu.memory_space<hbm>> -> memref<2x128xi32, #tpu.memory_space<hbm>>
          tpu.enqueue_dma source(%dma_start3A_143 : memref<2x128xi32, #tpu.memory_space<hbm>>) target(%arg7 : memref<2x128xi32, #tpu.memory_space<vmem>>) target_semaphore(%run_scoped3A : memref<!tpu.dma_semaphore, #tpu.memory_space<semaphore_mem>>)
          %dma_wait3A_144 = arith.constant 0 : i32
          %dma_wait3A_145 = arith.constant 0 : i32
          %dma_wait3A_146 = tpu.memref_slice %arg3[%add3A_128, %dma_wait3A_144, %dma_wait3A_145] : memref<2560x2x128xi32, #tpu.memory_space<hbm>> -> memref<1x2x128xi32, #tpu.memory_space<hbm>>
          %dma_wait3A_147 = tpu.memref_squeeze %dma_wait3A_146 : memref<1x2x128xi32, #tpu.memory_space<hbm>> -> memref<2x128xi32, #tpu.memory_space<hbm>>
          %dma_wait3A_148 = arith.constant 0 : i32
          %dma_wait3A_149 = arith.constant 0 : i32
          %dma_wait3A_150 = tpu.memref_slice %arg3[%add3A_128, %dma_wait3A_148, %dma_wait3A_149] : memref<2560x2x128xi32, #tpu.memory_space<hbm>> -> memref<1x2x128xi32, #tpu.memory_space<hbm>>
          %dma_wait3A_151 = tpu.memref_squeeze %dma_wait3A_150 : memref<1x2x128xi32, #tpu.memory_space<hbm>> -> memref<2x128xi32, #tpu.memory_space<hbm>>
          tpu.wait_dma2 semaphore(%run_scoped3A : memref<!tpu.dma_semaphore, #tpu.memory_space<semaphore_mem>>) src(%dma_wait3A_151 : memref<2x128xi32, #tpu.memory_space<hbm>>) dst(%arg7 : memref<2x128xi32, #tpu.memory_space<vmem>>)
          tpu.yield
        }) : () -> ()
        %dma_start3A_129 = arith.constant 0 : i32
        %dma_start3A_130 = arith.constant 0 : i32
        %dma_start3A_131 = tpu.memref_slice %arg7[%dma_start3A_129, %dma_start3A_130] : memref<2x128xi32, #tpu.memory_space<vmem>> -> memref<1x128xi32, #tpu.memory_space<vmem>>
        %dma_start3A_132 = tpu.memref_squeeze %dma_start3A_131 : memref<1x128xi32, #tpu.memory_space<vmem>> -> memref<128xi32, #tpu.memory_space<vmem>>
        %dma_start3A_133 = arith.constant 0 : i32
        %dma_start3A_134 = arith.constant 0 : i32
        %dma_start3A_135 = tpu.memref_slice %arg2[%dma_start3A_133, %dma_start3A_134] : memref<10000x128xf32, #tpu.memory_space<hbm>> -> memref<10000x128xf32, #tpu.memory_space<hbm>>
        tpu.enqueue_indirect_dma source(%dma_start3A_135 : memref<10000x128xf32, #tpu.memory_space<hbm>>) target(%arg9 : memref<128x128xf32, #tpu.memory_space<vmem>>) offsets(%dma_start3A_132 : memref<128xi32, #tpu.memory_space<vmem>>) semaphore(%arg12 : memref<!tpu.dma_semaphore, #tpu.memory_space<semaphore_mem>>)
      } else {
      }
      %dma_wait3A_107 = arith.constant 0 : i32
      %dma_wait3A_108 = arith.constant 0 : i32
      %dma_wait3A_109 = tpu.memref_slice %arg4[%dma_wait3A_107, %dma_wait3A_108] : memref<10240x128xf32, #tpu.memory_space<hbm>> -> memref<128x128xf32, #tpu.memory_space<hbm>>
      %dma_wait3A_110 = arith.constant 0 : i32
      %dma_wait3A_111 = arith.constant 0 : i32
      %dma_wait3A_112 = tpu.memref_slice %arg4[%dma_wait3A_110, %dma_wait3A_111] : memref<10240x128xf32, #tpu.memory_space<hbm>> -> memref<128x128xf32, #tpu.memory_space<hbm>>
      tpu.wait_dma2 semaphore(%arg13 : memref<!tpu.dma_semaphore, #tpu.memory_space<semaphore_mem>>) src(%dma_wait3A_112 : memref<128x128xf32, #tpu.memory_space<hbm>>) dst(%arg9 : memref<128x128xf32, #tpu.memory_space<vmem>>)
      %dma_start3A_113 = arith.constant 1 : i32
      %dma_start3A_114 = arith.constant 0 : i32
      %dma_start3A_115 = tpu.memref_slice %arg8[%dma_start3A_113, %dma_start3A_114] : memref<2x128xi32, #tpu.memory_space<vmem>> -> memref<1x128xi32, #tpu.memory_space<vmem>>
      %dma_start3A_116 = tpu.memref_squeeze %dma_start3A_115 : memref<1x128xi32, #tpu.memory_space<vmem>> -> memref<128xi32, #tpu.memory_space<vmem>>
      %dma_start3A_117 = arith.constant 0 : i32
      %dma_start3A_118 = arith.constant 0 : i32
      %dma_start3A_119 = tpu.memref_slice %arg11[%dma_start3A_117, %dma_start3A_118] : memref<10240x128xf32, #tpu.memory_space<vmem_shared>> -> memref<10240x128xf32, #tpu.memory_space<vmem_shared>>
      tpu.enqueue_indirect_dma source(%arg10 : memref<128x128xf32, #tpu.memory_space<vmem>>) target(%dma_start3A_119 : memref<10240x128xf32, #tpu.memory_space<vmem_shared>>) offsets(%dma_start3A_116 : memref<128xi32, #tpu.memory_space<vmem>>) semaphore(%arg15 : memref<!tpu.dma_semaphore, #tpu.memory_space<semaphore_mem>>) {add = true}
    }
    %dma_wait3A = arith.constant 0 : i32
    %dma_wait3A_46 = arith.constant 0 : i32
    %dma_wait3A_47 = tpu.memref_slice %arg4[%dma_wait3A, %dma_wait3A_46] : memref<10240x128xf32, #tpu.memory_space<hbm>> -> memref<128x128xf32, #tpu.memory_space<hbm>>
    %dma_wait3A_48 = arith.constant 0 : i32
    %dma_wait3A_49 = arith.constant 0 : i32
    %dma_wait3A_50 = tpu.memref_slice %arg4[%dma_wait3A_48, %dma_wait3A_49] : memref<10240x128xf32, #tpu.memory_space<hbm>> -> memref<128x128xf32, #tpu.memory_space<hbm>>
    tpu.wait_dma2 semaphore(%arg14 : memref<!tpu.dma_semaphore, #tpu.memory_space<semaphore_mem>>) src(%dma_wait3A_50 : memref<128x128xf32, #tpu.memory_space<hbm>>) dst(%arg9 : memref<128x128xf32, #tpu.memory_space<vmem>>)
    %dma_wait3A_51 = arith.constant 0 : i32
    %dma_wait3A_52 = arith.constant 0 : i32
    %dma_wait3A_53 = tpu.memref_slice %arg4[%dma_wait3A_51, %dma_wait3A_52] : memref<10240x128xf32, #tpu.memory_space<hbm>> -> memref<128x128xf32, #tpu.memory_space<hbm>>
    %dma_wait3A_54 = arith.constant 0 : i32
    %dma_wait3A_55 = arith.constant 0 : i32
    %dma_wait3A_56 = tpu.memref_slice %arg4[%dma_wait3A_54, %dma_wait3A_55] : memref<10240x128xf32, #tpu.memory_space<hbm>> -> memref<128x128xf32, #tpu.memory_space<hbm>>
    tpu.wait_dma2 semaphore(%arg15 : memref<!tpu.dma_semaphore, #tpu.memory_space<semaphore_mem>>) src(%dma_wait3A_56 : memref<128x128xf32, #tpu.memory_space<hbm>>) dst(%arg9 : memref<128x128xf32, #tpu.memory_space<vmem>>)
    %barrier3A_57 = arith.constant 0 : index
    tpu.barrier barrier_id(%barrier3A_57)
    %eq3A_58 = arith.constant 0 : i32
    %eq3A_59 = arith.cmpi eq, %arg0, %eq3A_58 : i32
    %convert_element_type3A = arith.extui %eq3A_59 : i1 to i32
    %cond3A = arith.constant 0 : i32
    %cond3A_60 = arith.cmpi ne, %convert_element_type3A, %cond3A : i32
    scf.if %cond3A_60 {
      %mul3A_66 = arith.constant 640 : i32
      %mul3A_67 = arith.muli %arg1, %mul3A_66 : i32
      %mul3A_68 = arith.constant 640 : i32
      %mul3A_69 = arith.muli %arg1, %mul3A_68 : i32
      "tpu.region"() ({
        %run_scoped3A = tpu.sem_alloc : memref<!tpu.dma_semaphore, #tpu.memory_space<semaphore_mem>>
        %dma_start3A_70 = arith.constant 0 : i32
        %dma_start3A_71 = tpu.memref_slice %arg5[%mul3A_69, %dma_start3A_70] : memref<10240x128xf32, #tpu.memory_space<hbm>> -> memref<640x128xf32, #tpu.memory_space<hbm>>
        %dma_start3A_72 = arith.constant 0 : i32
        %dma_start3A_73 = tpu.memref_slice %arg11[%mul3A_67, %dma_start3A_72] : memref<10240x128xf32, #tpu.memory_space<vmem_shared>> -> memref<640x128xf32, #tpu.memory_space<vmem_shared>>
        tpu.enqueue_dma source(%dma_start3A_73 : memref<640x128xf32, #tpu.memory_space<vmem_shared>>) target(%dma_start3A_71 : memref<640x128xf32, #tpu.memory_space<hbm>>) target_semaphore(%run_scoped3A : memref<!tpu.dma_semaphore, #tpu.memory_space<semaphore_mem>>)
        %dma_wait3A_74 = arith.constant 0 : i32
        %dma_wait3A_75 = tpu.memref_slice %arg5[%mul3A_69, %dma_wait3A_74] : memref<10240x128xf32, #tpu.memory_space<hbm>> -> memref<640x128xf32, #tpu.memory_space<hbm>>
        %dma_wait3A_76 = arith.constant 0 : i32
        %dma_wait3A_77 = tpu.memref_slice %arg11[%mul3A_67, %dma_wait3A_76] : memref<10240x128xf32, #tpu.memory_space<vmem_shared>> -> memref<640x128xf32, #tpu.memory_space<vmem_shared>>
        tpu.wait_dma2 semaphore(%run_scoped3A : memref<!tpu.dma_semaphore, #tpu.memory_space<semaphore_mem>>) src(%dma_wait3A_77 : memref<640x128xf32, #tpu.memory_space<vmem_shared>>) dst(%dma_wait3A_75 : memref<640x128xf32, #tpu.memory_space<hbm>>)
        tpu.yield
      }) : () -> ()
    } else {
    }
    %eq3A_61 = arith.constant 1 : i32
    %eq3A_62 = arith.cmpi eq, %arg0, %eq3A_61 : i32
    %convert_element_type3A_63 = arith.extui %eq3A_62 : i1 to i32
    %cond3A_64 = arith.constant 0 : i32
    %cond3A_65 = arith.cmpi ne, %convert_element_type3A_63, %cond3A_64 : i32
    scf.if %cond3A_65 {
      %mul3A_66 = arith.constant 640 : i32
      %mul3A_67 = arith.muli %arg1, %mul3A_66 : i32
      %mul3A_68 = arith.constant 640 : i32
      %mul3A_69 = arith.muli %arg1, %mul3A_68 : i32
      "tpu.region"() ({
        %run_scoped3A = tpu.sem_alloc : memref<!tpu.dma_semaphore, #tpu.memory_space<semaphore_mem>>
        %dma_start3A_70 = arith.constant 0 : i32
        %dma_start3A_71 = tpu.memref_slice %arg6[%mul3A_69, %dma_start3A_70] : memref<10240x128xf32, #tpu.memory_space<hbm>> -> memref<640x128xf32, #tpu.memory_space<hbm>>
        %dma_start3A_72 = arith.constant 0 : i32
        %dma_start3A_73 = tpu.memref_slice %arg11[%mul3A_67, %dma_start3A_72] : memref<10240x128xf32, #tpu.memory_space<vmem_shared>> -> memref<640x128xf32, #tpu.memory_space<vmem_shared>>
        tpu.enqueue_dma source(%dma_start3A_73 : memref<640x128xf32, #tpu.memory_space<vmem_shared>>) target(%dma_start3A_71 : memref<640x128xf32, #tpu.memory_space<hbm>>) target_semaphore(%run_scoped3A : memref<!tpu.dma_semaphore, #tpu.memory_space<semaphore_mem>>)
        %dma_wait3A_74 = arith.constant 0 : i32
        %dma_wait3A_75 = tpu.memref_slice %arg6[%mul3A_69, %dma_wait3A_74] : memref<10240x128xf32, #tpu.memory_space<hbm>> -> memref<640x128xf32, #tpu.memory_space<hbm>>
        %dma_wait3A_76 = arith.constant 0 : i32
        %dma_wait3A_77 = tpu.memref_slice %arg11[%mul3A_67, %dma_wait3A_76] : memref<10240x128xf32, #tpu.memory_space<vmem_shared>> -> memref<640x128xf32, #tpu.memory_space<vmem_shared>>
        tpu.wait_dma2 semaphore(%run_scoped3A : memref<!tpu.dma_semaphore, #tpu.memory_space<semaphore_mem>>) src(%dma_wait3A_77 : memref<640x128xf32, #tpu.memory_space<vmem_shared>>) dst(%dma_wait3A_75 : memref<640x128xf32, #tpu.memory_space<hbm>>)
        tpu.yield
      }) : () -> ()
    } else {
    }
    return
  }
}

#map = affine_map<(d0, d1) -> (0, 0)>
#map1 = affine_map<(d0, d1) -> (0, 0, 0)>
module attributes {stable_mosaic.version = 14 : i64} {
  func.func @_edge_accum_body(%arg0: i32, %arg1: i32, %arg2: memref<10000x128xf32, #tpu.memory_space<hbm>>, %arg3: memref<2560x2x128xi32, #tpu.memory_space<hbm>>, %arg4: memref<10240x128xf32, #tpu.memory_space<hbm>>, %arg5: memref<10240x128xf32, #tpu.memory_space<hbm>>, %arg6: memref<10240x128xf32, #tpu.memory_space<hbm>>, %arg7: memref<2x128xi32, #tpu.memory_space<vmem>>, %arg8: memref<2x128xi32, #tpu.memory_space<vmem>>, %arg9: memref<128x128xf32, #tpu.memory_space<vmem>>, %arg10: memref<128x128xf32, #tpu.memory_space<vmem>>, %arg11: memref<10240x128xf32, #tpu.memory_space<vmem_shared>>, %arg12: memref<!tpu.dma_semaphore, #tpu.memory_space<semaphore_mem>>, %arg13: memref<!tpu.dma_semaphore, #tpu.memory_space<semaphore_mem>>, %arg14: memref<!tpu.dma_semaphore, #tpu.memory_space<semaphore_mem>>, %arg15: memref<!tpu.dma_semaphore, #tpu.memory_space<semaphore_mem>>) attributes {dimension_semantics = [#tpu.dimension_semantics<core_parallel>, #tpu.dimension_semantics<subcore_parallel>], iteration_bounds = array<i64: 2, 16>, scalar_prefetch = 0 : i64, scratch_operands = 9 : i64, tpu.core_type = #tpu.core_type<sc_vector_subcore>, window_params = [{transform_indices = #map}, {transform_indices = #map1}, {transform_indices = #map}, {transform_indices = #map}, {transform_indices = #map}]} {
    %eq3A = arith.constant 0 : i32
    %eq3A_0 = arith.cmpi eq, %arg0, %eq3A : i32
    %mul3A = arith.constant 156 : i32
    %mul3A_1 = arith.muli %arg1, %mul3A : i32
    %mul3A_2 = arith.constant 4 : i32
    %mul3A_3 = arith.muli %arg1, %mul3A_2 : i32
    %add3A = arith.constant 2496 : i32
    %add3A_4 = arith.addi %add3A, %mul3A_3 : i32
    %select_n3A = arith.select %eq3A_0, %mul3A_1, %add3A_4 : i32
    %eq3A_5 = arith.constant 0 : i32
    %eq3A_6 = arith.cmpi eq, %arg0, %eq3A_5 : i32
    %jit3A = arith.constant 156 : i32
    %jit3A_7 = arith.constant 4 : i32
    %select_n3A_8 = arith.select %eq3A_6, %jit3A, %jit3A_7 : i32
    %mul3A_9 = arith.constant 640 : i32
    %mul3A_10 = arith.muli %arg1, %mul3A_9 : i32
    %mul3A_11 = arith.constant 640 : i32
    %mul3A_12 = arith.muli %arg1, %mul3A_11 : i32
    "tpu.region"() ({
      %run_scoped3A = tpu.sem_alloc : memref<!tpu.dma_semaphore, #tpu.memory_space<semaphore_mem>>
      %dma_start3A_66 = arith.constant 0 : i32
      %dma_start3A_67 = tpu.memref_slice %arg11[%mul3A_12, %dma_start3A_66] : memref<10240x128xf32, #tpu.memory_space<vmem_shared>> -> memref<640x128xf32, #tpu.memory_space<vmem_shared>>
      %dma_start3A_68 = arith.constant 0 : i32
      %dma_start3A_69 = tpu.memref_slice %arg4[%mul3A_10, %dma_start3A_68] : memref<10240x128xf32, #tpu.memory_space<hbm>> -> memref<640x128xf32, #tpu.memory_space<hbm>>
      tpu.enqueue_dma source(%dma_start3A_69 : memref<640x128xf32, #tpu.memory_space<hbm>>) target(%dma_start3A_67 : memref<640x128xf32, #tpu.memory_space<vmem_shared>>) target_semaphore(%run_scoped3A : memref<!tpu.dma_semaphore, #tpu.memory_space<semaphore_mem>>)
      %dma_wait3A_70 = arith.constant 0 : i32
      %dma_wait3A_71 = tpu.memref_slice %arg11[%mul3A_12, %dma_wait3A_70] : memref<10240x128xf32, #tpu.memory_space<vmem_shared>> -> memref<640x128xf32, #tpu.memory_space<vmem_shared>>
      %dma_wait3A_72 = arith.constant 0 : i32
      %dma_wait3A_73 = tpu.memref_slice %arg4[%mul3A_10, %dma_wait3A_72] : memref<10240x128xf32, #tpu.memory_space<hbm>> -> memref<640x128xf32, #tpu.memory_space<hbm>>
      tpu.wait_dma2 semaphore(%run_scoped3A : memref<!tpu.dma_semaphore, #tpu.memory_space<semaphore_mem>>) src(%dma_wait3A_73 : memref<640x128xf32, #tpu.memory_space<hbm>>) dst(%dma_wait3A_71 : memref<640x128xf32, #tpu.memory_space<vmem_shared>>)
      tpu.yield
    }) : () -> ()
    %barrier3A = arith.constant 0 : index
    tpu.barrier barrier_id(%barrier3A)
    "tpu.region"() ({
      %run_scoped3A = tpu.sem_alloc : memref<!tpu.dma_semaphore, #tpu.memory_space<semaphore_mem>>
      %dma_start3A_66 = arith.constant 0 : i32
      %dma_start3A_67 = arith.constant 0 : i32
      %dma_start3A_68 = tpu.memref_slice %arg3[%select_n3A, %dma_start3A_66, %dma_start3A_67] : memref<2560x2x128xi32, #tpu.memory_space<hbm>> -> memref<1x2x128xi32, #tpu.memory_space<hbm>>
      %dma_start3A_69 = tpu.memref_squeeze %dma_start3A_68 : memref<1x2x128xi32, #tpu.memory_space<hbm>> -> memref<2x128xi32, #tpu.memory_space<hbm>>
      %dma_start3A_70 = arith.constant 0 : i32
      %dma_start3A_71 = arith.constant 0 : i32
      %dma_start3A_72 = tpu.memref_slice %arg3[%select_n3A, %dma_start3A_70, %dma_start3A_71] : memref<2560x2x128xi32, #tpu.memory_space<hbm>> -> memref<1x2x128xi32, #tpu.memory_space<hbm>>
      %dma_start3A_73 = tpu.memref_squeeze %dma_start3A_72 : memref<1x2x128xi32, #tpu.memory_space<hbm>> -> memref<2x128xi32, #tpu.memory_space<hbm>>
      tpu.enqueue_dma source(%dma_start3A_73 : memref<2x128xi32, #tpu.memory_space<hbm>>) target(%arg7 : memref<2x128xi32, #tpu.memory_space<vmem>>) target_semaphore(%run_scoped3A : memref<!tpu.dma_semaphore, #tpu.memory_space<semaphore_mem>>)
      %dma_wait3A_74 = arith.constant 0 : i32
      %dma_wait3A_75 = arith.constant 0 : i32
      %dma_wait3A_76 = tpu.memref_slice %arg3[%select_n3A, %dma_wait3A_74, %dma_wait3A_75] : memref<2560x2x128xi32, #tpu.memory_space<hbm>> -> memref<1x2x128xi32, #tpu.memory_space<hbm>>
      %dma_wait3A_77 = tpu.memref_squeeze %dma_wait3A_76 : memref<1x2x128xi32, #tpu.memory_space<hbm>> -> memref<2x128xi32, #tpu.memory_space<hbm>>
      %dma_wait3A_78 = arith.constant 0 : i32
      %dma_wait3A_79 = arith.constant 0 : i32
      %dma_wait3A_80 = tpu.memref_slice %arg3[%select_n3A, %dma_wait3A_78, %dma_wait3A_79] : memref<2560x2x128xi32, #tpu.memory_space<hbm>> -> memref<1x2x128xi32, #tpu.memory_space<hbm>>
      %dma_wait3A_81 = tpu.memref_squeeze %dma_wait3A_80 : memref<1x2x128xi32, #tpu.memory_space<hbm>> -> memref<2x128xi32, #tpu.memory_space<hbm>>
      tpu.wait_dma2 semaphore(%run_scoped3A : memref<!tpu.dma_semaphore, #tpu.memory_space<semaphore_mem>>) src(%dma_wait3A_81 : memref<2x128xi32, #tpu.memory_space<hbm>>) dst(%arg7 : memref<2x128xi32, #tpu.memory_space<vmem>>)
      tpu.yield
    }) : () -> ()
    %dma_start3A = arith.constant 0 : i32
    %dma_start3A_13 = arith.constant 0 : i32
    %dma_start3A_14 = tpu.memref_slice %arg7[%dma_start3A, %dma_start3A_13] : memref<2x128xi32, #tpu.memory_space<vmem>> -> memref<1x128xi32, #tpu.memory_space<vmem>>
    %dma_start3A_15 = tpu.memref_squeeze %dma_start3A_14 : memref<1x128xi32, #tpu.memory_space<vmem>> -> memref<128xi32, #tpu.memory_space<vmem>>
    %dma_start3A_16 = arith.constant 0 : i32
    %dma_start3A_17 = arith.constant 0 : i32
    %dma_start3A_18 = tpu.memref_slice %arg2[%dma_start3A_16, %dma_start3A_17] : memref<10000x128xf32, #tpu.memory_space<hbm>> -> memref<10000x128xf32, #tpu.memory_space<hbm>>
    tpu.enqueue_indirect_dma source(%dma_start3A_18 : memref<10000x128xf32, #tpu.memory_space<hbm>>) target(%arg9 : memref<128x128xf32, #tpu.memory_space<vmem>>) offsets(%dma_start3A_15 : memref<128xi32, #tpu.memory_space<vmem>>) semaphore(%arg12 : memref<!tpu.dma_semaphore, #tpu.memory_space<semaphore_mem>>)
    %jit3A_19 = arith.constant 2 : i32
    %div3A = arith.divsi %select_n3A_8, %jit3A_19 : i32
    %sign3A = arith.constant 0 : i32
    %sign3A_20 = arith.cmpi sgt, %select_n3A_8, %sign3A : i32
    %sign3A_21 = arith.extui %sign3A_20 : i1 to i32
    %sign3A_22 = arith.constant 0 : i32
    %sign3A_23 = arith.cmpi slt, %select_n3A_8, %sign3A_22 : i32
    %sign3A_24 = arith.extui %sign3A_23 : i1 to i32
    %sign3A_25 = arith.subi %sign3A_21, %sign3A_24 : i32
    %sign3A_26 = arith.constant 0 : i32
    %sign3A_27 = arith.cmpi sgt, %jit3A_19, %sign3A_26 : i32
    %sign3A_28 = arith.extui %sign3A_27 : i1 to i32
    %sign3A_29 = arith.constant 0 : i32
    %sign3A_30 = arith.cmpi slt, %jit3A_19, %sign3A_29 : i32
    %sign3A_31 = arith.extui %sign3A_30 : i1 to i32
    %sign3A_32 = arith.subi %sign3A_28, %sign3A_31 : i32
    %ne3A = arith.cmpi ne, %sign3A_25, %sign3A_32 : i32
    %rem3A = arith.remsi %select_n3A_8, %jit3A_19 : i32
    %ne3A_33 = arith.constant 0 : i32
    %ne3A_34 = arith.cmpi ne, %rem3A, %ne3A_33 : i32
    %and3A = arith.andi %ne3A, %ne3A_34 : i1
    %sub3A = arith.constant 1 : i32
    %sub3A_35 = arith.subi %div3A, %sub3A : i32
    %select_n3A_36 = arith.select %and3A, %sub3A_35, %div3A : i32
    %while3A = arith.constant 0 : i32
    %while3A_37 = arith.constant 0 : i32
    %while3A_38 = arith.subi %select_n3A_36, %while3A_37 : i32
    %while3A_39 = arith.addi %while3A_37, %while3A_38 : i32
    %while3A_40 = arith.constant 1 : i32
    %while3A_41 = arith.divsi %while3A_38, %while3A_40 : i32
    %while3A_42 = arith.muli %while3A_41, %while3A_40 : i32
    %while3A_43 = arith.addi %while3A_37, %while3A_42 : i32
    %while3A_44 = arith.constant 1 : i32
    scf.for %while3A_66 = %while3A_37 to %while3A_43 step %while3A_44  : i32 {
      %mul3A_67 = arith.constant 2 : i32
      %mul3A_68 = arith.muli %mul3A_67, %while3A_66 : i32
      %add3A_69 = arith.constant 0 : i32
      %add3A_70 = arith.addi %mul3A_68, %add3A_69 : i32
      %gt3A = arith.constant 0 : i32
      %gt3A_71 = arith.cmpi sgt, %while3A_66, %gt3A : i32
      %convert_element_type3A_72 = arith.extui %gt3A_71 : i1 to i32
      %cond3A_73 = arith.constant 0 : i32
      %cond3A_74 = arith.cmpi ne, %convert_element_type3A_72, %cond3A_73 : i32
      scf.if %cond3A_74 {
        %dma_wait3A_120 = arith.constant 0 : i32
        %dma_wait3A_121 = arith.constant 0 : i32
        %dma_wait3A_122 = tpu.memref_slice %arg4[%dma_wait3A_120, %dma_wait3A_121] : memref<10240x128xf32, #tpu.memory_space<hbm>> -> memref<128x128xf32, #tpu.memory_space<hbm>>
        %dma_wait3A_123 = arith.constant 0 : i32
        %dma_wait3A_124 = arith.constant 0 : i32
        %dma_wait3A_125 = tpu.memref_slice %arg4[%dma_wait3A_123, %dma_wait3A_124] : memref<10240x128xf32, #tpu.memory_space<hbm>> -> memref<128x128xf32, #tpu.memory_space<hbm>>
        tpu.wait_dma2 semaphore(%arg15 : memref<!tpu.dma_semaphore, #tpu.memory_space<semaphore_mem>>) src(%dma_wait3A_125 : memref<128x128xf32, #tpu.memory_space<hbm>>) dst(%arg9 : memref<128x128xf32, #tpu.memory_space<vmem>>)
      } else {
      }
      %add3A_75 = arith.addi %select_n3A, %add3A_70 : i32
      %add3A_76 = arith.constant 1 : i32
      %add3A_77 = arith.addi %add3A_75, %add3A_76 : i32
      "tpu.region"() ({
        %run_scoped3A = tpu.sem_alloc : memref<!tpu.dma_semaphore, #tpu.memory_space<semaphore_mem>>
        %dma_start3A_120 = arith.constant 0 : i32
        %dma_start3A_121 = arith.constant 0 : i32
        %dma_start3A_122 = tpu.memref_slice %arg3[%add3A_77, %dma_start3A_120, %dma_start3A_121] : memref<2560x2x128xi32, #tpu.memory_space<hbm>> -> memref<1x2x128xi32, #tpu.memory_space<hbm>>
        %dma_start3A_123 = tpu.memref_squeeze %dma_start3A_122 : memref<1x2x128xi32, #tpu.memory_space<hbm>> -> memref<2x128xi32, #tpu.memory_space<hbm>>
        %dma_start3A_124 = arith.constant 0 : i32
        %dma_start3A_125 = arith.constant 0 : i32
        %dma_start3A_126 = tpu.memref_slice %arg3[%add3A_77, %dma_start3A_124, %dma_start3A_125] : memref<2560x2x128xi32, #tpu.memory_space<hbm>> -> memref<1x2x128xi32, #tpu.memory_space<hbm>>
        %dma_start3A_127 = tpu.memref_squeeze %dma_start3A_126 : memref<1x2x128xi32, #tpu.memory_space<hbm>> -> memref<2x128xi32, #tpu.memory_space<hbm>>
        tpu.enqueue_dma source(%dma_start3A_127 : memref<2x128xi32, #tpu.memory_space<hbm>>) target(%arg8 : memref<2x128xi32, #tpu.memory_space<vmem>>) target_semaphore(%run_scoped3A : memref<!tpu.dma_semaphore, #tpu.memory_space<semaphore_mem>>)
        %dma_wait3A_128 = arith.constant 0 : i32
        %dma_wait3A_129 = arith.constant 0 : i32
        %dma_wait3A_130 = tpu.memref_slice %arg3[%add3A_77, %dma_wait3A_128, %dma_wait3A_129] : memref<2560x2x128xi32, #tpu.memory_space<hbm>> -> memref<1x2x128xi32, #tpu.memory_space<hbm>>
        %dma_wait3A_131 = tpu.memref_squeeze %dma_wait3A_130 : memref<1x2x128xi32, #tpu.memory_space<hbm>> -> memref<2x128xi32, #tpu.memory_space<hbm>>
        %dma_wait3A_132 = arith.constant 0 : i32
        %dma_wait3A_133 = arith.constant 0 : i32
        %dma_wait3A_134 = tpu.memref_slice %arg3[%add3A_77, %dma_wait3A_132, %dma_wait3A_133] : memref<2560x2x128xi32, #tpu.memory_space<hbm>> -> memref<1x2x128xi32, #tpu.memory_space<hbm>>
        %dma_wait3A_135 = tpu.memref_squeeze %dma_wait3A_134 : memref<1x2x128xi32, #tpu.memory_space<hbm>> -> memref<2x128xi32, #tpu.memory_space<hbm>>
        tpu.wait_dma2 semaphore(%run_scoped3A : memref<!tpu.dma_semaphore, #tpu.memory_space<semaphore_mem>>) src(%dma_wait3A_135 : memref<2x128xi32, #tpu.memory_space<hbm>>) dst(%arg8 : memref<2x128xi32, #tpu.memory_space<vmem>>)
        tpu.yield
      }) : () -> ()
      %dma_start3A_78 = arith.constant 0 : i32
      %dma_start3A_79 = arith.constant 0 : i32
      %dma_start3A_80 = tpu.memref_slice %arg8[%dma_start3A_78, %dma_start3A_79] : memref<2x128xi32, #tpu.memory_space<vmem>> -> memref<1x128xi32, #tpu.memory_space<vmem>>
      %dma_start3A_81 = tpu.memref_squeeze %dma_start3A_80 : memref<1x128xi32, #tpu.memory_space<vmem>> -> memref<128xi32, #tpu.memory_space<vmem>>
      %dma_start3A_82 = arith.constant 0 : i32
      %dma_start3A_83 = arith.constant 0 : i32
      %dma_start3A_84 = tpu.memref_slice %arg2[%dma_start3A_82, %dma_start3A_83] : memref<10000x128xf32, #tpu.memory_space<hbm>> -> memref<10000x128xf32, #tpu.memory_space<hbm>>
      tpu.enqueue_indirect_dma source(%dma_start3A_84 : memref<10000x128xf32, #tpu.memory_space<hbm>>) target(%arg10 : memref<128x128xf32, #tpu.memory_space<vmem>>) offsets(%dma_start3A_81 : memref<128xi32, #tpu.memory_space<vmem>>) semaphore(%arg13 : memref<!tpu.dma_semaphore, #tpu.memory_space<semaphore_mem>>)
      %dma_wait3A_85 = arith.constant 0 : i32
      %dma_wait3A_86 = arith.constant 0 : i32
      %dma_wait3A_87 = tpu.memref_slice %arg4[%dma_wait3A_85, %dma_wait3A_86] : memref<10240x128xf32, #tpu.memory_space<hbm>> -> memref<128x128xf32, #tpu.memory_space<hbm>>
      %dma_wait3A_88 = arith.constant 0 : i32
      %dma_wait3A_89 = arith.constant 0 : i32
      %dma_wait3A_90 = tpu.memref_slice %arg4[%dma_wait3A_88, %dma_wait3A_89] : memref<10240x128xf32, #tpu.memory_space<hbm>> -> memref<128x128xf32, #tpu.memory_space<hbm>>
      tpu.wait_dma2 semaphore(%arg12 : memref<!tpu.dma_semaphore, #tpu.memory_space<semaphore_mem>>) src(%dma_wait3A_90 : memref<128x128xf32, #tpu.memory_space<hbm>>) dst(%arg9 : memref<128x128xf32, #tpu.memory_space<vmem>>)
      %dma_start3A_91 = arith.constant 1 : i32
      %dma_start3A_92 = arith.constant 0 : i32
      %dma_start3A_93 = tpu.memref_slice %arg7[%dma_start3A_91, %dma_start3A_92] : memref<2x128xi32, #tpu.memory_space<vmem>> -> memref<1x128xi32, #tpu.memory_space<vmem>>
      %dma_start3A_94 = tpu.memref_squeeze %dma_start3A_93 : memref<1x128xi32, #tpu.memory_space<vmem>> -> memref<128xi32, #tpu.memory_space<vmem>>
      %dma_start3A_95 = arith.constant 0 : i32
      %dma_start3A_96 = arith.constant 0 : i32
      %dma_start3A_97 = tpu.memref_slice %arg11[%dma_start3A_95, %dma_start3A_96] : memref<10240x128xf32, #tpu.memory_space<vmem_shared>> -> memref<10240x128xf32, #tpu.memory_space<vmem_shared>>
      tpu.enqueue_indirect_dma source(%arg9 : memref<128x128xf32, #tpu.memory_space<vmem>>) target(%dma_start3A_97 : memref<10240x128xf32, #tpu.memory_space<vmem_shared>>) offsets(%dma_start3A_94 : memref<128xi32, #tpu.memory_space<vmem>>) semaphore(%arg14 : memref<!tpu.dma_semaphore, #tpu.memory_space<semaphore_mem>>) {add = true}
      %mul3A_98 = arith.constant 2 : i32
      %mul3A_99 = arith.muli %mul3A_98, %while3A_66 : i32
      %add3A_100 = arith.constant 1 : i32
      %add3A_101 = arith.addi %mul3A_99, %add3A_100 : i32
      %add3A_102 = arith.constant 1 : i32
      %add3A_103 = arith.addi %add3A_101, %add3A_102 : i32
      %lt3A = arith.cmpi slt, %add3A_103, %select_n3A_8 : i32
      %convert_element_type3A_104 = arith.extui %lt3A : i1 to i32
      %cond3A_105 = arith.constant 0 : i32
      %cond3A_106 = arith.cmpi ne, %convert_element_type3A_104, %cond3A_105 : i32
      scf.if %cond3A_106 {
        %dma_wait3A_120 = arith.constant 0 : i32
        %dma_wait3A_121 = arith.constant 0 : i32
        %dma_wait3A_122 = tpu.memref_slice %arg4[%dma_wait3A_120, %dma_wait3A_121] : memref<10240x128xf32, #tpu.memory_space<hbm>> -> memref<128x128xf32, #tpu.memory_space<hbm>>
        %dma_wait3A_123 = arith.constant 0 : i32
        %dma_wait3A_124 = arith.constant 0 : i32
        %dma_wait3A_125 = tpu.memref_slice %arg4[%dma_wait3A_123, %dma_wait3A_124] : memref<10240x128xf32, #tpu.memory_space<hbm>> -> memref<128x128xf32, #tpu.memory_space<hbm>>
        tpu.wait_dma2 semaphore(%arg14 : memref<!tpu.dma_semaphore, #tpu.memory_space<semaphore_mem>>) src(%dma_wait3A_125 : memref<128x128xf32, #tpu.memory_space<hbm>>) dst(%arg9 : memref<128x128xf32, #tpu.memory_space<vmem>>)
        %add3A_126 = arith.addi %select_n3A, %add3A_101 : i32
        %add3A_127 = arith.constant 1 : i32
        %add3A_128 = arith.addi %add3A_126, %add3A_127 : i32
        "tpu.region"() ({
          %run_scoped3A = tpu.sem_alloc : memref<!tpu.dma_semaphore, #tpu.memory_space<semaphore_mem>>
          %dma_start3A_136 = arith.constant 0 : i32
          %dma_start3A_137 = arith.constant 0 : i32
          %dma_start3A_138 = tpu.memref_slice %arg3[%add3A_128, %dma_start3A_136, %dma_start3A_137] : memref<2560x2x128xi32, #tpu.memory_space<hbm>> -> memref<1x2x128xi32, #tpu.memory_space<hbm>>
          %dma_start3A_139 = tpu.memref_squeeze %dma_start3A_138 : memref<1x2x128xi32, #tpu.memory_space<hbm>> -> memref<2x128xi32, #tpu.memory_space<hbm>>
          %dma_start3A_140 = arith.constant 0 : i32
          %dma_start3A_141 = arith.constant 0 : i32
          %dma_start3A_142 = tpu.memref_slice %arg3[%add3A_128, %dma_start3A_140, %dma_start3A_141] : memref<2560x2x128xi32, #tpu.memory_space<hbm>> -> memref<1x2x128xi32, #tpu.memory_space<hbm>>
          %dma_start3A_143 = tpu.memref_squeeze %dma_start3A_142 : memref<1x2x128xi32, #tpu.memory_space<hbm>> -> memref<2x128xi32, #tpu.memory_space<hbm>>
          tpu.enqueue_dma source(%dma_start3A_143 : memref<2x128xi32, #tpu.memory_space<hbm>>) target(%arg7 : memref<2x128xi32, #tpu.memory_space<vmem>>) target_semaphore(%run_scoped3A : memref<!tpu.dma_semaphore, #tpu.memory_space<semaphore_mem>>)
          %dma_wait3A_144 = arith.constant 0 : i32
          %dma_wait3A_145 = arith.constant 0 : i32
          %dma_wait3A_146 = tpu.memref_slice %arg3[%add3A_128, %dma_wait3A_144, %dma_wait3A_145] : memref<2560x2x128xi32, #tpu.memory_space<hbm>> -> memref<1x2x128xi32, #tpu.memory_space<hbm>>
          %dma_wait3A_147 = tpu.memref_squeeze %dma_wait3A_146 : memref<1x2x128xi32, #tpu.memory_space<hbm>> -> memref<2x128xi32, #tpu.memory_space<hbm>>
          %dma_wait3A_148 = arith.constant 0 : i32
          %dma_wait3A_149 = arith.constant 0 : i32
          %dma_wait3A_150 = tpu.memref_slice %arg3[%add3A_128, %dma_wait3A_148, %dma_wait3A_149] : memref<2560x2x128xi32, #tpu.memory_space<hbm>> -> memref<1x2x128xi32, #tpu.memory_space<hbm>>
          %dma_wait3A_151 = tpu.memref_squeeze %dma_wait3A_150 : memref<1x2x128xi32, #tpu.memory_space<hbm>> -> memref<2x128xi32, #tpu.memory_space<hbm>>
          tpu.wait_dma2 semaphore(%run_scoped3A : memref<!tpu.dma_semaphore, #tpu.memory_space<semaphore_mem>>) src(%dma_wait3A_151 : memref<2x128xi32, #tpu.memory_space<hbm>>) dst(%arg7 : memref<2x128xi32, #tpu.memory_space<vmem>>)
          tpu.yield
        }) : () -> ()
        %dma_start3A_129 = arith.constant 0 : i32
        %dma_start3A_130 = arith.constant 0 : i32
        %dma_start3A_131 = tpu.memref_slice %arg7[%dma_start3A_129, %dma_start3A_130] : memref<2x128xi32, #tpu.memory_space<vmem>> -> memref<1x128xi32, #tpu.memory_space<vmem>>
        %dma_start3A_132 = tpu.memref_squeeze %dma_start3A_131 : memref<1x128xi32, #tpu.memory_space<vmem>> -> memref<128xi32, #tpu.memory_space<vmem>>
        %dma_start3A_133 = arith.constant 0 : i32
        %dma_start3A_134 = arith.constant 0 : i32
        %dma_start3A_135 = tpu.memref_slice %arg2[%dma_start3A_133, %dma_start3A_134] : memref<10000x128xf32, #tpu.memory_space<hbm>> -> memref<10000x128xf32, #tpu.memory_space<hbm>>
        tpu.enqueue_indirect_dma source(%dma_start3A_135 : memref<10000x128xf32, #tpu.memory_space<hbm>>) target(%arg9 : memref<128x128xf32, #tpu.memory_space<vmem>>) offsets(%dma_start3A_132 : memref<128xi32, #tpu.memory_space<vmem>>) semaphore(%arg12 : memref<!tpu.dma_semaphore, #tpu.memory_space<semaphore_mem>>)
      } else {
      }
      %dma_wait3A_107 = arith.constant 0 : i32
      %dma_wait3A_108 = arith.constant 0 : i32
      %dma_wait3A_109 = tpu.memref_slice %arg4[%dma_wait3A_107, %dma_wait3A_108] : memref<10240x128xf32, #tpu.memory_space<hbm>> -> memref<128x128xf32, #tpu.memory_space<hbm>>
      %dma_wait3A_110 = arith.constant 0 : i32
      %dma_wait3A_111 = arith.constant 0 : i32
      %dma_wait3A_112 = tpu.memref_slice %arg4[%dma_wait3A_110, %dma_wait3A_111] : memref<10240x128xf32, #tpu.memory_space<hbm>> -> memref<128x128xf32, #tpu.memory_space<hbm>>
      tpu.wait_dma2 semaphore(%arg13 : memref<!tpu.dma_semaphore, #tpu.memory_space<semaphore_mem>>) src(%dma_wait3A_112 : memref<128x128xf32, #tpu.memory_space<hbm>>) dst(%arg9 : memref<128x128xf32, #tpu.memory_space<vmem>>)
      %dma_start3A_113 = arith.constant 1 : i32
      %dma_start3A_114 = arith.constant 0 : i32
      %dma_start3A_115 = tpu.memref_slice %arg8[%dma_start3A_113, %dma_start3A_114] : memref<2x128xi32, #tpu.memory_space<vmem>> -> memref<1x128xi32, #tpu.memory_space<vmem>>
      %dma_start3A_116 = tpu.memref_squeeze %dma_start3A_115 : memref<1x128xi32, #tpu.memory_space<vmem>> -> memref<128xi32, #tpu.memory_space<vmem>>
      %dma_start3A_117 = arith.constant 0 : i32
      %dma_start3A_118 = arith.constant 0 : i32
      %dma_start3A_119 = tpu.memref_slice %arg11[%dma_start3A_117, %dma_start3A_118] : memref<10240x128xf32, #tpu.memory_space<vmem_shared>> -> memref<10240x128xf32, #tpu.memory_space<vmem_shared>>
      tpu.enqueue_indirect_dma source(%arg10 : memref<128x128xf32, #tpu.memory_space<vmem>>) target(%dma_start3A_119 : memref<10240x128xf32, #tpu.memory_space<vmem_shared>>) offsets(%dma_start3A_116 : memref<128xi32, #tpu.memory_space<vmem>>) semaphore(%arg15 : memref<!tpu.dma_semaphore, #tpu.memory_space<semaphore_mem>>) {add = true}
    }
    %while3A_45 = arith.constant 1 : i32
    scf.for %while3A_66 = %while3A_43 to %while3A_39 step %while3A_45  : i32 {
      %mul3A_67 = arith.constant 2 : i32
      %mul3A_68 = arith.muli %mul3A_67, %while3A_66 : i32
      %add3A_69 = arith.constant 0 : i32
      %add3A_70 = arith.addi %mul3A_68, %add3A_69 : i32
      %gt3A = arith.constant 0 : i32
      %gt3A_71 = arith.cmpi sgt, %while3A_66, %gt3A : i32
      %convert_element_type3A_72 = arith.extui %gt3A_71 : i1 to i32
      %cond3A_73 = arith.constant 0 : i32
      %cond3A_74 = arith.cmpi ne, %convert_element_type3A_72, %cond3A_73 : i32
      scf.if %cond3A_74 {
        %dma_wait3A_120 = arith.constant 0 : i32
        %dma_wait3A_121 = arith.constant 0 : i32
        %dma_wait3A_122 = tpu.memref_slice %arg4[%dma_wait3A_120, %dma_wait3A_121] : memref<10240x128xf32, #tpu.memory_space<hbm>> -> memref<128x128xf32, #tpu.memory_space<hbm>>
        %dma_wait3A_123 = arith.constant 0 : i32
        %dma_wait3A_124 = arith.constant 0 : i32
        %dma_wait3A_125 = tpu.memref_slice %arg4[%dma_wait3A_123, %dma_wait3A_124] : memref<10240x128xf32, #tpu.memory_space<hbm>> -> memref<128x128xf32, #tpu.memory_space<hbm>>
        tpu.wait_dma2 semaphore(%arg15 : memref<!tpu.dma_semaphore, #tpu.memory_space<semaphore_mem>>) src(%dma_wait3A_125 : memref<128x128xf32, #tpu.memory_space<hbm>>) dst(%arg9 : memref<128x128xf32, #tpu.memory_space<vmem>>)
      } else {
      }
      %add3A_75 = arith.addi %select_n3A, %add3A_70 : i32
      %add3A_76 = arith.constant 1 : i32
      %add3A_77 = arith.addi %add3A_75, %add3A_76 : i32
      "tpu.region"() ({
        %run_scoped3A = tpu.sem_alloc : memref<!tpu.dma_semaphore, #tpu.memory_space<semaphore_mem>>
        %dma_start3A_120 = arith.constant 0 : i32
        %dma_start3A_121 = arith.constant 0 : i32
        %dma_start3A_122 = tpu.memref_slice %arg3[%add3A_77, %dma_start3A_120, %dma_start3A_121] : memref<2560x2x128xi32, #tpu.memory_space<hbm>> -> memref<1x2x128xi32, #tpu.memory_space<hbm>>
        %dma_start3A_123 = tpu.memref_squeeze %dma_start3A_122 : memref<1x2x128xi32, #tpu.memory_space<hbm>> -> memref<2x128xi32, #tpu.memory_space<hbm>>
        %dma_start3A_124 = arith.constant 0 : i32
        %dma_start3A_125 = arith.constant 0 : i32
        %dma_start3A_126 = tpu.memref_slice %arg3[%add3A_77, %dma_start3A_124, %dma_start3A_125] : memref<2560x2x128xi32, #tpu.memory_space<hbm>> -> memref<1x2x128xi32, #tpu.memory_space<hbm>>
        %dma_start3A_127 = tpu.memref_squeeze %dma_start3A_126 : memref<1x2x128xi32, #tpu.memory_space<hbm>> -> memref<2x128xi32, #tpu.memory_space<hbm>>
        tpu.enqueue_dma source(%dma_start3A_127 : memref<2x128xi32, #tpu.memory_space<hbm>>) target(%arg8 : memref<2x128xi32, #tpu.memory_space<vmem>>) target_semaphore(%run_scoped3A : memref<!tpu.dma_semaphore, #tpu.memory_space<semaphore_mem>>)
        %dma_wait3A_128 = arith.constant 0 : i32
        %dma_wait3A_129 = arith.constant 0 : i32
        %dma_wait3A_130 = tpu.memref_slice %arg3[%add3A_77, %dma_wait3A_128, %dma_wait3A_129] : memref<2560x2x128xi32, #tpu.memory_space<hbm>> -> memref<1x2x128xi32, #tpu.memory_space<hbm>>
        %dma_wait3A_131 = tpu.memref_squeeze %dma_wait3A_130 : memref<1x2x128xi32, #tpu.memory_space<hbm>> -> memref<2x128xi32, #tpu.memory_space<hbm>>
        %dma_wait3A_132 = arith.constant 0 : i32
        %dma_wait3A_133 = arith.constant 0 : i32
        %dma_wait3A_134 = tpu.memref_slice %arg3[%add3A_77, %dma_wait3A_132, %dma_wait3A_133] : memref<2560x2x128xi32, #tpu.memory_space<hbm>> -> memref<1x2x128xi32, #tpu.memory_space<hbm>>
        %dma_wait3A_135 = tpu.memref_squeeze %dma_wait3A_134 : memref<1x2x128xi32, #tpu.memory_space<hbm>> -> memref<2x128xi32, #tpu.memory_space<hbm>>
        tpu.wait_dma2 semaphore(%run_scoped3A : memref<!tpu.dma_semaphore, #tpu.memory_space<semaphore_mem>>) src(%dma_wait3A_135 : memref<2x128xi32, #tpu.memory_space<hbm>>) dst(%arg8 : memref<2x128xi32, #tpu.memory_space<vmem>>)
        tpu.yield
      }) : () -> ()
      %dma_start3A_78 = arith.constant 0 : i32
      %dma_start3A_79 = arith.constant 0 : i32
      %dma_start3A_80 = tpu.memref_slice %arg8[%dma_start3A_78, %dma_start3A_79] : memref<2x128xi32, #tpu.memory_space<vmem>> -> memref<1x128xi32, #tpu.memory_space<vmem>>
      %dma_start3A_81 = tpu.memref_squeeze %dma_start3A_80 : memref<1x128xi32, #tpu.memory_space<vmem>> -> memref<128xi32, #tpu.memory_space<vmem>>
      %dma_start3A_82 = arith.constant 0 : i32
      %dma_start3A_83 = arith.constant 0 : i32
      %dma_start3A_84 = tpu.memref_slice %arg2[%dma_start3A_82, %dma_start3A_83] : memref<10000x128xf32, #tpu.memory_space<hbm>> -> memref<10000x128xf32, #tpu.memory_space<hbm>>
      tpu.enqueue_indirect_dma source(%dma_start3A_84 : memref<10000x128xf32, #tpu.memory_space<hbm>>) target(%arg10 : memref<128x128xf32, #tpu.memory_space<vmem>>) offsets(%dma_start3A_81 : memref<128xi32, #tpu.memory_space<vmem>>) semaphore(%arg13 : memref<!tpu.dma_semaphore, #tpu.memory_space<semaphore_mem>>)
      %dma_wait3A_85 = arith.constant 0 : i32
      %dma_wait3A_86 = arith.constant 0 : i32
      %dma_wait3A_87 = tpu.memref_slice %arg4[%dma_wait3A_85, %dma_wait3A_86] : memref<10240x128xf32, #tpu.memory_space<hbm>> -> memref<128x128xf32, #tpu.memory_space<hbm>>
      %dma_wait3A_88 = arith.constant 0 : i32
      %dma_wait3A_89 = arith.constant 0 : i32
      %dma_wait3A_90 = tpu.memref_slice %arg4[%dma_wait3A_88, %dma_wait3A_89] : memref<10240x128xf32, #tpu.memory_space<hbm>> -> memref<128x128xf32, #tpu.memory_space<hbm>>
      tpu.wait_dma2 semaphore(%arg12 : memref<!tpu.dma_semaphore, #tpu.memory_space<semaphore_mem>>) src(%dma_wait3A_90 : memref<128x128xf32, #tpu.memory_space<hbm>>) dst(%arg9 : memref<128x128xf32, #tpu.memory_space<vmem>>)
      %dma_start3A_91 = arith.constant 1 : i32
      %dma_start3A_92 = arith.constant 0 : i32
      %dma_start3A_93 = tpu.memref_slice %arg7[%dma_start3A_91, %dma_start3A_92] : memref<2x128xi32, #tpu.memory_space<vmem>> -> memref<1x128xi32, #tpu.memory_space<vmem>>
      %dma_start3A_94 = tpu.memref_squeeze %dma_start3A_93 : memref<1x128xi32, #tpu.memory_space<vmem>> -> memref<128xi32, #tpu.memory_space<vmem>>
      %dma_start3A_95 = arith.constant 0 : i32
      %dma_start3A_96 = arith.constant 0 : i32
      %dma_start3A_97 = tpu.memref_slice %arg11[%dma_start3A_95, %dma_start3A_96] : memref<10240x128xf32, #tpu.memory_space<vmem_shared>> -> memref<10240x128xf32, #tpu.memory_space<vmem_shared>>
      tpu.enqueue_indirect_dma source(%arg9 : memref<128x128xf32, #tpu.memory_space<vmem>>) target(%dma_start3A_97 : memref<10240x128xf32, #tpu.memory_space<vmem_shared>>) offsets(%dma_start3A_94 : memref<128xi32, #tpu.memory_space<vmem>>) semaphore(%arg14 : memref<!tpu.dma_semaphore, #tpu.memory_space<semaphore_mem>>) {add = true}
      %mul3A_98 = arith.constant 2 : i32
      %mul3A_99 = arith.muli %mul3A_98, %while3A_66 : i32
      %add3A_100 = arith.constant 1 : i32
      %add3A_101 = arith.addi %mul3A_99, %add3A_100 : i32
      %add3A_102 = arith.constant 1 : i32
      %add3A_103 = arith.addi %add3A_101, %add3A_102 : i32
      %lt3A = arith.cmpi slt, %add3A_103, %select_n3A_8 : i32
      %convert_element_type3A_104 = arith.extui %lt3A : i1 to i32
      %cond3A_105 = arith.constant 0 : i32
      %cond3A_106 = arith.cmpi ne, %convert_element_type3A_104, %cond3A_105 : i32
      scf.if %cond3A_106 {
        %dma_wait3A_120 = arith.constant 0 : i32
        %dma_wait3A_121 = arith.constant 0 : i32
        %dma_wait3A_122 = tpu.memref_slice %arg4[%dma_wait3A_120, %dma_wait3A_121] : memref<10240x128xf32, #tpu.memory_space<hbm>> -> memref<128x128xf32, #tpu.memory_space<hbm>>
        %dma_wait3A_123 = arith.constant 0 : i32
        %dma_wait3A_124 = arith.constant 0 : i32
        %dma_wait3A_125 = tpu.memref_slice %arg4[%dma_wait3A_123, %dma_wait3A_124] : memref<10240x128xf32, #tpu.memory_space<hbm>> -> memref<128x128xf32, #tpu.memory_space<hbm>>
        tpu.wait_dma2 semaphore(%arg14 : memref<!tpu.dma_semaphore, #tpu.memory_space<semaphore_mem>>) src(%dma_wait3A_125 : memref<128x128xf32, #tpu.memory_space<hbm>>) dst(%arg9 : memref<128x128xf32, #tpu.memory_space<vmem>>)
        %add3A_126 = arith.addi %select_n3A, %add3A_101 : i32
        %add3A_127 = arith.constant 1 : i32
        %add3A_128 = arith.addi %add3A_126, %add3A_127 : i32
        "tpu.region"() ({
          %run_scoped3A = tpu.sem_alloc : memref<!tpu.dma_semaphore, #tpu.memory_space<semaphore_mem>>
          %dma_start3A_136 = arith.constant 0 : i32
          %dma_start3A_137 = arith.constant 0 : i32
          %dma_start3A_138 = tpu.memref_slice %arg3[%add3A_128, %dma_start3A_136, %dma_start3A_137] : memref<2560x2x128xi32, #tpu.memory_space<hbm>> -> memref<1x2x128xi32, #tpu.memory_space<hbm>>
          %dma_start3A_139 = tpu.memref_squeeze %dma_start3A_138 : memref<1x2x128xi32, #tpu.memory_space<hbm>> -> memref<2x128xi32, #tpu.memory_space<hbm>>
          %dma_start3A_140 = arith.constant 0 : i32
          %dma_start3A_141 = arith.constant 0 : i32
          %dma_start3A_142 = tpu.memref_slice %arg3[%add3A_128, %dma_start3A_140, %dma_start3A_141] : memref<2560x2x128xi32, #tpu.memory_space<hbm>> -> memref<1x2x128xi32, #tpu.memory_space<hbm>>
          %dma_start3A_143 = tpu.memref_squeeze %dma_start3A_142 : memref<1x2x128xi32, #tpu.memory_space<hbm>> -> memref<2x128xi32, #tpu.memory_space<hbm>>
          tpu.enqueue_dma source(%dma_start3A_143 : memref<2x128xi32, #tpu.memory_space<hbm>>) target(%arg7 : memref<2x128xi32, #tpu.memory_space<vmem>>) target_semaphore(%run_scoped3A : memref<!tpu.dma_semaphore, #tpu.memory_space<semaphore_mem>>)
          %dma_wait3A_144 = arith.constant 0 : i32
          %dma_wait3A_145 = arith.constant 0 : i32
          %dma_wait3A_146 = tpu.memref_slice %arg3[%add3A_128, %dma_wait3A_144, %dma_wait3A_145] : memref<2560x2x128xi32, #tpu.memory_space<hbm>> -> memref<1x2x128xi32, #tpu.memory_space<hbm>>
          %dma_wait3A_147 = tpu.memref_squeeze %dma_wait3A_146 : memref<1x2x128xi32, #tpu.memory_space<hbm>> -> memref<2x128xi32, #tpu.memory_space<hbm>>
          %dma_wait3A_148 = arith.constant 0 : i32
          %dma_wait3A_149 = arith.constant 0 : i32
          %dma_wait3A_150 = tpu.memref_slice %arg3[%add3A_128, %dma_wait3A_148, %dma_wait3A_149] : memref<2560x2x128xi32, #tpu.memory_space<hbm>> -> memref<1x2x128xi32, #tpu.memory_space<hbm>>
          %dma_wait3A_151 = tpu.memref_squeeze %dma_wait3A_150 : memref<1x2x128xi32, #tpu.memory_space<hbm>> -> memref<2x128xi32, #tpu.memory_space<hbm>>
          tpu.wait_dma2 semaphore(%run_scoped3A : memref<!tpu.dma_semaphore, #tpu.memory_space<semaphore_mem>>) src(%dma_wait3A_151 : memref<2x128xi32, #tpu.memory_space<hbm>>) dst(%arg7 : memref<2x128xi32, #tpu.memory_space<vmem>>)
          tpu.yield
        }) : () -> ()
        %dma_start3A_129 = arith.constant 0 : i32
        %dma_start3A_130 = arith.constant 0 : i32
        %dma_start3A_131 = tpu.memref_slice %arg7[%dma_start3A_129, %dma_start3A_130] : memref<2x128xi32, #tpu.memory_space<vmem>> -> memref<1x128xi32, #tpu.memory_space<vmem>>
        %dma_start3A_132 = tpu.memref_squeeze %dma_start3A_131 : memref<1x128xi32, #tpu.memory_space<vmem>> -> memref<128xi32, #tpu.memory_space<vmem>>
        %dma_start3A_133 = arith.constant 0 : i32
        %dma_start3A_134 = arith.constant 0 : i32
        %dma_start3A_135 = tpu.memref_slice %arg2[%dma_start3A_133, %dma_start3A_134] : memref<10000x128xf32, #tpu.memory_space<hbm>> -> memref<10000x128xf32, #tpu.memory_space<hbm>>
        tpu.enqueue_indirect_dma source(%dma_start3A_135 : memref<10000x128xf32, #tpu.memory_space<hbm>>) target(%arg9 : memref<128x128xf32, #tpu.memory_space<vmem>>) offsets(%dma_start3A_132 : memref<128xi32, #tpu.memory_space<vmem>>) semaphore(%arg12 : memref<!tpu.dma_semaphore, #tpu.memory_space<semaphore_mem>>)
      } else {
      }
      %dma_wait3A_107 = arith.constant 0 : i32
      %dma_wait3A_108 = arith.constant 0 : i32
      %dma_wait3A_109 = tpu.memref_slice %arg4[%dma_wait3A_107, %dma_wait3A_108] : memref<10240x128xf32, #tpu.memory_space<hbm>> -> memref<128x128xf32, #tpu.memory_space<hbm>>
      %dma_wait3A_110 = arith.constant 0 : i32
      %dma_wait3A_111 = arith.constant 0 : i32
      %dma_wait3A_112 = tpu.memref_slice %arg4[%dma_wait3A_110, %dma_wait3A_111] : memref<10240x128xf32, #tpu.memory_space<hbm>> -> memref<128x128xf32, #tpu.memory_space<hbm>>
      tpu.wait_dma2 semaphore(%arg13 : memref<!tpu.dma_semaphore, #tpu.memory_space<semaphore_mem>>) src(%dma_wait3A_112 : memref<128x128xf32, #tpu.memory_space<hbm>>) dst(%arg9 : memref<128x128xf32, #tpu.memory_space<vmem>>)
      %dma_start3A_113 = arith.constant 1 : i32
      %dma_start3A_114 = arith.constant 0 : i32
      %dma_start3A_115 = tpu.memref_slice %arg8[%dma_start3A_113, %dma_start3A_114] : memref<2x128xi32, #tpu.memory_space<vmem>> -> memref<1x128xi32, #tpu.memory_space<vmem>>
      %dma_start3A_116 = tpu.memref_squeeze %dma_start3A_115 : memref<1x128xi32, #tpu.memory_space<vmem>> -> memref<128xi32, #tpu.memory_space<vmem>>
      %dma_start3A_117 = arith.constant 0 : i32
      %dma_start3A_118 = arith.constant 0 : i32
      %dma_start3A_119 = tpu.memref_slice %arg11[%dma_start3A_117, %dma_start3A_118] : memref<10240x128xf32, #tpu.memory_space<vmem_shared>> -> memref<10240x128xf32, #tpu.memory_space<vmem_shared>>
      tpu.enqueue_indirect_dma source(%arg10 : memref<128x128xf32, #tpu.memory_space<vmem>>) target(%dma_start3A_119 : memref<10240x128xf32, #tpu.memory_space<vmem_shared>>) offsets(%dma_start3A_116 : memref<128xi32, #tpu.memory_space<vmem>>) semaphore(%arg15 : memref<!tpu.dma_semaphore, #tpu.memory_space<semaphore_mem>>) {add = true}
    }
    %dma_wait3A = arith.constant 0 : i32
    %dma_wait3A_46 = arith.constant 0 : i32
    %dma_wait3A_47 = tpu.memref_slice %arg4[%dma_wait3A, %dma_wait3A_46] : memref<10240x128xf32, #tpu.memory_space<hbm>> -> memref<128x128xf32, #tpu.memory_space<hbm>>
    %dma_wait3A_48 = arith.constant 0 : i32
    %dma_wait3A_49 = arith.constant 0 : i32
    %dma_wait3A_50 = tpu.memref_slice %arg4[%dma_wait3A_48, %dma_wait3A_49] : memref<10240x128xf32, #tpu.memory_space<hbm>> -> memref<128x128xf32, #tpu.memory_space<hbm>>
    tpu.wait_dma2 semaphore(%arg14 : memref<!tpu.dma_semaphore, #tpu.memory_space<semaphore_mem>>) src(%dma_wait3A_50 : memref<128x128xf32, #tpu.memory_space<hbm>>) dst(%arg9 : memref<128x128xf32, #tpu.memory_space<vmem>>)
    %dma_wait3A_51 = arith.constant 0 : i32
    %dma_wait3A_52 = arith.constant 0 : i32
    %dma_wait3A_53 = tpu.memref_slice %arg4[%dma_wait3A_51, %dma_wait3A_52] : memref<10240x128xf32, #tpu.memory_space<hbm>> -> memref<128x128xf32, #tpu.memory_space<hbm>>
    %dma_wait3A_54 = arith.constant 0 : i32
    %dma_wait3A_55 = arith.constant 0 : i32
    %dma_wait3A_56 = tpu.memref_slice %arg4[%dma_wait3A_54, %dma_wait3A_55] : memref<10240x128xf32, #tpu.memory_space<hbm>> -> memref<128x128xf32, #tpu.memory_space<hbm>>
    tpu.wait_dma2 semaphore(%arg15 : memref<!tpu.dma_semaphore, #tpu.memory_space<semaphore_mem>>) src(%dma_wait3A_56 : memref<128x128xf32, #tpu.memory_space<hbm>>) dst(%arg9 : memref<128x128xf32, #tpu.memory_space<vmem>>)
    %barrier3A_57 = arith.constant 0 : index
    tpu.barrier barrier_id(%barrier3A_57)
    %eq3A_58 = arith.constant 0 : i32
    %eq3A_59 = arith.cmpi eq, %arg0, %eq3A_58 : i32
    %convert_element_type3A = arith.extui %eq3A_59 : i1 to i32
    %cond3A = arith.constant 0 : i32
    %cond3A_60 = arith.cmpi ne, %convert_element_type3A, %cond3A : i32
    scf.if %cond3A_60 {
      %mul3A_66 = arith.constant 640 : i32
      %mul3A_67 = arith.muli %arg1, %mul3A_66 : i32
      %mul3A_68 = arith.constant 640 : i32
      %mul3A_69 = arith.muli %arg1, %mul3A_68 : i32
      "tpu.region"() ({
        %run_scoped3A = tpu.sem_alloc : memref<!tpu.dma_semaphore, #tpu.memory_space<semaphore_mem>>
        %dma_start3A_70 = arith.constant 0 : i32
        %dma_start3A_71 = tpu.memref_slice %arg5[%mul3A_69, %dma_start3A_70] : memref<10240x128xf32, #tpu.memory_space<hbm>> -> memref<640x128xf32, #tpu.memory_space<hbm>>
        %dma_start3A_72 = arith.constant 0 : i32
        %dma_start3A_73 = tpu.memref_slice %arg11[%mul3A_67, %dma_start3A_72] : memref<10240x128xf32, #tpu.memory_space<vmem_shared>> -> memref<640x128xf32, #tpu.memory_space<vmem_shared>>
        tpu.enqueue_dma source(%dma_start3A_73 : memref<640x128xf32, #tpu.memory_space<vmem_shared>>) target(%dma_start3A_71 : memref<640x128xf32, #tpu.memory_space<hbm>>) target_semaphore(%run_scoped3A : memref<!tpu.dma_semaphore, #tpu.memory_space<semaphore_mem>>)
        %dma_wait3A_74 = arith.constant 0 : i32
        %dma_wait3A_75 = tpu.memref_slice %arg5[%mul3A_69, %dma_wait3A_74] : memref<10240x128xf32, #tpu.memory_space<hbm>> -> memref<640x128xf32, #tpu.memory_space<hbm>>
        %dma_wait3A_76 = arith.constant 0 : i32
        %dma_wait3A_77 = tpu.memref_slice %arg11[%mul3A_67, %dma_wait3A_76] : memref<10240x128xf32, #tpu.memory_space<vmem_shared>> -> memref<640x128xf32, #tpu.memory_space<vmem_shared>>
        tpu.wait_dma2 semaphore(%run_scoped3A : memref<!tpu.dma_semaphore, #tpu.memory_space<semaphore_mem>>) src(%dma_wait3A_77 : memref<640x128xf32, #tpu.memory_space<vmem_shared>>) dst(%dma_wait3A_75 : memref<640x128xf32, #tpu.memory_space<hbm>>)
        tpu.yield
      }) : () -> ()
    } else {
    }
    %eq3A_61 = arith.constant 1 : i32
    %eq3A_62 = arith.cmpi eq, %arg0, %eq3A_61 : i32
    %convert_element_type3A_63 = arith.extui %eq3A_62 : i1 to i32
    %cond3A_64 = arith.constant 0 : i32
    %cond3A_65 = arith.cmpi ne, %convert_element_type3A_63, %cond3A_64 : i32
    scf.if %cond3A_65 {
      %mul3A_66 = arith.constant 640 : i32
      %mul3A_67 = arith.muli %arg1, %mul3A_66 : i32
      %mul3A_68 = arith.constant 640 : i32
      %mul3A_69 = arith.muli %arg1, %mul3A_68 : i32
      "tpu.region"() ({
        %run_scoped3A = tpu.sem_alloc : memref<!tpu.dma_semaphore, #tpu.memory_space<semaphore_mem>>
        %dma_start3A_70 = arith.constant 0 : i32
        %dma_start3A_71 = tpu.memref_slice %arg6[%mul3A_69, %dma_start3A_70] : memref<10240x128xf32, #tpu.memory_space<hbm>> -> memref<640x128xf32, #tpu.memory_space<hbm>>
        %dma_start3A_72 = arith.constant 0 : i32
        %dma_start3A_73 = tpu.memref_slice %arg11[%mul3A_67, %dma_start3A_72] : memref<10240x128xf32, #tpu.memory_space<vmem_shared>> -> memref<640x128xf32, #tpu.memory_space<vmem_shared>>
        tpu.enqueue_dma source(%dma_start3A_73 : memref<640x128xf32, #tpu.memory_space<vmem_shared>>) target(%dma_start3A_71 : memref<640x128xf32, #tpu.memory_space<hbm>>) target_semaphore(%run_scoped3A : memref<!tpu.dma_semaphore, #tpu.memory_space<semaphore_mem>>)
        %dma_wait3A_74 = arith.constant 0 : i32
        %dma_wait3A_75 = tpu.memref_slice %arg6[%mul3A_69, %dma_wait3A_74] : memref<10240x128xf32, #tpu.memory_space<hbm>> -> memref<640x128xf32, #tpu.memory_space<hbm>>
        %dma_wait3A_76 = arith.constant 0 : i32
        %dma_wait3A_77 = tpu.memref_slice %arg11[%mul3A_67, %dma_wait3A_76] : memref<10240x128xf32, #tpu.memory_space<vmem_shared>> -> memref<640x128xf32, #tpu.memory_space<vmem_shared>>
        tpu.wait_dma2 semaphore(%run_scoped3A : memref<!tpu.dma_semaphore, #tpu.memory_space<semaphore_mem>>) src(%dma_wait3A_77 : memref<640x128xf32, #tpu.memory_space<vmem_shared>>) dst(%dma_wait3A_75 : memref<640x128xf32, #tpu.memory_space<hbm>>)
        tpu.yield
      }) : () -> ()
    } else {
    }
    return
  }
}

module attributes {stable_mosaic.version = 14 : i64} {
  func.func @_dinv_body(%arg0: i32, %arg1: memref<1000x128xf32, #tpu.memory_space<vmem>>, %arg2: memref<1000x128xf32, #tpu.memory_space<vmem>>, %arg3: memref<1000x128xf32, #tpu.memory_space<vmem>>) attributes {dimension_semantics = [#tpu.dimension_semantics<arbitrary>], iteration_bounds = array<i64: 10>, scalar_prefetch = 0 : i64, scratch_operands = 0 : i64, tpu.core_type = #tpu.core_type<tc>, window_params = [{transform_indices = @transform_0, window_bounds = array<i64: 1000, 128>}, {transform_indices = @transform_1, window_bounds = array<i64: 1000, 128>}, {transform_indices = @transform_2, window_bounds = array<i64: 1000, 128>}]} {
    %get3A = arith.constant 0 : index
    %get3A_0 = arith.constant 0 : index
    %get3A_1 = vector.load %arg1[%get3A, %get3A_0] : memref<1000x128xf32, #tpu.memory_space<vmem>>, vector<1000x128xf32>
    %get3A_2 = arith.constant 0 : index
    %get3A_3 = arith.constant 0 : index
    %get3A_4 = vector.load %arg2[%get3A_2, %get3A_3] : memref<1000x128xf32, #tpu.memory_space<vmem>>, vector<1000x128xf32>
    %add3A = arith.addf %get3A_1, %get3A_4 : vector<1000x128xf32>
    %add3A_5 = arith.constant 1.000000e+00 : f32
    %add3A_6 = vector.broadcast %add3A_5 : f32 to vector<1000x128xf32>
    %add3A_7 = arith.addf %add3A, %add3A_6 : vector<1000x128xf32>
    %rsqrt3A = math.rsqrt %add3A_7 : vector<1000x128xf32>
    %swap3A = arith.constant 0 : index
    %swap3A_8 = arith.constant 0 : index
    %swap3A_9 = vector.load %arg3[%swap3A, %swap3A_8] : memref<1000x128xf32, #tpu.memory_space<vmem>>, vector<1000x128xf32>
    tpu.vector_store %arg3[%swap3A, %swap3A_8], %rsqrt3A {strides = array<i32>} : memref<1000x128xf32, #tpu.memory_space<vmem>>, vector<1000x128xf32>,
    return
  }
  func.func @transform_0(%arg0: i32) -> (i32, i32) {
    %c0_i32 = arith.constant 0 : i32
    %c0_i32_0 = arith.constant 0 : i32
    return %arg0, %c0_i32 : i32, i32
  }
  func.func @transform_1(%arg0: i32) -> (i32, i32) {
    %c0_i32 = arith.constant 0 : i32
    %c0_i32_0 = arith.constant 0 : i32
    return %arg0, %c0_i32 : i32, i32
  }
  func.func @transform_2(%arg0: i32) -> (i32, i32) {
    %c0_i32 = arith.constant 0 : i32
    %c0_i32_0 = arith.constant 0 : i32
    return %arg0, %c0_i32 : i32, i32
  }
}

module attributes {stable_mosaic.version = 14 : i64} {
  func.func @_enc_body(%arg0: i32, %arg1: memref<1000x128xf32, #tpu.memory_space<vmem>>, %arg2: memref<1x128xf32, #tpu.memory_space<vmem>>, %arg3: memref<1x128xf32, #tpu.memory_space<vmem>>, %arg4: memref<128x128xf32, #tpu.memory_space<vmem>>, %arg5: memref<1x128xf32, #tpu.memory_space<vmem>>, %arg6: memref<128x128xf32, #tpu.memory_space<vmem>>, %arg7: memref<1x128xf32, #tpu.memory_space<vmem>>, %arg8: memref<1x128xf32, #tpu.memory_space<vmem>>, %arg9: memref<1x128xf32, #tpu.memory_space<vmem>>, %arg10: memref<1000x128xf32, #tpu.memory_space<vmem>>) attributes {dimension_semantics = [#tpu.dimension_semantics<arbitrary>], iteration_bounds = array<i64: 10>, scalar_prefetch = 0 : i64, scratch_operands = 0 : i64, tpu.core_type = #tpu.core_type<tc>, window_params = [{transform_indices = @transform_0, window_bounds = array<i64: 1000, 128>}, {pipeline_mode = #tpu.pipeline_mode<synchronous>, transform_indices = @transform_1, window_bounds = array<i64: 1, 128>}, {pipeline_mode = #tpu.pipeline_mode<synchronous>, transform_indices = @transform_2, window_bounds = array<i64: 1, 128>}, {pipeline_mode = #tpu.pipeline_mode<synchronous>, transform_indices = @transform_3, window_bounds = array<i64: 128, 128>}, {pipeline_mode = #tpu.pipeline_mode<synchronous>, transform_indices = @transform_4, window_bounds = array<i64: 1, 128>}, {pipeline_mode = #tpu.pipeline_mode<synchronous>, transform_indices = @transform_5, window_bounds = array<i64: 128, 128>}, {pipeline_mode = #tpu.pipeline_mode<synchronous>, transform_indices = @transform_6, window_bounds = array<i64: 1, 128>}, {pipeline_mode = #tpu.pipeline_mode<synchronous>, transform_indices = @transform_7, window_bounds = array<i64: 1, 128>}, {pipeline_mode = #tpu.pipeline_mode<synchronous>, transform_indices = @transform_8, window_bounds = array<i64: 1, 128>}, {transform_indices = @transform_9, window_bounds = array<i64: 1000, 128>}]} {
    %get3A = arith.constant 0 : index
    %get3A_0 = arith.constant 0 : index
    %get3A_1 = vector.load %arg1[%get3A, %get3A_0] : memref<1000x128xf32, #tpu.memory_space<vmem>>, vector<1000x128xf32>
    %get3A_2 = arith.constant 0 : index
    %get3A_3 = arith.constant 0 : index
    %get3A_4 = vector.load %arg2[%get3A_2, %get3A_3] : memref<1x128xf32, #tpu.memory_space<vmem>>, vector<1x128xf32>
    %sub3A = vector.broadcast %get3A_4 : vector<1x128xf32> to vector<1000x128xf32>
    %sub3A_5 = arith.subf %get3A_1, %sub3A : vector<1000x128xf32>
    %get3A_6 = arith.constant 0 : index
    %get3A_7 = arith.constant 0 : index
    %get3A_8 = vector.load %arg3[%get3A_6, %get3A_7] : memref<1x128xf32, #tpu.memory_space<vmem>>, vector<1x128xf32>
    %div3A = vector.broadcast %get3A_8 : vector<1x128xf32> to vector<1000x128xf32>
    %div3A_9 = arith.divf %sub3A_5, %div3A : vector<1000x128xf32>
    %get3A_10 = arith.constant 0 : index
    %get3A_11 = arith.constant 0 : index
    %get3A_12 = vector.load %arg4[%get3A_10, %get3A_11] : memref<128x128xf32, #tpu.memory_space<vmem>>, vector<128x128xf32>
    %dot_general3A = arith.constant dense<0.000000e+00> : vector<1000x128xf32>
    %dot_general3A_13 = tpu.matmul %div3A_9, %get3A_12, %dot_general3A {dimension_numbers = #tpu.dot_dimension_numbers<[1], [0], [0], [1], [0, 0, 1, 1], [], []>, transpose_lhs_hint = false} : vector<1000x128xf32>, vector<128x128xf32>, vector<1000x128xf32> -> vector<1000x128xf32>
    %get3A_14 = arith.constant 0 : index
    %get3A_15 = arith.constant 0 : index
    %get3A_16 = vector.load %arg5[%get3A_14, %get3A_15] : memref<1x128xf32, #tpu.memory_space<vmem>>, vector<1x128xf32>
    %add3A = vector.broadcast %get3A_16 : vector<1x128xf32> to vector<1000x128xf32>
    %add3A_17 = arith.addf %dot_general3A_13, %add3A : vector<1000x128xf32>
    %max3A = arith.constant 0.000000e+00 : f32
    %max3A_18 = vector.broadcast %max3A : f32 to vector<1000x128xf32>
    %max3A_19 = arith.maximumf %add3A_17, %max3A_18 : vector<1000x128xf32>
    %get3A_20 = arith.constant 0 : index
    %get3A_21 = arith.constant 0 : index
    %get3A_22 = vector.load %arg6[%get3A_20, %get3A_21] : memref<128x128xf32, #tpu.memory_space<vmem>>, vector<128x128xf32>
    %dot_general3A_23 = arith.constant dense<0.000000e+00> : vector<1000x128xf32>
    %dot_general3A_24 = tpu.matmul %max3A_19, %get3A_22, %dot_general3A_23 {dimension_numbers = #tpu.dot_dimension_numbers<[1], [0], [0], [1], [0, 0, 1, 1], [], []>, transpose_lhs_hint = false} : vector<1000x128xf32>, vector<128x128xf32>, vector<1000x128xf32> -> vector<1000x128xf32>
    %get3A_25 = arith.constant 0 : index
    %get3A_26 = arith.constant 0 : index
    %get3A_27 = vector.load %arg7[%get3A_25, %get3A_26] : memref<1x128xf32, #tpu.memory_space<vmem>>, vector<1x128xf32>
    %add3A_28 = vector.broadcast %get3A_27 : vector<1x128xf32> to vector<1000x128xf32>
    %add3A_29 = arith.addf %dot_general3A_24, %add3A_28 : vector<1000x128xf32>
    %reduce_sum3A = arith.constant dense<0.000000e+00> : vector<1000xf32>
    %reduce_sum3A_30 = vector.multi_reduction <add>, %add3A_29, %reduce_sum3A [1] : vector<1000x128xf32> to vector<1000xf32>
    %broadcast_in_dim3A = vector.shape_cast %reduce_sum3A_30 : vector<1000xf32> to vector<1000x1xf32>
    %div3A_31 = arith.constant 1.280000e+02 : f32
    %div3A_32 = vector.broadcast %div3A_31 : f32 to vector<1000x1xf32>
    %div3A_33 = arith.divf %broadcast_in_dim3A, %div3A_32 : vector<1000x1xf32>
    %sub3A_34 = vector.broadcast %div3A_33 : vector<1000x1xf32> to vector<1000x128xf32>
    %sub3A_35 = arith.subf %add3A_29, %sub3A_34 : vector<1000x128xf32>
    %sub3A_36 = vector.broadcast %div3A_33 : vector<1000x1xf32> to vector<1000x128xf32>
    %sub3A_37 = arith.subf %add3A_29, %sub3A_36 : vector<1000x128xf32>
    %mul3A = arith.mulf %sub3A_35, %sub3A_37 : vector<1000x128xf32>
    %reduce_sum3A_38 = arith.constant dense<0.000000e+00> : vector<1000xf32>
    %reduce_sum3A_39 = vector.multi_reduction <add>, %mul3A, %reduce_sum3A_38 [1] : vector<1000x128xf32> to vector<1000xf32>
    %broadcast_in_dim3A_40 = vector.shape_cast %reduce_sum3A_39 : vector<1000xf32> to vector<1000x1xf32>
    %div3A_41 = arith.constant 1.280000e+02 : f32
    %div3A_42 = vector.broadcast %div3A_41 : f32 to vector<1000x1xf32>
    %div3A_43 = arith.divf %broadcast_in_dim3A_40, %div3A_42 : vector<1000x1xf32>
    %sub3A_44 = vector.broadcast %div3A_33 : vector<1000x1xf32> to vector<1000x128xf32>
    %sub3A_45 = arith.subf %add3A_29, %sub3A_44 : vector<1000x128xf32>
    %add3A_46 = arith.constant 9.99999974E-6 : f32
    %add3A_47 = vector.broadcast %add3A_46 : f32 to vector<1000x1xf32>
    %add3A_48 = arith.addf %div3A_43, %add3A_47 : vector<1000x1xf32>
    %rsqrt3A = math.rsqrt %add3A_48 : vector<1000x1xf32>
    %mul3A_49 = vector.broadcast %rsqrt3A : vector<1000x1xf32> to vector<1000x128xf32>
    %mul3A_50 = arith.mulf %sub3A_45, %mul3A_49 : vector<1000x128xf32>
    %get3A_51 = arith.constant 0 : index
    %get3A_52 = arith.constant 0 : index
    %get3A_53 = vector.load %arg8[%get3A_51, %get3A_52] : memref<1x128xf32, #tpu.memory_space<vmem>>, vector<1x128xf32>
    %mul3A_54 = vector.broadcast %get3A_53 : vector<1x128xf32> to vector<1000x128xf32>
    %mul3A_55 = arith.mulf %mul3A_50, %mul3A_54 : vector<1000x128xf32>
    %get3A_56 = arith.constant 0 : index
    %get3A_57 = arith.constant 0 : index
    %get3A_58 = vector.load %arg9[%get3A_56, %get3A_57] : memref<1x128xf32, #tpu.memory_space<vmem>>, vector<1x128xf32>
    %add3A_59 = vector.broadcast %get3A_58 : vector<1x128xf32> to vector<1000x128xf32>
    %add3A_60 = arith.addf %mul3A_55, %add3A_59 : vector<1000x128xf32>
    %swap3A = arith.constant 0 : index
    %swap3A_61 = arith.constant 0 : index
    %swap3A_62 = vector.load %arg10[%swap3A, %swap3A_61] : memref<1000x128xf32, #tpu.memory_space<vmem>>, vector<1000x128xf32>
    tpu.vector_store %arg10[%swap3A, %swap3A_61], %add3A_60 {strides = array<i32>} : memref<1000x128xf32, #tpu.memory_space<vmem>>, vector<1000x128xf32>,
    return
  }
  func.func @transform_0(%arg0: i32) -> (i32, i32) {
    %c0_i32 = arith.constant 0 : i32
    %c0_i32_0 = arith.constant 0 : i32
    return %arg0, %c0_i32 : i32, i32
  }
  func.func @transform_1(%arg0: i32) -> (i32, i32) {
    %c0_i32 = arith.constant 0 : i32
    %c0_i32_0 = arith.constant 0 : i32
    %c0_i32_1 = arith.constant 0 : i32
    return %c0_i32, %c0_i32_0 : i32, i32
  }
  func.func @transform_2(%arg0: i32) -> (i32, i32) {
    %c0_i32 = arith.constant 0 : i32
    %c0_i32_0 = arith.constant 0 : i32
    %c0_i32_1 = arith.constant 0 : i32
    return %c0_i32, %c0_i32_0 : i32, i32
  }
  func.func @transform_3(%arg0: i32) -> (i32, i32) {
    %c0_i32 = arith.constant 0 : i32
    %c0_i32_0 = arith.constant 0 : i32
    %c0_i32_1 = arith.constant 0 : i32
    return %c0_i32, %c0_i32_0 : i32, i32
  }
  func.func @transform_4(%arg0: i32) -> (i32, i32) {
    %c0_i32 = arith.constant 0 : i32
    %c0_i32_0 = arith.constant 0 : i32
    %c0_i32_1 = arith.constant 0 : i32
    return %c0_i32, %c0_i32_0 : i32, i32
  }
  func.func @transform_5(%arg0: i32) -> (i32, i32) {
    %c0_i32 = arith.constant 0 : i32
    %c0_i32_0 = arith.constant 0 : i32
    %c0_i32_1 = arith.constant 0 : i32
    return %c0_i32, %c0_i32_0 : i32, i32
  }
  func.func @transform_6(%arg0: i32) -> (i32, i32) {
    %c0_i32 = arith.constant 0 : i32
    %c0_i32_0 = arith.constant 0 : i32
    %c0_i32_1 = arith.constant 0 : i32
    return %c0_i32, %c0_i32_0 : i32, i32
  }
  func.func @transform_7(%arg0: i32) -> (i32, i32) {
    %c0_i32 = arith.constant 0 : i32
    %c0_i32_0 = arith.constant 0 : i32
    %c0_i32_1 = arith.constant 0 : i32
    return %c0_i32, %c0_i32_0 : i32, i32
  }
  func.func @transform_8(%arg0: i32) -> (i32, i32) {
    %c0_i32 = arith.constant 0 : i32
    %c0_i32_0 = arith.constant 0 : i32
    %c0_i32_1 = arith.constant 0 : i32
    return %c0_i32, %c0_i32_0 : i32, i32
  }
  func.func @transform_9(%arg0: i32) -> (i32, i32) {
    %c0_i32 = arith.constant 0 : i32
    %c0_i32_0 = arith.constant 0 : i32
    return %arg0, %c0_i32 : i32, i32
  }
}

module attributes {stable_mosaic.version = 14 : i64} {
  func.func @_prep_body(%arg0: i32, %arg1: memref<1000x128xf32, #tpu.memory_space<vmem>>, %arg2: memref<1000x128xf32, #tpu.memory_space<vmem>>, %arg3: memref<128x128xf32, #tpu.memory_space<vmem>>, %arg4: memref<1000x128xf32, #tpu.memory_space<vmem>>) attributes {dimension_semantics = [#tpu.dimension_semantics<arbitrary>], iteration_bounds = array<i64: 10>, scalar_prefetch = 0 : i64, scratch_operands = 0 : i64, tpu.core_type = #tpu.core_type<tc>, window_params = [{transform_indices = @transform_0, window_bounds = array<i64: 1000, 128>}, {transform_indices = @transform_1, window_bounds = array<i64: 1000, 128>}, {pipeline_mode = #tpu.pipeline_mode<synchronous>, transform_indices = @transform_2, window_bounds = array<i64: 128, 128>}, {transform_indices = @transform_3, window_bounds = array<i64: 1000, 128>}]} {
    %get3A = arith.constant 0 : index
    %get3A_0 = arith.constant 0 : index
    %get3A_1 = vector.load %arg1[%get3A, %get3A_0] : memref<1000x128xf32, #tpu.memory_space<vmem>>, vector<1000x128xf32>
    %get3A_2 = arith.constant 0 : index
    %get3A_3 = arith.constant 0 : index
    %get3A_4 = vector.load %arg3[%get3A_2, %get3A_3] : memref<128x128xf32, #tpu.memory_space<vmem>>, vector<128x128xf32>
    %dot_general3A = arith.constant dense<0.000000e+00> : vector<1000x128xf32>
    %dot_general3A_5 = tpu.matmul %get3A_1, %get3A_4, %dot_general3A {dimension_numbers = #tpu.dot_dimension_numbers<[1], [0], [0], [1], [0, 0, 1, 1], [], []>, transpose_lhs_hint = false} : vector<1000x128xf32>, vector<128x128xf32>, vector<1000x128xf32> -> vector<1000x128xf32>
    %get3A_6 = arith.constant 0 : index
    %get3A_7 = arith.constant 0 : index
    %get3A_8 = vector.load %arg2[%get3A_6, %get3A_7] : memref<1000x128xf32, #tpu.memory_space<vmem>>, vector<1000x128xf32>
    %mul3A = arith.mulf %dot_general3A_5, %get3A_8 : vector<1000x128xf32>
    %swap3A = arith.constant 0 : index
    %swap3A_9 = arith.constant 0 : index
    %swap3A_10 = vector.load %arg4[%swap3A, %swap3A_9] : memref<1000x128xf32, #tpu.memory_space<vmem>>, vector<1000x128xf32>
    tpu.vector_store %arg4[%swap3A, %swap3A_9], %mul3A {strides = array<i32>} : memref<1000x128xf32, #tpu.memory_space<vmem>>, vector<1000x128xf32>,
    return
  }
  func.func @transform_0(%arg0: i32) -> (i32, i32) {
    %c0_i32 = arith.constant 0 : i32
    %c0_i32_0 = arith.constant 0 : i32
    return %arg0, %c0_i32 : i32, i32
  }
  func.func @transform_1(%arg0: i32) -> (i32, i32) {
    %c0_i32 = arith.constant 0 : i32
    %c0_i32_0 = arith.constant 0 : i32
    return %arg0, %c0_i32 : i32, i32
  }
  func.func @transform_2(%arg0: i32) -> (i32, i32) {
    %c0_i32 = arith.constant 0 : i32
    %c0_i32_0 = arith.constant 0 : i32
    %c0_i32_1 = arith.constant 0 : i32
    return %c0_i32, %c0_i32_0 : i32, i32
  }
  func.func @transform_3(%arg0: i32) -> (i32, i32) {
    %c0_i32 = arith.constant 0 : i32
    %c0_i32_0 = arith.constant 0 : i32
    return %arg0, %c0_i32 : i32, i32
  }
}

module attributes {stable_mosaic.version = 14 : i64} {
  func.func @_mid_body(%arg0: i32, %arg1: memref<1000x128xf32, #tpu.memory_space<vmem>>, %arg2: memref<1000x128xf32, #tpu.memory_space<vmem>>, %arg3: memref<1000x128xf32, #tpu.memory_space<vmem>>, %arg4: memref<1000x128xf32, #tpu.memory_space<vmem>>, %arg5: memref<1x128xf32, #tpu.memory_space<vmem>>, %arg6: memref<128x128xf32, #tpu.memory_space<vmem>>, %arg7: memref<1000x128xf32, #tpu.memory_space<vmem>>) attributes {dimension_semantics = [#tpu.dimension_semantics<arbitrary>], iteration_bounds = array<i64: 10>, scalar_prefetch = 0 : i64, scratch_operands = 0 : i64, tpu.core_type = #tpu.core_type<tc>, window_params = [{transform_indices = @transform_0, window_bounds = array<i64: 1000, 128>}, {transform_indices = @transform_1, window_bounds = array<i64: 1000, 128>}, {transform_indices = @transform_2, window_bounds = array<i64: 1000, 128>}, {transform_indices = @transform_3, window_bounds = array<i64: 1000, 128>}, {pipeline_mode = #tpu.pipeline_mode<synchronous>, transform_indices = @transform_4, window_bounds = array<i64: 1, 128>}, {pipeline_mode = #tpu.pipeline_mode<synchronous>, transform_indices = @transform_5, window_bounds = array<i64: 128, 128>}, {transform_indices = @transform_6, window_bounds = array<i64: 1000, 128>}]} {
    %get3A = arith.constant 0 : index
    %get3A_0 = arith.constant 0 : index
    %get3A_1 = vector.load %arg4[%get3A, %get3A_0] : memref<1000x128xf32, #tpu.memory_space<vmem>>, vector<1000x128xf32>
    %get3A_2 = arith.constant 0 : index
    %get3A_3 = arith.constant 0 : index
    %get3A_4 = vector.load %arg1[%get3A_2, %get3A_3] : memref<1000x128xf32, #tpu.memory_space<vmem>>, vector<1000x128xf32>
    %get3A_5 = arith.constant 0 : index
    %get3A_6 = arith.constant 0 : index
    %get3A_7 = vector.load %arg2[%get3A_5, %get3A_6] : memref<1000x128xf32, #tpu.memory_space<vmem>>, vector<1000x128xf32>
    %add3A = arith.addf %get3A_4, %get3A_7 : vector<1000x128xf32>
    %get3A_8 = arith.constant 0 : index
    %get3A_9 = arith.constant 0 : index
    %get3A_10 = vector.load %arg3[%get3A_8, %get3A_9] : memref<1000x128xf32, #tpu.memory_space<vmem>>, vector<1000x128xf32>
    %add3A_11 = arith.addf %add3A, %get3A_10 : vector<1000x128xf32>
    %mul3A = arith.mulf %add3A_11, %get3A_1 : vector<1000x128xf32>
    %get3A_12 = arith.constant 0 : index
    %get3A_13 = arith.constant 0 : index
    %get3A_14 = vector.load %arg5[%get3A_12, %get3A_13] : memref<1x128xf32, #tpu.memory_space<vmem>>, vector<1x128xf32>
    %add3A_15 = vector.broadcast %get3A_14 : vector<1x128xf32> to vector<1000x128xf32>
    %add3A_16 = arith.addf %mul3A, %add3A_15 : vector<1000x128xf32>
    %get3A_17 = arith.constant 0 : index
    %get3A_18 = arith.constant 0 : index
    %get3A_19 = vector.load %arg6[%get3A_17, %get3A_18] : memref<128x128xf32, #tpu.memory_space<vmem>>, vector<128x128xf32>
    %dot_general3A = arith.constant dense<0.000000e+00> : vector<1000x128xf32>
    %dot_general3A_20 = tpu.matmul %add3A_16, %get3A_19, %dot_general3A {dimension_numbers = #tpu.dot_dimension_numbers<[1], [0], [0], [1], [0, 0, 1, 1], [], []>, transpose_lhs_hint = false} : vector<1000x128xf32>, vector<128x128xf32>, vector<1000x128xf32> -> vector<1000x128xf32>
    %mul3A_21 = arith.mulf %dot_general3A_20, %get3A_1 : vector<1000x128xf32>
    %swap3A = arith.constant 0 : index
    %swap3A_22 = arith.constant 0 : index
    %swap3A_23 = vector.load %arg7[%swap3A, %swap3A_22] : memref<1000x128xf32, #tpu.memory_space<vmem>>, vector<1000x128xf32>
    tpu.vector_store %arg7[%swap3A, %swap3A_22], %mul3A_21 {strides = array<i32>} : memref<1000x128xf32, #tpu.memory_space<vmem>>, vector<1000x128xf32>,
    return
  }
  func.func @transform_0(%arg0: i32) -> (i32, i32) {
    %c0_i32 = arith.constant 0 : i32
    %c0_i32_0 = arith.constant 0 : i32
    return %arg0, %c0_i32 : i32, i32
  }
  func.func @transform_1(%arg0: i32) -> (i32, i32) {
    %c0_i32 = arith.constant 0 : i32
    %c0_i32_0 = arith.constant 0 : i32
    return %arg0, %c0_i32 : i32, i32
  }
  func.func @transform_2(%arg0: i32) -> (i32, i32) {
    %c0_i32 = arith.constant 0 : i32
    %c0_i32_0 = arith.constant 0 : i32
    return %arg0, %c0_i32 : i32, i32
  }
  func.func @transform_3(%arg0: i32) -> (i32, i32) {
    %c0_i32 = arith.constant 0 : i32
    %c0_i32_0 = arith.constant 0 : i32
    return %arg0, %c0_i32 : i32, i32
  }
  func.func @transform_4(%arg0: i32) -> (i32, i32) {
    %c0_i32 = arith.constant 0 : i32
    %c0_i32_0 = arith.constant 0 : i32
    %c0_i32_1 = arith.constant 0 : i32
    return %c0_i32, %c0_i32_0 : i32, i32
  }
  func.func @transform_5(%arg0: i32) -> (i32, i32) {
    %c0_i32 = arith.constant 0 : i32
    %c0_i32_0 = arith.constant 0 : i32
    %c0_i32_1 = arith.constant 0 : i32
    return %c0_i32, %c0_i32_0 : i32, i32
  }
  func.func @transform_6(%arg0: i32) -> (i32, i32) {
    %c0_i32 = arith.constant 0 : i32
    %c0_i32_0 = arith.constant 0 : i32
    return %arg0, %c0_i32 : i32, i32
  }
}

module attributes {stable_mosaic.version = 14 : i64} {
  func.func @_fin_body(%arg0: i32, %arg1: memref<1000x128xf32, #tpu.memory_space<vmem>>, %arg2: memref<1000x128xf32, #tpu.memory_space<vmem>>, %arg3: memref<1000x128xf32, #tpu.memory_space<vmem>>, %arg4: memref<1000x128xf32, #tpu.memory_space<vmem>>, %arg5: memref<1x128xf32, #tpu.memory_space<vmem>>, %arg6: memref<128x128xf32, #tpu.memory_space<vmem>>, %arg7: memref<1x128xf32, #tpu.memory_space<vmem>>, %arg8: memref<128x3xf32, #tpu.memory_space<vmem>>, %arg9: memref<1x3xf32, #tpu.memory_space<vmem>>, %arg10: memref<1000x3xf32, #tpu.memory_space<vmem>>) attributes {dimension_semantics = [#tpu.dimension_semantics<arbitrary>], iteration_bounds = array<i64: 10>, scalar_prefetch = 0 : i64, scratch_operands = 0 : i64, tpu.core_type = #tpu.core_type<tc>, window_params = [{transform_indices = @transform_0, window_bounds = array<i64: 1000, 128>}, {transform_indices = @transform_1, window_bounds = array<i64: 1000, 128>}, {transform_indices = @transform_2, window_bounds = array<i64: 1000, 128>}, {transform_indices = @transform_3, window_bounds = array<i64: 1000, 128>}, {pipeline_mode = #tpu.pipeline_mode<synchronous>, transform_indices = @transform_4, window_bounds = array<i64: 1, 128>}, {pipeline_mode = #tpu.pipeline_mode<synchronous>, transform_indices = @transform_5, window_bounds = array<i64: 128, 128>}, {pipeline_mode = #tpu.pipeline_mode<synchronous>, transform_indices = @transform_6, window_bounds = array<i64: 1, 128>}, {pipeline_mode = #tpu.pipeline_mode<synchronous>, transform_indices = @transform_7, window_bounds = array<i64: 128, 3>}, {pipeline_mode = #tpu.pipeline_mode<synchronous>, transform_indices = @transform_8, window_bounds = array<i64: 1, 3>}, {transform_indices = @transform_9, window_bounds = array<i64: 1000, 3>}]} {
    %get3A = arith.constant 0 : index
    %get3A_0 = arith.constant 0 : index
    %get3A_1 = vector.load %arg1[%get3A, %get3A_0] : memref<1000x128xf32, #tpu.memory_space<vmem>>, vector<1000x128xf32>
    %get3A_2 = arith.constant 0 : index
    %get3A_3 = arith.constant 0 : index
    %get3A_4 = vector.load %arg2[%get3A_2, %get3A_3] : memref<1000x128xf32, #tpu.memory_space<vmem>>, vector<1000x128xf32>
    %add3A = arith.addf %get3A_1, %get3A_4 : vector<1000x128xf32>
    %get3A_5 = arith.constant 0 : index
    %get3A_6 = arith.constant 0 : index
    %get3A_7 = vector.load %arg3[%get3A_5, %get3A_6] : memref<1000x128xf32, #tpu.memory_space<vmem>>, vector<1000x128xf32>
    %add3A_8 = arith.addf %add3A, %get3A_7 : vector<1000x128xf32>
    %get3A_9 = arith.constant 0 : index
    %get3A_10 = arith.constant 0 : index
    %get3A_11 = vector.load %arg4[%get3A_9, %get3A_10] : memref<1000x128xf32, #tpu.memory_space<vmem>>, vector<1000x128xf32>
    %mul3A = arith.mulf %add3A_8, %get3A_11 : vector<1000x128xf32>
    %get3A_12 = arith.constant 0 : index
    %get3A_13 = arith.constant 0 : index
    %get3A_14 = vector.load %arg5[%get3A_12, %get3A_13] : memref<1x128xf32, #tpu.memory_space<vmem>>, vector<1x128xf32>
    %add3A_15 = vector.broadcast %get3A_14 : vector<1x128xf32> to vector<1000x128xf32>
    %add3A_16 = arith.addf %mul3A, %add3A_15 : vector<1000x128xf32>
    %get3A_17 = arith.constant 0 : index
    %get3A_18 = arith.constant 0 : index
    %get3A_19 = vector.load %arg6[%get3A_17, %get3A_18] : memref<128x128xf32, #tpu.memory_space<vmem>>, vector<128x128xf32>
    %dot_general3A = arith.constant dense<0.000000e+00> : vector<1000x128xf32>
    %dot_general3A_20 = tpu.matmul %add3A_16, %get3A_19, %dot_general3A {dimension_numbers = #tpu.dot_dimension_numbers<[1], [0], [0], [1], [0, 0, 1, 1], [], []>, transpose_lhs_hint = false} : vector<1000x128xf32>, vector<128x128xf32>, vector<1000x128xf32> -> vector<1000x128xf32>
    %get3A_21 = arith.constant 0 : index
    %get3A_22 = arith.constant 0 : index
    %get3A_23 = vector.load %arg7[%get3A_21, %get3A_22] : memref<1x128xf32, #tpu.memory_space<vmem>>, vector<1x128xf32>
    %add3A_24 = vector.broadcast %get3A_23 : vector<1x128xf32> to vector<1000x128xf32>
    %add3A_25 = arith.addf %dot_general3A_20, %add3A_24 : vector<1000x128xf32>
    %max3A = arith.constant 0.000000e+00 : f32
    %max3A_26 = vector.broadcast %max3A : f32 to vector<1000x128xf32>
    %max3A_27 = arith.maximumf %add3A_25, %max3A_26 : vector<1000x128xf32>
    %get3A_28 = arith.constant 0 : index
    %get3A_29 = arith.constant 0 : index
    %get3A_30 = vector.load %arg8[%get3A_28, %get3A_29] : memref<128x3xf32, #tpu.memory_space<vmem>>, vector<128x3xf32>
    %dot_general3A_31 = arith.constant dense<0.000000e+00> : vector<1000x3xf32>
    %dot_general3A_32 = tpu.matmul %max3A_27, %get3A_30, %dot_general3A_31 {dimension_numbers = #tpu.dot_dimension_numbers<[1], [0], [0], [1], [0, 0, 1, 1], [], []>, transpose_lhs_hint = false} : vector<1000x128xf32>, vector<128x3xf32>, vector<1000x3xf32> -> vector<1000x3xf32>
    %get3A_33 = arith.constant 0 : index
    %get3A_34 = arith.constant 0 : index
    %get3A_35 = vector.load %arg9[%get3A_33, %get3A_34] : memref<1x3xf32, #tpu.memory_space<vmem>>, vector<1x3xf32>
    %add3A_36 = vector.broadcast %get3A_35 : vector<1x3xf32> to vector<1000x3xf32>
    %add3A_37 = arith.addf %dot_general3A_32, %add3A_36 : vector<1000x3xf32>
    %swap3A = arith.constant 0 : index
    %swap3A_38 = arith.constant 0 : index
    %swap3A_39 = vector.load %arg10[%swap3A, %swap3A_38] : memref<1000x3xf32, #tpu.memory_space<vmem>>, vector<1000x3xf32>
    tpu.vector_store %arg10[%swap3A, %swap3A_38], %add3A_37 {strides = array<i32>} : memref<1000x3xf32, #tpu.memory_space<vmem>>, vector<1000x3xf32>,
    return
  }
  func.func @transform_0(%arg0: i32) -> (i32, i32) {
    %c0_i32 = arith.constant 0 : i32
    %c0_i32_0 = arith.constant 0 : i32
    return %arg0, %c0_i32 : i32, i32
  }
  func.func @transform_1(%arg0: i32) -> (i32, i32) {
    %c0_i32 = arith.constant 0 : i32
    %c0_i32_0 = arith.constant 0 : i32
    return %arg0, %c0_i32 : i32, i32
  }
  func.func @transform_2(%arg0: i32) -> (i32, i32) {
    %c0_i32 = arith.constant 0 : i32
    %c0_i32_0 = arith.constant 0 : i32
    return %arg0, %c0_i32 : i32, i32
  }
  func.func @transform_3(%arg0: i32) -> (i32, i32) {
    %c0_i32 = arith.constant 0 : i32
    %c0_i32_0 = arith.constant 0 : i32
    return %arg0, %c0_i32 : i32, i32
  }
  func.func @transform_4(%arg0: i32) -> (i32, i32) {
    %c0_i32 = arith.constant 0 : i32
    %c0_i32_0 = arith.constant 0 : i32
    %c0_i32_1 = arith.constant 0 : i32
    return %c0_i32, %c0_i32_0 : i32, i32
  }
  func.func @transform_5(%arg0: i32) -> (i32, i32) {
    %c0_i32 = arith.constant 0 : i32
    %c0_i32_0 = arith.constant 0 : i32
    %c0_i32_1 = arith.constant 0 : i32
    return %c0_i32, %c0_i32_0 : i32, i32
  }
  func.func @transform_6(%arg0: i32) -> (i32, i32) {
    %c0_i32 = arith.constant 0 : i32
    %c0_i32_0 = arith.constant 0 : i32
    %c0_i32_1 = arith.constant 0 : i32
    return %c0_i32, %c0_i32_0 : i32, i32
  }
  func.func @transform_7(%arg0: i32) -> (i32, i32) {
    %c0_i32 = arith.constant 0 : i32
    %c0_i32_0 = arith.constant 0 : i32
    %c0_i32_1 = arith.constant 0 : i32
    return %c0_i32, %c0_i32_0 : i32, i32
  }
  func.func @transform_8(%arg0: i32) -> (i32, i32) {
    %c0_i32 = arith.constant 0 : i32
    %c0_i32_0 = arith.constant 0 : i32
    %c0_i32_1 = arith.constant 0 : i32
    return %c0_i32, %c0_i32_0 : i32, i32
  }
  func.func @transform_9(%arg0: i32) -> (i32, i32) {
    %c0_i32 = arith.constant 0 : i32
    %c0_i32_0 = arith.constant 0 : i32
    return %arg0, %c0_i32 : i32, i32
  }
}

</mosaic_0001>

<sc_bundles>
// kernel: kernel.14.cloned.1.call-start
scs
__scs_entry_jumppad:
0x0: {  	(pc) =	sbr.rel $0x88, $3  }
0x1: {  	(tag) =	ssettag $0x0;
	lr =	simm.s32 $0x1  }
0x2: {  	[smem:$0x3F91] =	sst lr;
	_ =	strace $0xD0000000  }
0x3: {  	_ = 	snop  }
0x4: {  	_ = 	snop  }
0x5: {  	_ = 	snop  }
0x6: {  	_ = 	snop  }
0x7: {  	_ = 	snop  }
__scs_overlays_trampoline_lowered:
0x8: {  	[smem:$0x3FA0] =	sst s0  }
0x9: {  	[smem:$0x3FA1] =	sst s1  }
0xa: {  	[smem:$0x3FA2] =	sst s2  }
0xb: {  	[smem:$0x3FA3] =	sst s3  }
0xc: {  	[smem:$0x3FA4] =	sst s4  }
0xd: {  	[smem:$0x3FA5] =	sst s5  }
0xe: {  	[smem:$0x3FA6] =	sst s6  }
0xf: {  	[smem:$0x3FA7] =	sst s7  }
0x10: {  	[smem:$0x3FA8] =	sst s8  }
0x11: {  	[smem:$0x3FA9] =	sst s9;
	s0 =	simm.s32 @!p0 $0x0  }
0x12: {  	s1 =	sld [smem:$0x3F8F];
	s0 =	simm.s32 @p0 $0x1  }
0x13: {  	[smem:$0x3FAA] =	sst s0;
	s0 =	simm.s32 @!p1 $0x0  }
0x14: {  	s2 =	sld [smem:$0x3F8E];
	s0 =	simm.s32 @p1 $0x1  }
0x15: {  	[smem:$0x3FAB] =	sst s0;
	s0 =	simm.s32 @!p2 $0x0  }
0x16: {  	s3 =	sld [smem:$0x3FDB];
	s0 =	simm.s32 @p2 $0x1  }
0x17: {  	s4 =	simm.s32 $0x1BF5;
	[smem:$0x3FAD] =	sst s0  }
0x18: {  	s0 =	sld [smem:$0x3F90];
	_ =	swait.ge [sflag:s4], $0x0  }
0x19: {  	s7 =	sld [smem:$0x3F91]  }
0x1a: {  	s8 =	sadd.s32 $0xFFFFE003, lr  }
0x1b: {  	s9 =	sadd.s32 $0xFFFFFEF7, lr;
	s5 =	simm.s32 $0xFFFFFFFF;
	p2 =	slt.u32 s8, $0xFFFFF086  }
0x1c: {  	p1 =	slt.u32 s9, $0xF7A;
	s5 =	simm.s32 @!p2 $0x0  }
0x1d: {  	s5 =	simm.s32 @p1 $0x1;
	p0 =	seq.s32 s7, s2  }
0x1e: {  	s7 =	smul.u32 @!p0 $0xF7A, s2;
	p2 =	seq.s32 @!p0 s5, $0x0  }
0x1f: {  	s9 =	smul.u32 $0xF7A, s1;
	s8 =	simm.s32 @!p0 $0x1BF5;
	p2 =	por !p2, p0  }
0x20: {  	[sflag:s8] =	ssyncset.s32 @!p0 $0xFFFFF086;
	s6 =	sadd.s32 @!p0 s3, s7;
	s7 =	simm.s32 @!p0 $0x108  }
0x21: {  	s3 =	sadd.s32 s3, s9;
	s6 =	sadd.s32 @!p0 $0x88, s6;
	s7 =	simm.s32 @p2 $0x1082  }
0x22: {  	[simem:s7], [sflag:s8] =	dma.local @!p0 [hbm:s6], $0xF7A  }
0x23: {  	s9 =	sor.u32 $0xD0000000, s2;
	s6 =	simm.s32 $0x108;
	_ =	swait.ge @!p0 [sflag:s8], $0x0  }
0x24: {  	s3 =	sadd.s32 $0x88, s3;
	s6 =	simm.s32 @!p1 $0x1082;
	[sflag:s4] =	ssyncset.s32 $0xFFFFF086  }
0x25: {  	[simem:s6], [sflag:s4] =	dma.local [hbm:s3], $0xF7A  }
0x26: {  	[smem:$0x3F91] =	sst s1;
	(tag) =	ssettag s2;
	_ =	strace s9  }
0x27: {  	s1 =	sld [smem:$0x3FA1]  }
0x28: {  	s2 =	sld [smem:$0x3FA2]  }
0x29: {  	s4 =	sld [smem:$0x3FA4]  }
0x2a: {  	p0 =	seq.s32 s5, $0x0;
	s5 =	sld [smem:$0x3FA5]  }
0x2b: {  	s6 =	sld [smem:$0x3FA6]  }
0x2c: {  	s7 =	sld [smem:$0x3FA7]  }
0x2d: {  	s3 =	simm.s32 $0x108;
	s8 =	sld [smem:$0x3FA8]  }
0x2e: {  	s3 =	simm.s32 @!p0 $0x1082;
	s9 =	sld [smem:$0x3FA9]  }
0x2f: {  	lr =	sadd.s32 s0, s3;
	s0 =	sld [smem:$0x3FA0]  }
0x30: {  	s3 =	sld [smem:$0x3FA3]  }
0x31: {  	[smem:$0x3FAC] =	sst s10  }
0x32: {  	s10 =	sld [smem:$0x3FAA];
	_ =	sdelay $0x3  }
0x33: {  	p0 =	seq.s32 s10, $0x1;
	s10 =	sld [smem:$0x3FAC];
	_ =	sdelay $0x3  }
0x34: {  	[smem:$0x3FAC] =	sst s10  }
0x35: {  	s10 =	sld [smem:$0x3FAB];
	_ =	sdelay $0x3  }
0x36: {  	p1 =	seq.s32 s10, $0x1;
	s10 =	sld [smem:$0x3FAC];
	_ =	sdelay $0x3  }
0x37: {  	[smem:$0x3FAC] =	sst s10  }
0x38: {  	s10 =	sld [smem:$0x3FAD]  }
0x39: {  	_ = 	snop;
	(pc) =	sbr.ind lr, $3  }
0x3a: {  	_ = 	snop  }
0x3b: {  	_ = 	snop  }
0x3c: {  	p2 =	seq.s32 s10, $0x1;
	s10 =	sld [smem:$0x3FAC]  }
0x3d: {  	_ =	shalt  }
0x3e: {  	_ =	shalt  }
0x3f: {  	_ =	shalt  }
0x40: {  	_ =	shalt  }
0x41: {  	_ =	shalt  }
0x42: {  	_ =	shalt  }
0x43: {  	_ =	shalt  }
0x44: {  	_ =	shalt  }
0x45: {  	_ =	shalt  }
0x46: {  	_ =	shalt  }
0x47: {  	_ =	shalt  }
0x48: {  	_ =	shalt  }
0x49: {  	_ =	shalt  }
0x4a: {  	_ =	shalt  }
0x4b: {  	_ =	shalt  }
0x4c: {  	_ =	shalt  }
0x4d: {  	_ =	shalt  }
0x4e: {  	_ =	shalt  }
0x4f: {  	_ =	shalt  }
0x50: {  	_ =	shalt  }
0x51: {  	_ =	shalt  }
0x52: {  	_ =	shalt  }
0x53: {  	_ =	shalt  }
0x54: {  	_ =	shalt  }
0x55: {  	_ =	shalt  }
0x56: {  	_ =	shalt  }
0x57: {  	_ =	shalt  }
0x58: {  	_ =	shalt  }
0x59: {  	_ =	shalt  }
0x5a: {  	_ =	shalt  }
0x5b: {  	_ =	shalt  }
0x5c: {  	_ =	shalt  }
0x5d: {  	_ =	shalt  }
0x5e: {  	_ =	shalt  }
0x5f: {  	_ =	shalt  }
0x60: {  	_ =	shalt  }
0x61: {  	_ =	shalt  }
0x62: {  	_ =	shalt  }
0x63: {  	_ =	shalt  }
0x64: {  	_ =	shalt  }
0x65: {  	_ =	shalt  }
0x66: {  	_ =	shalt  }
0x67: {  	_ =	shalt  }
0x68: {  	_ =	shalt  }
0x69: {  	_ =	shalt  }
0x6a: {  	_ =	shalt  }
0x6b: {  	_ =	shalt  }
0x6c: {  	_ =	shalt  }
0x6d: {  	_ =	shalt  }
0x6e: {  	_ =	shalt  }
0x6f: {  	_ =	shalt  }
0x70: {  	_ =	shalt  }
0x71: {  	_ =	shalt  }
0x72: {  	_ =	shalt  }
0x73: {  	_ =	shalt  }
0x74: {  	_ =	shalt  }
0x75: {  	_ =	shalt  }
0x76: {  	_ =	shalt  }
0x77: {  	_ =	shalt  }
0x78: {  	_ =	shalt  }
0x79: {  	_ =	shalt  }
0x7a: {  	_ =	shalt  }
0x7b: {  	_ =	shalt  }
0x7c: {  	_ =	shalt  }
0x7d: {  	_ =	shalt  }
0x7e: {  	_ =	shalt  }
0x7f: {  	_ =	shalt  }
0x80: {  	_ =	shalt  }
0x81: {  	_ =	shalt  }
0x82: {  	_ =	shalt  }
0x83: {  	_ =	shalt  }
0x84: {  	_ =	shalt  }
0x85: {  	_ =	shalt  }
0x86: {  	_ =	shalt  }
0x87: {  	_ =	shalt  }
.Lfunc_end0:
.L_simem_size_0:
called_computation_lowered:
.L_overlay_start_0:
0x88: {  	s2 =	sld [smem:$0x3FD9]  }
0x89: {  	s3 =	sld [smem:$0x3FFE];
	_ =	sdelay $0x1  }
0x8a: {  	s1 =	srdreg.scid  }
0x8b: {  	s0 =	sand.u32 $0x1, s1  }
0x8c: {  	s17 =	sshll.u32 s0, $0xA;
	s2 =	sadd.s32 s3, s2  }
0x8d: {  	s2 =	sadd.s32 s2, s17  }
0x8e: {  	[smem:$0x3FB8] =	sst s2  }
0x8f: {  	_ = 	snop  }
0x90: {  	s2 =	sld [smem:$0x3FD0];
	(tm) =	ssettm $0x1  }
0x91: {  	s18 =	sld [smem:$0x3FFB];
	_ =	sdelay $0x3  }
0x92: {  	_ =	strace s18  }
0x93: {  	s3 =	sld [smem:$0x3FFC];
	_ =	sdelay $0x3  }
0x94: {  	_ =	strace s3  }
0x95: {  	s3 =	sld [smem:$0x3FFD];
	_ =	sdelay $0x3  }
0x96: {  	_ =	strace s3  }
0x97: {  	_ =	strace $0x8FFFFFFF  }
0x98: {  	s19 =	sld [smem:$0x3FDB];
	_ =	sdelay $0x1  }
0x99: {  	s4 =	simm.s32 $_scs_section_size  }
0x9a: {  	s5 =	simm.s32 $_size__tile_overlayer_lowered;
	s6 =	simm.s32 $_tile_overlayer_lowered  }
0x9b: {  	s22 =	simm.s32 $0x1BFF;
	s21 =	sshll.u32 s6, $0x1;
	s3 =	sadd.s32 s4, s19  }
0x9c: {  	s7 =	simm.s32 $0x0;
	s20 =	sshll.u32 s5, $0x1;
	s5 =	sadd.s32 s21, s3  }
0x9d: {  	[timem:s7], [sflag:s22] =	dma.local [hbm:s5], s20  }
0x9e: {  	_ =	swait.ge [sflag:s22], s20  }
0x9f: {  	s4 =	ssub.s32 $0x0, s20;
	[sflag:s22] =	ssyncset.done $0x0  }
0xa0: {  	[sflag:s22] =	ssyncadd.s32 s4;
	_ =	sdelay $0x1  }
0xa1: {  	s23 =	simm.s32 $0x1B8B  }
0xa2: {  	_ =	swait.ge [sflag:s23], $0x1  }
0xa3: {  	[sflag:s23] =	ssyncset.done $0x0  }
0xa4: {  	s25 =	simm.s32 $0x1B8E;
	s24 =	sld [smem:$0x3FFE];
	[sflag:s23] =	ssyncadd.s32 $0xFFFFFFFF  }
0xa5: {  	s26 =	simm.s32 $execute0_lowered;
	[smem:$0x3FD2] =	sst s25  }
0xa6: {  	s5 =	sshll.u32 s26, $0x1;
	_ =	strace $0x80000046;
	[dreg:$0x1] =	wrdreg $0xFFFFFFFF  }
0xa7: {  	s28 =	simm.s32 $_size_execute0_lowered;
	s3 =	sadd.s32 s3, s5;
	[dreg:$0x0] =	wrdreg $0x0  }
0xa8: {  	s5 =	sshll.u32 s28, $0x1;
	[dreg:$0x2] =	wrdreg s3  }
0xa9: {  	[dreg:$0x3] =	wrdreg s5  }
0xaa: {  	[dreg:$0x4] =	wrdreg $0xC0  }
0xab: {  	_ =	task [dreg:s7], $0x5FFFF  }
0xac: {  	[dreg:$0x1] =	wrdreg $0xFFFFFFFF  }
0xad: {  	[dreg:$0x0] =	wrdreg $0x60  }
0xae: {  	[dreg:$0x2] =	wrdreg s24  }
0xaf: {  	[dreg:$0x3] =	wrdreg s2  }
0xb0: {  	[dreg:$0x4] =	wrdreg $0x41000  }
0xb1: {  	[dreg:$0x5] =	wrdreg $0x9  }
0xb2: {  	_ =	task.clear_ibuf [dreg:s7], $0x6FFFF;
	_ =	strace $0x90000046  }
0xb3: {  	s29 =	simm.s32 $0x9;
	_ =	strace $0x80000048  }
0xb4: {  	_ =	swait.ge [sflag:s29], $0x1  }
0xb5: {  	[sflag:s29] =	ssyncadd.s32 $0xFFFFFFFF  }
0xb6: {  	_ =	strace $0x90000048  }
0xb7: {  	_ =	sfence  }
0xb8: {  	s30 =	sld [smem:$0x0];
	_ =	sdelay $0x2  }
0xb9: {  	s31 =	sshll.u32 s1, $0xD;
	s1 =	sshrl.u32 s1, $0x2  }
0xba: {  	s3 =	sand.u32 $0x4000, s31;
	s1 =	sadd.s32 s1, s30  }
0xbb: {  	s0 =	sor.u32 s3, s0;
	s1 =	sshll.u32 s1, $0x11  }
0xbc: {  	s0 =	sor.u32 s1, s0  }
0xbd: {  	s0 =	sadd.s32 $0x8F2B, s0  }
0xbe: {  	[sflag:s0] =	ssyncadd.remote.s32 $0x1  }
0xbf: {  	_ =	sfence.sel $0xFFFF  }
0xc0: {  	[dreg:$0x0] =	wrdreg $0xFFFFFFFF;
	(pc) =	sbr.abs _section_cstart, $3  }
0xc1: {  	[dreg:$0x1] =	wrdreg $0xFFFFFFFF  }
0xc2: {  	_ =	task.clear_ibuf [dreg:s7], $0x2FFFF;
	_ =	strace $0x9FFFFFFF  }
0xc3: {  	(tm) =	ssettm $0x7FFFFFFF  }
tec
execute0_lowered:
.L_overlay_start_1:
0x0: {  	(tag) =	ssettag $0x1  }
0x1: {  	s5 =	rddreg [dreg:$0x0]  }
0x2: {  	s2 =	rddreg [dreg:$0x1]  }
0x3: {  	s3 =	rddreg [dreg:$0x2]  }
0x4: {  	s1 =	stileid.u32;
	s0 =	rddreg [dreg:$0x3];
	s4 =	simm.s32 $0x0  }
0x5: {  	s8 =	srdreg.scid;
	s13 =	simm.s32 $0x80;
	s6 =	smul.u32 $0x1400, s1  }
0x6: {  	s14 =	simm.s32 $0x0;
	s7 =	smul.u32 $0x2800, s1;
	[smem:$0x7FF] =	sst s4  }
0x7: {  	s8 =	sand.u32 $0x1, s8;
	s9 =	smul.u32 $0x50000, s1;
	s11 =	sshll.u32 s1, $0x6  }
0x8: {  	_ =	strace $0x80000047;
	s29 =	ssub.s32 $0x2, s8;
	s31 =	smul.u32 $0xA00, s8  }
0x9: {  	p0 =	seq.s32 s8, $0x1;
	s8 =	simm.s32 $0x6A400;
	s11 =	sor.u32 $0x1C01, s11  }
0xa: {  	s10 =	sadd.s32 s6, s5;
	s7 =	sadd.s32 s7, s5;
	s30 =	sshrl.u32 s29, $0x1  }
0xb: {  	s9 =	sshrl.u32 s9, $0x2;
	s8 =	simm.s32 @!p0 $0x42400;
	s6 =	ssub.s32 s29, s30  }
0xc: {  	s12 =	sadd.s32 s9, s3;
	s5 =	sadd.s32 $0x1A400, s7;
	s9 =	sadd.s32 s31, s10  }
0xd: {  	s7 =	sadd.s32 s8, s7;
	s10 =	simm.s32 $0x1;
	s6 =	smax.u32 s6, $0x1  }
0xe: {  	s8 =	sadd.s32 $0x6400, s9;
	s9 =	simm.s32 $0x100;
	s12 =	sshrl.u32 s12, $0x3  }
.LBB2_1:
0xf: {  	[tilespmem:s9], [sflag:$0x1] =	stream.linear.gather [hbm4b:s2+s4], $0x4000, $0x38;
	[tilespmem:$0x18100] =	vst v63  }
0x10: {  	_ =	swait.ge [sflag:s10], $0x4000  }
0x11: {  	[sflag:s10] =	ssyncset.done $0x0  }
0x12: {  	[sflag:s10] =	ssyncadd.s32 $0xFFFFC000  }
0x13: {  	[spmem:s12], [sflag:s11] =	dma.local [hbm:s5], $0x2800  }
0x14: {  	_ =	swait.ge [sflag:s10], $0x2800  }
0x15: {  	[sflag:s10] =	ssyncset.done $0x0  }
0x16: {  	[sflag:s10] =	ssyncadd.s32 $0xFFFFD800  }
0x17: {  	s15 =	sadd.s32 $0x0, s8;
	[bflag:$0x0] =	sbarrier.arrive $0xFFFF  }
0x18: {  	[tilespmem:s4], [sflag:$0x1] =	stream.linear.gather [hbm4b:s15+s4], $0x100, $0x38;
	[tilespmem:$0x18100] =	vst v63  }
0x19: {  	_ =	swait.ge [sflag:s10], $0x100  }
0x1a: {  	[sflag:s10] =	ssyncset.done $0x0  }
0x1b: {  	[sflag:s10] =	ssyncadd.s32 $0xFFFFFF00  }
0x1c: {  	[spmem:s3] =	stream.indirect.scatter.add.f32 [tilespmem:s9], [sflag:$0x1], $0x80, s13, s13, $0xb8;
	[tilespmem:$0x18100] =	vst v63  }
0x1d: {  	_ =	swait.ge [sflag:s10], $0x4000  }
0x1e: {  	s16 =	simm.s32 $0x40;
	s15 =	simm.s32 $0x20;
	[sflag:s10] =	ssyncset.done $0x0  }
.LBB2_2:
0x1f: {  	s17 =	sadd.s32 s15, s8  }
0x20: {  	[sflag:s10] =	ssyncadd.s32 $0xFFFFC000;
	s15 =	smov.u32 s16;
	s18 =	sadd.s32 $0x20, s16  }
0x21: {  	[tilespmem:s4], [sflag:$0x1] =	stream.linear.gather [hbm4b:s17+s4], $0x100, $0x38;
	[tilespmem:$0x18100] =	vst v63  }
0x22: {  	p0 =	sne.s32 s16, $0x9E0;
	_ =	swait.ge [sflag:s10], $0x100  }
.Ltmp0:
0x23: {  	[sflag:s10] =	ssyncset.done $0x0;
	(pc) =	sbr.rel @p0 .LBB2_2-.Ltmp0, $4  }
0x24: {  	[sflag:s10] =	ssyncadd.s32 $0xFFFFFF00  }
0x25: {  	[spmem:s3] =	stream.indirect.scatter.add.f32 [tilespmem:s9], [sflag:$0x1], $0x80, s13, s13, $0xb8;
	[tilespmem:$0x18100] =	vst v63  }
0x26: {  	_ =	swait.ge [sflag:s10], $0x4000  }
0x27: {  	s16 =	smov.u32 s18;
	[sflag:s10] =	ssyncset.done $0x0  }
0x28: {  	s15 =	sadd.s32 s15, s8;
	[sflag:s10] =	ssyncadd.s32 $0xFFFFC000  }
0x29: {  	[tilespmem:s4], [sflag:$0x1] =	stream.linear.gather [hbm4b:s15+s4], $0x100, $0x38;
	[tilespmem:$0x18100] =	vst v63  }
0x2a: {  	_ =	swait.ge [sflag:s10], $0x100  }
0x2b: {  	[sflag:s10] =	ssyncset.done $0x0  }
0x2c: {  	[sflag:s10] =	ssyncadd.s32 $0xFFFFFF00  }
0x2d: {  	[spmem:s3] =	stream.indirect.scatter.add.f32 [tilespmem:s9], [sflag:$0x1], $0x80, s13, s13, $0xb8;
	[tilespmem:$0x18100] =	vst v63  }
0x2e: {  	_ =	swait.ge [sflag:s10], $0x4000  }
0x2f: {  	s14 =	sadd.s32 $0x1, s14;
	[sflag:s10] =	ssyncset.done $0x0  }
0x30: {  	p0 =	sne.s32 s14, s6;
	[sflag:s10] =	ssyncadd.s32 $0xFFFFC000  }
.Ltmp1:
0x31: {  	[bflag:$0x0] =	sbarrier.arrive $0xFFFF;
	(pc) =	sbr.rel @p0 .LBB2_1-.Ltmp1, $4  }
0x32: {  	[hbm:s7], [sflag:s11] =	dma.local [spmem:s12], $0x2800  }
0x33: {  	_ =	swait.ge [sflag:s10], $0x2800  }
0x34: {  	[sflag:s10] =	ssyncset.done $0x0  }
0x35: {  	[sflag:s10] =	ssyncadd.s32 $0xFFFFD800  }
0x36: {  	_ =	sfence.sel $0x180000  }
0x37: {  	[bflag:$0x0] =	sbarrier.arrive $0xFFFF  }
0x38: {  	p0 =	sne.s32 s1, $0x0;
	_ =	strace $0x90000047  }
0x39: {  	s0 =	sadd.s32 @!p0 $0x100000, s0;
	[bflag:$0x2] =	sbarrier.arrive $0xFFFF  }
0x3a: {  	[sflag:s0] =	ssyncadd.tile.s32 @!p0 $0x1;
	_ =	shalt  }
.Lfunc_end2:
_tile_overlayer_lowered:
.L_overlay_start_2:
0x3b: {  	(tag) =	ssettag $0x2  }
0x3c: {  	s0 =	rddreg [dreg:$0x0];
	s2 =	stileid.u32  }
0x3d: {  	s1 =	rddreg [dreg:$0x1];
	p0 =	sne.s32 s2, $0x0  }
0x3e: {  	s3 =	rddreg [dreg:$0x2];
	[bflag:$0x3] =	sbarrier.arrive $0xFFFF;
	s2 =	simm.s32 @!p0 $0x1C01  }
0x3f: {  	[timem:s3], [sflag:s2] =	dma.local @!p0 [hbm:s0], s1  }
0x40: {  	s0 =	simm.s32 @!p0 $0x1  }
0x41: {  	_ =	swait.ge @!p0 [sflag:s0], s1  }
0x42: {  	s1 =	ssub.s32 @!p0 $0x0, s1;
	[sflag:s0] =	ssyncset.done @!p0 $0x0  }
0x43: {  	[sflag:s0] =	ssyncadd.s32 @!p0 s1  }
0x44: {  	[bflag:$0x3] =	sbarrier.arrive $0xFFFF  }
0x45: {  	_ =	shalt  }

// kernel: kernel.17.cloned.1.call-start
scs
__scs_entry_jumppad:
0x0: {  	(pc) =	sbr.rel $0x88, $3  }
0x1: {  	(tag) =	ssettag $0x0;
	lr =	simm.s32 $0x1  }
0x2: {  	[smem:$0x3F91] =	sst lr;
	_ =	strace $0xD0000000  }
0x3: {  	_ = 	snop  }
0x4: {  	_ = 	snop  }
0x5: {  	_ = 	snop  }
0x6: {  	_ = 	snop  }
0x7: {  	_ = 	snop  }
__scs_overlays_trampoline_lowered:
0x8: {  	[smem:$0x3FA0] =	sst s0  }
0x9: {  	[smem:$0x3FA1] =	sst s1  }
0xa: {  	[smem:$0x3FA2] =	sst s2  }
0xb: {  	[smem:$0x3FA3] =	sst s3  }
0xc: {  	[smem:$0x3FA4] =	sst s4  }
0xd: {  	[smem:$0x3FA5] =	sst s5  }
0xe: {  	[smem:$0x3FA6] =	sst s6  }
0xf: {  	[smem:$0x3FA7] =	sst s7  }
0x10: {  	[smem:$0x3FA8] =	sst s8  }
0x11: {  	[smem:$0x3FA9] =	sst s9;
	s0 =	simm.s32 @!p0 $0x0  }
0x12: {  	s1 =	sld [smem:$0x3F8F];
	s0 =	simm.s32 @p0 $0x1  }
0x13: {  	[smem:$0x3FAA] =	sst s0;
	s0 =	simm.s32 @!p1 $0x0  }
0x14: {  	s2 =	sld [smem:$0x3F8E];
	s0 =	simm.s32 @p1 $0x1  }
0x15: {  	[smem:$0x3FAB] =	sst s0;
	s0 =	simm.s32 @!p2 $0x0  }
0x16: {  	s3 =	sld [smem:$0x3FDB];
	s0 =	simm.s32 @p2 $0x1  }
0x17: {  	s4 =	simm.s32 $0x1BF5;
	[smem:$0x3FAD] =	sst s0  }
0x18: {  	s0 =	sld [smem:$0x3F90];
	_ =	swait.ge [sflag:s4], $0x0  }
0x19: {  	s7 =	sld [smem:$0x3F91]  }
0x1a: {  	s8 =	sadd.s32 $0xFFFFE003, lr  }
0x1b: {  	s9 =	sadd.s32 $0xFFFFFEF7, lr;
	s5 =	simm.s32 $0xFFFFFFFF;
	p2 =	slt.u32 s8, $0xFFFFF086  }
0x1c: {  	p1 =	slt.u32 s9, $0xF7A;
	s5 =	simm.s32 @!p2 $0x0  }
0x1d: {  	s5 =	simm.s32 @p1 $0x1;
	p0 =	seq.s32 s7, s2  }
0x1e: {  	s7 =	smul.u32 @!p0 $0xF7A, s2;
	p2 =	seq.s32 @!p0 s5, $0x0  }
0x1f: {  	s9 =	smul.u32 $0xF7A, s1;
	s8 =	simm.s32 @!p0 $0x1BF5;
	p2 =	por !p2, p0  }
0x20: {  	[sflag:s8] =	ssyncset.s32 @!p0 $0xFFFFF086;
	s6 =	sadd.s32 @!p0 s3, s7;
	s7 =	simm.s32 @!p0 $0x108  }
0x21: {  	s3 =	sadd.s32 s3, s9;
	s6 =	sadd.s32 @!p0 $0x88, s6;
	s7 =	simm.s32 @p2 $0x1082  }
0x22: {  	[simem:s7], [sflag:s8] =	dma.local @!p0 [hbm:s6], $0xF7A  }
0x23: {  	s9 =	sor.u32 $0xD0000000, s2;
	s6 =	simm.s32 $0x108;
	_ =	swait.ge @!p0 [sflag:s8], $0x0  }
0x24: {  	s3 =	sadd.s32 $0x88, s3;
	s6 =	simm.s32 @!p1 $0x1082;
	[sflag:s4] =	ssyncset.s32 $0xFFFFF086  }
0x25: {  	[simem:s6], [sflag:s4] =	dma.local [hbm:s3], $0xF7A  }
0x26: {  	[smem:$0x3F91] =	sst s1;
	(tag) =	ssettag s2;
	_ =	strace s9  }
0x27: {  	s1 =	sld [smem:$0x3FA1]  }
0x28: {  	s2 =	sld [smem:$0x3FA2]  }
0x29: {  	s4 =	sld [smem:$0x3FA4]  }
0x2a: {  	p0 =	seq.s32 s5, $0x0;
	s5 =	sld [smem:$0x3FA5]  }
0x2b: {  	s6 =	sld [smem:$0x3FA6]  }
0x2c: {  	s7 =	sld [smem:$0x3FA7]  }
0x2d: {  	s3 =	simm.s32 $0x108;
	s8 =	sld [smem:$0x3FA8]  }
0x2e: {  	s3 =	simm.s32 @!p0 $0x1082;
	s9 =	sld [smem:$0x3FA9]  }
0x2f: {  	lr =	sadd.s32 s0, s3;
	s0 =	sld [smem:$0x3FA0]  }
0x30: {  	s3 =	sld [smem:$0x3FA3]  }
0x31: {  	[smem:$0x3FAC] =	sst s10  }
0x32: {  	s10 =	sld [smem:$0x3FAA];
	_ =	sdelay $0x3  }
0x33: {  	p0 =	seq.s32 s10, $0x1;
	s10 =	sld [smem:$0x3FAC];
	_ =	sdelay $0x3  }
0x34: {  	[smem:$0x3FAC] =	sst s10  }
0x35: {  	s10 =	sld [smem:$0x3FAB];
	_ =	sdelay $0x3  }
0x36: {  	p1 =	seq.s32 s10, $0x1;
	s10 =	sld [smem:$0x3FAC];
	_ =	sdelay $0x3  }
0x37: {  	[smem:$0x3FAC] =	sst s10  }
0x38: {  	s10 =	sld [smem:$0x3FAD]  }
0x39: {  	_ = 	snop;
	(pc) =	sbr.ind lr, $3  }
0x3a: {  	_ = 	snop  }
0x3b: {  	_ = 	snop  }
0x3c: {  	p2 =	seq.s32 s10, $0x1;
	s10 =	sld [smem:$0x3FAC]  }
0x3d: {  	_ =	shalt  }
0x3e: {  	_ =	shalt  }
0x3f: {  	_ =	shalt  }
0x40: {  	_ =	shalt  }
0x41: {  	_ =	shalt  }
0x42: {  	_ =	shalt  }
0x43: {  	_ =	shalt  }
0x44: {  	_ =	shalt  }
0x45: {  	_ =	shalt  }
0x46: {  	_ =	shalt  }
0x47: {  	_ =	shalt  }
0x48: {  	_ =	shalt  }
0x49: {  	_ =	shalt  }
0x4a: {  	_ =	shalt  }
0x4b: {  	_ =	shalt  }
0x4c: {  	_ =	shalt  }
0x4d: {  	_ =	shalt  }
0x4e: {  	_ =	shalt  }
0x4f: {  	_ =	shalt  }
0x50: {  	_ =	shalt  }
0x51: {  	_ =	shalt  }
0x52: {  	_ =	shalt  }
0x53: {  	_ =	shalt  }
0x54: {  	_ =	shalt  }
0x55: {  	_ =	shalt  }
0x56: {  	_ =	shalt  }
0x57: {  	_ =	shalt  }
0x58: {  	_ =	shalt  }
0x59: {  	_ =	shalt  }
0x5a: {  	_ =	shalt  }
0x5b: {  	_ =	shalt  }
0x5c: {  	_ =	shalt  }
0x5d: {  	_ =	shalt  }
0x5e: {  	_ =	shalt  }
0x5f: {  	_ =	shalt  }
0x60: {  	_ =	shalt  }
0x61: {  	_ =	shalt  }
0x62: {  	_ =	shalt  }
0x63: {  	_ =	shalt  }
0x64: {  	_ =	shalt  }
0x65: {  	_ =	shalt  }
0x66: {  	_ =	shalt  }
0x67: {  	_ =	shalt  }
0x68: {  	_ =	shalt  }
0x69: {  	_ =	shalt  }
0x6a: {  	_ =	shalt  }
0x6b: {  	_ =	shalt  }
0x6c: {  	_ =	shalt  }
0x6d: {  	_ =	shalt  }
0x6e: {  	_ =	shalt  }
0x6f: {  	_ =	shalt  }
0x70: {  	_ =	shalt  }
0x71: {  	_ =	shalt  }
0x72: {  	_ =	shalt  }
0x73: {  	_ =	shalt  }
0x74: {  	_ =	shalt  }
0x75: {  	_ =	shalt  }
0x76: {  	_ =	shalt  }
0x77: {  	_ =	shalt  }
0x78: {  	_ =	shalt  }
0x79: {  	_ =	shalt  }
0x7a: {  	_ =	shalt  }
0x7b: {  	_ =	shalt  }
0x7c: {  	_ =	shalt  }
0x7d: {  	_ =	shalt  }
0x7e: {  	_ =	shalt  }
0x7f: {  	_ =	shalt  }
0x80: {  	_ =	shalt  }
0x81: {  	_ =	shalt  }
0x82: {  	_ =	shalt  }
0x83: {  	_ =	shalt  }
0x84: {  	_ =	shalt  }
0x85: {  	_ =	shalt  }
0x86: {  	_ =	shalt  }
0x87: {  	_ =	shalt  }
.Lfunc_end0:
.L_simem_size_0:
called_computation.1_lowered:
.L_overlay_start_0:
0x88: {  	s2 =	sld [smem:$0x3FD9]  }
0x89: {  	s3 =	sld [smem:$0x3FFE];
	_ =	sdelay $0x1  }
0x8a: {  	s1 =	srdreg.scid  }
0x8b: {  	s0 =	sand.u32 $0x1, s1  }
0x8c: {  	s16 =	sshll.u32 s0, $0xA;
	s2 =	sadd.s32 s3, s2  }
0x8d: {  	s2 =	sadd.s32 s2, s16  }
0x8e: {  	[smem:$0x3FB8] =	sst s2  }
0x8f: {  	_ = 	snop  }
0x90: {  	(tm) =	ssettm $0x1  }
0x91: {  	s17 =	sld [smem:$0x3FFB];
	_ =	sdelay $0x3  }
0x92: {  	_ =	strace s17  }
0x93: {  	s2 =	sld [smem:$0x3FFC];
	_ =	sdelay $0x3  }
0x94: {  	_ =	strace s2  }
0x95: {  	s2 =	sld [smem:$0x3FFD];
	_ =	sdelay $0x3  }
0x96: {  	_ =	strace s2  }
0x97: {  	_ =	strace $0x8FFFFFFF  }
0x98: {  	s18 =	sld [smem:$0x3FDB];
	_ =	sdelay $0x1  }
0x99: {  	s19 =	simm.s32 $_scs_section_size  }
0x9a: {  	s4 =	simm.s32 $_size__tile_overlayer_lowered;
	s5 =	simm.s32 $_tile_overlayer_lowered  }
0x9b: {  	s22 =	simm.s32 $0x1BFF;
	s21 =	sshll.u32 s5, $0x1;
	s2 =	sadd.s32 s19, s18  }
0x9c: {  	s6 =	simm.s32 $0x0;
	s20 =	sshll.u32 s4, $0x1;
	s4 =	sadd.s32 s21, s2  }
0x9d: {  	[timem:s6], [sflag:s22] =	dma.local [hbm:s4], s20  }
0x9e: {  	_ =	swait.ge [sflag:s22], s20  }
0x9f: {  	s3 =	ssub.s32 $0x0, s20;
	[sflag:s22] =	ssyncset.done $0x0  }
0xa0: {  	[sflag:s22] =	ssyncadd.s32 s3;
	_ =	sdelay $0x1  }
0xa1: {  	s23 =	simm.s32 $0x1B8B  }
0xa2: {  	_ =	swait.ge [sflag:s23], $0x1  }
0xa3: {  	[sflag:s23] =	ssyncset.done $0x0  }
0xa4: {  	s25 =	simm.s32 $0x1B8E;
	s24 =	sld [smem:$0x3FFE];
	[sflag:s23] =	ssyncadd.s32 $0xFFFFFFFF  }
0xa5: {  	s26 =	simm.s32 $execute0_lowered;
	[smem:$0x3FD2] =	sst s25  }
0xa6: {  	s4 =	sshll.u32 s26, $0x1;
	_ =	strace $0x80000049;
	[dreg:$0x1] =	wrdreg $0xFFFFFFFF  }
0xa7: {  	s28 =	simm.s32 $_size_execute0_lowered;
	s2 =	sadd.s32 s2, s4;
	[dreg:$0x0] =	wrdreg $0x0  }
0xa8: {  	s4 =	sshll.u32 s28, $0x1;
	[dreg:$0x2] =	wrdreg s2  }
0xa9: {  	[dreg:$0x3] =	wrdreg s4  }
0xaa: {  	[dreg:$0x4] =	wrdreg $0xC0  }
0xab: {  	_ =	task [dreg:s6], $0x5FFFF  }
0xac: {  	[dreg:$0x1] =	wrdreg $0xFFFFFFFF  }
0xad: {  	[dreg:$0x0] =	wrdreg $0x60  }
0xae: {  	[dreg:$0x2] =	wrdreg s24  }
0xaf: {  	[dreg:$0x3] =	wrdreg $0x82000  }
0xb0: {  	[dreg:$0x4] =	wrdreg $0x9  }
0xb1: {  	_ =	task.clear_ibuf [dreg:s6], $0x5FFFF;
	_ =	strace $0x90000049  }
0xb2: {  	s29 =	simm.s32 $0x9;
	_ =	strace $0x8000004B  }
0xb3: {  	_ =	swait.ge [sflag:s29], $0x1  }
0xb4: {  	[sflag:s29] =	ssyncadd.s32 $0xFFFFFFFF  }
0xb5: {  	_ =	strace $0x9000004B  }
0xb6: {  	_ =	sfence  }
0xb7: {  	s30 =	sld [smem:$0x0];
	_ =	sdelay $0x2  }
0xb8: {  	s31 =	sshll.u32 s1, $0xD;
	s1 =	sshrl.u32 s1, $0x2  }
0xb9: {  	s3 =	sand.u32 $0x4000, s31;
	s1 =	sadd.s32 s1, s30  }
0xba: {  	s0 =	sor.u32 s3, s0;
	s1 =	sshll.u32 s1, $0x11  }
0xbb: {  	s0 =	sor.u32 s1, s0  }
0xbc: {  	s0 =	sadd.s32 $0x8F2B, s0  }
0xbd: {  	[sflag:s0] =	ssyncadd.remote.s32 $0x1  }
0xbe: {  	_ =	sfence.sel $0xFFFF  }
0xbf: {  	[dreg:$0x0] =	wrdreg $0xFFFFFFFF;
	(pc) =	sbr.abs _section_cstart, $3  }
0xc0: {  	[dreg:$0x1] =	wrdreg $0xFFFFFFFF  }
0xc1: {  	_ =	task.clear_ibuf [dreg:s6], $0x2FFFF;
	_ =	strace $0x9FFFFFFF  }
0xc2: {  	(tm) =	ssettm $0x7FFFFFFF  }
0xc3: {  	_ =	shalt  }
tec
execute0_lowered:
.L_overlay_start_1:
0x0: {  	(tag) =	ssettag $0x1  }
0x1: {  	s5 =	rddreg [dreg:$0x0]  }
0x2: {  	s1 =	srdreg.scid;
	s0 =	stileid.u32  }
0x3: {  	s2 =	rddreg [dreg:$0x1];
	s3 =	simm.s32 $0x0;
	s11 =	simm.s32 $0x9C  }
0x4: {  	s18 =	simm.s32 $0x200;
	s19 =	simm.s32 $0x100;
	s20 =	simm.s32 $0x4200  }
0x5: {  	s21 =	simm.s32 $0x1;
	s22 =	simm.s32 $0x3;
	s23 =	simm.s32 $0x180  }
0x6: {  	s24 =	simm.s32 $0x4;
	s6 =	sand.u32 $0x1, s1;
	s4 =	smul.u32 $0x9C, s0  }
0x7: {  	s25 =	sshll.u32 s0, $0x2;
	[smem:$0x7FF] =	sst s3;
	s12 =	smul.u32 $0x2800, s0  }
0x8: {  	s8 =	smul.u32 $0x50000, s0;
	s13 =	sadd.s32 $0x69600, s5;
	s15 =	sadd.s32 $0x91600, s5  }
0x9: {  	s30 =	sshll.u32 s0, $0x6;
	p0 =	seq.s32 s6, $0x0;
	s7 =	sor.u32 $0x9C0, s25  }
0xa: {  	_ =	strace $0x8000004A;
	s6 =	ssub.s32 $0x2, s6;
	s25 =	simm.s32 $0x2  }
0xb: {  	s7 =	smov.u32 @p0 s4;
	s4 =	sadd.s32 $0x42400, s5;
	s26 =	sadd.s32 s12, s5  }
0xc: {  	s28 =	sshrl.u32 s6, $0x1;
	s29 =	sshrl.u32 s8, $0x2;
	s11 =	simm.s32 @!p0 $0x4  }
0xd: {  	s15 =	smov.u32 @p0 s13;
	s7 =	sshll.u32 s7, $0x5;
	s9 =	ssub.s32 s6, s28  }
0xe: {  	s16 =	sadd.s32 s29, s2;
	s31 =	sadd.s32 $0x1A400, s26;
	s6 =	sor.u32 $0x1C05, s30  }
0xf: {  	s17 =	sshrl.u32 s11, $0x1;
	s11 =	sadd.s32 $0xFFFFFFFE, s11;
	s12 =	sadd.s32 s15, s12  }
0x10: {  	s26 =	simm.s32 $0x0;
	s14 =	sadd.s32 s7, s5;
	[dreg:$0x3] =	wrdreg s31  }
0x11: {  	s8 =	smax.u32 s9, $0x1;
	s13 =	sadd.s32 $0xFFFFFFFF, s17;
	s15 =	sshrl.u32 s16, $0x3  }
0x12: {  	s16 =	simm.s32 $0x5;
	s17 =	simm.s32 $0x80;
	s7 =	sadd.s32 $0x6400, s14  }
0x13: {  	s9 =	sadd.s32 $0x6420, s14;
	s10 =	sadd.s32 $0x6440, s14;
	s14 =	sadd.s32 $0x6480, s14  }
.LBB2_1:
0x14: {  	s0 =	rddreg [dreg:$0x3]  }
0x15: {  	[spmem:s15], [sflag:s6] =	dma.local [hbm:s0], $0x2800  }
0x16: {  	_ =	swait.ge [sflag:s16], $0x2800  }
0x17: {  	[sflag:s16] =	ssyncset.done $0x0  }
0x18: {  	[sflag:s16] =	ssyncadd.s32 $0xFFFFD800  }
0x19: {  	[bflag:$0x0] =	sbarrier.arrive $0xFFFF  }
0x1a: {  	[tilespmem:s3], [sflag:$0x5] =	stream.linear.gather [hbm4b:s7+s3], $0x100, $0x38;
	[tilespmem:$0x1C200] =	vst v63  }
0x1b: {  	_ =	swait.ge [sflag:s16], $0x100  }
0x1c: {  	[sflag:s16] =	ssyncset.done $0x0  }
0x1d: {  	[sflag:s16] =	ssyncadd.s32 $0xFFFFFF00  }
0x1e: {  	[tilespmem:s18], [sflag:$0x1] =	stream.indirect.gather [hbm4b:s4+s17], $0x80, s3, s17, $0xb8;
	[tilespmem:$0x1C200] =	vst v63  }
0x1f: {  	_ = 	snop  }
0x20: {  	[tilespmem:s19], [sflag:$0x5] =	stream.linear.gather [hbm4b:s9+s3], $0x100, $0x38;
	[tilespmem:$0x1C200] =	vst v63  }
0x21: {  	_ =	swait.ge [sflag:s16], $0x100  }
0x22: {  	[sflag:s16] =	ssyncset.done $0x0  }
0x23: {  	[sflag:s16] =	ssyncadd.s32 $0xFFFFFF00  }
0x24: {  	[tilespmem:s20], [sflag:$0x2] =	stream.indirect.gather [hbm4b:s4+s17], $0x80, s19, s17, $0xb8;
	[tilespmem:$0x1C200] =	vst v63  }
0x25: {  	_ =	swait.ge [sflag:s21], $0x4000  }
0x26: {  	[sflag:s21] =	ssyncset.done $0x0  }
0x27: {  	[sflag:s21] =	ssyncadd.s32 $0xFFFFC000  }
0x28: {  	[spmem:s2] =	stream.indirect.scatter.add.f32 [tilespmem:s18], [sflag:$0x3], $0x80, s17, s17, $0xb8;
	[tilespmem:$0x1C200] =	vst v63  }
0x29: {  	_ =	swait.ge [sflag:s22], $0x4000  }
0x2a: {  	[sflag:s22] =	ssyncset.done $0x0  }
0x2b: {  	[sflag:s22] =	ssyncadd.s32 $0xFFFFC000  }
0x2c: {  	[tilespmem:s3], [sflag:$0x5] =	stream.linear.gather [hbm4b:s10+s3], $0x100, $0x38;
	[tilespmem:$0x1C200] =	vst v63  }
0x2d: {  	_ =	swait.ge [sflag:s16], $0x100  }
0x2e: {  	[sflag:s16] =	ssyncset.done $0x0  }
0x2f: {  	[sflag:s16] =	ssyncadd.s32 $0xFFFFFF00  }
0x30: {  	[tilespmem:s18], [sflag:$0x1] =	stream.indirect.gather [hbm4b:s4+s17], $0x80, s3, s17, $0xb8;
	[tilespmem:$0x1C200] =	vst v63  }
0x31: {  	_ =	swait.ge [sflag:s25], $0x4000  }
0x32: {  	[sflag:s25] =	ssyncset.done $0x0  }
0x33: {  	[sflag:s25] =	ssyncadd.s32 $0xFFFFC000  }
0x34: {  	[spmem:s2] =	stream.indirect.scatter.add.f32 [tilespmem:s20], [sflag:$0x4], $0x80, s23, s17, $0xb8;
	[tilespmem:$0x1C200] =	vst v63  }
0x35: {  	_ =	swait.ge [sflag:s24], $0x4000  }
0x36: {  	[sflag:s24] =	ssyncset.done $0x0  }
0x37: {  	s28 =	sadd.s32 $0xFFFFFFE0, s14;
	[sflag:s24] =	ssyncadd.s32 $0xFFFFC000  }
0x38: {  	[tilespmem:s19], [sflag:$0x5] =	stream.linear.gather [hbm4b:s28+s3], $0x100, $0x38;
	[tilespmem:$0x1C200] =	vst v63  }
0x39: {  	_ =	swait.ge [sflag:s16], $0x100  }
0x3a: {  	[sflag:s16] =	ssyncset.done $0x0  }
0x3b: {  	[sflag:s16] =	ssyncadd.s32 $0xFFFFFF00  }
0x3c: {  	[tilespmem:s20], [sflag:$0x2] =	stream.indirect.gather [hbm4b:s4+s17], $0x80, s19, s17, $0xb8;
	[tilespmem:$0x1C200] =	vst v63  }
0x3d: {  	_ =	swait.ge [sflag:s21], $0x4000  }
0x3e: {  	p0 =	sle.u32 s11, $0x2;
	[sflag:s21] =	ssyncset.done $0x0  }
0x3f: {  	s28 =	simm.s32 @!p0 $0x3;
	[sflag:s21] =	ssyncadd.s32 $0xFFFFC000  }
0x40: {  	[spmem:s2] =	stream.indirect.scatter.add.f32 [tilespmem:s18], [sflag:$0x3], $0x80, s17, s17, $0xb8;
	[tilespmem:$0x1C200] =	vst v63  }
0x41: {  	_ =	swait.ge @!p0 [sflag:s28], $0x4000  }
0x42: {  	[sflag:s28] =	ssyncset.done @!p0 $0x0  }
0x43: {  	s29 =	simm.s32 @!p0 $0x0;
	[sflag:s28] =	ssyncadd.s32 @!p0 $0xFFFFC000;
	s28 =	simm.s32 @!p0 $0x5  }
0x44: {  	[tilespmem:s29], [sflag:$0x5] =	stream.linear.gather @!p0 [hbm4b:s14+s29], $0x100, $0x38;
	[tilespmem:$0x1C200] =	vst v63  }
0x45: {  	_ =	swait.ge @!p0 [sflag:s28], $0x100  }
0x46: {  	[sflag:s28] =	ssyncset.done @!p0 $0x0  }
0x47: {  	s30 =	simm.s32 @!p0 $0x200;
	[sflag:s28] =	ssyncadd.s32 @!p0 $0xFFFFFF00;
	s28 =	simm.s32 @!p0 $0x80  }
0x48: {  	[tilespmem:s30], [sflag:$0x1] =	stream.indirect.gather @!p0 [hbm4b:s4+s28], $0x80, s29, s28, $0xb8;
	[tilespmem:$0x1C200] =	vst v63  }
0x49: {  	s28 =	sadd.s32 $0xFFFFFFFF, s13  }
0x4a: {  	p0 =	sne.s32 s28, $0x0  }
.Ltmp0:
0x4b: {  	_ = 	snop;
	(pc) =	sbr.rel @!p0 .LBB2_3-.Ltmp0, $3  }
0x4c: {  	_ =	sdelay $0x1  }
0x4d: {  	_ =	swait.ge [sflag:s25], $0x4000  }
0x4e: {  	s29 =	sadd.s32 $0x40, s14;
	s30 =	simm.s32 $0x2;
	[sflag:s25] =	ssyncset.done $0x0  }
.LBB2_2:
0x4f: {  	s28 =	sadd.s32 $0xFFFFFFFF, s28;
	[sflag:s25] =	ssyncadd.s32 $0xFFFFC000;
	s30 =	sadd.s32 $0x2, s30  }
0x50: {  	[spmem:s2] =	stream.indirect.scatter.add.f32 [tilespmem:s20], [sflag:$0x4], $0x80, s23, s17, $0xb8;
	[tilespmem:$0x1C200] =	vst v63  }
0x51: {  	p0 =	sne.s32 s28, $0x0;
	_ =	swait.ge [sflag:s24], $0x4000  }
0x52: {  	s31 =	sadd.s32 $0xFFFFFFE0, s29;
	[sflag:s24] =	ssyncset.done $0x0  }
0x53: {  	[sflag:s24] =	ssyncadd.s32 $0xFFFFC000  }
0x54: {  	[tilespmem:s19], [sflag:$0x5] =	stream.linear.gather [hbm4b:s31+s3], $0x100, $0x38;
	[tilespmem:$0x1C200] =	vst v63  }
0x55: {  	_ =	swait.ge [sflag:s16], $0x100  }
0x56: {  	[sflag:s16] =	ssyncset.done $0x0  }
0x57: {  	[sflag:s16] =	ssyncadd.s32 $0xFFFFFF00  }
0x58: {  	[tilespmem:s20], [sflag:$0x2] =	stream.indirect.gather [hbm4b:s4+s17], $0x80, s19, s17, $0xb8;
	[tilespmem:$0x1C200] =	vst v63  }
0x59: {  	_ =	swait.ge [sflag:s21], $0x4000  }
0x5a: {  	p1 =	sge.u32 s30, s11;
	[sflag:s21] =	ssyncset.done $0x0  }
0x5b: {  	s31 =	simm.s32 @!p1 $0x3;
	[sflag:s21] =	ssyncadd.s32 $0xFFFFC000  }
0x5c: {  	[spmem:s2] =	stream.indirect.scatter.add.f32 [tilespmem:s18], [sflag:$0x3], $0x80, s17, s17, $0xb8;
	[tilespmem:$0x1C200] =	vst v63  }
0x5d: {  	_ =	swait.ge @!p1 [sflag:s31], $0x4000  }
0x5e: {  	s1 =	simm.s32 @!p1 $0x0;
	[sflag:s31] =	ssyncset.done @!p1 $0x0  }
0x5f: {  	[sflag:s31] =	ssyncadd.s32 @!p1 $0xFFFFC000;
	s31 =	simm.s32 @!p1 $0x5  }
0x60: {  	[tilespmem:s1], [sflag:$0x5] =	stream.linear.gather @!p1 [hbm4b:s29+s1], $0x100, $0x38;
	[tilespmem:$0x1C200] =	vst v63  }
0x61: {  	s0 =	simm.s32 @!p1 $0x200;
	_ =	swait.ge @!p1 [sflag:s31], $0x100  }
.Ltmp1:
0x62: {  	s5 =	simm.s32 @!p1 $0x80;
	[sflag:s31] =	ssyncset.done @!p1 $0x0;
	(pc) =	sbr.rel @p0 .LBB2_2-.Ltmp1, $4  }
0x63: {  	[sflag:s31] =	ssyncadd.s32 @!p1 $0xFFFFFF00  }
0x64: {  	[tilespmem:s0], [sflag:$0x1] =	stream.indirect.gather @!p1 [hbm4b:s4+s5], $0x80, s1, s5, $0xb8;
	[tilespmem:$0x1C200] =	vst v63  }
0x65: {  	_ =	swait.ge [sflag:s25], $0x4000  }
0x66: {  	s29 =	sadd.s32 $0x40, s29;
	[sflag:s25] =	ssyncset.done $0x0  }
.LBB2_3:
0x67: {  	[sflag:s25] =	ssyncadd.s32 $0xFFFFC000  }
0x68: {  	[spmem:s2] =	stream.indirect.scatter.add.f32 [tilespmem:s20], [sflag:$0x4], $0x80, s23, s17, $0xb8;
	[tilespmem:$0x1C200] =	vst v63  }
0x69: {  	_ =	swait.ge [sflag:s22], $0x4000  }
0x6a: {  	[sflag:s22] =	ssyncset.done $0x0  }
0x6b: {  	[sflag:s22] =	ssyncadd.s32 $0xFFFFC000  }
0x6c: {  	_ =	swait.ge [sflag:s24], $0x4000  }
0x6d: {  	s26 =	sadd.s32 $0x1, s26;
	[sflag:s24] =	ssyncset.done $0x0  }
0x6e: {  	p0 =	sne.s32 s26, s8;
	[sflag:s24] =	ssyncadd.s32 $0xFFFFC000  }
.Ltmp2:
0x6f: {  	[bflag:$0x0] =	sbarrier.arrive $0xFFFF;
	(pc) =	sbr.rel @p0 .LBB2_1-.Ltmp2, $4  }
0x70: {  	[hbm:s12], [sflag:s6] =	dma.local [spmem:s15], $0x2800  }
0x71: {  	_ =	swait.ge [sflag:s16], $0x2800  }
0x72: {  	[sflag:s16] =	ssyncset.done $0x0  }
0x73: {  	[sflag:s16] =	ssyncadd.s32 $0xFFFFD800  }
0x74: {  	_ =	sfence.sel $0x180000  }
0x75: {  	[bflag:$0x0] =	sbarrier.arrive $0xFFFF  }
0x76: {  	_ =	strace $0x9000004A  }
0x77: {  	s0 =	stileid.u32;
	[bflag:$0x2] =	sbarrier.arrive $0xFFFF  }
0x78: {  	p0 =	sne.s32 s0, $0x0;
	s0 =	rddreg [dreg:$0x2]  }
0x79: {  	s0 =	sadd.s32 @!p0 $0x100000, s0  }
0x7a: {  	[sflag:s0] =	ssyncadd.tile.s32 @!p0 $0x1;
	_ =	shalt  }
.Lfunc_end2:
_tile_overlayer_lowered:
.L_overlay_start_2:
0x7b: {  	(tag) =	ssettag $0x2  }
0x7c: {  	s0 =	rddreg [dreg:$0x0];
	s2 =	stileid.u32  }
0x7d: {  	s1 =	rddreg [dreg:$0x1];
	p0 =	sne.s32 s2, $0x0  }
0x7e: {  	s3 =	rddreg [dreg:$0x2];
	[bflag:$0x3] =	sbarrier.arrive $0xFFFF;
	s2 =	simm.s32 @!p0 $0x1C05  }
0x7f: {  	[timem:s3], [sflag:s2] =	dma.local @!p0 [hbm:s0], s1  }
0x80: {  	s0 =	simm.s32 @!p0 $0x5  }
0x81: {  	_ =	swait.ge @!p0 [sflag:s0], s1  }
0x82: {  	s1 =	ssub.s32 @!p0 $0x0, s1;
	[sflag:s0] =	ssyncset.done @!p0 $0x0  }
0x83: {  	[sflag:s0] =	ssyncadd.s32 @!p0 s1  }
0x84: {  	[bflag:$0x3] =	sbarrier.arrive $0xFFFF  }
0x85: {  	_ =	shalt  }

// kernel: kernel.20.cloned.1.call-start
scs
__scs_entry_jumppad:
0x0: {  	(pc) =	sbr.rel $0x88, $3  }
0x1: {  	(tag) =	ssettag $0x0;
	lr =	simm.s32 $0x1  }
0x2: {  	[smem:$0x3F91] =	sst lr;
	_ =	strace $0xD0000000  }
0x3: {  	_ = 	snop  }
0x4: {  	_ = 	snop  }
0x5: {  	_ = 	snop  }
0x6: {  	_ = 	snop  }
0x7: {  	_ = 	snop  }
__scs_overlays_trampoline_lowered:
0x8: {  	[smem:$0x3FA0] =	sst s0  }
0x9: {  	[smem:$0x3FA1] =	sst s1  }
0xa: {  	[smem:$0x3FA2] =	sst s2  }
0xb: {  	[smem:$0x3FA3] =	sst s3  }
0xc: {  	[smem:$0x3FA4] =	sst s4  }
0xd: {  	[smem:$0x3FA5] =	sst s5  }
0xe: {  	[smem:$0x3FA6] =	sst s6  }
0xf: {  	[smem:$0x3FA7] =	sst s7  }
0x10: {  	[smem:$0x3FA8] =	sst s8  }
0x11: {  	[smem:$0x3FA9] =	sst s9;
	s0 =	simm.s32 @!p0 $0x0  }
0x12: {  	s1 =	sld [smem:$0x3F8F];
	s0 =	simm.s32 @p0 $0x1  }
0x13: {  	[smem:$0x3FAA] =	sst s0;
	s0 =	simm.s32 @!p1 $0x0  }
0x14: {  	s2 =	sld [smem:$0x3F8E];
	s0 =	simm.s32 @p1 $0x1  }
0x15: {  	[smem:$0x3FAB] =	sst s0;
	s0 =	simm.s32 @!p2 $0x0  }
0x16: {  	s3 =	sld [smem:$0x3FDB];
	s0 =	simm.s32 @p2 $0x1  }
0x17: {  	s4 =	simm.s32 $0x1BF5;
	[smem:$0x3FAD] =	sst s0  }
0x18: {  	s0 =	sld [smem:$0x3F90];
	_ =	swait.ge [sflag:s4], $0x0  }
0x19: {  	s7 =	sld [smem:$0x3F91]  }
0x1a: {  	s8 =	sadd.s32 $0xFFFFE003, lr  }
0x1b: {  	s9 =	sadd.s32 $0xFFFFFEF7, lr;
	s5 =	simm.s32 $0xFFFFFFFF;
	p2 =	slt.u32 s8, $0xFFFFF086  }
0x1c: {  	p1 =	slt.u32 s9, $0xF7A;
	s5 =	simm.s32 @!p2 $0x0  }
0x1d: {  	s5 =	simm.s32 @p1 $0x1;
	p0 =	seq.s32 s7, s2  }
0x1e: {  	s7 =	smul.u32 @!p0 $0xF7A, s2;
	p2 =	seq.s32 @!p0 s5, $0x0  }
0x1f: {  	s9 =	smul.u32 $0xF7A, s1;
	s8 =	simm.s32 @!p0 $0x1BF5;
	p2 =	por !p2, p0  }
0x20: {  	[sflag:s8] =	ssyncset.s32 @!p0 $0xFFFFF086;
	s6 =	sadd.s32 @!p0 s3, s7;
	s7 =	simm.s32 @!p0 $0x108  }
0x21: {  	s3 =	sadd.s32 s3, s9;
	s6 =	sadd.s32 @!p0 $0x88, s6;
	s7 =	simm.s32 @p2 $0x1082  }
0x22: {  	[simem:s7], [sflag:s8] =	dma.local @!p0 [hbm:s6], $0xF7A  }
0x23: {  	s9 =	sor.u32 $0xD0000000, s2;
	s6 =	simm.s32 $0x108;
	_ =	swait.ge @!p0 [sflag:s8], $0x0  }
0x24: {  	s3 =	sadd.s32 $0x88, s3;
	s6 =	simm.s32 @!p1 $0x1082;
	[sflag:s4] =	ssyncset.s32 $0xFFFFF086  }
0x25: {  	[simem:s6], [sflag:s4] =	dma.local [hbm:s3], $0xF7A  }
0x26: {  	[smem:$0x3F91] =	sst s1;
	(tag) =	ssettag s2;
	_ =	strace s9  }
0x27: {  	s1 =	sld [smem:$0x3FA1]  }
0x28: {  	s2 =	sld [smem:$0x3FA2]  }
0x29: {  	s4 =	sld [smem:$0x3FA4]  }
0x2a: {  	p0 =	seq.s32 s5, $0x0;
	s5 =	sld [smem:$0x3FA5]  }
0x2b: {  	s6 =	sld [smem:$0x3FA6]  }
0x2c: {  	s7 =	sld [smem:$0x3FA7]  }
0x2d: {  	s3 =	simm.s32 $0x108;
	s8 =	sld [smem:$0x3FA8]  }
0x2e: {  	s3 =	simm.s32 @!p0 $0x1082;
	s9 =	sld [smem:$0x3FA9]  }
0x2f: {  	lr =	sadd.s32 s0, s3;
	s0 =	sld [smem:$0x3FA0]  }
0x30: {  	s3 =	sld [smem:$0x3FA3]  }
0x31: {  	[smem:$0x3FAC] =	sst s10  }
0x32: {  	s10 =	sld [smem:$0x3FAA];
	_ =	sdelay $0x3  }
0x33: {  	p0 =	seq.s32 s10, $0x1;
	s10 =	sld [smem:$0x3FAC];
	_ =	sdelay $0x3  }
0x34: {  	[smem:$0x3FAC] =	sst s10  }
0x35: {  	s10 =	sld [smem:$0x3FAB];
	_ =	sdelay $0x3  }
0x36: {  	p1 =	seq.s32 s10, $0x1;
	s10 =	sld [smem:$0x3FAC];
	_ =	sdelay $0x3  }
0x37: {  	[smem:$0x3FAC] =	sst s10  }
0x38: {  	s10 =	sld [smem:$0x3FAD]  }
0x39: {  	_ = 	snop;
	(pc) =	sbr.ind lr, $3  }
0x3a: {  	_ = 	snop  }
0x3b: {  	_ = 	snop  }
0x3c: {  	p2 =	seq.s32 s10, $0x1;
	s10 =	sld [smem:$0x3FAC]  }
0x3d: {  	_ =	shalt  }
0x3e: {  	_ =	shalt  }
0x3f: {  	_ =	shalt  }
0x40: {  	_ =	shalt  }
0x41: {  	_ =	shalt  }
0x42: {  	_ =	shalt  }
0x43: {  	_ =	shalt  }
0x44: {  	_ =	shalt  }
0x45: {  	_ =	shalt  }
0x46: {  	_ =	shalt  }
0x47: {  	_ =	shalt  }
0x48: {  	_ =	shalt  }
0x49: {  	_ =	shalt  }
0x4a: {  	_ =	shalt  }
0x4b: {  	_ =	shalt  }
0x4c: {  	_ =	shalt  }
0x4d: {  	_ =	shalt  }
0x4e: {  	_ =	shalt  }
0x4f: {  	_ =	shalt  }
0x50: {  	_ =	shalt  }
0x51: {  	_ =	shalt  }
0x52: {  	_ =	shalt  }
0x53: {  	_ =	shalt  }
0x54: {  	_ =	shalt  }
0x55: {  	_ =	shalt  }
0x56: {  	_ =	shalt  }
0x57: {  	_ =	shalt  }
0x58: {  	_ =	shalt  }
0x59: {  	_ =	shalt  }
0x5a: {  	_ =	shalt  }
0x5b: {  	_ =	shalt  }
0x5c: {  	_ =	shalt  }
0x5d: {  	_ =	shalt  }
0x5e: {  	_ =	shalt  }
0x5f: {  	_ =	shalt  }
0x60: {  	_ =	shalt  }
0x61: {  	_ =	shalt  }
0x62: {  	_ =	shalt  }
0x63: {  	_ =	shalt  }
0x64: {  	_ =	shalt  }
0x65: {  	_ =	shalt  }
0x66: {  	_ =	shalt  }
0x67: {  	_ =	shalt  }
0x68: {  	_ =	shalt  }
0x69: {  	_ =	shalt  }
0x6a: {  	_ =	shalt  }
0x6b: {  	_ =	shalt  }
0x6c: {  	_ =	shalt  }
0x6d: {  	_ =	shalt  }
0x6e: {  	_ =	shalt  }
0x6f: {  	_ =	shalt  }
0x70: {  	_ =	shalt  }
0x71: {  	_ =	shalt  }
0x72: {  	_ =	shalt  }
0x73: {  	_ =	shalt  }
0x74: {  	_ =	shalt  }
0x75: {  	_ =	shalt  }
0x76: {  	_ =	shalt  }
0x77: {  	_ =	shalt  }
0x78: {  	_ =	shalt  }
0x79: {  	_ =	shalt  }
0x7a: {  	_ =	shalt  }
0x7b: {  	_ =	shalt  }
0x7c: {  	_ =	shalt  }
0x7d: {  	_ =	shalt  }
0x7e: {  	_ =	shalt  }
0x7f: {  	_ =	shalt  }
0x80: {  	_ =	shalt  }
0x81: {  	_ =	shalt  }
0x82: {  	_ =	shalt  }
0x83: {  	_ =	shalt  }
0x84: {  	_ =	shalt  }
0x85: {  	_ =	shalt  }
0x86: {  	_ =	shalt  }
0x87: {  	_ =	shalt  }
.Lfunc_end0:
.L_simem_size_0:
called_computation.2_lowered:
.L_overlay_start_0:
0x88: {  	s2 =	sld [smem:$0x3FD9]  }
0x89: {  	s3 =	sld [smem:$0x3FFE];
	_ =	sdelay $0x1  }
0x8a: {  	s1 =	srdreg.scid  }
0x8b: {  	s0 =	sand.u32 $0x1, s1  }
0x8c: {  	s16 =	sshll.u32 s0, $0xA;
	s2 =	sadd.s32 s3, s2  }
0x8d: {  	s2 =	sadd.s32 s2, s16  }
0x8e: {  	[smem:$0x3FB8] =	sst s2  }
0x8f: {  	_ = 	snop  }
0x90: {  	(tm) =	ssettm $0x1  }
0x91: {  	s17 =	sld [smem:$0x3FFB];
	_ =	sdelay $0x3  }
0x92: {  	_ =	strace s17  }
0x93: {  	s2 =	sld [smem:$0x3FFC];
	_ =	sdelay $0x3  }
0x94: {  	_ =	strace s2  }
0x95: {  	s2 =	sld [smem:$0x3FFD];
	_ =	sdelay $0x3  }
0x96: {  	_ =	strace s2  }
0x97: {  	_ =	strace $0x8FFFFFFF  }
0x98: {  	s18 =	sld [smem:$0x3FDB];
	_ =	sdelay $0x1  }
0x99: {  	s19 =	simm.s32 $_scs_section_size  }
0x9a: {  	s4 =	simm.s32 $_size__tile_overlayer_lowered;
	s5 =	simm.s32 $_tile_overlayer_lowered  }
0x9b: {  	s22 =	simm.s32 $0x1BFF;
	s21 =	sshll.u32 s5, $0x1;
	s2 =	sadd.s32 s19, s18  }
0x9c: {  	s6 =	simm.s32 $0x0;
	s20 =	sshll.u32 s4, $0x1;
	s4 =	sadd.s32 s21, s2  }
0x9d: {  	[timem:s6], [sflag:s22] =	dma.local [hbm:s4], s20  }
0x9e: {  	_ =	swait.ge [sflag:s22], s20  }
0x9f: {  	s3 =	ssub.s32 $0x0, s20;
	[sflag:s22] =	ssyncset.done $0x0  }
0xa0: {  	[sflag:s22] =	ssyncadd.s32 s3;
	_ =	sdelay $0x1  }
0xa1: {  	s23 =	simm.s32 $0x1B8B  }
0xa2: {  	_ =	swait.ge [sflag:s23], $0x1  }
0xa3: {  	[sflag:s23] =	ssyncset.done $0x0  }
0xa4: {  	s25 =	simm.s32 $0x1B8E;
	s24 =	sld [smem:$0x3FFE];
	[sflag:s23] =	ssyncadd.s32 $0xFFFFFFFF  }
0xa5: {  	s26 =	simm.s32 $execute0_lowered;
	[smem:$0x3FD2] =	sst s25  }
0xa6: {  	s4 =	sshll.u32 s26, $0x1;
	_ =	strace $0x8000004C;
	[dreg:$0x1] =	wrdreg $0xFFFFFFFF  }
0xa7: {  	s28 =	simm.s32 $_size_execute0_lowered;
	s2 =	sadd.s32 s2, s4;
	[dreg:$0x0] =	wrdreg $0x0  }
0xa8: {  	s4 =	sshll.u32 s28, $0x1;
	[dreg:$0x2] =	wrdreg s2  }
0xa9: {  	[dreg:$0x3] =	wrdreg s4  }
0xaa: {  	[dreg:$0x4] =	wrdreg $0xC0  }
0xab: {  	_ =	task [dreg:s6], $0x5FFFF  }
0xac: {  	[dreg:$0x1] =	wrdreg $0xFFFFFFFF  }
0xad: {  	[dreg:$0x0] =	wrdreg $0x60  }
0xae: {  	[dreg:$0x2] =	wrdreg s24  }
0xaf: {  	[dreg:$0x3] =	wrdreg $0x82000  }
0xb0: {  	[dreg:$0x4] =	wrdreg $0x9  }
0xb1: {  	_ =	task.clear_ibuf [dreg:s6], $0x5FFFF;
	_ =	strace $0x9000004C  }
0xb2: {  	s29 =	simm.s32 $0x9;
	_ =	strace $0x8000004E  }
0xb3: {  	_ =	swait.ge [sflag:s29], $0x1  }
0xb4: {  	[sflag:s29] =	ssyncadd.s32 $0xFFFFFFFF  }
0xb5: {  	_ =	strace $0x9000004E  }
0xb6: {  	_ =	sfence  }
0xb7: {  	s30 =	sld [smem:$0x0];
	_ =	sdelay $0x2  }
0xb8: {  	s31 =	sshll.u32 s1, $0xD;
	s1 =	sshrl.u32 s1, $0x2  }
0xb9: {  	s3 =	sand.u32 $0x4000, s31;
	s1 =	sadd.s32 s1, s30  }
0xba: {  	s0 =	sor.u32 s3, s0;
	s1 =	sshll.u32 s1, $0x11  }
0xbb: {  	s0 =	sor.u32 s1, s0  }
0xbc: {  	s0 =	sadd.s32 $0x8F2B, s0  }
0xbd: {  	[sflag:s0] =	ssyncadd.remote.s32 $0x1  }
0xbe: {  	_ =	sfence.sel $0xFFFF  }
0xbf: {  	[dreg:$0x0] =	wrdreg $0xFFFFFFFF;
	(pc) =	sbr.abs _section_cstart, $3  }
0xc0: {  	[dreg:$0x1] =	wrdreg $0xFFFFFFFF  }
0xc1: {  	_ =	task.clear_ibuf [dreg:s6], $0x2FFFF;
	_ =	strace $0x9FFFFFFF  }
0xc2: {  	(tm) =	ssettm $0x7FFFFFFF  }
0xc3: {  	_ =	shalt  }
tec
execute0_lowered:
.L_overlay_start_1:
0x0: {  	(tag) =	ssettag $0x1  }
0x1: {  	s5 =	rddreg [dreg:$0x0]  }
0x2: {  	s1 =	srdreg.scid;
	s0 =	stileid.u32  }
0x3: {  	s2 =	rddreg [dreg:$0x1];
	s3 =	simm.s32 $0x0;
	s11 =	simm.s32 $0x9C  }
0x4: {  	s18 =	simm.s32 $0x200;
	s19 =	simm.s32 $0x100;
	s20 =	simm.s32 $0x4200  }
0x5: {  	s21 =	simm.s32 $0x1;
	s22 =	simm.s32 $0x3;
	s23 =	simm.s32 $0x180  }
0x6: {  	s24 =	simm.s32 $0x4;
	s6 =	sand.u32 $0x1, s1;
	s4 =	smul.u32 $0x9C, s0  }
0x7: {  	s25 =	sshll.u32 s0, $0x2;
	[smem:$0x7FF] =	sst s3;
	s12 =	smul.u32 $0x2800, s0  }
0x8: {  	s8 =	smul.u32 $0x50000, s0;
	s13 =	sadd.s32 $0x69600, s5;
	s15 =	sadd.s32 $0x91600, s5  }
0x9: {  	s30 =	sshll.u32 s0, $0x6;
	p0 =	seq.s32 s6, $0x0;
	s7 =	sor.u32 $0x9C0, s25  }
0xa: {  	_ =	strace $0x8000004D;
	s6 =	ssub.s32 $0x2, s6;
	s25 =	simm.s32 $0x2  }
0xb: {  	s7 =	smov.u32 @p0 s4;
	s4 =	sadd.s32 $0x42400, s5;
	s26 =	sadd.s32 s12, s5  }
0xc: {  	s28 =	sshrl.u32 s6, $0x1;
	s29 =	sshrl.u32 s8, $0x2;
	s11 =	simm.s32 @!p0 $0x4  }
0xd: {  	s15 =	smov.u32 @p0 s13;
	s7 =	sshll.u32 s7, $0x5;
	s9 =	ssub.s32 s6, s28  }
0xe: {  	s16 =	sadd.s32 s29, s2;
	s31 =	sadd.s32 $0x1A400, s26;
	s6 =	sor.u32 $0x1C05, s30  }
0xf: {  	s17 =	sshrl.u32 s11, $0x1;
	s11 =	sadd.s32 $0xFFFFFFFE, s11;
	s12 =	sadd.s32 s15, s12  }
0x10: {  	s26 =	simm.s32 $0x0;
	s14 =	sadd.s32 s7, s5;
	[dreg:$0x3] =	wrdreg s31  }
0x11: {  	s8 =	smax.u32 s9, $0x1;
	s13 =	sadd.s32 $0xFFFFFFFF, s17;
	s15 =	sshrl.u32 s16, $0x3  }
0x12: {  	s16 =	simm.s32 $0x5;
	s17 =	simm.s32 $0x80;
	s7 =	sadd.s32 $0x6400, s14  }
0x13: {  	s9 =	sadd.s32 $0x6420, s14;
	s10 =	sadd.s32 $0x6440, s14;
	s14 =	sadd.s32 $0x6480, s14  }
.LBB2_1:
0x14: {  	s0 =	rddreg [dreg:$0x3]  }
0x15: {  	[spmem:s15], [sflag:s6] =	dma.local [hbm:s0], $0x2800  }
0x16: {  	_ =	swait.ge [sflag:s16], $0x2800  }
0x17: {  	[sflag:s16] =	ssyncset.done $0x0  }
0x18: {  	[sflag:s16] =	ssyncadd.s32 $0xFFFFD800  }
0x19: {  	[bflag:$0x0] =	sbarrier.arrive $0xFFFF  }
0x1a: {  	[tilespmem:s3], [sflag:$0x5] =	stream.linear.gather [hbm4b:s7+s3], $0x100, $0x38;
	[tilespmem:$0x1C200] =	vst v63  }
0x1b: {  	_ =	swait.ge [sflag:s16], $0x100  }
0x1c: {  	[sflag:s16] =	ssyncset.done $0x0  }
0x1d: {  	[sflag:s16] =	ssyncadd.s32 $0xFFFFFF00  }
0x1e: {  	[tilespmem:s18], [sflag:$0x1] =	stream.indirect.gather [hbm4b:s4+s17], $0x80, s3, s17, $0xb8;
	[tilespmem:$0x1C200] =	vst v63  }
0x1f: {  	_ = 	snop  }
0x20: {  	[tilespmem:s19], [sflag:$0x5] =	stream.linear.gather [hbm4b:s9+s3], $0x100, $0x38;
	[tilespmem:$0x1C200] =	vst v63  }
0x21: {  	_ =	swait.ge [sflag:s16], $0x100  }
0x22: {  	[sflag:s16] =	ssyncset.done $0x0  }
0x23: {  	[sflag:s16] =	ssyncadd.s32 $0xFFFFFF00  }
0x24: {  	[tilespmem:s20], [sflag:$0x2] =	stream.indirect.gather [hbm4b:s4+s17], $0x80, s19, s17, $0xb8;
	[tilespmem:$0x1C200] =	vst v63  }
0x25: {  	_ =	swait.ge [sflag:s21], $0x4000  }
0x26: {  	[sflag:s21] =	ssyncset.done $0x0  }
0x27: {  	[sflag:s21] =	ssyncadd.s32 $0xFFFFC000  }
0x28: {  	[spmem:s2] =	stream.indirect.scatter.add.f32 [tilespmem:s18], [sflag:$0x3], $0x80, s17, s17, $0xb8;
	[tilespmem:$0x1C200] =	vst v63  }
0x29: {  	_ =	swait.ge [sflag:s22], $0x4000  }
0x2a: {  	[sflag:s22] =	ssyncset.done $0x0  }
0x2b: {  	[sflag:s22] =	ssyncadd.s32 $0xFFFFC000  }
0x2c: {  	[tilespmem:s3], [sflag:$0x5] =	stream.linear.gather [hbm4b:s10+s3], $0x100, $0x38;
	[tilespmem:$0x1C200] =	vst v63  }
0x2d: {  	_ =	swait.ge [sflag:s16], $0x100  }
0x2e: {  	[sflag:s16] =	ssyncset.done $0x0  }
0x2f: {  	[sflag:s16] =	ssyncadd.s32 $0xFFFFFF00  }
0x30: {  	[tilespmem:s18], [sflag:$0x1] =	stream.indirect.gather [hbm4b:s4+s17], $0x80, s3, s17, $0xb8;
	[tilespmem:$0x1C200] =	vst v63  }
0x31: {  	_ =	swait.ge [sflag:s25], $0x4000  }
0x32: {  	[sflag:s25] =	ssyncset.done $0x0  }
0x33: {  	[sflag:s25] =	ssyncadd.s32 $0xFFFFC000  }
0x34: {  	[spmem:s2] =	stream.indirect.scatter.add.f32 [tilespmem:s20], [sflag:$0x4], $0x80, s23, s17, $0xb8;
	[tilespmem:$0x1C200] =	vst v63  }
0x35: {  	_ =	swait.ge [sflag:s24], $0x4000  }
0x36: {  	[sflag:s24] =	ssyncset.done $0x0  }
0x37: {  	s28 =	sadd.s32 $0xFFFFFFE0, s14;
	[sflag:s24] =	ssyncadd.s32 $0xFFFFC000  }
0x38: {  	[tilespmem:s19], [sflag:$0x5] =	stream.linear.gather [hbm4b:s28+s3], $0x100, $0x38;
	[tilespmem:$0x1C200] =	vst v63  }
0x39: {  	_ =	swait.ge [sflag:s16], $0x100  }
0x3a: {  	[sflag:s16] =	ssyncset.done $0x0  }
0x3b: {  	[sflag:s16] =	ssyncadd.s32 $0xFFFFFF00  }
0x3c: {  	[tilespmem:s20], [sflag:$0x2] =	stream.indirect.gather [hbm4b:s4+s17], $0x80, s19, s17, $0xb8;
	[tilespmem:$0x1C200] =	vst v63  }
0x3d: {  	_ =	swait.ge [sflag:s21], $0x4000  }
0x3e: {  	p0 =	sle.u32 s11, $0x2;
	[sflag:s21] =	ssyncset.done $0x0  }
0x3f: {  	s28 =	simm.s32 @!p0 $0x3;
	[sflag:s21] =	ssyncadd.s32 $0xFFFFC000  }
0x40: {  	[spmem:s2] =	stream.indirect.scatter.add.f32 [tilespmem:s18], [sflag:$0x3], $0x80, s17, s17, $0xb8;
	[tilespmem:$0x1C200] =	vst v63  }
0x41: {  	_ =	swait.ge @!p0 [sflag:s28], $0x4000  }
0x42: {  	[sflag:s28] =	ssyncset.done @!p0 $0x0  }
0x43: {  	s29 =	simm.s32 @!p0 $0x0;
	[sflag:s28] =	ssyncadd.s32 @!p0 $0xFFFFC000;
	s28 =	simm.s32 @!p0 $0x5  }
0x44: {  	[tilespmem:s29], [sflag:$0x5] =	stream.linear.gather @!p0 [hbm4b:s14+s29], $0x100, $0x38;
	[tilespmem:$0x1C200] =	vst v63  }
0x45: {  	_ =	swait.ge @!p0 [sflag:s28], $0x100  }
0x46: {  	[sflag:s28] =	ssyncset.done @!p0 $0x0  }
0x47: {  	s30 =	simm.s32 @!p0 $0x200;
	[sflag:s28] =	ssyncadd.s32 @!p0 $0xFFFFFF00;
	s28 =	simm.s32 @!p0 $0x80  }
0x48: {  	[tilespmem:s30], [sflag:$0x1] =	stream.indirect.gather @!p0 [hbm4b:s4+s28], $0x80, s29, s28, $0xb8;
	[tilespmem:$0x1C200] =	vst v63  }
0x49: {  	s28 =	sadd.s32 $0xFFFFFFFF, s13  }
0x4a: {  	p0 =	sne.s32 s28, $0x0  }
.Ltmp0:
0x4b: {  	_ = 	snop;
	(pc) =	sbr.rel @!p0 .LBB2_3-.Ltmp0, $3  }
0x4c: {  	_ =	sdelay $0x1  }
0x4d: {  	_ =	swait.ge [sflag:s25], $0x4000  }
0x4e: {  	s29 =	sadd.s32 $0x40, s14;
	s30 =	simm.s32 $0x2;
	[sflag:s25] =	ssyncset.done $0x0  }
.LBB2_2:
0x4f: {  	s28 =	sadd.s32 $0xFFFFFFFF, s28;
	[sflag:s25] =	ssyncadd.s32 $0xFFFFC000;
	s30 =	sadd.s32 $0x2, s30  }
0x50: {  	[spmem:s2] =	stream.indirect.scatter.add.f32 [tilespmem:s20], [sflag:$0x4], $0x80, s23, s17, $0xb8;
	[tilespmem:$0x1C200] =	vst v63  }
0x51: {  	p0 =	sne.s32 s28, $0x0;
	_ =	swait.ge [sflag:s24], $0x4000  }
0x52: {  	s31 =	sadd.s32 $0xFFFFFFE0, s29;
	[sflag:s24] =	ssyncset.done $0x0  }
0x53: {  	[sflag:s24] =	ssyncadd.s32 $0xFFFFC000  }
0x54: {  	[tilespmem:s19], [sflag:$0x5] =	stream.linear.gather [hbm4b:s31+s3], $0x100, $0x38;
	[tilespmem:$0x1C200] =	vst v63  }
0x55: {  	_ =	swait.ge [sflag:s16], $0x100  }
0x56: {  	[sflag:s16] =	ssyncset.done $0x0  }
0x57: {  	[sflag:s16] =	ssyncadd.s32 $0xFFFFFF00  }
0x58: {  	[tilespmem:s20], [sflag:$0x2] =	stream.indirect.gather [hbm4b:s4+s17], $0x80, s19, s17, $0xb8;
	[tilespmem:$0x1C200] =	vst v63  }
0x59: {  	_ =	swait.ge [sflag:s21], $0x4000  }
0x5a: {  	p1 =	sge.u32 s30, s11;
	[sflag:s21] =	ssyncset.done $0x0  }
0x5b: {  	s31 =	simm.s32 @!p1 $0x3;
	[sflag:s21] =	ssyncadd.s32 $0xFFFFC000  }
0x5c: {  	[spmem:s2] =	stream.indirect.scatter.add.f32 [tilespmem:s18], [sflag:$0x3], $0x80, s17, s17, $0xb8;
	[tilespmem:$0x1C200] =	vst v63  }
0x5d: {  	_ =	swait.ge @!p1 [sflag:s31], $0x4000  }
0x5e: {  	s1 =	simm.s32 @!p1 $0x0;
	[sflag:s31] =	ssyncset.done @!p1 $0x0  }
0x5f: {  	[sflag:s31] =	ssyncadd.s32 @!p1 $0xFFFFC000;
	s31 =	simm.s32 @!p1 $0x5  }
0x60: {  	[tilespmem:s1], [sflag:$0x5] =	stream.linear.gather @!p1 [hbm4b:s29+s1], $0x100, $0x38;
	[tilespmem:$0x1C200] =	vst v63  }
0x61: {  	s0 =	simm.s32 @!p1 $0x200;
	_ =	swait.ge @!p1 [sflag:s31], $0x100  }
.Ltmp1:
0x62: {  	s5 =	simm.s32 @!p1 $0x80;
	[sflag:s31] =	ssyncset.done @!p1 $0x0;
	(pc) =	sbr.rel @p0 .LBB2_2-.Ltmp1, $4  }
0x63: {  	[sflag:s31] =	ssyncadd.s32 @!p1 $0xFFFFFF00  }
0x64: {  	[tilespmem:s0], [sflag:$0x1] =	stream.indirect.gather @!p1 [hbm4b:s4+s5], $0x80, s1, s5, $0xb8;
	[tilespmem:$0x1C200] =	vst v63  }
0x65: {  	_ =	swait.ge [sflag:s25], $0x4000  }
0x66: {  	s29 =	sadd.s32 $0x40, s29;
	[sflag:s25] =	ssyncset.done $0x0  }
.LBB2_3:
0x67: {  	[sflag:s25] =	ssyncadd.s32 $0xFFFFC000  }
0x68: {  	[spmem:s2] =	stream.indirect.scatter.add.f32 [tilespmem:s20], [sflag:$0x4], $0x80, s23, s17, $0xb8;
	[tilespmem:$0x1C200] =	vst v63  }
0x69: {  	_ =	swait.ge [sflag:s22], $0x4000  }
0x6a: {  	[sflag:s22] =	ssyncset.done $0x0  }
0x6b: {  	[sflag:s22] =	ssyncadd.s32 $0xFFFFC000  }
0x6c: {  	_ =	swait.ge [sflag:s24], $0x4000  }
0x6d: {  	s26 =	sadd.s32 $0x1, s26;
	[sflag:s24] =	ssyncset.done $0x0  }
0x6e: {  	p0 =	sne.s32 s26, s8;
	[sflag:s24] =	ssyncadd.s32 $0xFFFFC000  }
.Ltmp2:
0x6f: {  	[bflag:$0x0] =	sbarrier.arrive $0xFFFF;
	(pc) =	sbr.rel @p0 .LBB2_1-.Ltmp2, $4  }
0x70: {  	[hbm:s12], [sflag:s6] =	dma.local [spmem:s15], $0x2800  }
0x71: {  	_ =	swait.ge [sflag:s16], $0x2800  }
0x72: {  	[sflag:s16] =	ssyncset.done $0x0  }
0x73: {  	[sflag:s16] =	ssyncadd.s32 $0xFFFFD800  }
0x74: {  	_ =	sfence.sel $0x180000  }
0x75: {  	[bflag:$0x0] =	sbarrier.arrive $0xFFFF  }
0x76: {  	_ =	strace $0x9000004D  }
0x77: {  	s0 =	stileid.u32;
	[bflag:$0x2] =	sbarrier.arrive $0xFFFF  }
0x78: {  	p0 =	sne.s32 s0, $0x0;
	s0 =	rddreg [dreg:$0x2]  }
0x79: {  	s0 =	sadd.s32 @!p0 $0x100000, s0  }
0x7a: {  	[sflag:s0] =	ssyncadd.tile.s32 @!p0 $0x1;
	_ =	shalt  }
.Lfunc_end2:
_tile_overlayer_lowered:
.L_overlay_start_2:
0x7b: {  	(tag) =	ssettag $0x2  }
0x7c: {  	s0 =	rddreg [dreg:$0x0];
	s2 =	stileid.u32  }
0x7d: {  	s1 =	rddreg [dreg:$0x1];
	p0 =	sne.s32 s2, $0x0  }
0x7e: {  	s3 =	rddreg [dreg:$0x2];
	[bflag:$0x3] =	sbarrier.arrive $0xFFFF;
	s2 =	simm.s32 @!p0 $0x1C05  }
0x7f: {  	[timem:s3], [sflag:s2] =	dma.local @!p0 [hbm:s0], s1  }
0x80: {  	s0 =	simm.s32 @!p0 $0x5  }
0x81: {  	_ =	swait.ge @!p0 [sflag:s0], s1  }
0x82: {  	s1 =	ssub.s32 @!p0 $0x0, s1;
	[sflag:s0] =	ssyncset.done @!p0 $0x0  }
0x83: {  	[sflag:s0] =	ssyncadd.s32 @!p0 s1  }
0x84: {  	[bflag:$0x3] =	sbarrier.arrive $0xFFFF  }
0x85: {  	_ =	shalt  }

// kernel: kernel.23.cloned.1.call-start
scs
__scs_entry_jumppad:
0x0: {  	(pc) =	sbr.rel $0x88, $3  }
0x1: {  	(tag) =	ssettag $0x0;
	lr =	simm.s32 $0x1  }
0x2: {  	[smem:$0x3F91] =	sst lr;
	_ =	strace $0xD0000000  }
0x3: {  	_ = 	snop  }
0x4: {  	_ = 	snop  }
0x5: {  	_ = 	snop  }
0x6: {  	_ = 	snop  }
0x7: {  	_ = 	snop  }
__scs_overlays_trampoline_lowered:
0x8: {  	[smem:$0x3FA0] =	sst s0  }
0x9: {  	[smem:$0x3FA1] =	sst s1  }
0xa: {  	[smem:$0x3FA2] =	sst s2  }
0xb: {  	[smem:$0x3FA3] =	sst s3  }
0xc: {  	[smem:$0x3FA4] =	sst s4  }
0xd: {  	[smem:$0x3FA5] =	sst s5  }
0xe: {  	[smem:$0x3FA6] =	sst s6  }
0xf: {  	[smem:$0x3FA7] =	sst s7  }
0x10: {  	[smem:$0x3FA8] =	sst s8  }
0x11: {  	[smem:$0x3FA9] =	sst s9;
	s0 =	simm.s32 @!p0 $0x0  }
0x12: {  	s1 =	sld [smem:$0x3F8F];
	s0 =	simm.s32 @p0 $0x1  }
0x13: {  	[smem:$0x3FAA] =	sst s0;
	s0 =	simm.s32 @!p1 $0x0  }
0x14: {  	s2 =	sld [smem:$0x3F8E];
	s0 =	simm.s32 @p1 $0x1  }
0x15: {  	[smem:$0x3FAB] =	sst s0;
	s0 =	simm.s32 @!p2 $0x0  }
0x16: {  	s3 =	sld [smem:$0x3FDB];
	s0 =	simm.s32 @p2 $0x1  }
0x17: {  	s4 =	simm.s32 $0x1BF5;
	[smem:$0x3FAD] =	sst s0  }
0x18: {  	s0 =	sld [smem:$0x3F90];
	_ =	swait.ge [sflag:s4], $0x0  }
0x19: {  	s7 =	sld [smem:$0x3F91]  }
0x1a: {  	s8 =	sadd.s32 $0xFFFFE003, lr  }
0x1b: {  	s9 =	sadd.s32 $0xFFFFFEF7, lr;
	s5 =	simm.s32 $0xFFFFFFFF;
	p2 =	slt.u32 s8, $0xFFFFF086  }
0x1c: {  	p1 =	slt.u32 s9, $0xF7A;
	s5 =	simm.s32 @!p2 $0x0  }
0x1d: {  	s5 =	simm.s32 @p1 $0x1;
	p0 =	seq.s32 s7, s2  }
0x1e: {  	s7 =	smul.u32 @!p0 $0xF7A, s2;
	p2 =	seq.s32 @!p0 s5, $0x0  }
0x1f: {  	s9 =	smul.u32 $0xF7A, s1;
	s8 =	simm.s32 @!p0 $0x1BF5;
	p2 =	por !p2, p0  }
0x20: {  	[sflag:s8] =	ssyncset.s32 @!p0 $0xFFFFF086;
	s6 =	sadd.s32 @!p0 s3, s7;
	s7 =	simm.s32 @!p0 $0x108  }
0x21: {  	s3 =	sadd.s32 s3, s9;
	s6 =	sadd.s32 @!p0 $0x88, s6;
	s7 =	simm.s32 @p2 $0x1082  }
0x22: {  	[simem:s7], [sflag:s8] =	dma.local @!p0 [hbm:s6], $0xF7A  }
0x23: {  	s9 =	sor.u32 $0xD0000000, s2;
	s6 =	simm.s32 $0x108;
	_ =	swait.ge @!p0 [sflag:s8], $0x0  }
0x24: {  	s3 =	sadd.s32 $0x88, s3;
	s6 =	simm.s32 @!p1 $0x1082;
	[sflag:s4] =	ssyncset.s32 $0xFFFFF086  }
0x25: {  	[simem:s6], [sflag:s4] =	dma.local [hbm:s3], $0xF7A  }
0x26: {  	[smem:$0x3F91] =	sst s1;
	(tag) =	ssettag s2;
	_ =	strace s9  }
0x27: {  	s1 =	sld [smem:$0x3FA1]  }
0x28: {  	s2 =	sld [smem:$0x3FA2]  }
0x29: {  	s4 =	sld [smem:$0x3FA4]  }
0x2a: {  	p0 =	seq.s32 s5, $0x0;
	s5 =	sld [smem:$0x3FA5]  }
0x2b: {  	s6 =	sld [smem:$0x3FA6]  }
0x2c: {  	s7 =	sld [smem:$0x3FA7]  }
0x2d: {  	s3 =	simm.s32 $0x108;
	s8 =	sld [smem:$0x3FA8]  }
0x2e: {  	s3 =	simm.s32 @!p0 $0x1082;
	s9 =	sld [smem:$0x3FA9]  }
0x2f: {  	lr =	sadd.s32 s0, s3;
	s0 =	sld [smem:$0x3FA0]  }
0x30: {  	s3 =	sld [smem:$0x3FA3]  }
0x31: {  	[smem:$0x3FAC] =	sst s10  }
0x32: {  	s10 =	sld [smem:$0x3FAA];
	_ =	sdelay $0x3  }
0x33: {  	p0 =	seq.s32 s10, $0x1;
	s10 =	sld [smem:$0x3FAC];
	_ =	sdelay $0x3  }
0x34: {  	[smem:$0x3FAC] =	sst s10  }
0x35: {  	s10 =	sld [smem:$0x3FAB];
	_ =	sdelay $0x3  }
0x36: {  	p1 =	seq.s32 s10, $0x1;
	s10 =	sld [smem:$0x3FAC];
	_ =	sdelay $0x3  }
0x37: {  	[smem:$0x3FAC] =	sst s10  }
0x38: {  	s10 =	sld [smem:$0x3FAD]  }
0x39: {  	_ = 	snop;
	(pc) =	sbr.ind lr, $3  }
0x3a: {  	_ = 	snop  }
0x3b: {  	_ = 	snop  }
0x3c: {  	p2 =	seq.s32 s10, $0x1;
	s10 =	sld [smem:$0x3FAC]  }
0x3d: {  	_ =	shalt  }
0x3e: {  	_ =	shalt  }
0x3f: {  	_ =	shalt  }
0x40: {  	_ =	shalt  }
0x41: {  	_ =	shalt  }
0x42: {  	_ =	shalt  }
0x43: {  	_ =	shalt  }
0x44: {  	_ =	shalt  }
0x45: {  	_ =	shalt  }
0x46: {  	_ =	shalt  }
0x47: {  	_ =	shalt  }
0x48: {  	_ =	shalt  }
0x49: {  	_ =	shalt  }
0x4a: {  	_ =	shalt  }
0x4b: {  	_ =	shalt  }
0x4c: {  	_ =	shalt  }
0x4d: {  	_ =	shalt  }
0x4e: {  	_ =	shalt  }
0x4f: {  	_ =	shalt  }
0x50: {  	_ =	shalt  }
0x51: {  	_ =	shalt  }
0x52: {  	_ =	shalt  }
0x53: {  	_ =	shalt  }
0x54: {  	_ =	shalt  }
0x55: {  	_ =	shalt  }
0x56: {  	_ =	shalt  }
0x57: {  	_ =	shalt  }
0x58: {  	_ =	shalt  }
0x59: {  	_ =	shalt  }
0x5a: {  	_ =	shalt  }
0x5b: {  	_ =	shalt  }
0x5c: {  	_ =	shalt  }
0x5d: {  	_ =	shalt  }
0x5e: {  	_ =	shalt  }
0x5f: {  	_ =	shalt  }
0x60: {  	_ =	shalt  }
0x61: {  	_ =	shalt  }
0x62: {  	_ =	shalt  }
0x63: {  	_ =	shalt  }
0x64: {  	_ =	shalt  }
0x65: {  	_ =	shalt  }
0x66: {  	_ =	shalt  }
0x67: {  	_ =	shalt  }
0x68: {  	_ =	shalt  }
0x69: {  	_ =	shalt  }
0x6a: {  	_ =	shalt  }
0x6b: {  	_ =	shalt  }
0x6c: {  	_ =	shalt  }
0x6d: {  	_ =	shalt  }
0x6e: {  	_ =	shalt  }
0x6f: {  	_ =	shalt  }
0x70: {  	_ =	shalt  }
0x71: {  	_ =	shalt  }
0x72: {  	_ =	shalt  }
0x73: {  	_ =	shalt  }
0x74: {  	_ =	shalt  }
0x75: {  	_ =	shalt  }
0x76: {  	_ =	shalt  }
0x77: {  	_ =	shalt  }
0x78: {  	_ =	shalt  }
0x79: {  	_ =	shalt  }
0x7a: {  	_ =	shalt  }
0x7b: {  	_ =	shalt  }
0x7c: {  	_ =	shalt  }
0x7d: {  	_ =	shalt  }
0x7e: {  	_ =	shalt  }
0x7f: {  	_ =	shalt  }
0x80: {  	_ =	shalt  }
0x81: {  	_ =	shalt  }
0x82: {  	_ =	shalt  }
0x83: {  	_ =	shalt  }
0x84: {  	_ =	shalt  }
0x85: {  	_ =	shalt  }
0x86: {  	_ =	shalt  }
0x87: {  	_ =	shalt  }
.Lfunc_end0:
.L_simem_size_0:
called_computation.3_lowered:
.L_overlay_start_0:
0x88: {  	s2 =	sld [smem:$0x3FD9]  }
0x89: {  	s3 =	sld [smem:$0x3FFE];
	_ =	sdelay $0x1  }
0x8a: {  	s1 =	srdreg.scid  }
0x8b: {  	s0 =	sand.u32 $0x1, s1  }
0x8c: {  	s16 =	sshll.u32 s0, $0xA;
	s2 =	sadd.s32 s3, s2  }
0x8d: {  	s2 =	sadd.s32 s2, s16  }
0x8e: {  	[smem:$0x3FB8] =	sst s2  }
0x8f: {  	_ = 	snop  }
0x90: {  	(tm) =	ssettm $0x1  }
0x91: {  	s17 =	sld [smem:$0x3FFB];
	_ =	sdelay $0x3  }
0x92: {  	_ =	strace s17  }
0x93: {  	s2 =	sld [smem:$0x3FFC];
	_ =	sdelay $0x3  }
0x94: {  	_ =	strace s2  }
0x95: {  	s2 =	sld [smem:$0x3FFD];
	_ =	sdelay $0x3  }
0x96: {  	_ =	strace s2  }
0x97: {  	_ =	strace $0x8FFFFFFF  }
0x98: {  	s18 =	sld [smem:$0x3FDB];
	_ =	sdelay $0x1  }
0x99: {  	s19 =	simm.s32 $_scs_section_size  }
0x9a: {  	s4 =	simm.s32 $_size__tile_overlayer_lowered;
	s5 =	simm.s32 $_tile_overlayer_lowered  }
0x9b: {  	s22 =	simm.s32 $0x1BFF;
	s21 =	sshll.u32 s5, $0x1;
	s2 =	sadd.s32 s19, s18  }
0x9c: {  	s6 =	simm.s32 $0x0;
	s20 =	sshll.u32 s4, $0x1;
	s4 =	sadd.s32 s21, s2  }
0x9d: {  	[timem:s6], [sflag:s22] =	dma.local [hbm:s4], s20  }
0x9e: {  	_ =	swait.ge [sflag:s22], s20  }
0x9f: {  	s3 =	ssub.s32 $0x0, s20;
	[sflag:s22] =	ssyncset.done $0x0  }
0xa0: {  	[sflag:s22] =	ssyncadd.s32 s3;
	_ =	sdelay $0x1  }
0xa1: {  	s23 =	simm.s32 $0x1B8B  }
0xa2: {  	_ =	swait.ge [sflag:s23], $0x1  }
0xa3: {  	[sflag:s23] =	ssyncset.done $0x0  }
0xa4: {  	s25 =	simm.s32 $0x1B8E;
	s24 =	sld [smem:$0x3FFE];
	[sflag:s23] =	ssyncadd.s32 $0xFFFFFFFF  }
0xa5: {  	s26 =	simm.s32 $execute0_lowered;
	[smem:$0x3FD2] =	sst s25  }
0xa6: {  	s4 =	sshll.u32 s26, $0x1;
	_ =	strace $0x8000004F;
	[dreg:$0x1] =	wrdreg $0xFFFFFFFF  }
0xa7: {  	s28 =	simm.s32 $_size_execute0_lowered;
	s2 =	sadd.s32 s2, s4;
	[dreg:$0x0] =	wrdreg $0x0  }
0xa8: {  	s4 =	sshll.u32 s28, $0x1;
	[dreg:$0x2] =	wrdreg s2  }
0xa9: {  	[dreg:$0x3] =	wrdreg s4  }
0xaa: {  	[dreg:$0x4] =	wrdreg $0xC0  }
0xab: {  	_ =	task [dreg:s6], $0x5FFFF  }
0xac: {  	[dreg:$0x1] =	wrdreg $0xFFFFFFFF  }
0xad: {  	[dreg:$0x0] =	wrdreg $0x60  }
0xae: {  	[dreg:$0x2] =	wrdreg s24  }
0xaf: {  	[dreg:$0x3] =	wrdreg $0x82000  }
0xb0: {  	[dreg:$0x4] =	wrdreg $0x9  }
0xb1: {  	_ =	task.clear_ibuf [dreg:s6], $0x5FFFF;
	_ =	strace $0x9000004F  }
0xb2: {  	s29 =	simm.s32 $0x9;
	_ =	strace $0x80000051  }
0xb3: {  	_ =	swait.ge [sflag:s29], $0x1  }
0xb4: {  	[sflag:s29] =	ssyncadd.s32 $0xFFFFFFFF  }
0xb5: {  	_ =	strace $0x90000051  }
0xb6: {  	_ =	sfence  }
0xb7: {  	s30 =	sld [smem:$0x0];
	_ =	sdelay $0x2  }
0xb8: {  	s31 =	sshll.u32 s1, $0xD;
	s1 =	sshrl.u32 s1, $0x2  }
0xb9: {  	s3 =	sand.u32 $0x4000, s31;
	s1 =	sadd.s32 s1, s30  }
0xba: {  	s0 =	sor.u32 s3, s0;
	s1 =	sshll.u32 s1, $0x11  }
0xbb: {  	s0 =	sor.u32 s1, s0  }
0xbc: {  	s0 =	sadd.s32 $0x8F2B, s0  }
0xbd: {  	[sflag:s0] =	ssyncadd.remote.s32 $0x1  }
0xbe: {  	_ =	sfence.sel $0xFFFF  }
0xbf: {  	[dreg:$0x0] =	wrdreg $0xFFFFFFFF;
	(pc) =	sbr.abs _section_cstart, $3  }
0xc0: {  	[dreg:$0x1] =	wrdreg $0xFFFFFFFF  }
0xc1: {  	_ =	task.clear_ibuf [dreg:s6], $0x2FFFF;
	_ =	strace $0x9FFFFFFF  }
0xc2: {  	(tm) =	ssettm $0x7FFFFFFF  }
0xc3: {  	_ =	shalt  }
tec
execute0_lowered:
.L_overlay_start_1:
0x0: {  	(tag) =	ssettag $0x1  }
0x1: {  	s5 =	rddreg [dreg:$0x0]  }
0x2: {  	s1 =	srdreg.scid;
	s0 =	stileid.u32  }
0x3: {  	s2 =	rddreg [dreg:$0x1];
	s3 =	simm.s32 $0x0;
	s11 =	simm.s32 $0x9C  }
0x4: {  	s18 =	simm.s32 $0x200;
	s19 =	simm.s32 $0x100;
	s20 =	simm.s32 $0x4200  }
0x5: {  	s21 =	simm.s32 $0x1;
	s22 =	simm.s32 $0x3;
	s23 =	simm.s32 $0x180  }
0x6: {  	s24 =	simm.s32 $0x4;
	s6 =	sand.u32 $0x1, s1;
	s4 =	smul.u32 $0x9C, s0  }
0x7: {  	s25 =	sshll.u32 s0, $0x2;
	[smem:$0x7FF] =	sst s3;
	s12 =	smul.u32 $0x2800, s0  }
0x8: {  	s8 =	smul.u32 $0x50000, s0;
	s13 =	sadd.s32 $0x69600, s5;
	s15 =	sadd.s32 $0x91600, s5  }
0x9: {  	s30 =	sshll.u32 s0, $0x6;
	p0 =	seq.s32 s6, $0x0;
	s7 =	sor.u32 $0x9C0, s25  }
0xa: {  	_ =	strace $0x80000050;
	s6 =	ssub.s32 $0x2, s6;
	s25 =	simm.s32 $0x2  }
0xb: {  	s7 =	smov.u32 @p0 s4;
	s4 =	sadd.s32 $0x42400, s5;
	s26 =	sadd.s32 s12, s5  }
0xc: {  	s28 =	sshrl.u32 s6, $0x1;
	s29 =	sshrl.u32 s8, $0x2;
	s11 =	simm.s32 @!p0 $0x4  }
0xd: {  	s15 =	smov.u32 @p0 s13;
	s7 =	sshll.u32 s7, $0x5;
	s9 =	ssub.s32 s6, s28  }
0xe: {  	s16 =	sadd.s32 s29, s2;
	s31 =	sadd.s32 $0x1A400, s26;
	s6 =	sor.u32 $0x1C05, s30  }
0xf: {  	s17 =	sshrl.u32 s11, $0x1;
	s11 =	sadd.s32 $0xFFFFFFFE, s11;
	s12 =	sadd.s32 s15, s12  }
0x10: {  	s26 =	simm.s32 $0x0;
	s14 =	sadd.s32 s7, s5;
	[dreg:$0x3] =	wrdreg s31  }
0x11: {  	s8 =	smax.u32 s9, $0x1;
	s13 =	sadd.s32 $0xFFFFFFFF, s17;
	s15 =	sshrl.u32 s16, $0x3  }
0x12: {  	s16 =	simm.s32 $0x5;
	s17 =	simm.s32 $0x80;
	s7 =	sadd.s32 $0x6400, s14  }
0x13: {  	s9 =	sadd.s32 $0x6420, s14;
	s10 =	sadd.s32 $0x6440, s14;
	s14 =	sadd.s32 $0x6480, s14  }
.LBB2_1:
0x14: {  	s0 =	rddreg [dreg:$0x3]  }
0x15: {  	[spmem:s15], [sflag:s6] =	dma.local [hbm:s0], $0x2800  }
0x16: {  	_ =	swait.ge [sflag:s16], $0x2800  }
0x17: {  	[sflag:s16] =	ssyncset.done $0x0  }
0x18: {  	[sflag:s16] =	ssyncadd.s32 $0xFFFFD800  }
0x19: {  	[bflag:$0x0] =	sbarrier.arrive $0xFFFF  }
0x1a: {  	[tilespmem:s3], [sflag:$0x5] =	stream.linear.gather [hbm4b:s7+s3], $0x100, $0x38;
	[tilespmem:$0x1C200] =	vst v63  }
0x1b: {  	_ =	swait.ge [sflag:s16], $0x100  }
0x1c: {  	[sflag:s16] =	ssyncset.done $0x0  }
0x1d: {  	[sflag:s16] =	ssyncadd.s32 $0xFFFFFF00  }
0x1e: {  	[tilespmem:s18], [sflag:$0x1] =	stream.indirect.gather [hbm4b:s4+s17], $0x80, s3, s17, $0xb8;
	[tilespmem:$0x1C200] =	vst v63  }
0x1f: {  	_ = 	snop  }
0x20: {  	[tilespmem:s19], [sflag:$0x5] =	stream.linear.gather [hbm4b:s9+s3], $0x100, $0x38;
	[tilespmem:$0x1C200] =	vst v63  }
0x21: {  	_ =	swait.ge [sflag:s16], $0x100  }
0x22: {  	[sflag:s16] =	ssyncset.done $0x0  }
0x23: {  	[sflag:s16] =	ssyncadd.s32 $0xFFFFFF00  }
0x24: {  	[tilespmem:s20], [sflag:$0x2] =	stream.indirect.gather [hbm4b:s4+s17], $0x80, s19, s17, $0xb8;
	[tilespmem:$0x1C200] =	vst v63  }
0x25: {  	_ =	swait.ge [sflag:s21], $0x4000  }
0x26: {  	[sflag:s21] =	ssyncset.done $0x0  }
0x27: {  	[sflag:s21] =	ssyncadd.s32 $0xFFFFC000  }
0x28: {  	[spmem:s2] =	stream.indirect.scatter.add.f32 [tilespmem:s18], [sflag:$0x3], $0x80, s17, s17, $0xb8;
	[tilespmem:$0x1C200] =	vst v63  }
0x29: {  	_ =	swait.ge [sflag:s22], $0x4000  }
0x2a: {  	[sflag:s22] =	ssyncset.done $0x0  }
0x2b: {  	[sflag:s22] =	ssyncadd.s32 $0xFFFFC000  }
0x2c: {  	[tilespmem:s3], [sflag:$0x5] =	stream.linear.gather [hbm4b:s10+s3], $0x100, $0x38;
	[tilespmem:$0x1C200] =	vst v63  }
0x2d: {  	_ =	swait.ge [sflag:s16], $0x100  }
0x2e: {  	[sflag:s16] =	ssyncset.done $0x0  }
0x2f: {  	[sflag:s16] =	ssyncadd.s32 $0xFFFFFF00  }
0x30: {  	[tilespmem:s18], [sflag:$0x1] =	stream.indirect.gather [hbm4b:s4+s17], $0x80, s3, s17, $0xb8;
	[tilespmem:$0x1C200] =	vst v63  }
0x31: {  	_ =	swait.ge [sflag:s25], $0x4000  }
0x32: {  	[sflag:s25] =	ssyncset.done $0x0  }
0x33: {  	[sflag:s25] =	ssyncadd.s32 $0xFFFFC000  }
0x34: {  	[spmem:s2] =	stream.indirect.scatter.add.f32 [tilespmem:s20], [sflag:$0x4], $0x80, s23, s17, $0xb8;
	[tilespmem:$0x1C200] =	vst v63  }
0x35: {  	_ =	swait.ge [sflag:s24], $0x4000  }
0x36: {  	[sflag:s24] =	ssyncset.done $0x0  }
0x37: {  	s28 =	sadd.s32 $0xFFFFFFE0, s14;
	[sflag:s24] =	ssyncadd.s32 $0xFFFFC000  }
0x38: {  	[tilespmem:s19], [sflag:$0x5] =	stream.linear.gather [hbm4b:s28+s3], $0x100, $0x38;
	[tilespmem:$0x1C200] =	vst v63  }
0x39: {  	_ =	swait.ge [sflag:s16], $0x100  }
0x3a: {  	[sflag:s16] =	ssyncset.done $0x0  }
0x3b: {  	[sflag:s16] =	ssyncadd.s32 $0xFFFFFF00  }
0x3c: {  	[tilespmem:s20], [sflag:$0x2] =	stream.indirect.gather [hbm4b:s4+s17], $0x80, s19, s17, $0xb8;
	[tilespmem:$0x1C200] =	vst v63  }
0x3d: {  	_ =	swait.ge [sflag:s21], $0x4000  }
0x3e: {  	p0 =	sle.u32 s11, $0x2;
	[sflag:s21] =	ssyncset.done $0x0  }
0x3f: {  	s28 =	simm.s32 @!p0 $0x3;
	[sflag:s21] =	ssyncadd.s32 $0xFFFFC000  }
0x40: {  	[spmem:s2] =	stream.indirect.scatter.add.f32 [tilespmem:s18], [sflag:$0x3], $0x80, s17, s17, $0xb8;
	[tilespmem:$0x1C200] =	vst v63  }
0x41: {  	_ =	swait.ge @!p0 [sflag:s28], $0x4000  }
0x42: {  	[sflag:s28] =	ssyncset.done @!p0 $0x0  }
0x43: {  	s29 =	simm.s32 @!p0 $0x0;
	[sflag:s28] =	ssyncadd.s32 @!p0 $0xFFFFC000;
	s28 =	simm.s32 @!p0 $0x5  }
0x44: {  	[tilespmem:s29], [sflag:$0x5] =	stream.linear.gather @!p0 [hbm4b:s14+s29], $0x100, $0x38;
	[tilespmem:$0x1C200] =	vst v63  }
0x45: {  	_ =	swait.ge @!p0 [sflag:s28], $0x100  }
0x46: {  	[sflag:s28] =	ssyncset.done @!p0 $0x0  }
0x47: {  	s30 =	simm.s32 @!p0 $0x200;
	[sflag:s28] =	ssyncadd.s32 @!p0 $0xFFFFFF00;
	s28 =	simm.s32 @!p0 $0x80  }
0x48: {  	[tilespmem:s30], [sflag:$0x1] =	stream.indirect.gather @!p0 [hbm4b:s4+s28], $0x80, s29, s28, $0xb8;
	[tilespmem:$0x1C200] =	vst v63  }
0x49: {  	s28 =	sadd.s32 $0xFFFFFFFF, s13  }
0x4a: {  	p0 =	sne.s32 s28, $0x0  }
.Ltmp0:
0x4b: {  	_ = 	snop;
	(pc) =	sbr.rel @!p0 .LBB2_3-.Ltmp0, $3  }
0x4c: {  	_ =	sdelay $0x1  }
0x4d: {  	_ =	swait.ge [sflag:s25], $0x4000  }
0x4e: {  	s29 =	sadd.s32 $0x40, s14;
	s30 =	simm.s32 $0x2;
	[sflag:s25] =	ssyncset.done $0x0  }
.LBB2_2:
0x4f: {  	s28 =	sadd.s32 $0xFFFFFFFF, s28;
	[sflag:s25] =	ssyncadd.s32 $0xFFFFC000;
	s30 =	sadd.s32 $0x2, s30  }
0x50: {  	[spmem:s2] =	stream.indirect.scatter.add.f32 [tilespmem:s20], [sflag:$0x4], $0x80, s23, s17, $0xb8;
	[tilespmem:$0x1C200] =	vst v63  }
0x51: {  	p0 =	sne.s32 s28, $0x0;
	_ =	swait.ge [sflag:s24], $0x4000  }
0x52: {  	s31 =	sadd.s32 $0xFFFFFFE0, s29;
	[sflag:s24] =	ssyncset.done $0x0  }
0x53: {  	[sflag:s24] =	ssyncadd.s32 $0xFFFFC000  }
0x54: {  	[tilespmem:s19], [sflag:$0x5] =	stream.linear.gather [hbm4b:s31+s3], $0x100, $0x38;
	[tilespmem:$0x1C200] =	vst v63  }
0x55: {  	_ =	swait.ge [sflag:s16], $0x100  }
0x56: {  	[sflag:s16] =	ssyncset.done $0x0  }
0x57: {  	[sflag:s16] =	ssyncadd.s32 $0xFFFFFF00  }
0x58: {  	[tilespmem:s20], [sflag:$0x2] =	stream.indirect.gather [hbm4b:s4+s17], $0x80, s19, s17, $0xb8;
	[tilespmem:$0x1C200] =	vst v63  }
0x59: {  	_ =	swait.ge [sflag:s21], $0x4000  }
0x5a: {  	p1 =	sge.u32 s30, s11;
	[sflag:s21] =	ssyncset.done $0x0  }
0x5b: {  	s31 =	simm.s32 @!p1 $0x3;
	[sflag:s21] =	ssyncadd.s32 $0xFFFFC000  }
0x5c: {  	[spmem:s2] =	stream.indirect.scatter.add.f32 [tilespmem:s18], [sflag:$0x3], $0x80, s17, s17, $0xb8;
	[tilespmem:$0x1C200] =	vst v63  }
0x5d: {  	_ =	swait.ge @!p1 [sflag:s31], $0x4000  }
0x5e: {  	s1 =	simm.s32 @!p1 $0x0;
	[sflag:s31] =	ssyncset.done @!p1 $0x0  }
0x5f: {  	[sflag:s31] =	ssyncadd.s32 @!p1 $0xFFFFC000;
	s31 =	simm.s32 @!p1 $0x5  }
0x60: {  	[tilespmem:s1], [sflag:$0x5] =	stream.linear.gather @!p1 [hbm4b:s29+s1], $0x100, $0x38;
	[tilespmem:$0x1C200] =	vst v63  }
0x61: {  	s0 =	simm.s32 @!p1 $0x200;
	_ =	swait.ge @!p1 [sflag:s31], $0x100  }
.Ltmp1:
0x62: {  	s5 =	simm.s32 @!p1 $0x80;
	[sflag:s31] =	ssyncset.done @!p1 $0x0;
	(pc) =	sbr.rel @p0 .LBB2_2-.Ltmp1, $4  }
0x63: {  	[sflag:s31] =	ssyncadd.s32 @!p1 $0xFFFFFF00  }
0x64: {  	[tilespmem:s0], [sflag:$0x1] =	stream.indirect.gather @!p1 [hbm4b:s4+s5], $0x80, s1, s5, $0xb8;
	[tilespmem:$0x1C200] =	vst v63  }
0x65: {  	_ =	swait.ge [sflag:s25], $0x4000  }
0x66: {  	s29 =	sadd.s32 $0x40, s29;
	[sflag:s25] =	ssyncset.done $0x0  }
.LBB2_3:
0x67: {  	[sflag:s25] =	ssyncadd.s32 $0xFFFFC000  }
0x68: {  	[spmem:s2] =	stream.indirect.scatter.add.f32 [tilespmem:s20], [sflag:$0x4], $0x80, s23, s17, $0xb8;
	[tilespmem:$0x1C200] =	vst v63  }
0x69: {  	_ =	swait.ge [sflag:s22], $0x4000  }
0x6a: {  	[sflag:s22] =	ssyncset.done $0x0  }
0x6b: {  	[sflag:s22] =	ssyncadd.s32 $0xFFFFC000  }
0x6c: {  	_ =	swait.ge [sflag:s24], $0x4000  }
0x6d: {  	s26 =	sadd.s32 $0x1, s26;
	[sflag:s24] =	ssyncset.done $0x0  }
0x6e: {  	p0 =	sne.s32 s26, s8;
	[sflag:s24] =	ssyncadd.s32 $0xFFFFC000  }
.Ltmp2:
0x6f: {  	[bflag:$0x0] =	sbarrier.arrive $0xFFFF;
	(pc) =	sbr.rel @p0 .LBB2_1-.Ltmp2, $4  }
0x70: {  	[hbm:s12], [sflag:s6] =	dma.local [spmem:s15], $0x2800  }
0x71: {  	_ =	swait.ge [sflag:s16], $0x2800  }
0x72: {  	[sflag:s16] =	ssyncset.done $0x0  }
0x73: {  	[sflag:s16] =	ssyncadd.s32 $0xFFFFD800  }
0x74: {  	_ =	sfence.sel $0x180000  }
0x75: {  	[bflag:$0x0] =	sbarrier.arrive $0xFFFF  }
0x76: {  	_ =	strace $0x90000050  }
0x77: {  	s0 =	stileid.u32;
	[bflag:$0x2] =	sbarrier.arrive $0xFFFF  }
0x78: {  	p0 =	sne.s32 s0, $0x0;
	s0 =	rddreg [dreg:$0x2]  }
0x79: {  	s0 =	sadd.s32 @!p0 $0x100000, s0  }
0x7a: {  	[sflag:s0] =	ssyncadd.tile.s32 @!p0 $0x1;
	_ =	shalt  }
.Lfunc_end2:
_tile_overlayer_lowered:
.L_overlay_start_2:
0x7b: {  	(tag) =	ssettag $0x2  }
0x7c: {  	s0 =	rddreg [dreg:$0x0];
	s2 =	stileid.u32  }
0x7d: {  	s1 =	rddreg [dreg:$0x1];
	p0 =	sne.s32 s2, $0x0  }
0x7e: {  	s3 =	rddreg [dreg:$0x2];
	[bflag:$0x3] =	sbarrier.arrive $0xFFFF;
	s2 =	simm.s32 @!p0 $0x1C05  }
0x7f: {  	[timem:s3], [sflag:s2] =	dma.local @!p0 [hbm:s0], s1  }
0x80: {  	s0 =	simm.s32 @!p0 $0x5  }
0x81: {  	_ =	swait.ge @!p0 [sflag:s0], s1  }
0x82: {  	s1 =	ssub.s32 @!p0 $0x0, s1;
	[sflag:s0] =	ssyncset.done @!p0 $0x0  }
0x83: {  	[sflag:s0] =	ssyncadd.s32 @!p0 s1  }
0x84: {  	[bflag:$0x3] =	sbarrier.arrive $0xFFFF  }
0x85: {  	_ =	shalt  }

// kernel: kernel.26.cloned.1.call-start
scs
__scs_entry_jumppad:
0x0: {  	(pc) =	sbr.rel $0x88, $3  }
0x1: {  	(tag) =	ssettag $0x0;
	lr =	simm.s32 $0x1  }
0x2: {  	[smem:$0x3F91] =	sst lr;
	_ =	strace $0xD0000000  }
0x3: {  	_ = 	snop  }
0x4: {  	_ = 	snop  }
0x5: {  	_ = 	snop  }
0x6: {  	_ = 	snop  }
0x7: {  	_ = 	snop  }
__scs_overlays_trampoline_lowered:
0x8: {  	[smem:$0x3FA0] =	sst s0  }
0x9: {  	[smem:$0x3FA1] =	sst s1  }
0xa: {  	[smem:$0x3FA2] =	sst s2  }
0xb: {  	[smem:$0x3FA3] =	sst s3  }
0xc: {  	[smem:$0x3FA4] =	sst s4  }
0xd: {  	[smem:$0x3FA5] =	sst s5  }
0xe: {  	[smem:$0x3FA6] =	sst s6  }
0xf: {  	[smem:$0x3FA7] =	sst s7  }
0x10: {  	[smem:$0x3FA8] =	sst s8  }
0x11: {  	[smem:$0x3FA9] =	sst s9;
	s0 =	simm.s32 @!p0 $0x0  }
0x12: {  	s1 =	sld [smem:$0x3F8F];
	s0 =	simm.s32 @p0 $0x1  }
0x13: {  	[smem:$0x3FAA] =	sst s0;
	s0 =	simm.s32 @!p1 $0x0  }
0x14: {  	s2 =	sld [smem:$0x3F8E];
	s0 =	simm.s32 @p1 $0x1  }
0x15: {  	[smem:$0x3FAB] =	sst s0;
	s0 =	simm.s32 @!p2 $0x0  }
0x16: {  	s3 =	sld [smem:$0x3FDB];
	s0 =	simm.s32 @p2 $0x1  }
0x17: {  	s4 =	simm.s32 $0x1BF5;
	[smem:$0x3FAD] =	sst s0  }
0x18: {  	s0 =	sld [smem:$0x3F90];
	_ =	swait.ge [sflag:s4], $0x0  }
0x19: {  	s7 =	sld [smem:$0x3F91]  }
0x1a: {  	s8 =	sadd.s32 $0xFFFFE003, lr  }
0x1b: {  	s9 =	sadd.s32 $0xFFFFFEF7, lr;
	s5 =	simm.s32 $0xFFFFFFFF;
	p2 =	slt.u32 s8, $0xFFFFF086  }
0x1c: {  	p1 =	slt.u32 s9, $0xF7A;
	s5 =	simm.s32 @!p2 $0x0  }
0x1d: {  	s5 =	simm.s32 @p1 $0x1;
	p0 =	seq.s32 s7, s2  }
0x1e: {  	s7 =	smul.u32 @!p0 $0xF7A, s2;
	p2 =	seq.s32 @!p0 s5, $0x0  }
0x1f: {  	s9 =	smul.u32 $0xF7A, s1;
	s8 =	simm.s32 @!p0 $0x1BF5;
	p2 =	por !p2, p0  }
0x20: {  	[sflag:s8] =	ssyncset.s32 @!p0 $0xFFFFF086;
	s6 =	sadd.s32 @!p0 s3, s7;
	s7 =	simm.s32 @!p0 $0x108  }
0x21: {  	s3 =	sadd.s32 s3, s9;
	s6 =	sadd.s32 @!p0 $0x88, s6;
	s7 =	simm.s32 @p2 $0x1082  }
0x22: {  	[simem:s7], [sflag:s8] =	dma.local @!p0 [hbm:s6], $0xF7A  }
0x23: {  	s9 =	sor.u32 $0xD0000000, s2;
	s6 =	simm.s32 $0x108;
	_ =	swait.ge @!p0 [sflag:s8], $0x0  }
0x24: {  	s3 =	sadd.s32 $0x88, s3;
	s6 =	simm.s32 @!p1 $0x1082;
	[sflag:s4] =	ssyncset.s32 $0xFFFFF086  }
0x25: {  	[simem:s6], [sflag:s4] =	dma.local [hbm:s3], $0xF7A  }
0x26: {  	[smem:$0x3F91] =	sst s1;
	(tag) =	ssettag s2;
	_ =	strace s9  }
0x27: {  	s1 =	sld [smem:$0x3FA1]  }
0x28: {  	s2 =	sld [smem:$0x3FA2]  }
0x29: {  	s4 =	sld [smem:$0x3FA4]  }
0x2a: {  	p0 =	seq.s32 s5, $0x0;
	s5 =	sld [smem:$0x3FA5]  }
0x2b: {  	s6 =	sld [smem:$0x3FA6]  }
0x2c: {  	s7 =	sld [smem:$0x3FA7]  }
0x2d: {  	s3 =	simm.s32 $0x108;
	s8 =	sld [smem:$0x3FA8]  }
0x2e: {  	s3 =	simm.s32 @!p0 $0x1082;
	s9 =	sld [smem:$0x3FA9]  }
0x2f: {  	lr =	sadd.s32 s0, s3;
	s0 =	sld [smem:$0x3FA0]  }
0x30: {  	s3 =	sld [smem:$0x3FA3]  }
0x31: {  	[smem:$0x3FAC] =	sst s10  }
0x32: {  	s10 =	sld [smem:$0x3FAA];
	_ =	sdelay $0x3  }
0x33: {  	p0 =	seq.s32 s10, $0x1;
	s10 =	sld [smem:$0x3FAC];
	_ =	sdelay $0x3  }
0x34: {  	[smem:$0x3FAC] =	sst s10  }
0x35: {  	s10 =	sld [smem:$0x3FAB];
	_ =	sdelay $0x3  }
0x36: {  	p1 =	seq.s32 s10, $0x1;
	s10 =	sld [smem:$0x3FAC];
	_ =	sdelay $0x3  }
0x37: {  	[smem:$0x3FAC] =	sst s10  }
0x38: {  	s10 =	sld [smem:$0x3FAD]  }
0x39: {  	_ = 	snop;
	(pc) =	sbr.ind lr, $3  }
0x3a: {  	_ = 	snop  }
0x3b: {  	_ = 	snop  }
0x3c: {  	p2 =	seq.s32 s10, $0x1;
	s10 =	sld [smem:$0x3FAC]  }
0x3d: {  	_ =	shalt  }
0x3e: {  	_ =	shalt  }
0x3f: {  	_ =	shalt  }
0x40: {  	_ =	shalt  }
0x41: {  	_ =	shalt  }
0x42: {  	_ =	shalt  }
0x43: {  	_ =	shalt  }
0x44: {  	_ =	shalt  }
0x45: {  	_ =	shalt  }
0x46: {  	_ =	shalt  }
0x47: {  	_ =	shalt  }
0x48: {  	_ =	shalt  }
0x49: {  	_ =	shalt  }
0x4a: {  	_ =	shalt  }
0x4b: {  	_ =	shalt  }
0x4c: {  	_ =	shalt  }
0x4d: {  	_ =	shalt  }
0x4e: {  	_ =	shalt  }
0x4f: {  	_ =	shalt  }
0x50: {  	_ =	shalt  }
0x51: {  	_ =	shalt  }
0x52: {  	_ =	shalt  }
0x53: {  	_ =	shalt  }
0x54: {  	_ =	shalt  }
0x55: {  	_ =	shalt  }
0x56: {  	_ =	shalt  }
0x57: {  	_ =	shalt  }
0x58: {  	_ =	shalt  }
0x59: {  	_ =	shalt  }
0x5a: {  	_ =	shalt  }
0x5b: {  	_ =	shalt  }
0x5c: {  	_ =	shalt  }
0x5d: {  	_ =	shalt  }
0x5e: {  	_ =	shalt  }
0x5f: {  	_ =	shalt  }
0x60: {  	_ =	shalt  }
0x61: {  	_ =	shalt  }
0x62: {  	_ =	shalt  }
0x63: {  	_ =	shalt  }
0x64: {  	_ =	shalt  }
0x65: {  	_ =	shalt  }
0x66: {  	_ =	shalt  }
0x67: {  	_ =	shalt  }
0x68: {  	_ =	shalt  }
0x69: {  	_ =	shalt  }
0x6a: {  	_ =	shalt  }
0x6b: {  	_ =	shalt  }
0x6c: {  	_ =	shalt  }
0x6d: {  	_ =	shalt  }
0x6e: {  	_ =	shalt  }
0x6f: {  	_ =	shalt  }
0x70: {  	_ =	shalt  }
0x71: {  	_ =	shalt  }
0x72: {  	_ =	shalt  }
0x73: {  	_ =	shalt  }
0x74: {  	_ =	shalt  }
0x75: {  	_ =	shalt  }
0x76: {  	_ =	shalt  }
0x77: {  	_ =	shalt  }
0x78: {  	_ =	shalt  }
0x79: {  	_ =	shalt  }
0x7a: {  	_ =	shalt  }
0x7b: {  	_ =	shalt  }
0x7c: {  	_ =	shalt  }
0x7d: {  	_ =	shalt  }
0x7e: {  	_ =	shalt  }
0x7f: {  	_ =	shalt  }
0x80: {  	_ =	shalt  }
0x81: {  	_ =	shalt  }
0x82: {  	_ =	shalt  }
0x83: {  	_ =	shalt  }
0x84: {  	_ =	shalt  }
0x85: {  	_ =	shalt  }
0x86: {  	_ =	shalt  }
0x87: {  	_ =	shalt  }
.Lfunc_end0:
.L_simem_size_0:
called_computation.4_lowered:
.L_overlay_start_0:
0x88: {  	s2 =	sld [smem:$0x3FD9]  }
0x89: {  	s3 =	sld [smem:$0x3FFE];
	_ =	sdelay $0x1  }
0x8a: {  	s1 =	srdreg.scid  }
0x8b: {  	s0 =	sand.u32 $0x1, s1  }
0x8c: {  	s16 =	sshll.u32 s0, $0xA;
	s2 =	sadd.s32 s3, s2  }
0x8d: {  	s2 =	sadd.s32 s2, s16  }
0x8e: {  	[smem:$0x3FB8] =	sst s2  }
0x8f: {  	_ = 	snop  }
0x90: {  	(tm) =	ssettm $0x1  }
0x91: {  	s17 =	sld [smem:$0x3FFB];
	_ =	sdelay $0x3  }
0x92: {  	_ =	strace s17  }
0x93: {  	s2 =	sld [smem:$0x3FFC];
	_ =	sdelay $0x3  }
0x94: {  	_ =	strace s2  }
0x95: {  	s2 =	sld [smem:$0x3FFD];
	_ =	sdelay $0x3  }
0x96: {  	_ =	strace s2  }
0x97: {  	_ =	strace $0x8FFFFFFF  }
0x98: {  	s18 =	sld [smem:$0x3FDB];
	_ =	sdelay $0x1  }
0x99: {  	s19 =	simm.s32 $_scs_section_size  }
0x9a: {  	s4 =	simm.s32 $_size__tile_overlayer_lowered;
	s5 =	simm.s32 $_tile_overlayer_lowered  }
0x9b: {  	s22 =	simm.s32 $0x1BFF;
	s21 =	sshll.u32 s5, $0x1;
	s2 =	sadd.s32 s19, s18  }
0x9c: {  	s6 =	simm.s32 $0x0;
	s20 =	sshll.u32 s4, $0x1;
	s4 =	sadd.s32 s21, s2  }
0x9d: {  	[timem:s6], [sflag:s22] =	dma.local [hbm:s4], s20  }
0x9e: {  	_ =	swait.ge [sflag:s22], s20  }
0x9f: {  	s3 =	ssub.s32 $0x0, s20;
	[sflag:s22] =	ssyncset.done $0x0  }
0xa0: {  	[sflag:s22] =	ssyncadd.s32 s3;
	_ =	sdelay $0x1  }
0xa1: {  	s23 =	simm.s32 $0x1B8B  }
0xa2: {  	_ =	swait.ge [sflag:s23], $0x1  }
0xa3: {  	[sflag:s23] =	ssyncset.done $0x0  }
0xa4: {  	s25 =	simm.s32 $0x1B8E;
	s24 =	sld [smem:$0x3FFE];
	[sflag:s23] =	ssyncadd.s32 $0xFFFFFFFF  }
0xa5: {  	s26 =	simm.s32 $execute0_lowered;
	[smem:$0x3FD2] =	sst s25  }
0xa6: {  	s4 =	sshll.u32 s26, $0x1;
	_ =	strace $0x80000052;
	[dreg:$0x1] =	wrdreg $0xFFFFFFFF  }
0xa7: {  	s28 =	simm.s32 $_size_execute0_lowered;
	s2 =	sadd.s32 s2, s4;
	[dreg:$0x0] =	wrdreg $0x0  }
0xa8: {  	s4 =	sshll.u32 s28, $0x1;
	[dreg:$0x2] =	wrdreg s2  }
0xa9: {  	[dreg:$0x3] =	wrdreg s4  }
0xaa: {  	[dreg:$0x4] =	wrdreg $0xC0  }
0xab: {  	_ =	task [dreg:s6], $0x5FFFF  }
0xac: {  	[dreg:$0x1] =	wrdreg $0xFFFFFFFF  }
0xad: {  	[dreg:$0x0] =	wrdreg $0x60  }
0xae: {  	[dreg:$0x2] =	wrdreg s24  }
0xaf: {  	[dreg:$0x3] =	wrdreg $0x82000  }
0xb0: {  	[dreg:$0x4] =	wrdreg $0x9  }
0xb1: {  	_ =	task.clear_ibuf [dreg:s6], $0x5FFFF;
	_ =	strace $0x90000052  }
0xb2: {  	s29 =	simm.s32 $0x9;
	_ =	strace $0x80000054  }
0xb3: {  	_ =	swait.ge [sflag:s29], $0x1  }
0xb4: {  	[sflag:s29] =	ssyncadd.s32 $0xFFFFFFFF  }
0xb5: {  	_ =	strace $0x90000054  }
0xb6: {  	_ =	sfence  }
0xb7: {  	s30 =	sld [smem:$0x0];
	_ =	sdelay $0x2  }
0xb8: {  	s31 =	sshll.u32 s1, $0xD;
	s1 =	sshrl.u32 s1, $0x2  }
0xb9: {  	s3 =	sand.u32 $0x4000, s31;
	s1 =	sadd.s32 s1, s30  }
0xba: {  	s0 =	sor.u32 s3, s0;
	s1 =	sshll.u32 s1, $0x11  }
0xbb: {  	s0 =	sor.u32 s1, s0  }
0xbc: {  	s0 =	sadd.s32 $0x8F2B, s0  }
0xbd: {  	[sflag:s0] =	ssyncadd.remote.s32 $0x1  }
0xbe: {  	_ =	sfence.sel $0xFFFF  }
0xbf: {  	[dreg:$0x0] =	wrdreg $0xFFFFFFFF;
	(pc) =	sbr.abs _section_cstart, $3  }
0xc0: {  	[dreg:$0x1] =	wrdreg $0xFFFFFFFF  }
0xc1: {  	_ =	task.clear_ibuf [dreg:s6], $0x2FFFF;
	_ =	strace $0x9FFFFFFF  }
0xc2: {  	(tm) =	ssettm $0x7FFFFFFF  }
0xc3: {  	_ =	shalt  }
tec
execute0_lowered:
.L_overlay_start_1:
0x0: {  	(tag) =	ssettag $0x1  }
0x1: {  	s5 =	rddreg [dreg:$0x0]  }
0x2: {  	s1 =	srdreg.scid;
	s0 =	stileid.u32  }
0x3: {  	s2 =	rddreg [dreg:$0x1];
	s3 =	simm.s32 $0x0;
	s11 =	simm.s32 $0x9C  }
0x4: {  	s18 =	simm.s32 $0x200;
	s19 =	simm.s32 $0x100;
	s20 =	simm.s32 $0x4200  }
0x5: {  	s21 =	simm.s32 $0x1;
	s22 =	simm.s32 $0x3;
	s23 =	simm.s32 $0x180  }
0x6: {  	s24 =	simm.s32 $0x4;
	s6 =	sand.u32 $0x1, s1;
	s4 =	smul.u32 $0x9C, s0  }
0x7: {  	s25 =	sshll.u32 s0, $0x2;
	[smem:$0x7FF] =	sst s3;
	s12 =	smul.u32 $0x2800, s0  }
0x8: {  	s8 =	smul.u32 $0x50000, s0;
	s13 =	sadd.s32 $0x69600, s5;
	s15 =	sadd.s32 $0x91600, s5  }
0x9: {  	s30 =	sshll.u32 s0, $0x6;
	p0 =	seq.s32 s6, $0x0;
	s7 =	sor.u32 $0x9C0, s25  }
0xa: {  	_ =	strace $0x80000053;
	s6 =	ssub.s32 $0x2, s6;
	s25 =	simm.s32 $0x2  }
0xb: {  	s7 =	smov.u32 @p0 s4;
	s4 =	sadd.s32 $0x42400, s5;
	s26 =	sadd.s32 s12, s5  }
0xc: {  	s28 =	sshrl.u32 s6, $0x1;
	s29 =	sshrl.u32 s8, $0x2;
	s11 =	simm.s32 @!p0 $0x4  }
0xd: {  	s15 =	smov.u32 @p0 s13;
	s7 =	sshll.u32 s7, $0x5;
	s9 =	ssub.s32 s6, s28  }
0xe: {  	s16 =	sadd.s32 s29, s2;
	s31 =	sadd.s32 $0x1A400, s26;
	s6 =	sor.u32 $0x1C05, s30  }
0xf: {  	s17 =	sshrl.u32 s11, $0x1;
	s11 =	sadd.s32 $0xFFFFFFFE, s11;
	s12 =	sadd.s32 s15, s12  }
0x10: {  	s26 =	simm.s32 $0x0;
	s14 =	sadd.s32 s7, s5;
	[dreg:$0x3] =	wrdreg s31  }
0x11: {  	s8 =	smax.u32 s9, $0x1;
	s13 =	sadd.s32 $0xFFFFFFFF, s17;
	s15 =	sshrl.u32 s16, $0x3  }
0x12: {  	s16 =	simm.s32 $0x5;
	s17 =	simm.s32 $0x80;
	s7 =	sadd.s32 $0x6400, s14  }
0x13: {  	s9 =	sadd.s32 $0x6420, s14;
	s10 =	sadd.s32 $0x6440, s14;
	s14 =	sadd.s32 $0x6480, s14  }
.LBB2_1:
0x14: {  	s0 =	rddreg [dreg:$0x3]  }
0x15: {  	[spmem:s15], [sflag:s6] =	dma.local [hbm:s0], $0x2800  }
0x16: {  	_ =	swait.ge [sflag:s16], $0x2800  }
0x17: {  	[sflag:s16] =	ssyncset.done $0x0  }
0x18: {  	[sflag:s16] =	ssyncadd.s32 $0xFFFFD800  }
0x19: {  	[bflag:$0x0] =	sbarrier.arrive $0xFFFF  }
0x1a: {  	[tilespmem:s3], [sflag:$0x5] =	stream.linear.gather [hbm4b:s7+s3], $0x100, $0x38;
	[tilespmem:$0x1C200] =	vst v63  }
0x1b: {  	_ =	swait.ge [sflag:s16], $0x100  }
0x1c: {  	[sflag:s16] =	ssyncset.done $0x0  }
0x1d: {  	[sflag:s16] =	ssyncadd.s32 $0xFFFFFF00  }
0x1e: {  	[tilespmem:s18], [sflag:$0x1] =	stream.indirect.gather [hbm4b:s4+s17], $0x80, s3, s17, $0xb8;
	[tilespmem:$0x1C200] =	vst v63  }
0x1f: {  	_ = 	snop  }
0x20: {  	[tilespmem:s19], [sflag:$0x5] =	stream.linear.gather [hbm4b:s9+s3], $0x100, $0x38;
	[tilespmem:$0x1C200] =	vst v63  }
0x21: {  	_ =	swait.ge [sflag:s16], $0x100  }
0x22: {  	[sflag:s16] =	ssyncset.done $0x0  }
0x23: {  	[sflag:s16] =	ssyncadd.s32 $0xFFFFFF00  }
0x24: {  	[tilespmem:s20], [sflag:$0x2] =	stream.indirect.gather [hbm4b:s4+s17], $0x80, s19, s17, $0xb8;
	[tilespmem:$0x1C200] =	vst v63  }
0x25: {  	_ =	swait.ge [sflag:s21], $0x4000  }
0x26: {  	[sflag:s21] =	ssyncset.done $0x0  }
0x27: {  	[sflag:s21] =	ssyncadd.s32 $0xFFFFC000  }
0x28: {  	[spmem:s2] =	stream.indirect.scatter.add.f32 [tilespmem:s18], [sflag:$0x3], $0x80, s17, s17, $0xb8;
	[tilespmem:$0x1C200] =	vst v63  }
0x29: {  	_ =	swait.ge [sflag:s22], $0x4000  }
0x2a: {  	[sflag:s22] =	ssyncset.done $0x0  }
0x2b: {  	[sflag:s22] =	ssyncadd.s32 $0xFFFFC000  }
0x2c: {  	[tilespmem:s3], [sflag:$0x5] =	stream.linear.gather [hbm4b:s10+s3], $0x100, $0x38;
	[tilespmem:$0x1C200] =	vst v63  }
0x2d: {  	_ =	swait.ge [sflag:s16], $0x100  }
0x2e: {  	[sflag:s16] =	ssyncset.done $0x0  }
0x2f: {  	[sflag:s16] =	ssyncadd.s32 $0xFFFFFF00  }
0x30: {  	[tilespmem:s18], [sflag:$0x1] =	stream.indirect.gather [hbm4b:s4+s17], $0x80, s3, s17, $0xb8;
	[tilespmem:$0x1C200] =	vst v63  }
0x31: {  	_ =	swait.ge [sflag:s25], $0x4000  }
0x32: {  	[sflag:s25] =	ssyncset.done $0x0  }
0x33: {  	[sflag:s25] =	ssyncadd.s32 $0xFFFFC000  }
0x34: {  	[spmem:s2] =	stream.indirect.scatter.add.f32 [tilespmem:s20], [sflag:$0x4], $0x80, s23, s17, $0xb8;
	[tilespmem:$0x1C200] =	vst v63  }
0x35: {  	_ =	swait.ge [sflag:s24], $0x4000  }
0x36: {  	[sflag:s24] =	ssyncset.done $0x0  }
0x37: {  	s28 =	sadd.s32 $0xFFFFFFE0, s14;
	[sflag:s24] =	ssyncadd.s32 $0xFFFFC000  }
0x38: {  	[tilespmem:s19], [sflag:$0x5] =	stream.linear.gather [hbm4b:s28+s3], $0x100, $0x38;
	[tilespmem:$0x1C200] =	vst v63  }
0x39: {  	_ =	swait.ge [sflag:s16], $0x100  }
0x3a: {  	[sflag:s16] =	ssyncset.done $0x0  }
0x3b: {  	[sflag:s16] =	ssyncadd.s32 $0xFFFFFF00  }
0x3c: {  	[tilespmem:s20], [sflag:$0x2] =	stream.indirect.gather [hbm4b:s4+s17], $0x80, s19, s17, $0xb8;
	[tilespmem:$0x1C200] =	vst v63  }
0x3d: {  	_ =	swait.ge [sflag:s21], $0x4000  }
0x3e: {  	p0 =	sle.u32 s11, $0x2;
	[sflag:s21] =	ssyncset.done $0x0  }
0x3f: {  	s28 =	simm.s32 @!p0 $0x3;
	[sflag:s21] =	ssyncadd.s32 $0xFFFFC000  }
0x40: {  	[spmem:s2] =	stream.indirect.scatter.add.f32 [tilespmem:s18], [sflag:$0x3], $0x80, s17, s17, $0xb8;
	[tilespmem:$0x1C200] =	vst v63  }
0x41: {  	_ =	swait.ge @!p0 [sflag:s28], $0x4000  }
0x42: {  	[sflag:s28] =	ssyncset.done @!p0 $0x0  }
0x43: {  	s29 =	simm.s32 @!p0 $0x0;
	[sflag:s28] =	ssyncadd.s32 @!p0 $0xFFFFC000;
	s28 =	simm.s32 @!p0 $0x5  }
0x44: {  	[tilespmem:s29], [sflag:$0x5] =	stream.linear.gather @!p0 [hbm4b:s14+s29], $0x100, $0x38;
	[tilespmem:$0x1C200] =	vst v63  }
0x45: {  	_ =	swait.ge @!p0 [sflag:s28], $0x100  }
0x46: {  	[sflag:s28] =	ssyncset.done @!p0 $0x0  }
0x47: {  	s30 =	simm.s32 @!p0 $0x200;
	[sflag:s28] =	ssyncadd.s32 @!p0 $0xFFFFFF00;
	s28 =	simm.s32 @!p0 $0x80  }
0x48: {  	[tilespmem:s30], [sflag:$0x1] =	stream.indirect.gather @!p0 [hbm4b:s4+s28], $0x80, s29, s28, $0xb8;
	[tilespmem:$0x1C200] =	vst v63  }
0x49: {  	s28 =	sadd.s32 $0xFFFFFFFF, s13  }
0x4a: {  	p0 =	sne.s32 s28, $0x0  }
.Ltmp0:
0x4b: {  	_ = 	snop;
	(pc) =	sbr.rel @!p0 .LBB2_3-.Ltmp0, $3  }
0x4c: {  	_ =	sdelay $0x1  }
0x4d: {  	_ =	swait.ge [sflag:s25], $0x4000  }
0x4e: {  	s29 =	sadd.s32 $0x40, s14;
	s30 =	simm.s32 $0x2;
	[sflag:s25] =	ssyncset.done $0x0  }
.LBB2_2:
0x4f: {  	s28 =	sadd.s32 $0xFFFFFFFF, s28;
	[sflag:s25] =	ssyncadd.s32 $0xFFFFC000;
	s30 =	sadd.s32 $0x2, s30  }
0x50: {  	[spmem:s2] =	stream.indirect.scatter.add.f32 [tilespmem:s20], [sflag:$0x4], $0x80, s23, s17, $0xb8;
	[tilespmem:$0x1C200] =	vst v63  }
0x51: {  	p0 =	sne.s32 s28, $0x0;
	_ =	swait.ge [sflag:s24], $0x4000  }
0x52: {  	s31 =	sadd.s32 $0xFFFFFFE0, s29;
	[sflag:s24] =	ssyncset.done $0x0  }
0x53: {  	[sflag:s24] =	ssyncadd.s32 $0xFFFFC000  }
0x54: {  	[tilespmem:s19], [sflag:$0x5] =	stream.linear.gather [hbm4b:s31+s3], $0x100, $0x38;
	[tilespmem:$0x1C200] =	vst v63  }
0x55: {  	_ =	swait.ge [sflag:s16], $0x100  }
0x56: {  	[sflag:s16] =	ssyncset.done $0x0  }
0x57: {  	[sflag:s16] =	ssyncadd.s32 $0xFFFFFF00  }
0x58: {  	[tilespmem:s20], [sflag:$0x2] =	stream.indirect.gather [hbm4b:s4+s17], $0x80, s19, s17, $0xb8;
	[tilespmem:$0x1C200] =	vst v63  }
0x59: {  	_ =	swait.ge [sflag:s21], $0x4000  }
0x5a: {  	p1 =	sge.u32 s30, s11;
	[sflag:s21] =	ssyncset.done $0x0  }
0x5b: {  	s31 =	simm.s32 @!p1 $0x3;
	[sflag:s21] =	ssyncadd.s32 $0xFFFFC000  }
0x5c: {  	[spmem:s2] =	stream.indirect.scatter.add.f32 [tilespmem:s18], [sflag:$0x3], $0x80, s17, s17, $0xb8;
	[tilespmem:$0x1C200] =	vst v63  }
0x5d: {  	_ =	swait.ge @!p1 [sflag:s31], $0x4000  }
0x5e: {  	s1 =	simm.s32 @!p1 $0x0;
	[sflag:s31] =	ssyncset.done @!p1 $0x0  }
0x5f: {  	[sflag:s31] =	ssyncadd.s32 @!p1 $0xFFFFC000;
	s31 =	simm.s32 @!p1 $0x5  }
0x60: {  	[tilespmem:s1], [sflag:$0x5] =	stream.linear.gather @!p1 [hbm4b:s29+s1], $0x100, $0x38;
	[tilespmem:$0x1C200] =	vst v63  }
0x61: {  	s0 =	simm.s32 @!p1 $0x200;
	_ =	swait.ge @!p1 [sflag:s31], $0x100  }
.Ltmp1:
0x62: {  	s5 =	simm.s32 @!p1 $0x80;
	[sflag:s31] =	ssyncset.done @!p1 $0x0;
	(pc) =	sbr.rel @p0 .LBB2_2-.Ltmp1, $4  }
0x63: {  	[sflag:s31] =	ssyncadd.s32 @!p1 $0xFFFFFF00  }
0x64: {  	[tilespmem:s0], [sflag:$0x1] =	stream.indirect.gather @!p1 [hbm4b:s4+s5], $0x80, s1, s5, $0xb8;
	[tilespmem:$0x1C200] =	vst v63  }
0x65: {  	_ =	swait.ge [sflag:s25], $0x4000  }
0x66: {  	s29 =	sadd.s32 $0x40, s29;
	[sflag:s25] =	ssyncset.done $0x0  }
.LBB2_3:
0x67: {  	[sflag:s25] =	ssyncadd.s32 $0xFFFFC000  }
0x68: {  	[spmem:s2] =	stream.indirect.scatter.add.f32 [tilespmem:s20], [sflag:$0x4], $0x80, s23, s17, $0xb8;
	[tilespmem:$0x1C200] =	vst v63  }
0x69: {  	_ =	swait.ge [sflag:s22], $0x4000  }
0x6a: {  	[sflag:s22] =	ssyncset.done $0x0  }
0x6b: {  	[sflag:s22] =	ssyncadd.s32 $0xFFFFC000  }
0x6c: {  	_ =	swait.ge [sflag:s24], $0x4000  }
0x6d: {  	s26 =	sadd.s32 $0x1, s26;
	[sflag:s24] =	ssyncset.done $0x0  }
0x6e: {  	p0 =	sne.s32 s26, s8;
	[sflag:s24] =	ssyncadd.s32 $0xFFFFC000  }
.Ltmp2:
0x6f: {  	[bflag:$0x0] =	sbarrier.arrive $0xFFFF;
	(pc) =	sbr.rel @p0 .LBB2_1-.Ltmp2, $4  }
0x70: {  	[hbm:s12], [sflag:s6] =	dma.local [spmem:s15], $0x2800  }
0x71: {  	_ =	swait.ge [sflag:s16], $0x2800  }
0x72: {  	[sflag:s16] =	ssyncset.done $0x0  }
0x73: {  	[sflag:s16] =	ssyncadd.s32 $0xFFFFD800  }
0x74: {  	_ =	sfence.sel $0x180000  }
0x75: {  	[bflag:$0x0] =	sbarrier.arrive $0xFFFF  }
0x76: {  	_ =	strace $0x90000053  }
0x77: {  	s0 =	stileid.u32;
	[bflag:$0x2] =	sbarrier.arrive $0xFFFF  }
0x78: {  	p0 =	sne.s32 s0, $0x0;
	s0 =	rddreg [dreg:$0x2]  }
0x79: {  	s0 =	sadd.s32 @!p0 $0x100000, s0  }
0x7a: {  	[sflag:s0] =	ssyncadd.tile.s32 @!p0 $0x1;
	_ =	shalt  }
.Lfunc_end2:
_tile_overlayer_lowered:
.L_overlay_start_2:
0x7b: {  	(tag) =	ssettag $0x2  }
0x7c: {  	s0 =	rddreg [dreg:$0x0];
	s2 =	stileid.u32  }
0x7d: {  	s1 =	rddreg [dreg:$0x1];
	p0 =	sne.s32 s2, $0x0  }
0x7e: {  	s3 =	rddreg [dreg:$0x2];
	[bflag:$0x3] =	sbarrier.arrive $0xFFFF;
	s2 =	simm.s32 @!p0 $0x1C05  }
0x7f: {  	[timem:s3], [sflag:s2] =	dma.local @!p0 [hbm:s0], s1  }
0x80: {  	s0 =	simm.s32 @!p0 $0x5  }
0x81: {  	_ =	swait.ge @!p0 [sflag:s0], s1  }
0x82: {  	s1 =	ssub.s32 @!p0 $0x0, s1;
	[sflag:s0] =	ssyncset.done @!p0 $0x0  }
0x83: {  	[sflag:s0] =	ssyncadd.s32 @!p0 s1  }
0x84: {  	[bflag:$0x3] =	sbarrier.arrive $0xFFFF  }
0x85: {  	_ =	shalt  }

</sc_bundles>
